<compile_context>
chip_gen: v7x
topology: tpu7x:2x2x1
jax: 0.10.2.dev20260603
libtpu: 0.0.44.dev20260713+nightly
codegen_flags: <defaults>
</compile_context>

<pallas_src>
import functools

import jax
import jax.numpy as jnp
from jax import lax
from jax.experimental import pallas as pl
from jax.experimental.pallas import tpu as pltpu
from jax.experimental.pallas import tpu_sc as plsc

N = 10000
E = 320000
D = 128
R = 8

NC = 2
NS = 16
NW = NC * NS
EPW = E // NW
CH = 80
NCH = EPW // CH
CHA = 40
NCHA = EPW // CHA
KB = 5
RN = R * N
RN_PAD = 81920
CNT_SLICE = RN_PAD // NS
RPT = N // NS

_mesh = plsc.VectorSubcoreMesh(core_axis_name="c", subcore_axis_name="s")
_sc_params = pltpu.CompilerParams(
    needs_layout_passes=False, use_tc_tiling_on_sc=False)


BN = 400
NB = N // BN
DC = (R + 1) * D


def _mm_body(x_ref, w_ref, b_ref, out_ref, base_ref):
    res = (jnp.dot(x_ref[...], w_ref[...], preferred_element_type=jnp.float32)
           + b_ref[...])
    out_ref[...] = res
    base_ref[...] = res[:, R * D:]


def _mm_relu_body(a_ref, w_ref, b_ref, out_ref, base_ref):
    xb = jnp.maximum(a_ref[0] + a_ref[1], 0.0)
    res = (jnp.dot(xb, w_ref[...], preferred_element_type=jnp.float32)
           + b_ref[...])
    out_ref[...] = res
    base_ref[...] = res[:, R * D:]


def _matmul_all(x, wcat, bcat):
    return pl.pallas_call(
        _mm_body,
        grid=(NB,),
        in_specs=[
            pl.BlockSpec((BN, D), lambda i: (i, 0)),
            pl.BlockSpec((D, DC), lambda i: (0, 0)),
            pl.BlockSpec((1, DC), lambda i: (0, 0)),
        ],
        out_specs=[pl.BlockSpec((BN, DC), lambda i: (i, 0)),
                   pl.BlockSpec((BN, D), lambda i: (i, 0))],
        out_shape=[jax.ShapeDtypeStruct((N, DC), jnp.float32),
                   jax.ShapeDtypeStruct((N, D), jnp.float32)],
    )(x, wcat, bcat[None])


def _matmul_all_relu(acc, wcat, bcat):
    return pl.pallas_call(
        _mm_relu_body,
        grid=(NB,),
        in_specs=[
            pl.BlockSpec((NC, BN, D), lambda i: (0, i, 0)),
            pl.BlockSpec((D, DC), lambda i: (0, 0)),
            pl.BlockSpec((1, DC), lambda i: (0, 0)),
        ],
        out_specs=[pl.BlockSpec((BN, DC), lambda i: (i, 0)),
                   pl.BlockSpec((BN, D), lambda i: (i, 0))],
        out_shape=[jax.ShapeDtypeStruct((N, DC), jnp.float32),
                   jax.ShapeDtypeStruct((N, D), jnp.float32)],
    )(acc, wcat, bcat[None])


def _idx_body(src_ref, dst_ref, et_ref, fs_ref, fd_ref):
    fs_ref[...] = src_ref[...] * (R + 1) + et_ref[...]
    fd_ref[...] = et_ref[...] * N + dst_ref[...]


def _idx_prep(src2, dst2, et2):
    rows = E // D
    return pl.pallas_call(
        _idx_body,
        out_shape=[jax.ShapeDtypeStruct((rows, D), jnp.int32)] * 2,
    )(src2, dst2, et2)


def _sum_body(a_ref, out_ref):
    out_ref[...] = a_ref[0] + a_ref[1]


def _final_sum(acc):
    return pl.pallas_call(
        _sum_body,
        grid=(NB,),
        in_specs=[pl.BlockSpec((NC, BN, D), lambda i: (0, i, 0))],
        out_specs=pl.BlockSpec((BN, D), lambda i: (i, 0)),
        out_shape=jax.ShapeDtypeStruct((N, D), jnp.float32),
    )(acc)



@functools.partial(
    pl.kernel,
    out_type=jax.ShapeDtypeStruct((NC, RN_PAD), jnp.float32),
    mesh=_mesh,
    compiler_params=_sc_params,
    scratch_types=[
        pltpu.VMEM_SHARED((RN_PAD,), jnp.float32),
        pltpu.VMEM((CNT_SLICE,), jnp.float32),
        pltpu.VMEM((CH,), jnp.float32),
        pltpu.VMEM((NCH, CH), jnp.int32),
        pltpu.SemaphoreType.DMA,
        pltpu.SemaphoreType.DMA,
    ],
)
def _count_kernel(fd3_hbm, cnt_hbm, cnt_sh, zbuf, ones_v, fdi_v, psem, ssem):
    c = lax.axis_index("c")
    s = lax.axis_index("s")
    wid = s * NC + c
    off = s * CNT_SLICE

    pltpu.async_copy(fd3_hbm.at[wid], fdi_v, psem)

    def z16(i, _):
        zbuf[pl.ds(i * 16, 16)] = jnp.zeros((16,), jnp.float32)
        return 0
    lax.fori_loop(0, CNT_SLICE // 16, z16, 0)
    pltpu.sync_copy(zbuf, cnt_sh.at[pl.ds(off, CNT_SLICE)])

    def o16(i, _):
        ones_v[pl.ds(i * 16, 16)] = jnp.ones((16,), jnp.float32)
        return 0
    lax.fori_loop(0, CH // 16, o16, 0)
    pltpu.make_async_copy(fd3_hbm.at[wid], fdi_v, psem).wait()
    plsc.subcore_barrier()

    GRP = 8

    def grp(i, _):
        for j in range(GRP):
            pltpu.async_copy(ones_v, cnt_sh.at[fdi_v.at[i * GRP + j]],
                             ssem, add=True)
        for j in range(GRP):
            pltpu.make_async_copy(ones_v, cnt_sh.at[fdi_v.at[0]], ssem).wait()
        return 0
    lax.fori_loop(0, NCH // GRP, grp, 0)
    for t in range((NCH // GRP) * GRP, NCH):
        pltpu.async_copy(ones_v, cnt_sh.at[fdi_v.at[t]], ssem, add=True)
    for t in range((NCH // GRP) * GRP, NCH):
        pltpu.make_async_copy(ones_v, cnt_sh.at[fdi_v.at[0]], ssem).wait()
    plsc.subcore_barrier()

    pltpu.sync_copy(cnt_sh.at[pl.ds(off, CNT_SLICE)],
                    cnt_hbm.at[c, pl.ds(off, CNT_SLICE)])


@functools.partial(
    pl.kernel,
    out_type=jax.ShapeDtypeStruct((NW, NCH, CH), jnp.float32),
    mesh=_mesh,
    compiler_params=_sc_params,
    scratch_types=[
        pltpu.VMEM_SHARED((RN_PAD,), jnp.float32),
        pltpu.VMEM((CNT_SLICE,), jnp.float32),
        pltpu.VMEM((CNT_SLICE,), jnp.float32),
        pltpu.VMEM((RN,), jnp.float32),
        pltpu.VMEM((NCH, CH), jnp.int32),
        pltpu.VMEM((NCH, CH), jnp.float32),
        pltpu.SemaphoreType.DMA,
    ],
)
def _wgt_kernel(cnt_hbm, fd3_hbm, w3_hbm, inv_sh, c0_v, c1_v, inv_v, fdi_v,
                wo_v, psem):
    c = lax.axis_index("c")
    s = lax.axis_index("s")
    wid = s * NC + c
    off = s * CNT_SLICE

    pltpu.async_copy(fd3_hbm.at[wid], fdi_v, psem)
    pltpu.sync_copy(cnt_hbm.at[0, pl.ds(off, CNT_SLICE)], c0_v)
    pltpu.sync_copy(cnt_hbm.at[1, pl.ds(off, CNT_SLICE)], c1_v)

    def inv16(i, _):
        v = c0_v[pl.ds(i * 16, 16)] + c1_v[pl.ds(i * 16, 16)]
        c0_v[pl.ds(i * 16, 16)] = 1.0 / jnp.maximum(v, 1.0)
        return 0
    lax.fori_loop(0, CNT_SLICE // 16, inv16, 0)
    pltpu.sync_copy(c0_v, inv_sh.at[pl.ds(off, CNT_SLICE)])
    plsc.subcore_barrier()

    pltpu.sync_copy(inv_sh.at[pl.ds(0, RN)], inv_v)
    pltpu.make_async_copy(fd3_hbm.at[wid], fdi_v, psem).wait()

    def wrow(g, _):
        for j in range(CH // 16):
            ii = fdi_v[g, pl.ds(j * 16, 16)]
            wo_v[g, pl.ds(j * 16, 16)] = plsc.load_gather(inv_v, [ii])
        return 0
    lax.fori_loop(0, NCH, wrow, 0)
    pltpu.sync_copy(wo_v, w3_hbm.at[wid])


@functools.partial(
    pl.kernel,
    out_type=jax.ShapeDtypeStruct((NC, N, D), jnp.float32),
    mesh=_mesh,
    compiler_params=_sc_params,
    scratch_types=(
        [pltpu.VMEM_SHARED((N, D), jnp.float32)]
        + [pltpu.VMEM((NCHA, CHA), jnp.int32)]
        + [pltpu.VMEM((CHA, D), jnp.float32)] * KB
        + [pltpu.VMEM((CHA,), jnp.int32)] * KB
        + [pltpu.VMEM((CHA,), jnp.float32)] * KB
        + [pltpu.SemaphoreType.DMA]
        + [pltpu.SemaphoreType.DMA] * KB
        + [pltpu.SemaphoreType.DMA] * KB
    ),
)
def _agg_kernel(hflat_hbm, base_hbm, zeros_hbm, fs3_hbm, dst3_hbm, w3_hbm,
                out_hbm, acc_sh, si_v, *slots):
    rows = slots[0:KB]
    dib = slots[KB:2 * KB]
    wb = slots[2 * KB:3 * KB]
    psem = slots[3 * KB]
    gsems = slots[3 * KB + 1:4 * KB + 1]
    ssems = slots[4 * KB + 1:5 * KB + 1]

    c = lax.axis_index("c")
    s = lax.axis_index("s")
    wid = s * NC + c
    row0 = s * RPT

    pltpu.async_copy(fs3_hbm.at[wid], si_v, psem)

    @pl.when(c == 0)
    def _():
        pltpu.async_copy(base_hbm.at[pl.ds(row0, RPT)],
                         acc_sh.at[pl.ds(row0, RPT)], psem)

    @pl.when(c == 1)
    def _():
        pltpu.async_copy(zeros_hbm.at[pl.ds(row0, RPT)],
                         acc_sh.at[pl.ds(row0, RPT)], psem)
    pltpu.make_async_copy(fs3_hbm.at[wid], si_v, psem).wait()
    pltpu.make_async_copy(zeros_hbm.at[pl.ds(row0, RPT)],
                          acc_sh.at[pl.ds(row0, RPT)], psem).wait()
    plsc.subcore_barrier()

    def fetch(t, b):
        pltpu.async_copy(dst3_hbm.at[wid, t], dib[b], gsems[b])
        pltpu.async_copy(w3_hbm.at[wid, t], wb[b], gsems[b])
        pltpu.async_copy(hflat_hbm.at[si_v.at[t]], rows[b], gsems[b])

    def fwait(t, b):
        pltpu.make_async_copy(dst3_hbm.at[wid, t], dib[b], gsems[b]).wait()
        pltpu.make_async_copy(w3_hbm.at[wid, t], wb[b], gsems[b]).wait()
        pltpu.make_async_copy(hflat_hbm.at[si_v.at[0]], rows[b],
                              gsems[b]).wait()

    def scat(b):
        pltpu.async_copy(rows[b], acc_sh.at[dib[b]], ssems[b], add=True)

    def swait(b):
        pltpu.make_async_copy(rows[b], acc_sh.at[dib[b]], ssems[b]).wait()

    def scale(b):
        def body(j, _):
            ws = plsc.load_gather(wb[b], [lax.broadcast(j, (16,))])
            r = rows[b]
            for cb in range(D // 16):
                r[j, pl.ds(cb * 16, 16)] = r[j, pl.ds(cb * 16, 16)] * ws
            return 0
        lax.fori_loop(0, CHA, body, 0)

    def step(t, b):
        fwait(t, b)
        scale(b)
        scat(b)
        bb = (b + KB - 1) % KB

        @pl.when(t >= 1)
        def _():
            swait(bb)

        @pl.when(t + KB - 1 < NCHA)
        def _():
            fetch(t + KB - 1, bb)

    for u in range(KB - 1):
        fetch(jnp.int32(u), u)

    def group(i, _):
        for k in range(KB):
            step(i * KB + k, k)
        return 0
    lax.fori_loop(0, NCHA // KB, group, 0)
    swait((NCHA - 1) % KB)

    plsc.subcore_barrier()
    pltpu.sync_copy(acc_sh.at[pl.ds(row0, RPT)],
                    out_hbm.at[c, pl.ds(row0, RPT)])



def kernel(x, edge_index, edge_type, W_rel1, W_root1, b1, W_rel2, W_root2, b2):
    rows = E // D
    src2 = edge_index[0].reshape(rows, D)
    dst2 = edge_index[1].reshape(rows, D)
    et2 = edge_type.reshape(rows, D)
    fs, fd = _idx_prep(src2, dst2, et2)
    fs3 = fs.reshape(NW, NCHA, CHA)
    fd3 = fd.reshape(NW, NCH, CH)
    dst3 = edge_index[1].reshape(NW, NCHA, CHA)

    cnt = _count_kernel(fd3)
    w3 = _wgt_kernel(cnt, fd3).reshape(NW, NCHA, CHA)

    zeros_nd = jnp.zeros((N, D), jnp.float32)

    wcat1 = jnp.concatenate(
        [jnp.transpose(W_rel1, (1, 0, 2)).reshape(D, R * D), W_root1], axis=1)
    bcat1 = jnp.concatenate([jnp.zeros((R * D,), jnp.float32), b1])
    h1, base1 = _matmul_all(x, wcat1, bcat1)
    acc1 = _agg_kernel(h1.reshape(N * (R + 1), D), base1,
                       zeros_nd, fs3, dst3, w3)

    wcat2 = jnp.concatenate(
        [jnp.transpose(W_rel2, (1, 0, 2)).reshape(D, R * D), W_root2], axis=1)
    bcat2 = jnp.concatenate([jnp.zeros((R * D,), jnp.float32), b2])
    h2, base2 = _matmul_all_relu(acc1, wcat2, bcat2)
    acc2 = _agg_kernel(h2.reshape(N * (R + 1), D), base2,
                       zeros_nd, fs3, dst3, w3)

    return _final_sum(acc2)

# --- scband reference (transcript-rebuilt; emitter-appended) ---
"""Pipeline reference for scband-simple-rgcn-31344671326736 (READ-ONLY COPY).

The authoritative reference and input builder live on the scoring server;
editing this copy changes nothing except your own understanding.
"""

import jax, jax.numpy as jnp
import numpy as np

N = 10000
E = 320000
D = 128
R = 8


def setup_inputs(seed: int = 0) -> dict:
    key = jax.random.key(seed)
    ks = jax.random.split(key, 10)
    x = jax.random.normal(ks[0], (N, D), dtype=jnp.float32)
    edge_index = jax.random.randint(ks[1], (2, E), 0, N, dtype=jnp.int32)
    edge_type = jax.random.randint(ks[2], (E,), 0, R, dtype=jnp.int32)
    scale = 1.0 / np.sqrt(D)
    W_rel1 = jax.random.normal(ks[3], (R, D, D), dtype=jnp.float32) * scale
    W_root1 = jax.random.normal(ks[4], (D, D), dtype=jnp.float32) * scale
    b1 = jnp.zeros((D,), dtype=jnp.float32)
    W_rel2 = jax.random.normal(ks[5], (R, D, D), dtype=jnp.float32) * scale
    W_root2 = jax.random.normal(ks[6], (D, D), dtype=jnp.float32) * scale
    b2 = jnp.zeros((D,), dtype=jnp.float32)
    return {
        "x": x,
        "edge_index": edge_index,
        "edge_type": edge_type,
        "W_rel1": W_rel1,
        "W_root1": W_root1,
        "b1": b1,
        "W_rel2": W_rel2,
        "W_root2": W_root2,
        "b2": b2,
    }


def _rgcn_conv(x, edge_index, edge_type, W_rel, W_root, bias):
    # PyG RGCNConv semantics: out = x @ W_root + bias + sum_r mean_{j in N_r(i)} (x_j @ W_r)
    src = edge_index[0]
    dst = edge_index[1]
    n = x.shape[0]
    out = x @ W_root + bias
    x_src = jnp.take(x, src, axis=0)  # gather [E, D]
    for r in range(R):
        mask = (edge_type == r).astype(x.dtype)  # [E]
        msg = (x_src @ W_rel[r]) * mask[:, None]  # [E, D]
        agg = jax.ops.segment_sum(msg, dst, num_segments=n)  # scatter-add [N, D]
        cnt = jax.ops.segment_sum(mask, dst, num_segments=n)  # [N]
        out = out + agg / jnp.clip(cnt, 1.0, None)[:, None]
    return out


def reference(x, edge_index, edge_type, W_rel1, W_root1, b1, W_rel2, W_root2, b2):
    h = _rgcn_conv(x, edge_index, edge_type, W_rel1, W_root1, b1)
    h = jax.nn.relu(h)
    out = _rgcn_conv(h, edge_index, edge_type, W_rel2, W_root2, b2)
    return out

if __name__ == "__main__":
    import jax
    _d = setup_inputs()
    print(jax.jit(kernel)(*tuple(_d.values())))

</pallas_src>

<mosaic_0001>
#map = affine_map<(d0, d1) -> (0, 0)>
#map1 = affine_map<(d0, d1) -> (0, 0, 0)>
module attributes {stable_mosaic.version = 14 : i64} {
  func.func @_wgt_kernel(%arg0: i32, %arg1: i32, %arg2: memref<2x81920xf32, #tpu.memory_space<hbm>>, %arg3: memref<32x125x80xi32, #tpu.memory_space<hbm>>, %arg4: memref<32x125x80xf32, #tpu.memory_space<hbm>>, %arg5: memref<81920xf32, #tpu.memory_space<vmem_shared>>, %arg6: memref<5120xf32, #tpu.memory_space<vmem>>, %arg7: memref<5120xf32, #tpu.memory_space<vmem>>, %arg8: memref<80000xf32, #tpu.memory_space<vmem>>, %arg9: memref<125x80xi32, #tpu.memory_space<vmem>>, %arg10: memref<125x80xf32, #tpu.memory_space<vmem>>, %arg11: memref<!tpu.dma_semaphore, #tpu.memory_space<semaphore_mem>>) attributes {dimension_semantics = [#tpu.dimension_semantics<core_parallel>, #tpu.dimension_semantics<subcore_parallel>], iteration_bounds = array<i64: 2, 16>, scalar_prefetch = 0 : i64, scratch_operands = 7 : i64, tpu.core_type = #tpu.core_type<sc_vector_subcore>, window_params = [{transform_indices = #map}, {transform_indices = #map1}, {transform_indices = #map1}]} {
    %mul3A = arith.constant 2 : i32
    %mul3A_0 = arith.muli %arg1, %mul3A : i32
    %add3A = arith.addi %mul3A_0, %arg0 : i32
    %mul3A_1 = arith.constant 5120 : i32
    %mul3A_2 = arith.muli %arg1, %mul3A_1 : i32
    %dma_start3A = arith.constant 0 : i32
    %dma_start3A_3 = arith.constant 0 : i32
    %dma_start3A_4 = tpu.memref_slice %arg3[%add3A, %dma_start3A, %dma_start3A_3] : memref<32x125x80xi32, #tpu.memory_space<hbm>> -> memref<1x125x80xi32, #tpu.memory_space<hbm>>
    %dma_start3A_5 = tpu.memref_squeeze %dma_start3A_4 : memref<1x125x80xi32, #tpu.memory_space<hbm>> -> memref<125x80xi32, #tpu.memory_space<hbm>>
    %dma_start3A_6 = arith.constant 0 : i32
    %dma_start3A_7 = arith.constant 0 : i32
    %dma_start3A_8 = tpu.memref_slice %arg3[%add3A, %dma_start3A_6, %dma_start3A_7] : memref<32x125x80xi32, #tpu.memory_space<hbm>> -> memref<1x125x80xi32, #tpu.memory_space<hbm>>
    %dma_start3A_9 = tpu.memref_squeeze %dma_start3A_8 : memref<1x125x80xi32, #tpu.memory_space<hbm>> -> memref<125x80xi32, #tpu.memory_space<hbm>>
    tpu.enqueue_dma source(%dma_start3A_9 : memref<125x80xi32, #tpu.memory_space<hbm>>) target(%arg9 : memref<125x80xi32, #tpu.memory_space<vmem>>) target_semaphore(%arg11 : memref<!tpu.dma_semaphore, #tpu.memory_space<semaphore_mem>>)
    %run_scoped3A = arith.constant 0 : i32
    "tpu.region"() ({
      %run_scoped3A_31 = tpu.sem_alloc : memref<!tpu.dma_semaphore, #tpu.memory_space<semaphore_mem>>
      %dma_start3A_32 = tpu.memref_slice %arg2[%run_scoped3A, %mul3A_2] : memref<2x81920xf32, #tpu.memory_space<hbm>> -> memref<1x5120xf32, #tpu.memory_space<hbm>>
      %dma_start3A_33 = tpu.memref_squeeze %dma_start3A_32 : memref<1x5120xf32, #tpu.memory_space<hbm>> -> memref<5120xf32, #tpu.memory_space<hbm>>
      %dma_start3A_34 = tpu.memref_slice %arg2[%run_scoped3A, %mul3A_2] : memref<2x81920xf32, #tpu.memory_space<hbm>> -> memref<1x5120xf32, #tpu.memory_space<hbm>>
      %dma_start3A_35 = tpu.memref_squeeze %dma_start3A_34 : memref<1x5120xf32, #tpu.memory_space<hbm>> -> memref<5120xf32, #tpu.memory_space<hbm>>
      tpu.enqueue_dma source(%dma_start3A_35 : memref<5120xf32, #tpu.memory_space<hbm>>) target(%arg6 : memref<5120xf32, #tpu.memory_space<vmem>>) target_semaphore(%run_scoped3A_31 : memref<!tpu.dma_semaphore, #tpu.memory_space<semaphore_mem>>)
      %dma_wait3A_36 = tpu.memref_slice %arg2[%run_scoped3A, %mul3A_2] : memref<2x81920xf32, #tpu.memory_space<hbm>> -> memref<1x5120xf32, #tpu.memory_space<hbm>>
      %dma_wait3A_37 = tpu.memref_squeeze %dma_wait3A_36 : memref<1x5120xf32, #tpu.memory_space<hbm>> -> memref<5120xf32, #tpu.memory_space<hbm>>
      %dma_wait3A_38 = tpu.memref_slice %arg2[%run_scoped3A, %mul3A_2] : memref<2x81920xf32, #tpu.memory_space<hbm>> -> memref<1x5120xf32, #tpu.memory_space<hbm>>
      %dma_wait3A_39 = tpu.memref_squeeze %dma_wait3A_38 : memref<1x5120xf32, #tpu.memory_space<hbm>> -> memref<5120xf32, #tpu.memory_space<hbm>>
      tpu.wait_dma2 semaphore(%run_scoped3A_31 : memref<!tpu.dma_semaphore, #tpu.memory_space<semaphore_mem>>) src(%dma_wait3A_39 : memref<5120xf32, #tpu.memory_space<hbm>>) dst(%arg6 : memref<5120xf32, #tpu.memory_space<vmem>>)
      tpu.yield
    }) : () -> ()
    %run_scoped3A_10 = arith.constant 1 : i32
    "tpu.region"() ({
      %run_scoped3A_31 = tpu.sem_alloc : memref<!tpu.dma_semaphore, #tpu.memory_space<semaphore_mem>>
      %dma_start3A_32 = tpu.memref_slice %arg2[%run_scoped3A_10, %mul3A_2] : memref<2x81920xf32, #tpu.memory_space<hbm>> -> memref<1x5120xf32, #tpu.memory_space<hbm>>
      %dma_start3A_33 = tpu.memref_squeeze %dma_start3A_32 : memref<1x5120xf32, #tpu.memory_space<hbm>> -> memref<5120xf32, #tpu.memory_space<hbm>>
      %dma_start3A_34 = tpu.memref_slice %arg2[%run_scoped3A_10, %mul3A_2] : memref<2x81920xf32, #tpu.memory_space<hbm>> -> memref<1x5120xf32, #tpu.memory_space<hbm>>
      %dma_start3A_35 = tpu.memref_squeeze %dma_start3A_34 : memref<1x5120xf32, #tpu.memory_space<hbm>> -> memref<5120xf32, #tpu.memory_space<hbm>>
      tpu.enqueue_dma source(%dma_start3A_35 : memref<5120xf32, #tpu.memory_space<hbm>>) target(%arg7 : memref<5120xf32, #tpu.memory_space<vmem>>) target_semaphore(%run_scoped3A_31 : memref<!tpu.dma_semaphore, #tpu.memory_space<semaphore_mem>>)
      %dma_wait3A_36 = tpu.memref_slice %arg2[%run_scoped3A_10, %mul3A_2] : memref<2x81920xf32, #tpu.memory_space<hbm>> -> memref<1x5120xf32, #tpu.memory_space<hbm>>
      %dma_wait3A_37 = tpu.memref_squeeze %dma_wait3A_36 : memref<1x5120xf32, #tpu.memory_space<hbm>> -> memref<5120xf32, #tpu.memory_space<hbm>>
      %dma_wait3A_38 = tpu.memref_slice %arg2[%run_scoped3A_10, %mul3A_2] : memref<2x81920xf32, #tpu.memory_space<hbm>> -> memref<1x5120xf32, #tpu.memory_space<hbm>>
      %dma_wait3A_39 = tpu.memref_squeeze %dma_wait3A_38 : memref<1x5120xf32, #tpu.memory_space<hbm>> -> memref<5120xf32, #tpu.memory_space<hbm>>
      tpu.wait_dma2 semaphore(%run_scoped3A_31 : memref<!tpu.dma_semaphore, #tpu.memory_space<semaphore_mem>>) src(%dma_wait3A_39 : memref<5120xf32, #tpu.memory_space<hbm>>) dst(%arg7 : memref<5120xf32, #tpu.memory_space<vmem>>)
      tpu.yield
    }) : () -> ()
    %scan3A = arith.constant 0 : i32
    %scan3A_11 = arith.constant 0 : i32
    %scan3A_12 = arith.constant 320 : i32
    %scan3A_13 = arith.addi %scan3A_11, %scan3A_12 : i32
    %scan3A_14 = arith.constant 1 : i32
    %scan3A_15 = scf.for %scan3A_31 = %scan3A_11 to %scan3A_13 step %scan3A_14 iter_args(%scan3A_32 = %scan3A) -> (i32)  : i32 {
      %mul3A_33 = arith.constant 16 : i32
      %mul3A_34 = arith.muli %scan3A_31, %mul3A_33 : i32
      %get3A = arith.index_cast %mul3A_34 : i32 to index
      %get3A_35 = tpu.vector_load %arg6[%get3A] {strides = array<i32>} : memref<5120xf32, #tpu.memory_space<vmem>>, vector<16xf32>,
      %mul3A_36 = arith.constant 16 : i32
      %mul3A_37 = arith.muli %scan3A_31, %mul3A_36 : i32
      %get3A_38 = arith.index_cast %mul3A_37 : i32 to index
      %get3A_39 = tpu.vector_load %arg7[%get3A_38] {strides = array<i32>} : memref<5120xf32, #tpu.memory_space<vmem>>, vector<16xf32>,
      %add3A_40 = arith.addf %get3A_35, %get3A_39 : vector<16xf32>
      %max3A = arith.constant 1.000000e+00 : f32
      %max3A_41 = vector.broadcast %max3A : f32 to vector<16xf32>
      %max3A_42 = arith.maximumf %add3A_40, %max3A_41 : vector<16xf32>
      %div3A = arith.constant 1.000000e+00 : f32
      %div3A_43 = vector.broadcast %div3A : f32 to vector<16xf32>
      %div3A_44 = arith.divf %div3A_43, %max3A_42 : vector<16xf32>
      %mul3A_45 = arith.constant 16 : i32
      %mul3A_46 = arith.muli %scan3A_31, %mul3A_45 : i32
      %swap3A = arith.index_cast %mul3A_46 : i32 to index
      %swap3A_47 = tpu.vector_load %arg6[%swap3A] {strides = array<i32>} : memref<5120xf32, #tpu.memory_space<vmem>>, vector<16xf32>,
      tpu.vector_store %arg6[%swap3A], %div3A_44 {strides = array<i32>} : memref<5120xf32, #tpu.memory_space<vmem>>, vector<16xf32>,
      %scan3A_48 = arith.constant 0 : i32
      scf.yield %scan3A_48 : i32
    }
    %scan3A_16 = arith.constant 320 : i32
    "tpu.region"() ({
      %run_scoped3A_31 = tpu.sem_alloc : memref<!tpu.dma_semaphore, #tpu.memory_space<semaphore_mem>>
      %dma_start3A_32 = tpu.memref_slice %arg5[%mul3A_2] : memref<81920xf32, #tpu.memory_space<vmem_shared>> -> memref<5120xf32, #tpu.memory_space<vmem_shared>>
      %dma_start3A_33 = tpu.memref_slice %arg5[%mul3A_2] : memref<81920xf32, #tpu.memory_space<vmem_shared>> -> memref<5120xf32, #tpu.memory_space<vmem_shared>>
      tpu.enqueue_dma source(%arg6 : memref<5120xf32, #tpu.memory_space<vmem>>) target(%dma_start3A_33 : memref<5120xf32, #tpu.memory_space<vmem_shared>>) target_semaphore(%run_scoped3A_31 : memref<!tpu.dma_semaphore, #tpu.memory_space<semaphore_mem>>)
      %dma_wait3A_34 = tpu.memref_slice %arg5[%mul3A_2] : memref<81920xf32, #tpu.memory_space<vmem_shared>> -> memref<5120xf32, #tpu.memory_space<vmem_shared>>
      %dma_wait3A_35 = tpu.memref_slice %arg5[%mul3A_2] : memref<81920xf32, #tpu.memory_space<vmem_shared>> -> memref<5120xf32, #tpu.memory_space<vmem_shared>>
      tpu.wait_dma2 semaphore(%run_scoped3A_31 : memref<!tpu.dma_semaphore, #tpu.memory_space<semaphore_mem>>) src(%arg6 : memref<5120xf32, #tpu.memory_space<vmem>>) dst(%dma_wait3A_35 : memref<5120xf32, #tpu.memory_space<vmem_shared>>)
      tpu.yield
    }) : () -> ()
    %barrier3A = arith.constant 0 : index
    tpu.barrier barrier_id(%barrier3A)
    "tpu.region"() ({
      %run_scoped3A_31 = tpu.sem_alloc : memref<!tpu.dma_semaphore, #tpu.memory_space<semaphore_mem>>
      %dma_start3A_32 = arith.constant 0 : i32
      %dma_start3A_33 = tpu.memref_slice %arg5[%dma_start3A_32] : memref<81920xf32, #tpu.memory_space<vmem_shared>> -> memref<80000xf32, #tpu.memory_space<vmem_shared>>
      %dma_start3A_34 = arith.constant 0 : i32
      %dma_start3A_35 = tpu.memref_slice %arg5[%dma_start3A_34] : memref<81920xf32, #tpu.memory_space<vmem_shared>> -> memref<80000xf32, #tpu.memory_space<vmem_shared>>
      tpu.enqueue_dma source(%dma_start3A_35 : memref<80000xf32, #tpu.memory_space<vmem_shared>>) target(%arg8 : memref<80000xf32, #tpu.memory_space<vmem>>) target_semaphore(%run_scoped3A_31 : memref<!tpu.dma_semaphore, #tpu.memory_space<semaphore_mem>>)
      %dma_wait3A_36 = arith.constant 0 : i32
      %dma_wait3A_37 = tpu.memref_slice %arg5[%dma_wait3A_36] : memref<81920xf32, #tpu.memory_space<vmem_shared>> -> memref<80000xf32, #tpu.memory_space<vmem_shared>>
      %dma_wait3A_38 = arith.constant 0 : i32
      %dma_wait3A_39 = tpu.memref_slice %arg5[%dma_wait3A_38] : memref<81920xf32, #tpu.memory_space<vmem_shared>> -> memref<80000xf32, #tpu.memory_space<vmem_shared>>
      tpu.wait_dma2 semaphore(%run_scoped3A_31 : memref<!tpu.dma_semaphore, #tpu.memory_space<semaphore_mem>>) src(%dma_wait3A_39 : memref<80000xf32, #tpu.memory_space<vmem_shared>>) dst(%arg8 : memref<80000xf32, #tpu.memory_space<vmem>>)
      tpu.yield
    }) : () -> ()
    %dma_wait3A = arith.constant 0 : i32
    %dma_wait3A_17 = arith.constant 0 : i32
    %dma_wait3A_18 = tpu.memref_slice %arg3[%add3A, %dma_wait3A, %dma_wait3A_17] : memref<32x125x80xi32, #tpu.memory_space<hbm>> -> memref<1x125x80xi32, #tpu.memory_space<hbm>>
    %dma_wait3A_19 = tpu.memref_squeeze %dma_wait3A_18 : memref<1x125x80xi32, #tpu.memory_space<hbm>> -> memref<125x80xi32, #tpu.memory_space<hbm>>
    %dma_wait3A_20 = arith.constant 0 : i32
    %dma_wait3A_21 = arith.constant 0 : i32
    %dma_wait3A_22 = tpu.memref_slice %arg3[%add3A, %dma_wait3A_20, %dma_wait3A_21] : memref<32x125x80xi32, #tpu.memory_space<hbm>> -> memref<1x125x80xi32, #tpu.memory_space<hbm>>
    %dma_wait3A_23 = tpu.memref_squeeze %dma_wait3A_22 : memref<1x125x80xi32, #tpu.memory_space<hbm>> -> memref<125x80xi32, #tpu.memory_space<hbm>>
    tpu.wait_dma2 semaphore(%arg11 : memref<!tpu.dma_semaphore, #tpu.memory_space<semaphore_mem>>) src(%dma_wait3A_23 : memref<125x80xi32, #tpu.memory_space<hbm>>) dst(%arg9 : memref<125x80xi32, #tpu.memory_space<vmem>>)
    %scan3A_24 = arith.constant 0 : i32
    %scan3A_25 = arith.constant 0 : i32
    %scan3A_26 = arith.constant 125 : i32
    %scan3A_27 = arith.addi %scan3A_25, %scan3A_26 : i32
    %scan3A_28 = arith.constant 1 : i32
    %scan3A_29 = scf.for %scan3A_31 = %scan3A_25 to %scan3A_27 step %scan3A_28 iter_args(%scan3A_32 = %scan3A_24) -> (i32)  : i32 {
      %get3A = arith.index_cast %scan3A_31 : i32 to index
      %get3A_33 = arith.constant 0 : index
      %get3A_34 = tpu.vector_load %arg9[%get3A, %get3A_33] {strides = array<i32>} : memref<125x80xi32, #tpu.memory_space<vmem>>, vector<16xi32>,
      %gather3A = tpu.vector_load_idx %arg8[%get3A_34] : memref<80000xf32, #tpu.memory_space<vmem>>[vector<16xi32>], vector<16xf32>,
      %swap3A = arith.index_cast %scan3A_31 : i32 to index
      %swap3A_35 = arith.constant 0 : index
      %swap3A_36 = tpu.vector_load %arg10[%swap3A, %swap3A_35] {strides = array<i32>} : memref<125x80xf32, #tpu.memory_space<vmem>>, vector<16xf32>,
      tpu.vector_store %arg10[%swap3A, %swap3A_35], %gather3A {strides = array<i32>} : memref<125x80xf32, #tpu.memory_space<vmem>>, vector<16xf32>,
      %get3A_37 = arith.index_cast %scan3A_31 : i32 to index
      %get3A_38 = arith.constant 16 : index
      %get3A_39 = tpu.vector_load %arg9[%get3A_37, %get3A_38] {strides = array<i32>} : memref<125x80xi32, #tpu.memory_space<vmem>>, vector<16xi32>,
      %gather3A_40 = tpu.vector_load_idx %arg8[%get3A_39] : memref<80000xf32, #tpu.memory_space<vmem>>[vector<16xi32>], vector<16xf32>,
      %swap3A_41 = arith.index_cast %scan3A_31 : i32 to index
      %swap3A_42 = arith.constant 16 : index
      %swap3A_43 = tpu.vector_load %arg10[%swap3A_41, %swap3A_42] {strides = array<i32>} : memref<125x80xf32, #tpu.memory_space<vmem>>, vector<16xf32>,
      tpu.vector_store %arg10[%swap3A_41, %swap3A_42], %gather3A_40 {strides = array<i32>} : memref<125x80xf32, #tpu.memory_space<vmem>>, vector<16xf32>,
      %get3A_44 = arith.index_cast %scan3A_31 : i32 to index
      %get3A_45 = arith.constant 32 : index
      %get3A_46 = tpu.vector_load %arg9[%get3A_44, %get3A_45] {strides = array<i32>} : memref<125x80xi32, #tpu.memory_space<vmem>>, vector<16xi32>,
      %gather3A_47 = tpu.vector_load_idx %arg8[%get3A_46] : memref<80000xf32, #tpu.memory_space<vmem>>[vector<16xi32>], vector<16xf32>,
      %swap3A_48 = arith.index_cast %scan3A_31 : i32 to index
      %swap3A_49 = arith.constant 32 : index
      %swap3A_50 = tpu.vector_load %arg10[%swap3A_48, %swap3A_49] {strides = array<i32>} : memref<125x80xf32, #tpu.memory_space<vmem>>, vector<16xf32>,
      tpu.vector_store %arg10[%swap3A_48, %swap3A_49], %gather3A_47 {strides = array<i32>} : memref<125x80xf32, #tpu.memory_space<vmem>>, vector<16xf32>,
      %get3A_51 = arith.index_cast %scan3A_31 : i32 to index
      %get3A_52 = arith.constant 48 : index
      %get3A_53 = tpu.vector_load %arg9[%get3A_51, %get3A_52] {strides = array<i32>} : memref<125x80xi32, #tpu.memory_space<vmem>>, vector<16xi32>,
      %gather3A_54 = tpu.vector_load_idx %arg8[%get3A_53] : memref<80000xf32, #tpu.memory_space<vmem>>[vector<16xi32>], vector<16xf32>,
      %swap3A_55 = arith.index_cast %scan3A_31 : i32 to index
      %swap3A_56 = arith.constant 48 : index
      %swap3A_57 = tpu.vector_load %arg10[%swap3A_55, %swap3A_56] {strides = array<i32>} : memref<125x80xf32, #tpu.memory_space<vmem>>, vector<16xf32>,
      tpu.vector_store %arg10[%swap3A_55, %swap3A_56], %gather3A_54 {strides = array<i32>} : memref<125x80xf32, #tpu.memory_space<vmem>>, vector<16xf32>,
      %get3A_58 = arith.index_cast %scan3A_31 : i32 to index
      %get3A_59 = arith.constant 64 : index
      %get3A_60 = tpu.vector_load %arg9[%get3A_58, %get3A_59] {strides = array<i32>} : memref<125x80xi32, #tpu.memory_space<vmem>>, vector<16xi32>,
      %gather3A_61 = tpu.vector_load_idx %arg8[%get3A_60] : memref<80000xf32, #tpu.memory_space<vmem>>[vector<16xi32>], vector<16xf32>,
      %swap3A_62 = arith.index_cast %scan3A_31 : i32 to index
      %swap3A_63 = arith.constant 64 : index
      %swap3A_64 = tpu.vector_load %arg10[%swap3A_62, %swap3A_63] {strides = array<i32>} : memref<125x80xf32, #tpu.memory_space<vmem>>, vector<16xf32>,
      tpu.vector_store %arg10[%swap3A_62, %swap3A_63], %gather3A_61 {strides = array<i32>} : memref<125x80xf32, #tpu.memory_space<vmem>>, vector<16xf32>,
      %scan3A_65 = arith.constant 0 : i32
      scf.yield %scan3A_65 : i32
    }
    %scan3A_30 = arith.constant 125 : i32
    "tpu.region"() ({
      %run_scoped3A_31 = tpu.sem_alloc : memref<!tpu.dma_semaphore, #tpu.memory_space<semaphore_mem>>
      %dma_start3A_32 = arith.constant 0 : i32
      %dma_start3A_33 = arith.constant 0 : i32
      %dma_start3A_34 = tpu.memref_slice %arg4[%add3A, %dma_start3A_32, %dma_start3A_33] : memref<32x125x80xf32, #tpu.memory_space<hbm>> -> memref<1x125x80xf32, #tpu.memory_space<hbm>>
      %dma_start3A_35 = tpu.memref_squeeze %dma_start3A_34 : memref<1x125x80xf32, #tpu.memory_space<hbm>> -> memref<125x80xf32, #tpu.memory_space<hbm>>
      %dma_start3A_36 = arith.constant 0 : i32
      %dma_start3A_37 = arith.constant 0 : i32
      %dma_start3A_38 = tpu.memref_slice %arg4[%add3A, %dma_start3A_36, %dma_start3A_37] : memref<32x125x80xf32, #tpu.memory_space<hbm>> -> memref<1x125x80xf32, #tpu.memory_space<hbm>>
      %dma_start3A_39 = tpu.memref_squeeze %dma_start3A_38 : memref<1x125x80xf32, #tpu.memory_space<hbm>> -> memref<125x80xf32, #tpu.memory_space<hbm>>
      tpu.enqueue_dma source(%arg10 : memref<125x80xf32, #tpu.memory_space<vmem>>) target(%dma_start3A_39 : memref<125x80xf32, #tpu.memory_space<hbm>>) target_semaphore(%run_scoped3A_31 : memref<!tpu.dma_semaphore, #tpu.memory_space<semaphore_mem>>)
      %dma_wait3A_40 = arith.constant 0 : i32
      %dma_wait3A_41 = arith.constant 0 : i32
      %dma_wait3A_42 = tpu.memref_slice %arg4[%add3A, %dma_wait3A_40, %dma_wait3A_41] : memref<32x125x80xf32, #tpu.memory_space<hbm>> -> memref<1x125x80xf32, #tpu.memory_space<hbm>>
      %dma_wait3A_43 = tpu.memref_squeeze %dma_wait3A_42 : memref<1x125x80xf32, #tpu.memory_space<hbm>> -> memref<125x80xf32, #tpu.memory_space<hbm>>
      %dma_wait3A_44 = arith.constant 0 : i32
      %dma_wait3A_45 = arith.constant 0 : i32
      %dma_wait3A_46 = tpu.memref_slice %arg4[%add3A, %dma_wait3A_44, %dma_wait3A_45] : memref<32x125x80xf32, #tpu.memory_space<hbm>> -> memref<1x125x80xf32, #tpu.memory_space<hbm>>
      %dma_wait3A_47 = tpu.memref_squeeze %dma_wait3A_46 : memref<1x125x80xf32, #tpu.memory_space<hbm>> -> memref<125x80xf32, #tpu.memory_space<hbm>>
      tpu.wait_dma2 semaphore(%run_scoped3A_31 : memref<!tpu.dma_semaphore, #tpu.memory_space<semaphore_mem>>) src(%arg10 : memref<125x80xf32, #tpu.memory_space<vmem>>) dst(%dma_wait3A_47 : memref<125x80xf32, #tpu.memory_space<hbm>>)
      tpu.yield
    }) : () -> ()
    return
  }
}

#map = affine_map<(d0, d1) -> (0, 0)>
#map1 = affine_map<(d0, d1) -> (0, 0, 0)>
module attributes {stable_mosaic.version = 14 : i64} {
  func.func @_agg_kernel(%arg0: i32, %arg1: i32, %arg2: memref<90000x128xf32, #tpu.memory_space<hbm>>, %arg3: memref<10000x128xf32, #tpu.memory_space<hbm>>, %arg4: memref<10000x128xf32, #tpu.memory_space<hbm>>, %arg5: memref<32x250x40xi32, #tpu.memory_space<hbm>>, %arg6: memref<32x250x40xi32, #tpu.memory_space<hbm>>, %arg7: memref<32x250x40xf32, #tpu.memory_space<hbm>>, %arg8: memref<2x10000x128xf32, #tpu.memory_space<hbm>>, %arg9: memref<10000x128xf32, #tpu.memory_space<vmem_shared>>, %arg10: memref<250x40xi32, #tpu.memory_space<vmem>>, %arg11: memref<40x128xf32, #tpu.memory_space<vmem>>, %arg12: memref<40x128xf32, #tpu.memory_space<vmem>>, %arg13: memref<40x128xf32, #tpu.memory_space<vmem>>, %arg14: memref<40x128xf32, #tpu.memory_space<vmem>>, %arg15: memref<40x128xf32, #tpu.memory_space<vmem>>, %arg16: memref<40xi32, #tpu.memory_space<vmem>>, %arg17: memref<40xi32, #tpu.memory_space<vmem>>, %arg18: memref<40xi32, #tpu.memory_space<vmem>>, %arg19: memref<40xi32, #tpu.memory_space<vmem>>, %arg20: memref<40xi32, #tpu.memory_space<vmem>>, %arg21: memref<40xf32, #tpu.memory_space<vmem>>, %arg22: memref<40xf32, #tpu.memory_space<vmem>>, %arg23: memref<40xf32, #tpu.memory_space<vmem>>, %arg24: memref<40xf32, #tpu.memory_space<vmem>>, %arg25: memref<40xf32, #tpu.memory_space<vmem>>, %arg26: memref<!tpu.dma_semaphore, #tpu.memory_space<semaphore_mem>>, %arg27: memref<!tpu.dma_semaphore, #tpu.memory_space<semaphore_mem>>, %arg28: memref<!tpu.dma_semaphore, #tpu.memory_space<semaphore_mem>>, %arg29: memref<!tpu.dma_semaphore, #tpu.memory_space<semaphore_mem>>, %arg30: memref<!tpu.dma_semaphore, #tpu.memory_space<semaphore_mem>>, %arg31: memref<!tpu.dma_semaphore, #tpu.memory_space<semaphore_mem>>, %arg32: memref<!tpu.dma_semaphore, #tpu.memory_space<semaphore_mem>>, %arg33: memref<!tpu.dma_semaphore, #tpu.memory_space<semaphore_mem>>, %arg34: memref<!tpu.dma_semaphore, #tpu.memory_space<semaphore_mem>>, %arg35: memref<!tpu.dma_semaphore, #tpu.memory_space<semaphore_mem>>, %arg36: memref<!tpu.dma_semaphore, #tpu.memory_space<semaphore_mem>>) attributes {dimension_semantics = [#tpu.dimension_semantics<core_parallel>, #tpu.dimension_semantics<subcore_parallel>], iteration_bounds = array<i64: 2, 16>, scalar_prefetch = 0 : i64, scratch_operands = 28 : i64, tpu.core_type = #tpu.core_type<sc_vector_subcore>, window_params = [{transform_indices = #map}, {transform_indices = #map}, {transform_indices = #map}, {transform_indices = #map1}, {transform_indices = #map1}, {transform_indices = #map1}, {transform_indices = #map1}]} {
    %mul3A = arith.constant 2 : i32
    %mul3A_0 = arith.muli %arg1, %mul3A : i32
    %add3A = arith.addi %mul3A_0, %arg0 : i32
    %mul3A_1 = arith.constant 625 : i32
    %mul3A_2 = arith.muli %arg1, %mul3A_1 : i32
    %dma_start3A = arith.constant 0 : i32
    %dma_start3A_3 = arith.constant 0 : i32
    %dma_start3A_4 = tpu.memref_slice %arg5[%add3A, %dma_start3A, %dma_start3A_3] : memref<32x250x40xi32, #tpu.memory_space<hbm>> -> memref<1x250x40xi32, #tpu.memory_space<hbm>>
    %dma_start3A_5 = tpu.memref_squeeze %dma_start3A_4 : memref<1x250x40xi32, #tpu.memory_space<hbm>> -> memref<250x40xi32, #tpu.memory_space<hbm>>
    %dma_start3A_6 = arith.constant 0 : i32
    %dma_start3A_7 = arith.constant 0 : i32
    %dma_start3A_8 = tpu.memref_slice %arg5[%add3A, %dma_start3A_6, %dma_start3A_7] : memref<32x250x40xi32, #tpu.memory_space<hbm>> -> memref<1x250x40xi32, #tpu.memory_space<hbm>>
    %dma_start3A_9 = tpu.memref_squeeze %dma_start3A_8 : memref<1x250x40xi32, #tpu.memory_space<hbm>> -> memref<250x40xi32, #tpu.memory_space<hbm>>
    tpu.enqueue_dma source(%dma_start3A_9 : memref<250x40xi32, #tpu.memory_space<hbm>>) target(%arg10 : memref<250x40xi32, #tpu.memory_space<vmem>>) target_semaphore(%arg26 : memref<!tpu.dma_semaphore, #tpu.memory_space<semaphore_mem>>)
    %eq3A = arith.constant 0 : i32
    %eq3A_10 = arith.cmpi eq, %arg0, %eq3A : i32
    %convert_element_type3A = arith.extui %eq3A_10 : i1 to i32
    %cond3A = arith.constant 0 : i32
    %cond3A_11 = arith.cmpi ne, %convert_element_type3A, %cond3A : i32
    scf.if %cond3A_11 {
      %dma_start3A_122 = arith.constant 0 : i32
      %dma_start3A_123 = tpu.memref_slice %arg9[%mul3A_2, %dma_start3A_122] : memref<10000x128xf32, #tpu.memory_space<vmem_shared>> -> memref<625x128xf32, #tpu.memory_space<vmem_shared>>
      %dma_start3A_124 = arith.constant 0 : i32
      %dma_start3A_125 = tpu.memref_slice %arg3[%mul3A_2, %dma_start3A_124] : memref<10000x128xf32, #tpu.memory_space<hbm>> -> memref<625x128xf32, #tpu.memory_space<hbm>>
      tpu.enqueue_dma source(%dma_start3A_125 : memref<625x128xf32, #tpu.memory_space<hbm>>) target(%dma_start3A_123 : memref<625x128xf32, #tpu.memory_space<vmem_shared>>) target_semaphore(%arg26 : memref<!tpu.dma_semaphore, #tpu.memory_space<semaphore_mem>>)
    } else {
    }
    %eq3A_12 = arith.constant 1 : i32
    %eq3A_13 = arith.cmpi eq, %arg0, %eq3A_12 : i32
    %convert_element_type3A_14 = arith.extui %eq3A_13 : i1 to i32
    %cond3A_15 = arith.constant 0 : i32
    %cond3A_16 = arith.cmpi ne, %convert_element_type3A_14, %cond3A_15 : i32
    scf.if %cond3A_16 {
      %dma_start3A_122 = arith.constant 0 : i32
      %dma_start3A_123 = tpu.memref_slice %arg9[%mul3A_2, %dma_start3A_122] : memref<10000x128xf32, #tpu.memory_space<vmem_shared>> -> memref<625x128xf32, #tpu.memory_space<vmem_shared>>
      %dma_start3A_124 = arith.constant 0 : i32
      %dma_start3A_125 = tpu.memref_slice %arg4[%mul3A_2, %dma_start3A_124] : memref<10000x128xf32, #tpu.memory_space<hbm>> -> memref<625x128xf32, #tpu.memory_space<hbm>>
      tpu.enqueue_dma source(%dma_start3A_125 : memref<625x128xf32, #tpu.memory_space<hbm>>) target(%dma_start3A_123 : memref<625x128xf32, #tpu.memory_space<vmem_shared>>) target_semaphore(%arg26 : memref<!tpu.dma_semaphore, #tpu.memory_space<semaphore_mem>>)
    } else {
    }
    %dma_wait3A = arith.constant 0 : i32
    %dma_wait3A_17 = arith.constant 0 : i32
    %dma_wait3A_18 = tpu.memref_slice %arg5[%add3A, %dma_wait3A, %dma_wait3A_17] : memref<32x250x40xi32, #tpu.memory_space<hbm>> -> memref<1x250x40xi32, #tpu.memory_space<hbm>>
    %dma_wait3A_19 = tpu.memref_squeeze %dma_wait3A_18 : memref<1x250x40xi32, #tpu.memory_space<hbm>> -> memref<250x40xi32, #tpu.memory_space<hbm>>
    %dma_wait3A_20 = arith.constant 0 : i32
    %dma_wait3A_21 = arith.constant 0 : i32
    %dma_wait3A_22 = tpu.memref_slice %arg5[%add3A, %dma_wait3A_20, %dma_wait3A_21] : memref<32x250x40xi32, #tpu.memory_space<hbm>> -> memref<1x250x40xi32, #tpu.memory_space<hbm>>
    %dma_wait3A_23 = tpu.memref_squeeze %dma_wait3A_22 : memref<1x250x40xi32, #tpu.memory_space<hbm>> -> memref<250x40xi32, #tpu.memory_space<hbm>>
    tpu.wait_dma2 semaphore(%arg26 : memref<!tpu.dma_semaphore, #tpu.memory_space<semaphore_mem>>) src(%dma_wait3A_23 : memref<250x40xi32, #tpu.memory_space<hbm>>) dst(%arg10 : memref<250x40xi32, #tpu.memory_space<vmem>>)
    %dma_wait3A_24 = arith.constant 0 : i32
    %dma_wait3A_25 = tpu.memref_slice %arg9[%mul3A_2, %dma_wait3A_24] : memref<10000x128xf32, #tpu.memory_space<vmem_shared>> -> memref<625x128xf32, #tpu.memory_space<vmem_shared>>
    %dma_wait3A_26 = arith.constant 0 : i32
    %dma_wait3A_27 = tpu.memref_slice %arg4[%mul3A_2, %dma_wait3A_26] : memref<10000x128xf32, #tpu.memory_space<hbm>> -> memref<625x128xf32, #tpu.memory_space<hbm>>
    tpu.wait_dma2 semaphore(%arg26 : memref<!tpu.dma_semaphore, #tpu.memory_space<semaphore_mem>>) src(%dma_wait3A_27 : memref<625x128xf32, #tpu.memory_space<hbm>>) dst(%dma_wait3A_25 : memref<625x128xf32, #tpu.memory_space<vmem_shared>>)
    %barrier3A = arith.constant 0 : index
    tpu.barrier barrier_id(%barrier3A)
    %dma_start3A_28 = arith.constant 0 : i32
    %dma_start3A_29 = arith.constant 0 : i32
    %dma_start3A_30 = tpu.memref_slice %arg6[%add3A, %dma_start3A_28, %dma_start3A_29] : memref<32x250x40xi32, #tpu.memory_space<hbm>> -> memref<1x1x40xi32, #tpu.memory_space<hbm>>
    %dma_start3A_31 = tpu.memref_squeeze %dma_start3A_30 : memref<1x1x40xi32, #tpu.memory_space<hbm>> -> memref<40xi32, #tpu.memory_space<hbm>>
    %dma_start3A_32 = arith.constant 0 : i32
    %dma_start3A_33 = tpu.memref_slice %arg6[%add3A, %dma_start3A_28, %dma_start3A_32] : memref<32x250x40xi32, #tpu.memory_space<hbm>> -> memref<1x1x40xi32, #tpu.memory_space<hbm>>
    %dma_start3A_34 = tpu.memref_squeeze %dma_start3A_33 : memref<1x1x40xi32, #tpu.memory_space<hbm>> -> memref<40xi32, #tpu.memory_space<hbm>>
    tpu.enqueue_dma source(%dma_start3A_34 : memref<40xi32, #tpu.memory_space<hbm>>) target(%arg16 : memref<40xi32, #tpu.memory_space<vmem>>) target_semaphore(%arg27 : memref<!tpu.dma_semaphore, #tpu.memory_space<semaphore_mem>>)
    %dma_start3A_35 = arith.constant 0 : i32
    %dma_start3A_36 = arith.constant 0 : i32
    %dma_start3A_37 = tpu.memref_slice %arg7[%add3A, %dma_start3A_35, %dma_start3A_36] : memref<32x250x40xf32, #tpu.memory_space<hbm>> -> memref<1x1x40xf32, #tpu.memory_space<hbm>>
    %dma_start3A_38 = tpu.memref_squeeze %dma_start3A_37 : memref<1x1x40xf32, #tpu.memory_space<hbm>> -> memref<40xf32, #tpu.memory_space<hbm>>
    %dma_start3A_39 = arith.constant 0 : i32
    %dma_start3A_40 = tpu.memref_slice %arg7[%add3A, %dma_start3A_35, %dma_start3A_39] : memref<32x250x40xf32, #tpu.memory_space<hbm>> -> memref<1x1x40xf32, #tpu.memory_space<hbm>>
    %dma_start3A_41 = tpu.memref_squeeze %dma_start3A_40 : memref<1x1x40xf32, #tpu.memory_space<hbm>> -> memref<40xf32, #tpu.memory_space<hbm>>
    tpu.enqueue_dma source(%dma_start3A_41 : memref<40xf32, #tpu.memory_space<hbm>>) target(%arg21 : memref<40xf32, #tpu.memory_space<vmem>>) target_semaphore(%arg27 : memref<!tpu.dma_semaphore, #tpu.memory_space<semaphore_mem>>)
    %dma_start3A_42 = arith.constant 0 : i32
    %dma_start3A_43 = arith.constant 0 : i32
    %dma_start3A_44 = tpu.memref_slice %arg10[%dma_start3A_42, %dma_start3A_43] : memref<250x40xi32, #tpu.memory_space<vmem>> -> memref<1x40xi32, #tpu.memory_space<vmem>>
    %dma_start3A_45 = tpu.memref_squeeze %dma_start3A_44 : memref<1x40xi32, #tpu.memory_space<vmem>> -> memref<40xi32, #tpu.memory_space<vmem>>
    %dma_start3A_46 = arith.constant 0 : i32
    %dma_start3A_47 = arith.constant 0 : i32
    %dma_start3A_48 = tpu.memref_slice %arg2[%dma_start3A_46, %dma_start3A_47] : memref<90000x128xf32, #tpu.memory_space<hbm>> -> memref<90000x128xf32, #tpu.memory_space<hbm>>
    tpu.enqueue_indirect_dma source(%dma_start3A_48 : memref<90000x128xf32, #tpu.memory_space<hbm>>) target(%arg11 : memref<40x128xf32, #tpu.memory_space<vmem>>) offsets(%dma_start3A_45 : memref<40xi32, #tpu.memory_space<vmem>>) semaphore(%arg27 : memref<!tpu.dma_semaphore, #tpu.memory_space<semaphore_mem>>)
    %dma_start3A_49 = arith.constant 1 : i32
    %dma_start3A_50 = arith.constant 0 : i32
    %dma_start3A_51 = tpu.memref_slice %arg6[%add3A, %dma_start3A_49, %dma_start3A_50] : memref<32x250x40xi32, #tpu.memory_space<hbm>> -> memref<1x1x40xi32, #tpu.memory_space<hbm>>
    %dma_start3A_52 = tpu.memref_squeeze %dma_start3A_51 : memref<1x1x40xi32, #tpu.memory_space<hbm>> -> memref<40xi32, #tpu.memory_space<hbm>>
    %dma_start3A_53 = arith.constant 0 : i32
    %dma_start3A_54 = tpu.memref_slice %arg6[%add3A, %dma_start3A_49, %dma_start3A_53] : memref<32x250x40xi32, #tpu.memory_space<hbm>> -> memref<1x1x40xi32, #tpu.memory_space<hbm>>
    %dma_start3A_55 = tpu.memref_squeeze %dma_start3A_54 : memref<1x1x40xi32, #tpu.memory_space<hbm>> -> memref<40xi32, #tpu.memory_space<hbm>>
    tpu.enqueue_dma source(%dma_start3A_55 : memref<40xi32, #tpu.memory_space<hbm>>) target(%arg17 : memref<40xi32, #tpu.memory_space<vmem>>) target_semaphore(%arg28 : memref<!tpu.dma_semaphore, #tpu.memory_space<semaphore_mem>>)
    %dma_start3A_56 = arith.constant 1 : i32
    %dma_start3A_57 = arith.constant 0 : i32
    %dma_start3A_58 = tpu.memref_slice %arg7[%add3A, %dma_start3A_56, %dma_start3A_57] : memref<32x250x40xf32, #tpu.memory_space<hbm>> -> memref<1x1x40xf32, #tpu.memory_space<hbm>>
    %dma_start3A_59 = tpu.memref_squeeze %dma_start3A_58 : memref<1x1x40xf32, #tpu.memory_space<hbm>> -> memref<40xf32, #tpu.memory_space<hbm>>
    %dma_start3A_60 = arith.constant 0 : i32
    %dma_start3A_61 = tpu.memref_slice %arg7[%add3A, %dma_start3A_56, %dma_start3A_60] : memref<32x250x40xf32, #tpu.memory_space<hbm>> -> memref<1x1x40xf32, #tpu.memory_space<hbm>>
    %dma_start3A_62 = tpu.memref_squeeze %dma_start3A_61 : memref<1x1x40xf32, #tpu.memory_space<hbm>> -> memref<40xf32, #tpu.memory_space<hbm>>
    tpu.enqueue_dma source(%dma_start3A_62 : memref<40xf32, #tpu.memory_space<hbm>>) target(%arg22 : memref<40xf32, #tpu.memory_space<vmem>>) target_semaphore(%arg28 : memref<!tpu.dma_semaphore, #tpu.memory_space<semaphore_mem>>)
    %dma_start3A_63 = arith.constant 1 : i32
    %dma_start3A_64 = arith.constant 0 : i32
    %dma_start3A_65 = tpu.memref_slice %arg10[%dma_start3A_63, %dma_start3A_64] : memref<250x40xi32, #tpu.memory_space<vmem>> -> memref<1x40xi32, #tpu.memory_space<vmem>>
    %dma_start3A_66 = tpu.memref_squeeze %dma_start3A_65 : memref<1x40xi32, #tpu.memory_space<vmem>> -> memref<40xi32, #tpu.memory_space<vmem>>
    %dma_start3A_67 = arith.constant 0 : i32
    %dma_start3A_68 = arith.constant 0 : i32
    %dma_start3A_69 = tpu.memref_slice %arg2[%dma_start3A_67, %dma_start3A_68] : memref<90000x128xf32, #tpu.memory_space<hbm>> -> memref<90000x128xf32, #tpu.memory_space<hbm>>
    tpu.enqueue_indirect_dma source(%dma_start3A_69 : memref<90000x128xf32, #tpu.memory_space<hbm>>) target(%arg12 : memref<40x128xf32, #tpu.memory_space<vmem>>) offsets(%dma_start3A_66 : memref<40xi32, #tpu.memory_space<vmem>>) semaphore(%arg28 : memref<!tpu.dma_semaphore, #tpu.memory_space<semaphore_mem>>)
    %dma_start3A_70 = arith.constant 2 : i32
    %dma_start3A_71 = arith.constant 0 : i32
    %dma_start3A_72 = tpu.memref_slice %arg6[%add3A, %dma_start3A_70, %dma_start3A_71] : memref<32x250x40xi32, #tpu.memory_space<hbm>> -> memref<1x1x40xi32, #tpu.memory_space<hbm>>
    %dma_start3A_73 = tpu.memref_squeeze %dma_start3A_72 : memref<1x1x40xi32, #tpu.memory_space<hbm>> -> memref<40xi32, #tpu.memory_space<hbm>>
    %dma_start3A_74 = arith.constant 0 : i32
    %dma_start3A_75 = tpu.memref_slice %arg6[%add3A, %dma_start3A_70, %dma_start3A_74] : memref<32x250x40xi32, #tpu.memory_space<hbm>> -> memref<1x1x40xi32, #tpu.memory_space<hbm>>
    %dma_start3A_76 = tpu.memref_squeeze %dma_start3A_75 : memref<1x1x40xi32, #tpu.memory_space<hbm>> -> memref<40xi32, #tpu.memory_space<hbm>>
    tpu.enqueue_dma source(%dma_start3A_76 : memref<40xi32, #tpu.memory_space<hbm>>) target(%arg18 : memref<40xi32, #tpu.memory_space<vmem>>) target_semaphore(%arg29 : memref<!tpu.dma_semaphore, #tpu.memory_space<semaphore_mem>>)
    %dma_start3A_77 = arith.constant 2 : i32
    %dma_start3A_78 = arith.constant 0 : i32
    %dma_start3A_79 = tpu.memref_slice %arg7[%add3A, %dma_start3A_77, %dma_start3A_78] : memref<32x250x40xf32, #tpu.memory_space<hbm>> -> memref<1x1x40xf32, #tpu.memory_space<hbm>>
    %dma_start3A_80 = tpu.memref_squeeze %dma_start3A_79 : memref<1x1x40xf32, #tpu.memory_space<hbm>> -> memref<40xf32, #tpu.memory_space<hbm>>
    %dma_start3A_81 = arith.constant 0 : i32
    %dma_start3A_82 = tpu.memref_slice %arg7[%add3A, %dma_start3A_77, %dma_start3A_81] : memref<32x250x40xf32, #tpu.memory_space<hbm>> -> memref<1x1x40xf32, #tpu.memory_space<hbm>>
    %dma_start3A_83 = tpu.memref_squeeze %dma_start3A_82 : memref<1x1x40xf32, #tpu.memory_space<hbm>> -> memref<40xf32, #tpu.memory_space<hbm>>
    tpu.enqueue_dma source(%dma_start3A_83 : memref<40xf32, #tpu.memory_space<hbm>>) target(%arg23 : memref<40xf32, #tpu.memory_space<vmem>>) target_semaphore(%arg29 : memref<!tpu.dma_semaphore, #tpu.memory_space<semaphore_mem>>)
    %dma_start3A_84 = arith.constant 2 : i32
    %dma_start3A_85 = arith.constant 0 : i32
    %dma_start3A_86 = tpu.memref_slice %arg10[%dma_start3A_84, %dma_start3A_85] : memref<250x40xi32, #tpu.memory_space<vmem>> -> memref<1x40xi32, #tpu.memory_space<vmem>>
    %dma_start3A_87 = tpu.memref_squeeze %dma_start3A_86 : memref<1x40xi32, #tpu.memory_space<vmem>> -> memref<40xi32, #tpu.memory_space<vmem>>
    %dma_start3A_88 = arith.constant 0 : i32
    %dma_start3A_89 = arith.constant 0 : i32
    %dma_start3A_90 = tpu.memref_slice %arg2[%dma_start3A_88, %dma_start3A_89] : memref<90000x128xf32, #tpu.memory_space<hbm>> -> memref<90000x128xf32, #tpu.memory_space<hbm>>
    tpu.enqueue_indirect_dma source(%dma_start3A_90 : memref<90000x128xf32, #tpu.memory_space<hbm>>) target(%arg13 : memref<40x128xf32, #tpu.memory_space<vmem>>) offsets(%dma_start3A_87 : memref<40xi32, #tpu.memory_space<vmem>>) semaphore(%arg29 : memref<!tpu.dma_semaphore, #tpu.memory_space<semaphore_mem>>)
    %dma_start3A_91 = arith.constant 3 : i32
    %dma_start3A_92 = arith.constant 0 : i32
    %dma_start3A_93 = tpu.memref_slice %arg6[%add3A, %dma_start3A_91, %dma_start3A_92] : memref<32x250x40xi32, #tpu.memory_space<hbm>> -> memref<1x1x40xi32, #tpu.memory_space<hbm>>
    %dma_start3A_94 = tpu.memref_squeeze %dma_start3A_93 : memref<1x1x40xi32, #tpu.memory_space<hbm>> -> memref<40xi32, #tpu.memory_space<hbm>>
    %dma_start3A_95 = arith.constant 0 : i32
    %dma_start3A_96 = tpu.memref_slice %arg6[%add3A, %dma_start3A_91, %dma_start3A_95] : memref<32x250x40xi32, #tpu.memory_space<hbm>> -> memref<1x1x40xi32, #tpu.memory_space<hbm>>
    %dma_start3A_97 = tpu.memref_squeeze %dma_start3A_96 : memref<1x1x40xi32, #tpu.memory_space<hbm>> -> memref<40xi32, #tpu.memory_space<hbm>>
    tpu.enqueue_dma source(%dma_start3A_97 : memref<40xi32, #tpu.memory_space<hbm>>) target(%arg19 : memref<40xi32, #tpu.memory_space<vmem>>) target_semaphore(%arg30 : memref<!tpu.dma_semaphore, #tpu.memory_space<semaphore_mem>>)
    %dma_start3A_98 = arith.constant 3 : i32
    %dma_start3A_99 = arith.constant 0 : i32
    %dma_start3A_100 = tpu.memref_slice %arg7[%add3A, %dma_start3A_98, %dma_start3A_99] : memref<32x250x40xf32, #tpu.memory_space<hbm>> -> memref<1x1x40xf32, #tpu.memory_space<hbm>>
    %dma_start3A_101 = tpu.memref_squeeze %dma_start3A_100 : memref<1x1x40xf32, #tpu.memory_space<hbm>> -> memref<40xf32, #tpu.memory_space<hbm>>
    %dma_start3A_102 = arith.constant 0 : i32
    %dma_start3A_103 = tpu.memref_slice %arg7[%add3A, %dma_start3A_98, %dma_start3A_102] : memref<32x250x40xf32, #tpu.memory_space<hbm>> -> memref<1x1x40xf32, #tpu.memory_space<hbm>>
    %dma_start3A_104 = tpu.memref_squeeze %dma_start3A_103 : memref<1x1x40xf32, #tpu.memory_space<hbm>> -> memref<40xf32, #tpu.memory_space<hbm>>
    tpu.enqueue_dma source(%dma_start3A_104 : memref<40xf32, #tpu.memory_space<hbm>>) target(%arg24 : memref<40xf32, #tpu.memory_space<vmem>>) target_semaphore(%arg30 : memref<!tpu.dma_semaphore, #tpu.memory_space<semaphore_mem>>)
    %dma_start3A_105 = arith.constant 3 : i32
    %dma_start3A_106 = arith.constant 0 : i32
    %dma_start3A_107 = tpu.memref_slice %arg10[%dma_start3A_105, %dma_start3A_106] : memref<250x40xi32, #tpu.memory_space<vmem>> -> memref<1x40xi32, #tpu.memory_space<vmem>>
    %dma_start3A_108 = tpu.memref_squeeze %dma_start3A_107 : memref<1x40xi32, #tpu.memory_space<vmem>> -> memref<40xi32, #tpu.memory_space<vmem>>
    %dma_start3A_109 = arith.constant 0 : i32
    %dma_start3A_110 = arith.constant 0 : i32
    %dma_start3A_111 = tpu.memref_slice %arg2[%dma_start3A_109, %dma_start3A_110] : memref<90000x128xf32, #tpu.memory_space<hbm>> -> memref<90000x128xf32, #tpu.memory_space<hbm>>
    tpu.enqueue_indirect_dma source(%dma_start3A_111 : memref<90000x128xf32, #tpu.memory_space<hbm>>) target(%arg14 : memref<40x128xf32, #tpu.memory_space<vmem>>) offsets(%dma_start3A_108 : memref<40xi32, #tpu.memory_space<vmem>>) semaphore(%arg30 : memref<!tpu.dma_semaphore, #tpu.memory_space<semaphore_mem>>)
    %scan3A = arith.constant 0 : i32
    %scan3A_112 = arith.constant 0 : i32
    %scan3A_113 = arith.constant 50 : i32
    %scan3A_114 = arith.addi %scan3A_112, %scan3A_113 : i32
    %scan3A_115 = arith.constant 1 : i32
    %scan3A_116 = scf.for %scan3A_122 = %scan3A_112 to %scan3A_114 step %scan3A_115 iter_args(%scan3A_123 = %scan3A) -> (i32)  : i32 {
      %mul3A_124 = arith.constant 5 : i32
      %mul3A_125 = arith.muli %scan3A_122, %mul3A_124 : i32
      %add3A_126 = arith.constant 0 : i32
      %add3A_127 = arith.addi %mul3A_125, %add3A_126 : i32
      %dma_wait3A_128 = arith.constant 0 : i32
      %dma_wait3A_129 = tpu.memref_slice %arg6[%add3A, %add3A_127, %dma_wait3A_128] : memref<32x250x40xi32, #tpu.memory_space<hbm>> -> memref<1x1x40xi32, #tpu.memory_space<hbm>>
      %dma_wait3A_130 = tpu.memref_squeeze %dma_wait3A_129 : memref<1x1x40xi32, #tpu.memory_space<hbm>> -> memref<40xi32, #tpu.memory_space<hbm>>
      %dma_wait3A_131 = arith.constant 0 : i32
      %dma_wait3A_132 = tpu.memref_slice %arg6[%add3A, %add3A_127, %dma_wait3A_131] : memref<32x250x40xi32, #tpu.memory_space<hbm>> -> memref<1x1x40xi32, #tpu.memory_space<hbm>>
      %dma_wait3A_133 = tpu.memref_squeeze %dma_wait3A_132 : memref<1x1x40xi32, #tpu.memory_space<hbm>> -> memref<40xi32, #tpu.memory_space<hbm>>
      tpu.wait_dma2 semaphore(%arg27 : memref<!tpu.dma_semaphore, #tpu.memory_space<semaphore_mem>>) src(%dma_wait3A_133 : memref<40xi32, #tpu.memory_space<hbm>>) dst(%arg16 : memref<40xi32, #tpu.memory_space<vmem>>)
      %dma_wait3A_134 = arith.constant 0 : i32
      %dma_wait3A_135 = tpu.memref_slice %arg7[%add3A, %add3A_127, %dma_wait3A_134] : memref<32x250x40xf32, #tpu.memory_space<hbm>> -> memref<1x1x40xf32, #tpu.memory_space<hbm>>
      %dma_wait3A_136 = tpu.memref_squeeze %dma_wait3A_135 : memref<1x1x40xf32, #tpu.memory_space<hbm>> -> memref<40xf32, #tpu.memory_space<hbm>>
      %dma_wait3A_137 = arith.constant 0 : i32
      %dma_wait3A_138 = tpu.memref_slice %arg7[%add3A, %add3A_127, %dma_wait3A_137] : memref<32x250x40xf32, #tpu.memory_space<hbm>> -> memref<1x1x40xf32, #tpu.memory_space<hbm>>
      %dma_wait3A_139 = tpu.memref_squeeze %dma_wait3A_138 : memref<1x1x40xf32, #tpu.memory_space<hbm>> -> memref<40xf32, #tpu.memory_space<hbm>>
      tpu.wait_dma2 semaphore(%arg27 : memref<!tpu.dma_semaphore, #tpu.memory_space<semaphore_mem>>) src(%dma_wait3A_139 : memref<40xf32, #tpu.memory_space<hbm>>) dst(%arg21 : memref<40xf32, #tpu.memory_space<vmem>>)
      %dma_wait3A_140 = arith.constant 0 : i32
      %dma_wait3A_141 = arith.constant 0 : i32
      %dma_wait3A_142 = tpu.memref_slice %arg10[%dma_wait3A_140, %dma_wait3A_141] : memref<250x40xi32, #tpu.memory_space<vmem>> -> memref<1x40xi32, #tpu.memory_space<vmem>>
      %dma_wait3A_143 = tpu.memref_squeeze %dma_wait3A_142 : memref<1x40xi32, #tpu.memory_space<vmem>> -> memref<40xi32, #tpu.memory_space<vmem>>
      %dma_wait3A_144 = arith.constant 0 : i32
      %dma_wait3A_145 = arith.constant 0 : i32
      %dma_wait3A_146 = tpu.memref_slice %arg2[%dma_wait3A_144, %dma_wait3A_145] : memref<90000x128xf32, #tpu.memory_space<hbm>> -> memref<90000x128xf32, #tpu.memory_space<hbm>>
      tpu.wait_indirect_dma semaphore(%arg27 : memref<!tpu.dma_semaphore, #tpu.memory_space<semaphore_mem>>) src(%dma_wait3A_146 : memref<90000x128xf32, #tpu.memory_space<hbm>>) dst(%arg11 : memref<40x128xf32, #tpu.memory_space<vmem>>)
      %scan3A_147 = arith.constant 0 : i32
      %scan3A_148 = arith.constant 0 : i32
      %scan3A_149 = arith.constant 40 : i32
      %scan3A_150 = arith.addi %scan3A_148, %scan3A_149 : i32
      %scan3A_151 = arith.constant 1 : i32
      %scan3A_152 = scf.for %scan3A_357 = %scan3A_148 to %scan3A_150 step %scan3A_151 iter_args(%scan3A_358 = %scan3A_147) -> (i32)  : i32 {
        %broadcast_in_dim3A = vector.broadcast %scan3A_357 : i32 to vector<16xi32>
        %gather3A = tpu.vector_load_idx %arg21[%broadcast_in_dim3A] : memref<40xf32, #tpu.memory_space<vmem>>[vector<16xi32>], vector<16xf32>,
        %get3A = arith.index_cast %scan3A_357 : i32 to index
        %get3A_359 = arith.constant 0 : index
        %get3A_360 = tpu.vector_load %arg11[%get3A, %get3A_359] {strides = array<i32>} : memref<40x128xf32, #tpu.memory_space<vmem>>, vector<16xf32>,
        %mul3A_361 = arith.mulf %get3A_360, %gather3A : vector<16xf32>
        %swap3A = arith.index_cast %scan3A_357 : i32 to index
        %swap3A_362 = arith.constant 0 : index
        %swap3A_363 = tpu.vector_load %arg11[%swap3A, %swap3A_362] {strides = array<i32>} : memref<40x128xf32, #tpu.memory_space<vmem>>, vector<16xf32>,
        tpu.vector_store %arg11[%swap3A, %swap3A_362], %mul3A_361 {strides = array<i32>} : memref<40x128xf32, #tpu.memory_space<vmem>>, vector<16xf32>,
        %get3A_364 = arith.index_cast %scan3A_357 : i32 to index
        %get3A_365 = arith.constant 16 : index
        %get3A_366 = tpu.vector_load %arg11[%get3A_364, %get3A_365] {strides = array<i32>} : memref<40x128xf32, #tpu.memory_space<vmem>>, vector<16xf32>,
        %mul3A_367 = arith.mulf %get3A_366, %gather3A : vector<16xf32>
        %swap3A_368 = arith.index_cast %scan3A_357 : i32 to index
        %swap3A_369 = arith.constant 16 : index
        %swap3A_370 = tpu.vector_load %arg11[%swap3A_368, %swap3A_369] {strides = array<i32>} : memref<40x128xf32, #tpu.memory_space<vmem>>, vector<16xf32>,
        tpu.vector_store %arg11[%swap3A_368, %swap3A_369], %mul3A_367 {strides = array<i32>} : memref<40x128xf32, #tpu.memory_space<vmem>>, vector<16xf32>,
        %get3A_371 = arith.index_cast %scan3A_357 : i32 to index
        %get3A_372 = arith.constant 32 : index
        %get3A_373 = tpu.vector_load %arg11[%get3A_371, %get3A_372] {strides = array<i32>} : memref<40x128xf32, #tpu.memory_space<vmem>>, vector<16xf32>,
        %mul3A_374 = arith.mulf %get3A_373, %gather3A : vector<16xf32>
        %swap3A_375 = arith.index_cast %scan3A_357 : i32 to index
        %swap3A_376 = arith.constant 32 : index
        %swap3A_377 = tpu.vector_load %arg11[%swap3A_375, %swap3A_376] {strides = array<i32>} : memref<40x128xf32, #tpu.memory_space<vmem>>, vector<16xf32>,
        tpu.vector_store %arg11[%swap3A_375, %swap3A_376], %mul3A_374 {strides = array<i32>} : memref<40x128xf32, #tpu.memory_space<vmem>>, vector<16xf32>,
        %get3A_378 = arith.index_cast %scan3A_357 : i32 to index
        %get3A_379 = arith.constant 48 : index
        %get3A_380 = tpu.vector_load %arg11[%get3A_378, %get3A_379] {strides = array<i32>} : memref<40x128xf32, #tpu.memory_space<vmem>>, vector<16xf32>,
        %mul3A_381 = arith.mulf %get3A_380, %gather3A : vector<16xf32>
        %swap3A_382 = arith.index_cast %scan3A_357 : i32 to index
        %swap3A_383 = arith.constant 48 : index
        %swap3A_384 = tpu.vector_load %arg11[%swap3A_382, %swap3A_383] {strides = array<i32>} : memref<40x128xf32, #tpu.memory_space<vmem>>, vector<16xf32>,
        tpu.vector_store %arg11[%swap3A_382, %swap3A_383], %mul3A_381 {strides = array<i32>} : memref<40x128xf32, #tpu.memory_space<vmem>>, vector<16xf32>,
        %get3A_385 = arith.index_cast %scan3A_357 : i32 to index
        %get3A_386 = arith.constant 64 : index
        %get3A_387 = tpu.vector_load %arg11[%get3A_385, %get3A_386] {strides = array<i32>} : memref<40x128xf32, #tpu.memory_space<vmem>>, vector<16xf32>,
        %mul3A_388 = arith.mulf %get3A_387, %gather3A : vector<16xf32>
        %swap3A_389 = arith.index_cast %scan3A_357 : i32 to index
        %swap3A_390 = arith.constant 64 : index
        %swap3A_391 = tpu.vector_load %arg11[%swap3A_389, %swap3A_390] {strides = array<i32>} : memref<40x128xf32, #tpu.memory_space<vmem>>, vector<16xf32>,
        tpu.vector_store %arg11[%swap3A_389, %swap3A_390], %mul3A_388 {strides = array<i32>} : memref<40x128xf32, #tpu.memory_space<vmem>>, vector<16xf32>,
        %get3A_392 = arith.index_cast %scan3A_357 : i32 to index
        %get3A_393 = arith.constant 80 : index
        %get3A_394 = tpu.vector_load %arg11[%get3A_392, %get3A_393] {strides = array<i32>} : memref<40x128xf32, #tpu.memory_space<vmem>>, vector<16xf32>,
        %mul3A_395 = arith.mulf %get3A_394, %gather3A : vector<16xf32>
        %swap3A_396 = arith.index_cast %scan3A_357 : i32 to index
        %swap3A_397 = arith.constant 80 : index
        %swap3A_398 = tpu.vector_load %arg11[%swap3A_396, %swap3A_397] {strides = array<i32>} : memref<40x128xf32, #tpu.memory_space<vmem>>, vector<16xf32>,
        tpu.vector_store %arg11[%swap3A_396, %swap3A_397], %mul3A_395 {strides = array<i32>} : memref<40x128xf32, #tpu.memory_space<vmem>>, vector<16xf32>,
        %get3A_399 = arith.index_cast %scan3A_357 : i32 to index
        %get3A_400 = arith.constant 96 : index
        %get3A_401 = tpu.vector_load %arg11[%get3A_399, %get3A_400] {strides = array<i32>} : memref<40x128xf32, #tpu.memory_space<vmem>>, vector<16xf32>,
        %mul3A_402 = arith.mulf %get3A_401, %gather3A : vector<16xf32>
        %swap3A_403 = arith.index_cast %scan3A_357 : i32 to index
        %swap3A_404 = arith.constant 96 : index
        %swap3A_405 = tpu.vector_load %arg11[%swap3A_403, %swap3A_404] {strides = array<i32>} : memref<40x128xf32, #tpu.memory_space<vmem>>, vector<16xf32>,
        tpu.vector_store %arg11[%swap3A_403, %swap3A_404], %mul3A_402 {strides = array<i32>} : memref<40x128xf32, #tpu.memory_space<vmem>>, vector<16xf32>,
        %get3A_406 = arith.index_cast %scan3A_357 : i32 to index
        %get3A_407 = arith.constant 112 : index
        %get3A_408 = tpu.vector_load %arg11[%get3A_406, %get3A_407] {strides = array<i32>} : memref<40x128xf32, #tpu.memory_space<vmem>>, vector<16xf32>,
        %mul3A_409 = arith.mulf %get3A_408, %gather3A : vector<16xf32>
        %swap3A_410 = arith.index_cast %scan3A_357 : i32 to index
        %swap3A_411 = arith.constant 112 : index
        %swap3A_412 = tpu.vector_load %arg11[%swap3A_410, %swap3A_411] {strides = array<i32>} : memref<40x128xf32, #tpu.memory_space<vmem>>, vector<16xf32>,
        tpu.vector_store %arg11[%swap3A_410, %swap3A_411], %mul3A_409 {strides = array<i32>} : memref<40x128xf32, #tpu.memory_space<vmem>>, vector<16xf32>,
        %scan3A_413 = arith.constant 0 : i32
        scf.yield %scan3A_413 : i32
      }
      %scan3A_153 = arith.constant 40 : i32
      %dma_start3A_154 = arith.constant 0 : i32
      %dma_start3A_155 = arith.constant 0 : i32
      %dma_start3A_156 = tpu.memref_slice %arg9[%dma_start3A_154, %dma_start3A_155] : memref<10000x128xf32, #tpu.memory_space<vmem_shared>> -> memref<10000x128xf32, #tpu.memory_space<vmem_shared>>
      tpu.enqueue_indirect_dma source(%arg11 : memref<40x128xf32, #tpu.memory_space<vmem>>) target(%dma_start3A_156 : memref<10000x128xf32, #tpu.memory_space<vmem_shared>>) offsets(%arg16 : memref<40xi32, #tpu.memory_space<vmem>>) semaphore(%arg32 : memref<!tpu.dma_semaphore, #tpu.memory_space<semaphore_mem>>) {add = true}
      %ge3A = arith.constant 1 : i32
      %ge3A_157 = arith.cmpi sge, %add3A_127, %ge3A : i32
      %convert_element_type3A_158 = arith.extui %ge3A_157 : i1 to i32
      %cond3A_159 = arith.constant 0 : i32
      %cond3A_160 = arith.cmpi ne, %convert_element_type3A_158, %cond3A_159 : i32
      scf.if %cond3A_160 {
        %dma_wait3A_357 = arith.constant 0 : i32
        %dma_wait3A_358 = arith.constant 0 : i32
        %dma_wait3A_359 = tpu.memref_slice %arg9[%dma_wait3A_357, %dma_wait3A_358] : memref<10000x128xf32, #tpu.memory_space<vmem_shared>> -> memref<10000x128xf32, #tpu.memory_space<vmem_shared>>
        tpu.wait_indirect_dma semaphore(%arg36 : memref<!tpu.dma_semaphore, #tpu.memory_space<semaphore_mem>>) src(%arg15 : memref<40x128xf32, #tpu.memory_space<vmem>>) dst(%dma_wait3A_359 : memref<10000x128xf32, #tpu.memory_space<vmem_shared>>)
      } else {
      }
      %add3A_161 = arith.constant 5 : i32
      %add3A_162 = arith.addi %add3A_127, %add3A_161 : i32
      %sub3A = arith.constant 1 : i32
      %sub3A_163 = arith.subi %add3A_162, %sub3A : i32
      %lt3A = arith.constant 250 : i32
      %lt3A_164 = arith.cmpi slt, %sub3A_163, %lt3A : i32
      %convert_element_type3A_165 = arith.extui %lt3A_164 : i1 to i32
      %cond3A_166 = arith.constant 0 : i32
      %cond3A_167 = arith.cmpi ne, %convert_element_type3A_165, %cond3A_166 : i32
      scf.if %cond3A_167 {
        %add3A_357 = arith.constant 5 : i32
        %add3A_358 = arith.addi %add3A_127, %add3A_357 : i32
        %sub3A_359 = arith.constant 1 : i32
        %sub3A_360 = arith.subi %add3A_358, %sub3A_359 : i32
        %dma_start3A_361 = arith.constant 0 : i32
        %dma_start3A_362 = tpu.memref_slice %arg6[%add3A, %sub3A_360, %dma_start3A_361] : memref<32x250x40xi32, #tpu.memory_space<hbm>> -> memref<1x1x40xi32, #tpu.memory_space<hbm>>
        %dma_start3A_363 = tpu.memref_squeeze %dma_start3A_362 : memref<1x1x40xi32, #tpu.memory_space<hbm>> -> memref<40xi32, #tpu.memory_space<hbm>>
        %dma_start3A_364 = arith.constant 0 : i32
        %dma_start3A_365 = tpu.memref_slice %arg6[%add3A, %sub3A_360, %dma_start3A_364] : memref<32x250x40xi32, #tpu.memory_space<hbm>> -> memref<1x1x40xi32, #tpu.memory_space<hbm>>
        %dma_start3A_366 = tpu.memref_squeeze %dma_start3A_365 : memref<1x1x40xi32, #tpu.memory_space<hbm>> -> memref<40xi32, #tpu.memory_space<hbm>>
        tpu.enqueue_dma source(%dma_start3A_366 : memref<40xi32, #tpu.memory_space<hbm>>) target(%arg20 : memref<40xi32, #tpu.memory_space<vmem>>) target_semaphore(%arg31 : memref<!tpu.dma_semaphore, #tpu.memory_space<semaphore_mem>>)
        %dma_start3A_367 = arith.constant 0 : i32
        %dma_start3A_368 = tpu.memref_slice %arg7[%add3A, %sub3A_360, %dma_start3A_367] : memref<32x250x40xf32, #tpu.memory_space<hbm>> -> memref<1x1x40xf32, #tpu.memory_space<hbm>>
        %dma_start3A_369 = tpu.memref_squeeze %dma_start3A_368 : memref<1x1x40xf32, #tpu.memory_space<hbm>> -> memref<40xf32, #tpu.memory_space<hbm>>
        %dma_start3A_370 = arith.constant 0 : i32
        %dma_start3A_371 = tpu.memref_slice %arg7[%add3A, %sub3A_360, %dma_start3A_370] : memref<32x250x40xf32, #tpu.memory_space<hbm>> -> memref<1x1x40xf32, #tpu.memory_space<hbm>>
        %dma_start3A_372 = tpu.memref_squeeze %dma_start3A_371 : memref<1x1x40xf32, #tpu.memory_space<hbm>> -> memref<40xf32, #tpu.memory_space<hbm>>
        tpu.enqueue_dma source(%dma_start3A_372 : memref<40xf32, #tpu.memory_space<hbm>>) target(%arg25 : memref<40xf32, #tpu.memory_space<vmem>>) target_semaphore(%arg31 : memref<!tpu.dma_semaphore, #tpu.memory_space<semaphore_mem>>)
        %dma_start3A_373 = arith.constant 0 : i32
        %dma_start3A_374 = tpu.memref_slice %arg10[%sub3A_360, %dma_start3A_373] : memref<250x40xi32, #tpu.memory_space<vmem>> -> memref<1x40xi32, #tpu.memory_space<vmem>>
        %dma_start3A_375 = tpu.memref_squeeze %dma_start3A_374 : memref<1x40xi32, #tpu.memory_space<vmem>> -> memref<40xi32, #tpu.memory_space<vmem>>
        %dma_start3A_376 = arith.constant 0 : i32
        %dma_start3A_377 = arith.constant 0 : i32
        %dma_start3A_378 = tpu.memref_slice %arg2[%dma_start3A_376, %dma_start3A_377] : memref<90000x128xf32, #tpu.memory_space<hbm>> -> memref<90000x128xf32, #tpu.memory_space<hbm>>
        tpu.enqueue_indirect_dma source(%dma_start3A_378 : memref<90000x128xf32, #tpu.memory_space<hbm>>) target(%arg15 : memref<40x128xf32, #tpu.memory_space<vmem>>) offsets(%dma_start3A_375 : memref<40xi32, #tpu.memory_space<vmem>>) semaphore(%arg31 : memref<!tpu.dma_semaphore, #tpu.memory_space<semaphore_mem>>)
      } else {
      }
      %mul3A_168 = arith.constant 5 : i32
      %mul3A_169 = arith.muli %scan3A_122, %mul3A_168 : i32
      %add3A_170 = arith.constant 1 : i32
      %add3A_171 = arith.addi %mul3A_169, %add3A_170 : i32
      %dma_wait3A_172 = arith.constant 0 : i32
      %dma_wait3A_173 = tpu.memref_slice %arg6[%add3A, %add3A_171, %dma_wait3A_172] : memref<32x250x40xi32, #tpu.memory_space<hbm>> -> memref<1x1x40xi32, #tpu.memory_space<hbm>>
      %dma_wait3A_174 = tpu.memref_squeeze %dma_wait3A_173 : memref<1x1x40xi32, #tpu.memory_space<hbm>> -> memref<40xi32, #tpu.memory_space<hbm>>
      %dma_wait3A_175 = arith.constant 0 : i32
      %dma_wait3A_176 = tpu.memref_slice %arg6[%add3A, %add3A_171, %dma_wait3A_175] : memref<32x250x40xi32, #tpu.memory_space<hbm>> -> memref<1x1x40xi32, #tpu.memory_space<hbm>>
      %dma_wait3A_177 = tpu.memref_squeeze %dma_wait3A_176 : memref<1x1x40xi32, #tpu.memory_space<hbm>> -> memref<40xi32, #tpu.memory_space<hbm>>
      tpu.wait_dma2 semaphore(%arg28 : memref<!tpu.dma_semaphore, #tpu.memory_space<semaphore_mem>>) src(%dma_wait3A_177 : memref<40xi32, #tpu.memory_space<hbm>>) dst(%arg17 : memref<40xi32, #tpu.memory_space<vmem>>)
      %dma_wait3A_178 = arith.constant 0 : i32
      %dma_wait3A_179 = tpu.memref_slice %arg7[%add3A, %add3A_171, %dma_wait3A_178] : memref<32x250x40xf32, #tpu.memory_space<hbm>> -> memref<1x1x40xf32, #tpu.memory_space<hbm>>
      %dma_wait3A_180 = tpu.memref_squeeze %dma_wait3A_179 : memref<1x1x40xf32, #tpu.memory_space<hbm>> -> memref<40xf32, #tpu.memory_space<hbm>>
      %dma_wait3A_181 = arith.constant 0 : i32
      %dma_wait3A_182 = tpu.memref_slice %arg7[%add3A, %add3A_171, %dma_wait3A_181] : memref<32x250x40xf32, #tpu.memory_space<hbm>> -> memref<1x1x40xf32, #tpu.memory_space<hbm>>
      %dma_wait3A_183 = tpu.memref_squeeze %dma_wait3A_182 : memref<1x1x40xf32, #tpu.memory_space<hbm>> -> memref<40xf32, #tpu.memory_space<hbm>>
      tpu.wait_dma2 semaphore(%arg28 : memref<!tpu.dma_semaphore, #tpu.memory_space<semaphore_mem>>) src(%dma_wait3A_183 : memref<40xf32, #tpu.memory_space<hbm>>) dst(%arg22 : memref<40xf32, #tpu.memory_space<vmem>>)
      %dma_wait3A_184 = arith.constant 0 : i32
      %dma_wait3A_185 = arith.constant 0 : i32
      %dma_wait3A_186 = tpu.memref_slice %arg10[%dma_wait3A_184, %dma_wait3A_185] : memref<250x40xi32, #tpu.memory_space<vmem>> -> memref<1x40xi32, #tpu.memory_space<vmem>>
      %dma_wait3A_187 = tpu.memref_squeeze %dma_wait3A_186 : memref<1x40xi32, #tpu.memory_space<vmem>> -> memref<40xi32, #tpu.memory_space<vmem>>
      %dma_wait3A_188 = arith.constant 0 : i32
      %dma_wait3A_189 = arith.constant 0 : i32
      %dma_wait3A_190 = tpu.memref_slice %arg2[%dma_wait3A_188, %dma_wait3A_189] : memref<90000x128xf32, #tpu.memory_space<hbm>> -> memref<90000x128xf32, #tpu.memory_space<hbm>>
      tpu.wait_indirect_dma semaphore(%arg28 : memref<!tpu.dma_semaphore, #tpu.memory_space<semaphore_mem>>) src(%dma_wait3A_190 : memref<90000x128xf32, #tpu.memory_space<hbm>>) dst(%arg12 : memref<40x128xf32, #tpu.memory_space<vmem>>)
      %scan3A_191 = arith.constant 0 : i32
      %scan3A_192 = arith.constant 0 : i32
      %scan3A_193 = arith.constant 40 : i32
      %scan3A_194 = arith.addi %scan3A_192, %scan3A_193 : i32
      %scan3A_195 = arith.constant 1 : i32
      %scan3A_196 = scf.for %scan3A_357 = %scan3A_192 to %scan3A_194 step %scan3A_195 iter_args(%scan3A_358 = %scan3A_191) -> (i32)  : i32 {
        %broadcast_in_dim3A = vector.broadcast %scan3A_357 : i32 to vector<16xi32>
        %gather3A = tpu.vector_load_idx %arg22[%broadcast_in_dim3A] : memref<40xf32, #tpu.memory_space<vmem>>[vector<16xi32>], vector<16xf32>,
        %get3A = arith.index_cast %scan3A_357 : i32 to index
        %get3A_359 = arith.constant 0 : index
        %get3A_360 = tpu.vector_load %arg12[%get3A, %get3A_359] {strides = array<i32>} : memref<40x128xf32, #tpu.memory_space<vmem>>, vector<16xf32>,
        %mul3A_361 = arith.mulf %get3A_360, %gather3A : vector<16xf32>
        %swap3A = arith.index_cast %scan3A_357 : i32 to index
        %swap3A_362 = arith.constant 0 : index
        %swap3A_363 = tpu.vector_load %arg12[%swap3A, %swap3A_362] {strides = array<i32>} : memref<40x128xf32, #tpu.memory_space<vmem>>, vector<16xf32>,
        tpu.vector_store %arg12[%swap3A, %swap3A_362], %mul3A_361 {strides = array<i32>} : memref<40x128xf32, #tpu.memory_space<vmem>>, vector<16xf32>,
        %get3A_364 = arith.index_cast %scan3A_357 : i32 to index
        %get3A_365 = arith.constant 16 : index
        %get3A_366 = tpu.vector_load %arg12[%get3A_364, %get3A_365] {strides = array<i32>} : memref<40x128xf32, #tpu.memory_space<vmem>>, vector<16xf32>,
        %mul3A_367 = arith.mulf %get3A_366, %gather3A : vector<16xf32>
        %swap3A_368 = arith.index_cast %scan3A_357 : i32 to index
        %swap3A_369 = arith.constant 16 : index
        %swap3A_370 = tpu.vector_load %arg12[%swap3A_368, %swap3A_369] {strides = array<i32>} : memref<40x128xf32, #tpu.memory_space<vmem>>, vector<16xf32>,
        tpu.vector_store %arg12[%swap3A_368, %swap3A_369], %mul3A_367 {strides = array<i32>} : memref<40x128xf32, #tpu.memory_space<vmem>>, vector<16xf32>,
        %get3A_371 = arith.index_cast %scan3A_357 : i32 to index
        %get3A_372 = arith.constant 32 : index
        %get3A_373 = tpu.vector_load %arg12[%get3A_371, %get3A_372] {strides = array<i32>} : memref<40x128xf32, #tpu.memory_space<vmem>>, vector<16xf32>,
        %mul3A_374 = arith.mulf %get3A_373, %gather3A : vector<16xf32>
        %swap3A_375 = arith.index_cast %scan3A_357 : i32 to index
        %swap3A_376 = arith.constant 32 : index
        %swap3A_377 = tpu.vector_load %arg12[%swap3A_375, %swap3A_376] {strides = array<i32>} : memref<40x128xf32, #tpu.memory_space<vmem>>, vector<16xf32>,
        tpu.vector_store %arg12[%swap3A_375, %swap3A_376], %mul3A_374 {strides = array<i32>} : memref<40x128xf32, #tpu.memory_space<vmem>>, vector<16xf32>,
        %get3A_378 = arith.index_cast %scan3A_357 : i32 to index
        %get3A_379 = arith.constant 48 : index
        %get3A_380 = tpu.vector_load %arg12[%get3A_378, %get3A_379] {strides = array<i32>} : memref<40x128xf32, #tpu.memory_space<vmem>>, vector<16xf32>,
        %mul3A_381 = arith.mulf %get3A_380, %gather3A : vector<16xf32>
        %swap3A_382 = arith.index_cast %scan3A_357 : i32 to index
        %swap3A_383 = arith.constant 48 : index
        %swap3A_384 = tpu.vector_load %arg12[%swap3A_382, %swap3A_383] {strides = array<i32>} : memref<40x128xf32, #tpu.memory_space<vmem>>, vector<16xf32>,
        tpu.vector_store %arg12[%swap3A_382, %swap3A_383], %mul3A_381 {strides = array<i32>} : memref<40x128xf32, #tpu.memory_space<vmem>>, vector<16xf32>,
        %get3A_385 = arith.index_cast %scan3A_357 : i32 to index
        %get3A_386 = arith.constant 64 : index
        %get3A_387 = tpu.vector_load %arg12[%get3A_385, %get3A_386] {strides = array<i32>} : memref<40x128xf32, #tpu.memory_space<vmem>>, vector<16xf32>,
        %mul3A_388 = arith.mulf %get3A_387, %gather3A : vector<16xf32>
        %swap3A_389 = arith.index_cast %scan3A_357 : i32 to index
        %swap3A_390 = arith.constant 64 : index
        %swap3A_391 = tpu.vector_load %arg12[%swap3A_389, %swap3A_390] {strides = array<i32>} : memref<40x128xf32, #tpu.memory_space<vmem>>, vector<16xf32>,
        tpu.vector_store %arg12[%swap3A_389, %swap3A_390], %mul3A_388 {strides = array<i32>} : memref<40x128xf32, #tpu.memory_space<vmem>>, vector<16xf32>,
        %get3A_392 = arith.index_cast %scan3A_357 : i32 to index
        %get3A_393 = arith.constant 80 : index
        %get3A_394 = tpu.vector_load %arg12[%get3A_392, %get3A_393] {strides = array<i32>} : memref<40x128xf32, #tpu.memory_space<vmem>>, vector<16xf32>,
        %mul3A_395 = arith.mulf %get3A_394, %gather3A : vector<16xf32>
        %swap3A_396 = arith.index_cast %scan3A_357 : i32 to index
        %swap3A_397 = arith.constant 80 : index
        %swap3A_398 = tpu.vector_load %arg12[%swap3A_396, %swap3A_397] {strides = array<i32>} : memref<40x128xf32, #tpu.memory_space<vmem>>, vector<16xf32>,
        tpu.vector_store %arg12[%swap3A_396, %swap3A_397], %mul3A_395 {strides = array<i32>} : memref<40x128xf32, #tpu.memory_space<vmem>>, vector<16xf32>,
        %get3A_399 = arith.index_cast %scan3A_357 : i32 to index
        %get3A_400 = arith.constant 96 : index
        %get3A_401 = tpu.vector_load %arg12[%get3A_399, %get3A_400] {strides = array<i32>} : memref<40x128xf32, #tpu.memory_space<vmem>>, vector<16xf32>,
        %mul3A_402 = arith.mulf %get3A_401, %gather3A : vector<16xf32>
        %swap3A_403 = arith.index_cast %scan3A_357 : i32 to index
        %swap3A_404 = arith.constant 96 : index
        %swap3A_405 = tpu.vector_load %arg12[%swap3A_403, %swap3A_404] {strides = array<i32>} : memref<40x128xf32, #tpu.memory_space<vmem>>, vector<16xf32>,
        tpu.vector_store %arg12[%swap3A_403, %swap3A_404], %mul3A_402 {strides = array<i32>} : memref<40x128xf32, #tpu.memory_space<vmem>>, vector<16xf32>,
        %get3A_406 = arith.index_cast %scan3A_357 : i32 to index
        %get3A_407 = arith.constant 112 : index
        %get3A_408 = tpu.vector_load %arg12[%get3A_406, %get3A_407] {strides = array<i32>} : memref<40x128xf32, #tpu.memory_space<vmem>>, vector<16xf32>,
        %mul3A_409 = arith.mulf %get3A_408, %gather3A : vector<16xf32>
        %swap3A_410 = arith.index_cast %scan3A_357 : i32 to index
        %swap3A_411 = arith.constant 112 : index
        %swap3A_412 = tpu.vector_load %arg12[%swap3A_410, %swap3A_411] {strides = array<i32>} : memref<40x128xf32, #tpu.memory_space<vmem>>, vector<16xf32>,
        tpu.vector_store %arg12[%swap3A_410, %swap3A_411], %mul3A_409 {strides = array<i32>} : memref<40x128xf32, #tpu.memory_space<vmem>>, vector<16xf32>,
        %scan3A_413 = arith.constant 0 : i32
        scf.yield %scan3A_413 : i32
      }
      %scan3A_197 = arith.constant 40 : i32
      %dma_start3A_198 = arith.constant 0 : i32
      %dma_start3A_199 = arith.constant 0 : i32
      %dma_start3A_200 = tpu.memref_slice %arg9[%dma_start3A_198, %dma_start3A_199] : memref<10000x128xf32, #tpu.memory_space<vmem_shared>> -> memref<10000x128xf32, #tpu.memory_space<vmem_shared>>
      tpu.enqueue_indirect_dma source(%arg12 : memref<40x128xf32, #tpu.memory_space<vmem>>) target(%dma_start3A_200 : memref<10000x128xf32, #tpu.memory_space<vmem_shared>>) offsets(%arg17 : memref<40xi32, #tpu.memory_space<vmem>>) semaphore(%arg33 : memref<!tpu.dma_semaphore, #tpu.memory_space<semaphore_mem>>) {add = true}
      %ge3A_201 = arith.constant 1 : i32
      %ge3A_202 = arith.cmpi sge, %add3A_171, %ge3A_201 : i32
      %convert_element_type3A_203 = arith.extui %ge3A_202 : i1 to i32
      %cond3A_204 = arith.constant 0 : i32
      %cond3A_205 = arith.cmpi ne, %convert_element_type3A_203, %cond3A_204 : i32
      scf.if %cond3A_205 {
        %dma_wait3A_357 = arith.constant 0 : i32
        %dma_wait3A_358 = arith.constant 0 : i32
        %dma_wait3A_359 = tpu.memref_slice %arg9[%dma_wait3A_357, %dma_wait3A_358] : memref<10000x128xf32, #tpu.memory_space<vmem_shared>> -> memref<10000x128xf32, #tpu.memory_space<vmem_shared>>
        tpu.wait_indirect_dma semaphore(%arg32 : memref<!tpu.dma_semaphore, #tpu.memory_space<semaphore_mem>>) src(%arg11 : memref<40x128xf32, #tpu.memory_space<vmem>>) dst(%dma_wait3A_359 : memref<10000x128xf32, #tpu.memory_space<vmem_shared>>)
      } else {
      }
      %add3A_206 = arith.constant 5 : i32
      %add3A_207 = arith.addi %add3A_171, %add3A_206 : i32
      %sub3A_208 = arith.constant 1 : i32
      %sub3A_209 = arith.subi %add3A_207, %sub3A_208 : i32
      %lt3A_210 = arith.constant 250 : i32
      %lt3A_211 = arith.cmpi slt, %sub3A_209, %lt3A_210 : i32
      %convert_element_type3A_212 = arith.extui %lt3A_211 : i1 to i32
      %cond3A_213 = arith.constant 0 : i32
      %cond3A_214 = arith.cmpi ne, %convert_element_type3A_212, %cond3A_213 : i32
      scf.if %cond3A_214 {
        %add3A_357 = arith.constant 5 : i32
        %add3A_358 = arith.addi %add3A_171, %add3A_357 : i32
        %sub3A_359 = arith.constant 1 : i32
        %sub3A_360 = arith.subi %add3A_358, %sub3A_359 : i32
        %dma_start3A_361 = arith.constant 0 : i32
        %dma_start3A_362 = tpu.memref_slice %arg6[%add3A, %sub3A_360, %dma_start3A_361] : memref<32x250x40xi32, #tpu.memory_space<hbm>> -> memref<1x1x40xi32, #tpu.memory_space<hbm>>
        %dma_start3A_363 = tpu.memref_squeeze %dma_start3A_362 : memref<1x1x40xi32, #tpu.memory_space<hbm>> -> memref<40xi32, #tpu.memory_space<hbm>>
        %dma_start3A_364 = arith.constant 0 : i32
        %dma_start3A_365 = tpu.memref_slice %arg6[%add3A, %sub3A_360, %dma_start3A_364] : memref<32x250x40xi32, #tpu.memory_space<hbm>> -> memref<1x1x40xi32, #tpu.memory_space<hbm>>
        %dma_start3A_366 = tpu.memref_squeeze %dma_start3A_365 : memref<1x1x40xi32, #tpu.memory_space<hbm>> -> memref<40xi32, #tpu.memory_space<hbm>>
        tpu.enqueue_dma source(%dma_start3A_366 : memref<40xi32, #tpu.memory_space<hbm>>) target(%arg16 : memref<40xi32, #tpu.memory_space<vmem>>) target_semaphore(%arg27 : memref<!tpu.dma_semaphore, #tpu.memory_space<semaphore_mem>>)
        %dma_start3A_367 = arith.constant 0 : i32
        %dma_start3A_368 = tpu.memref_slice %arg7[%add3A, %sub3A_360, %dma_start3A_367] : memref<32x250x40xf32, #tpu.memory_space<hbm>> -> memref<1x1x40xf32, #tpu.memory_space<hbm>>
        %dma_start3A_369 = tpu.memref_squeeze %dma_start3A_368 : memref<1x1x40xf32, #tpu.memory_space<hbm>> -> memref<40xf32, #tpu.memory_space<hbm>>
        %dma_start3A_370 = arith.constant 0 : i32
        %dma_start3A_371 = tpu.memref_slice %arg7[%add3A, %sub3A_360, %dma_start3A_370] : memref<32x250x40xf32, #tpu.memory_space<hbm>> -> memref<1x1x40xf32, #tpu.memory_space<hbm>>
        %dma_start3A_372 = tpu.memref_squeeze %dma_start3A_371 : memref<1x1x40xf32, #tpu.memory_space<hbm>> -> memref<40xf32, #tpu.memory_space<hbm>>
        tpu.enqueue_dma source(%dma_start3A_372 : memref<40xf32, #tpu.memory_space<hbm>>) target(%arg21 : memref<40xf32, #tpu.memory_space<vmem>>) target_semaphore(%arg27 : memref<!tpu.dma_semaphore, #tpu.memory_space<semaphore_mem>>)
        %dma_start3A_373 = arith.constant 0 : i32
        %dma_start3A_374 = tpu.memref_slice %arg10[%sub3A_360, %dma_start3A_373] : memref<250x40xi32, #tpu.memory_space<vmem>> -> memref<1x40xi32, #tpu.memory_space<vmem>>
        %dma_start3A_375 = tpu.memref_squeeze %dma_start3A_374 : memref<1x40xi32, #tpu.memory_space<vmem>> -> memref<40xi32, #tpu.memory_space<vmem>>
        %dma_start3A_376 = arith.constant 0 : i32
        %dma_start3A_377 = arith.constant 0 : i32
        %dma_start3A_378 = tpu.memref_slice %arg2[%dma_start3A_376, %dma_start3A_377] : memref<90000x128xf32, #tpu.memory_space<hbm>> -> memref<90000x128xf32, #tpu.memory_space<hbm>>
        tpu.enqueue_indirect_dma source(%dma_start3A_378 : memref<90000x128xf32, #tpu.memory_space<hbm>>) target(%arg11 : memref<40x128xf32, #tpu.memory_space<vmem>>) offsets(%dma_start3A_375 : memref<40xi32, #tpu.memory_space<vmem>>) semaphore(%arg27 : memref<!tpu.dma_semaphore, #tpu.memory_space<semaphore_mem>>)
      } else {
      }
      %mul3A_215 = arith.constant 5 : i32
      %mul3A_216 = arith.muli %scan3A_122, %mul3A_215 : i32
      %add3A_217 = arith.constant 2 : i32
      %add3A_218 = arith.addi %mul3A_216, %add3A_217 : i32
      %dma_wait3A_219 = arith.constant 0 : i32
      %dma_wait3A_220 = tpu.memref_slice %arg6[%add3A, %add3A_218, %dma_wait3A_219] : memref<32x250x40xi32, #tpu.memory_space<hbm>> -> memref<1x1x40xi32, #tpu.memory_space<hbm>>
      %dma_wait3A_221 = tpu.memref_squeeze %dma_wait3A_220 : memref<1x1x40xi32, #tpu.memory_space<hbm>> -> memref<40xi32, #tpu.memory_space<hbm>>
      %dma_wait3A_222 = arith.constant 0 : i32
      %dma_wait3A_223 = tpu.memref_slice %arg6[%add3A, %add3A_218, %dma_wait3A_222] : memref<32x250x40xi32, #tpu.memory_space<hbm>> -> memref<1x1x40xi32, #tpu.memory_space<hbm>>
      %dma_wait3A_224 = tpu.memref_squeeze %dma_wait3A_223 : memref<1x1x40xi32, #tpu.memory_space<hbm>> -> memref<40xi32, #tpu.memory_space<hbm>>
      tpu.wait_dma2 semaphore(%arg29 : memref<!tpu.dma_semaphore, #tpu.memory_space<semaphore_mem>>) src(%dma_wait3A_224 : memref<40xi32, #tpu.memory_space<hbm>>) dst(%arg18 : memref<40xi32, #tpu.memory_space<vmem>>)
      %dma_wait3A_225 = arith.constant 0 : i32
      %dma_wait3A_226 = tpu.memref_slice %arg7[%add3A, %add3A_218, %dma_wait3A_225] : memref<32x250x40xf32, #tpu.memory_space<hbm>> -> memref<1x1x40xf32, #tpu.memory_space<hbm>>
      %dma_wait3A_227 = tpu.memref_squeeze %dma_wait3A_226 : memref<1x1x40xf32, #tpu.memory_space<hbm>> -> memref<40xf32, #tpu.memory_space<hbm>>
      %dma_wait3A_228 = arith.constant 0 : i32
      %dma_wait3A_229 = tpu.memref_slice %arg7[%add3A, %add3A_218, %dma_wait3A_228] : memref<32x250x40xf32, #tpu.memory_space<hbm>> -> memref<1x1x40xf32, #tpu.memory_space<hbm>>
      %dma_wait3A_230 = tpu.memref_squeeze %dma_wait3A_229 : memref<1x1x40xf32, #tpu.memory_space<hbm>> -> memref<40xf32, #tpu.memory_space<hbm>>
      tpu.wait_dma2 semaphore(%arg29 : memref<!tpu.dma_semaphore, #tpu.memory_space<semaphore_mem>>) src(%dma_wait3A_230 : memref<40xf32, #tpu.memory_space<hbm>>) dst(%arg23 : memref<40xf32, #tpu.memory_space<vmem>>)
      %dma_wait3A_231 = arith.constant 0 : i32
      %dma_wait3A_232 = arith.constant 0 : i32
      %dma_wait3A_233 = tpu.memref_slice %arg10[%dma_wait3A_231, %dma_wait3A_232] : memref<250x40xi32, #tpu.memory_space<vmem>> -> memref<1x40xi32, #tpu.memory_space<vmem>>
      %dma_wait3A_234 = tpu.memref_squeeze %dma_wait3A_233 : memref<1x40xi32, #tpu.memory_space<vmem>> -> memref<40xi32, #tpu.memory_space<vmem>>
      %dma_wait3A_235 = arith.constant 0 : i32
      %dma_wait3A_236 = arith.constant 0 : i32
      %dma_wait3A_237 = tpu.memref_slice %arg2[%dma_wait3A_235, %dma_wait3A_236] : memref<90000x128xf32, #tpu.memory_space<hbm>> -> memref<90000x128xf32, #tpu.memory_space<hbm>>
      tpu.wait_indirect_dma semaphore(%arg29 : memref<!tpu.dma_semaphore, #tpu.memory_space<semaphore_mem>>) src(%dma_wait3A_237 : memref<90000x128xf32, #tpu.memory_space<hbm>>) dst(%arg13 : memref<40x128xf32, #tpu.memory_space<vmem>>)
      %scan3A_238 = arith.constant 0 : i32
      %scan3A_239 = arith.constant 0 : i32
      %scan3A_240 = arith.constant 40 : i32
      %scan3A_241 = arith.addi %scan3A_239, %scan3A_240 : i32
      %scan3A_242 = arith.constant 1 : i32
      %scan3A_243 = scf.for %scan3A_357 = %scan3A_239 to %scan3A_241 step %scan3A_242 iter_args(%scan3A_358 = %scan3A_238) -> (i32)  : i32 {
        %broadcast_in_dim3A = vector.broadcast %scan3A_357 : i32 to vector<16xi32>
        %gather3A = tpu.vector_load_idx %arg23[%broadcast_in_dim3A] : memref<40xf32, #tpu.memory_space<vmem>>[vector<16xi32>], vector<16xf32>,
        %get3A = arith.index_cast %scan3A_357 : i32 to index
        %get3A_359 = arith.constant 0 : index
        %get3A_360 = tpu.vector_load %arg13[%get3A, %get3A_359] {strides = array<i32>} : memref<40x128xf32, #tpu.memory_space<vmem>>, vector<16xf32>,
        %mul3A_361 = arith.mulf %get3A_360, %gather3A : vector<16xf32>
        %swap3A = arith.index_cast %scan3A_357 : i32 to index
        %swap3A_362 = arith.constant 0 : index
        %swap3A_363 = tpu.vector_load %arg13[%swap3A, %swap3A_362] {strides = array<i32>} : memref<40x128xf32, #tpu.memory_space<vmem>>, vector<16xf32>,
        tpu.vector_store %arg13[%swap3A, %swap3A_362], %mul3A_361 {strides = array<i32>} : memref<40x128xf32, #tpu.memory_space<vmem>>, vector<16xf32>,
        %get3A_364 = arith.index_cast %scan3A_357 : i32 to index
        %get3A_365 = arith.constant 16 : index
        %get3A_366 = tpu.vector_load %arg13[%get3A_364, %get3A_365] {strides = array<i32>} : memref<40x128xf32, #tpu.memory_space<vmem>>, vector<16xf32>,
        %mul3A_367 = arith.mulf %get3A_366, %gather3A : vector<16xf32>
        %swap3A_368 = arith.index_cast %scan3A_357 : i32 to index
        %swap3A_369 = arith.constant 16 : index
        %swap3A_370 = tpu.vector_load %arg13[%swap3A_368, %swap3A_369] {strides = array<i32>} : memref<40x128xf32, #tpu.memory_space<vmem>>, vector<16xf32>,
        tpu.vector_store %arg13[%swap3A_368, %swap3A_369], %mul3A_367 {strides = array<i32>} : memref<40x128xf32, #tpu.memory_space<vmem>>, vector<16xf32>,
        %get3A_371 = arith.index_cast %scan3A_357 : i32 to index
        %get3A_372 = arith.constant 32 : index
        %get3A_373 = tpu.vector_load %arg13[%get3A_371, %get3A_372] {strides = array<i32>} : memref<40x128xf32, #tpu.memory_space<vmem>>, vector<16xf32>,
        %mul3A_374 = arith.mulf %get3A_373, %gather3A : vector<16xf32>
        %swap3A_375 = arith.index_cast %scan3A_357 : i32 to index
        %swap3A_376 = arith.constant 32 : index
        %swap3A_377 = tpu.vector_load %arg13[%swap3A_375, %swap3A_376] {strides = array<i32>} : memref<40x128xf32, #tpu.memory_space<vmem>>, vector<16xf32>,
        tpu.vector_store %arg13[%swap3A_375, %swap3A_376], %mul3A_374 {strides = array<i32>} : memref<40x128xf32, #tpu.memory_space<vmem>>, vector<16xf32>,
        %get3A_378 = arith.index_cast %scan3A_357 : i32 to index
        %get3A_379 = arith.constant 48 : index
        %get3A_380 = tpu.vector_load %arg13[%get3A_378, %get3A_379] {strides = array<i32>} : memref<40x128xf32, #tpu.memory_space<vmem>>, vector<16xf32>,
        %mul3A_381 = arith.mulf %get3A_380, %gather3A : vector<16xf32>
        %swap3A_382 = arith.index_cast %scan3A_357 : i32 to index
        %swap3A_383 = arith.constant 48 : index
        %swap3A_384 = tpu.vector_load %arg13[%swap3A_382, %swap3A_383] {strides = array<i32>} : memref<40x128xf32, #tpu.memory_space<vmem>>, vector<16xf32>,
        tpu.vector_store %arg13[%swap3A_382, %swap3A_383], %mul3A_381 {strides = array<i32>} : memref<40x128xf32, #tpu.memory_space<vmem>>, vector<16xf32>,
        %get3A_385 = arith.index_cast %scan3A_357 : i32 to index
        %get3A_386 = arith.constant 64 : index
        %get3A_387 = tpu.vector_load %arg13[%get3A_385, %get3A_386] {strides = array<i32>} : memref<40x128xf32, #tpu.memory_space<vmem>>, vector<16xf32>,
        %mul3A_388 = arith.mulf %get3A_387, %gather3A : vector<16xf32>
        %swap3A_389 = arith.index_cast %scan3A_357 : i32 to index
        %swap3A_390 = arith.constant 64 : index
        %swap3A_391 = tpu.vector_load %arg13[%swap3A_389, %swap3A_390] {strides = array<i32>} : memref<40x128xf32, #tpu.memory_space<vmem>>, vector<16xf32>,
        tpu.vector_store %arg13[%swap3A_389, %swap3A_390], %mul3A_388 {strides = array<i32>} : memref<40x128xf32, #tpu.memory_space<vmem>>, vector<16xf32>,
        %get3A_392 = arith.index_cast %scan3A_357 : i32 to index
        %get3A_393 = arith.constant 80 : index
        %get3A_394 = tpu.vector_load %arg13[%get3A_392, %get3A_393] {strides = array<i32>} : memref<40x128xf32, #tpu.memory_space<vmem>>, vector<16xf32>,
        %mul3A_395 = arith.mulf %get3A_394, %gather3A : vector<16xf32>
        %swap3A_396 = arith.index_cast %scan3A_357 : i32 to index
        %swap3A_397 = arith.constant 80 : index
        %swap3A_398 = tpu.vector_load %arg13[%swap3A_396, %swap3A_397] {strides = array<i32>} : memref<40x128xf32, #tpu.memory_space<vmem>>, vector<16xf32>,
        tpu.vector_store %arg13[%swap3A_396, %swap3A_397], %mul3A_395 {strides = array<i32>} : memref<40x128xf32, #tpu.memory_space<vmem>>, vector<16xf32>,
        %get3A_399 = arith.index_cast %scan3A_357 : i32 to index
        %get3A_400 = arith.constant 96 : index
        %get3A_401 = tpu.vector_load %arg13[%get3A_399, %get3A_400] {strides = array<i32>} : memref<40x128xf32, #tpu.memory_space<vmem>>, vector<16xf32>,
        %mul3A_402 = arith.mulf %get3A_401, %gather3A : vector<16xf32>
        %swap3A_403 = arith.index_cast %scan3A_357 : i32 to index
        %swap3A_404 = arith.constant 96 : index
        %swap3A_405 = tpu.vector_load %arg13[%swap3A_403, %swap3A_404] {strides = array<i32>} : memref<40x128xf32, #tpu.memory_space<vmem>>, vector<16xf32>,
        tpu.vector_store %arg13[%swap3A_403, %swap3A_404], %mul3A_402 {strides = array<i32>} : memref<40x128xf32, #tpu.memory_space<vmem>>, vector<16xf32>,
        %get3A_406 = arith.index_cast %scan3A_357 : i32 to index
        %get3A_407 = arith.constant 112 : index
        %get3A_408 = tpu.vector_load %arg13[%get3A_406, %get3A_407] {strides = array<i32>} : memref<40x128xf32, #tpu.memory_space<vmem>>, vector<16xf32>,
        %mul3A_409 = arith.mulf %get3A_408, %gather3A : vector<16xf32>
        %swap3A_410 = arith.index_cast %scan3A_357 : i32 to index
        %swap3A_411 = arith.constant 112 : index
        %swap3A_412 = tpu.vector_load %arg13[%swap3A_410, %swap3A_411] {strides = array<i32>} : memref<40x128xf32, #tpu.memory_space<vmem>>, vector<16xf32>,
        tpu.vector_store %arg13[%swap3A_410, %swap3A_411], %mul3A_409 {strides = array<i32>} : memref<40x128xf32, #tpu.memory_space<vmem>>, vector<16xf32>,
        %scan3A_413 = arith.constant 0 : i32
        scf.yield %scan3A_413 : i32
      }
      %scan3A_244 = arith.constant 40 : i32
      %dma_start3A_245 = arith.constant 0 : i32
      %dma_start3A_246 = arith.constant 0 : i32
      %dma_start3A_247 = tpu.memref_slice %arg9[%dma_start3A_245, %dma_start3A_246] : memref<10000x128xf32, #tpu.memory_space<vmem_shared>> -> memref<10000x128xf32, #tpu.memory_space<vmem_shared>>
      tpu.enqueue_indirect_dma source(%arg13 : memref<40x128xf32, #tpu.memory_space<vmem>>) target(%dma_start3A_247 : memref<10000x128xf32, #tpu.memory_space<vmem_shared>>) offsets(%arg18 : memref<40xi32, #tpu.memory_space<vmem>>) semaphore(%arg34 : memref<!tpu.dma_semaphore, #tpu.memory_space<semaphore_mem>>) {add = true}
      %ge3A_248 = arith.constant 1 : i32
      %ge3A_249 = arith.cmpi sge, %add3A_218, %ge3A_248 : i32
      %convert_element_type3A_250 = arith.extui %ge3A_249 : i1 to i32
      %cond3A_251 = arith.constant 0 : i32
      %cond3A_252 = arith.cmpi ne, %convert_element_type3A_250, %cond3A_251 : i32
      scf.if %cond3A_252 {
        %dma_wait3A_357 = arith.constant 0 : i32
        %dma_wait3A_358 = arith.constant 0 : i32
        %dma_wait3A_359 = tpu.memref_slice %arg9[%dma_wait3A_357, %dma_wait3A_358] : memref<10000x128xf32, #tpu.memory_space<vmem_shared>> -> memref<10000x128xf32, #tpu.memory_space<vmem_shared>>
        tpu.wait_indirect_dma semaphore(%arg33 : memref<!tpu.dma_semaphore, #tpu.memory_space<semaphore_mem>>) src(%arg12 : memref<40x128xf32, #tpu.memory_space<vmem>>) dst(%dma_wait3A_359 : memref<10000x128xf32, #tpu.memory_space<vmem_shared>>)
      } else {
      }
      %add3A_253 = arith.constant 5 : i32
      %add3A_254 = arith.addi %add3A_218, %add3A_253 : i32
      %sub3A_255 = arith.constant 1 : i32
      %sub3A_256 = arith.subi %add3A_254, %sub3A_255 : i32
      %lt3A_257 = arith.constant 250 : i32
      %lt3A_258 = arith.cmpi slt, %sub3A_256, %lt3A_257 : i32
      %convert_element_type3A_259 = arith.extui %lt3A_258 : i1 to i32
      %cond3A_260 = arith.constant 0 : i32
      %cond3A_261 = arith.cmpi ne, %convert_element_type3A_259, %cond3A_260 : i32
      scf.if %cond3A_261 {
        %add3A_357 = arith.constant 5 : i32
        %add3A_358 = arith.addi %add3A_218, %add3A_357 : i32
        %sub3A_359 = arith.constant 1 : i32
        %sub3A_360 = arith.subi %add3A_358, %sub3A_359 : i32
        %dma_start3A_361 = arith.constant 0 : i32
        %dma_start3A_362 = tpu.memref_slice %arg6[%add3A, %sub3A_360, %dma_start3A_361] : memref<32x250x40xi32, #tpu.memory_space<hbm>> -> memref<1x1x40xi32, #tpu.memory_space<hbm>>
        %dma_start3A_363 = tpu.memref_squeeze %dma_start3A_362 : memref<1x1x40xi32, #tpu.memory_space<hbm>> -> memref<40xi32, #tpu.memory_space<hbm>>
        %dma_start3A_364 = arith.constant 0 : i32
        %dma_start3A_365 = tpu.memref_slice %arg6[%add3A, %sub3A_360, %dma_start3A_364] : memref<32x250x40xi32, #tpu.memory_space<hbm>> -> memref<1x1x40xi32, #tpu.memory_space<hbm>>
        %dma_start3A_366 = tpu.memref_squeeze %dma_start3A_365 : memref<1x1x40xi32, #tpu.memory_space<hbm>> -> memref<40xi32, #tpu.memory_space<hbm>>
        tpu.enqueue_dma source(%dma_start3A_366 : memref<40xi32, #tpu.memory_space<hbm>>) target(%arg17 : memref<40xi32, #tpu.memory_space<vmem>>) target_semaphore(%arg28 : memref<!tpu.dma_semaphore, #tpu.memory_space<semaphore_mem>>)
        %dma_start3A_367 = arith.constant 0 : i32
        %dma_start3A_368 = tpu.memref_slice %arg7[%add3A, %sub3A_360, %dma_start3A_367] : memref<32x250x40xf32, #tpu.memory_space<hbm>> -> memref<1x1x40xf32, #tpu.memory_space<hbm>>
        %dma_start3A_369 = tpu.memref_squeeze %dma_start3A_368 : memref<1x1x40xf32, #tpu.memory_space<hbm>> -> memref<40xf32, #tpu.memory_space<hbm>>
        %dma_start3A_370 = arith.constant 0 : i32
        %dma_start3A_371 = tpu.memref_slice %arg7[%add3A, %sub3A_360, %dma_start3A_370] : memref<32x250x40xf32, #tpu.memory_space<hbm>> -> memref<1x1x40xf32, #tpu.memory_space<hbm>>
        %dma_start3A_372 = tpu.memref_squeeze %dma_start3A_371 : memref<1x1x40xf32, #tpu.memory_space<hbm>> -> memref<40xf32, #tpu.memory_space<hbm>>
        tpu.enqueue_dma source(%dma_start3A_372 : memref<40xf32, #tpu.memory_space<hbm>>) target(%arg22 : memref<40xf32, #tpu.memory_space<vmem>>) target_semaphore(%arg28 : memref<!tpu.dma_semaphore, #tpu.memory_space<semaphore_mem>>)
        %dma_start3A_373 = arith.constant 0 : i32
        %dma_start3A_374 = tpu.memref_slice %arg10[%sub3A_360, %dma_start3A_373] : memref<250x40xi32, #tpu.memory_space<vmem>> -> memref<1x40xi32, #tpu.memory_space<vmem>>
        %dma_start3A_375 = tpu.memref_squeeze %dma_start3A_374 : memref<1x40xi32, #tpu.memory_space<vmem>> -> memref<40xi32, #tpu.memory_space<vmem>>
        %dma_start3A_376 = arith.constant 0 : i32
        %dma_start3A_377 = arith.constant 0 : i32
        %dma_start3A_378 = tpu.memref_slice %arg2[%dma_start3A_376, %dma_start3A_377] : memref<90000x128xf32, #tpu.memory_space<hbm>> -> memref<90000x128xf32, #tpu.memory_space<hbm>>
        tpu.enqueue_indirect_dma source(%dma_start3A_378 : memref<90000x128xf32, #tpu.memory_space<hbm>>) target(%arg12 : memref<40x128xf32, #tpu.memory_space<vmem>>) offsets(%dma_start3A_375 : memref<40xi32, #tpu.memory_space<vmem>>) semaphore(%arg28 : memref<!tpu.dma_semaphore, #tpu.memory_space<semaphore_mem>>)
      } else {
      }
      %mul3A_262 = arith.constant 5 : i32
      %mul3A_263 = arith.muli %scan3A_122, %mul3A_262 : i32
      %add3A_264 = arith.constant 3 : i32
      %add3A_265 = arith.addi %mul3A_263, %add3A_264 : i32
      %dma_wait3A_266 = arith.constant 0 : i32
      %dma_wait3A_267 = tpu.memref_slice %arg6[%add3A, %add3A_265, %dma_wait3A_266] : memref<32x250x40xi32, #tpu.memory_space<hbm>> -> memref<1x1x40xi32, #tpu.memory_space<hbm>>
      %dma_wait3A_268 = tpu.memref_squeeze %dma_wait3A_267 : memref<1x1x40xi32, #tpu.memory_space<hbm>> -> memref<40xi32, #tpu.memory_space<hbm>>
      %dma_wait3A_269 = arith.constant 0 : i32
      %dma_wait3A_270 = tpu.memref_slice %arg6[%add3A, %add3A_265, %dma_wait3A_269] : memref<32x250x40xi32, #tpu.memory_space<hbm>> -> memref<1x1x40xi32, #tpu.memory_space<hbm>>
      %dma_wait3A_271 = tpu.memref_squeeze %dma_wait3A_270 : memref<1x1x40xi32, #tpu.memory_space<hbm>> -> memref<40xi32, #tpu.memory_space<hbm>>
      tpu.wait_dma2 semaphore(%arg30 : memref<!tpu.dma_semaphore, #tpu.memory_space<semaphore_mem>>) src(%dma_wait3A_271 : memref<40xi32, #tpu.memory_space<hbm>>) dst(%arg19 : memref<40xi32, #tpu.memory_space<vmem>>)
      %dma_wait3A_272 = arith.constant 0 : i32
      %dma_wait3A_273 = tpu.memref_slice %arg7[%add3A, %add3A_265, %dma_wait3A_272] : memref<32x250x40xf32, #tpu.memory_space<hbm>> -> memref<1x1x40xf32, #tpu.memory_space<hbm>>
      %dma_wait3A_274 = tpu.memref_squeeze %dma_wait3A_273 : memref<1x1x40xf32, #tpu.memory_space<hbm>> -> memref<40xf32, #tpu.memory_space<hbm>>
      %dma_wait3A_275 = arith.constant 0 : i32
      %dma_wait3A_276 = tpu.memref_slice %arg7[%add3A, %add3A_265, %dma_wait3A_275] : memref<32x250x40xf32, #tpu.memory_space<hbm>> -> memref<1x1x40xf32, #tpu.memory_space<hbm>>
      %dma_wait3A_277 = tpu.memref_squeeze %dma_wait3A_276 : memref<1x1x40xf32, #tpu.memory_space<hbm>> -> memref<40xf32, #tpu.memory_space<hbm>>
      tpu.wait_dma2 semaphore(%arg30 : memref<!tpu.dma_semaphore, #tpu.memory_space<semaphore_mem>>) src(%dma_wait3A_277 : memref<40xf32, #tpu.memory_space<hbm>>) dst(%arg24 : memref<40xf32, #tpu.memory_space<vmem>>)
      %dma_wait3A_278 = arith.constant 0 : i32
      %dma_wait3A_279 = arith.constant 0 : i32
      %dma_wait3A_280 = tpu.memref_slice %arg10[%dma_wait3A_278, %dma_wait3A_279] : memref<250x40xi32, #tpu.memory_space<vmem>> -> memref<1x40xi32, #tpu.memory_space<vmem>>
      %dma_wait3A_281 = tpu.memref_squeeze %dma_wait3A_280 : memref<1x40xi32, #tpu.memory_space<vmem>> -> memref<40xi32, #tpu.memory_space<vmem>>
      %dma_wait3A_282 = arith.constant 0 : i32
      %dma_wait3A_283 = arith.constant 0 : i32
      %dma_wait3A_284 = tpu.memref_slice %arg2[%dma_wait3A_282, %dma_wait3A_283] : memref<90000x128xf32, #tpu.memory_space<hbm>> -> memref<90000x128xf32, #tpu.memory_space<hbm>>
      tpu.wait_indirect_dma semaphore(%arg30 : memref<!tpu.dma_semaphore, #tpu.memory_space<semaphore_mem>>) src(%dma_wait3A_284 : memref<90000x128xf32, #tpu.memory_space<hbm>>) dst(%arg14 : memref<40x128xf32, #tpu.memory_space<vmem>>)
      %scan3A_285 = arith.constant 0 : i32
      %scan3A_286 = arith.constant 0 : i32
      %scan3A_287 = arith.constant 40 : i32
      %scan3A_288 = arith.addi %scan3A_286, %scan3A_287 : i32
      %scan3A_289 = arith.constant 1 : i32
      %scan3A_290 = scf.for %scan3A_357 = %scan3A_286 to %scan3A_288 step %scan3A_289 iter_args(%scan3A_358 = %scan3A_285) -> (i32)  : i32 {
        %broadcast_in_dim3A = vector.broadcast %scan3A_357 : i32 to vector<16xi32>
        %gather3A = tpu.vector_load_idx %arg24[%broadcast_in_dim3A] : memref<40xf32, #tpu.memory_space<vmem>>[vector<16xi32>], vector<16xf32>,
        %get3A = arith.index_cast %scan3A_357 : i32 to index
        %get3A_359 = arith.constant 0 : index
        %get3A_360 = tpu.vector_load %arg14[%get3A, %get3A_359] {strides = array<i32>} : memref<40x128xf32, #tpu.memory_space<vmem>>, vector<16xf32>,
        %mul3A_361 = arith.mulf %get3A_360, %gather3A : vector<16xf32>
        %swap3A = arith.index_cast %scan3A_357 : i32 to index
        %swap3A_362 = arith.constant 0 : index
        %swap3A_363 = tpu.vector_load %arg14[%swap3A, %swap3A_362] {strides = array<i32>} : memref<40x128xf32, #tpu.memory_space<vmem>>, vector<16xf32>,
        tpu.vector_store %arg14[%swap3A, %swap3A_362], %mul3A_361 {strides = array<i32>} : memref<40x128xf32, #tpu.memory_space<vmem>>, vector<16xf32>,
        %get3A_364 = arith.index_cast %scan3A_357 : i32 to index
        %get3A_365 = arith.constant 16 : index
        %get3A_366 = tpu.vector_load %arg14[%get3A_364, %get3A_365] {strides = array<i32>} : memref<40x128xf32, #tpu.memory_space<vmem>>, vector<16xf32>,
        %mul3A_367 = arith.mulf %get3A_366, %gather3A : vector<16xf32>
        %swap3A_368 = arith.index_cast %scan3A_357 : i32 to index
        %swap3A_369 = arith.constant 16 : index
        %swap3A_370 = tpu.vector_load %arg14[%swap3A_368, %swap3A_369] {strides = array<i32>} : memref<40x128xf32, #tpu.memory_space<vmem>>, vector<16xf32>,
        tpu.vector_store %arg14[%swap3A_368, %swap3A_369], %mul3A_367 {strides = array<i32>} : memref<40x128xf32, #tpu.memory_space<vmem>>, vector<16xf32>,
        %get3A_371 = arith.index_cast %scan3A_357 : i32 to index
        %get3A_372 = arith.constant 32 : index
        %get3A_373 = tpu.vector_load %arg14[%get3A_371, %get3A_372] {strides = array<i32>} : memref<40x128xf32, #tpu.memory_space<vmem>>, vector<16xf32>,
        %mul3A_374 = arith.mulf %get3A_373, %gather3A : vector<16xf32>
        %swap3A_375 = arith.index_cast %scan3A_357 : i32 to index
        %swap3A_376 = arith.constant 32 : index
        %swap3A_377 = tpu.vector_load %arg14[%swap3A_375, %swap3A_376] {strides = array<i32>} : memref<40x128xf32, #tpu.memory_space<vmem>>, vector<16xf32>,
        tpu.vector_store %arg14[%swap3A_375, %swap3A_376], %mul3A_374 {strides = array<i32>} : memref<40x128xf32, #tpu.memory_space<vmem>>, vector<16xf32>,
        %get3A_378 = arith.index_cast %scan3A_357 : i32 to index
        %get3A_379 = arith.constant 48 : index
        %get3A_380 = tpu.vector_load %arg14[%get3A_378, %get3A_379] {strides = array<i32>} : memref<40x128xf32, #tpu.memory_space<vmem>>, vector<16xf32>,
        %mul3A_381 = arith.mulf %get3A_380, %gather3A : vector<16xf32>
        %swap3A_382 = arith.index_cast %scan3A_357 : i32 to index
        %swap3A_383 = arith.constant 48 : index
        %swap3A_384 = tpu.vector_load %arg14[%swap3A_382, %swap3A_383] {strides = array<i32>} : memref<40x128xf32, #tpu.memory_space<vmem>>, vector<16xf32>,
        tpu.vector_store %arg14[%swap3A_382, %swap3A_383], %mul3A_381 {strides = array<i32>} : memref<40x128xf32, #tpu.memory_space<vmem>>, vector<16xf32>,
        %get3A_385 = arith.index_cast %scan3A_357 : i32 to index
        %get3A_386 = arith.constant 64 : index
        %get3A_387 = tpu.vector_load %arg14[%get3A_385, %get3A_386] {strides = array<i32>} : memref<40x128xf32, #tpu.memory_space<vmem>>, vector<16xf32>,
        %mul3A_388 = arith.mulf %get3A_387, %gather3A : vector<16xf32>
        %swap3A_389 = arith.index_cast %scan3A_357 : i32 to index
        %swap3A_390 = arith.constant 64 : index
        %swap3A_391 = tpu.vector_load %arg14[%swap3A_389, %swap3A_390] {strides = array<i32>} : memref<40x128xf32, #tpu.memory_space<vmem>>, vector<16xf32>,
        tpu.vector_store %arg14[%swap3A_389, %swap3A_390], %mul3A_388 {strides = array<i32>} : memref<40x128xf32, #tpu.memory_space<vmem>>, vector<16xf32>,
        %get3A_392 = arith.index_cast %scan3A_357 : i32 to index
        %get3A_393 = arith.constant 80 : index
        %get3A_394 = tpu.vector_load %arg14[%get3A_392, %get3A_393] {strides = array<i32>} : memref<40x128xf32, #tpu.memory_space<vmem>>, vector<16xf32>,
        %mul3A_395 = arith.mulf %get3A_394, %gather3A : vector<16xf32>
        %swap3A_396 = arith.index_cast %scan3A_357 : i32 to index
        %swap3A_397 = arith.constant 80 : index
        %swap3A_398 = tpu.vector_load %arg14[%swap3A_396, %swap3A_397] {strides = array<i32>} : memref<40x128xf32, #tpu.memory_space<vmem>>, vector<16xf32>,
        tpu.vector_store %arg14[%swap3A_396, %swap3A_397], %mul3A_395 {strides = array<i32>} : memref<40x128xf32, #tpu.memory_space<vmem>>, vector<16xf32>,
        %get3A_399 = arith.index_cast %scan3A_357 : i32 to index
        %get3A_400 = arith.constant 96 : index
        %get3A_401 = tpu.vector_load %arg14[%get3A_399, %get3A_400] {strides = array<i32>} : memref<40x128xf32, #tpu.memory_space<vmem>>, vector<16xf32>,
        %mul3A_402 = arith.mulf %get3A_401, %gather3A : vector<16xf32>
        %swap3A_403 = arith.index_cast %scan3A_357 : i32 to index
        %swap3A_404 = arith.constant 96 : index
        %swap3A_405 = tpu.vector_load %arg14[%swap3A_403, %swap3A_404] {strides = array<i32>} : memref<40x128xf32, #tpu.memory_space<vmem>>, vector<16xf32>,
        tpu.vector_store %arg14[%swap3A_403, %swap3A_404], %mul3A_402 {strides = array<i32>} : memref<40x128xf32, #tpu.memory_space<vmem>>, vector<16xf32>,
        %get3A_406 = arith.index_cast %scan3A_357 : i32 to index
        %get3A_407 = arith.constant 112 : index
        %get3A_408 = tpu.vector_load %arg14[%get3A_406, %get3A_407] {strides = array<i32>} : memref<40x128xf32, #tpu.memory_space<vmem>>, vector<16xf32>,
        %mul3A_409 = arith.mulf %get3A_408, %gather3A : vector<16xf32>
        %swap3A_410 = arith.index_cast %scan3A_357 : i32 to index
        %swap3A_411 = arith.constant 112 : index
        %swap3A_412 = tpu.vector_load %arg14[%swap3A_410, %swap3A_411] {strides = array<i32>} : memref<40x128xf32, #tpu.memory_space<vmem>>, vector<16xf32>,
        tpu.vector_store %arg14[%swap3A_410, %swap3A_411], %mul3A_409 {strides = array<i32>} : memref<40x128xf32, #tpu.memory_space<vmem>>, vector<16xf32>,
        %scan3A_413 = arith.constant 0 : i32
        scf.yield %scan3A_413 : i32
      }
      %scan3A_291 = arith.constant 40 : i32
      %dma_start3A_292 = arith.constant 0 : i32
      %dma_start3A_293 = arith.constant 0 : i32
      %dma_start3A_294 = tpu.memref_slice %arg9[%dma_start3A_292, %dma_start3A_293] : memref<10000x128xf32, #tpu.memory_space<vmem_shared>> -> memref<10000x128xf32, #tpu.memory_space<vmem_shared>>
      tpu.enqueue_indirect_dma source(%arg14 : memref<40x128xf32, #tpu.memory_space<vmem>>) target(%dma_start3A_294 : memref<10000x128xf32, #tpu.memory_space<vmem_shared>>) offsets(%arg19 : memref<40xi32, #tpu.memory_space<vmem>>) semaphore(%arg35 : memref<!tpu.dma_semaphore, #tpu.memory_space<semaphore_mem>>) {add = true}
      %ge3A_295 = arith.constant 1 : i32
      %ge3A_296 = arith.cmpi sge, %add3A_265, %ge3A_295 : i32
      %convert_element_type3A_297 = arith.extui %ge3A_296 : i1 to i32
      %cond3A_298 = arith.constant 0 : i32
      %cond3A_299 = arith.cmpi ne, %convert_element_type3A_297, %cond3A_298 : i32
      scf.if %cond3A_299 {
        %dma_wait3A_357 = arith.constant 0 : i32
        %dma_wait3A_358 = arith.constant 0 : i32
        %dma_wait3A_359 = tpu.memref_slice %arg9[%dma_wait3A_357, %dma_wait3A_358] : memref<10000x128xf32, #tpu.memory_space<vmem_shared>> -> memref<10000x128xf32, #tpu.memory_space<vmem_shared>>
        tpu.wait_indirect_dma semaphore(%arg34 : memref<!tpu.dma_semaphore, #tpu.memory_space<semaphore_mem>>) src(%arg13 : memref<40x128xf32, #tpu.memory_space<vmem>>) dst(%dma_wait3A_359 : memref<10000x128xf32, #tpu.memory_space<vmem_shared>>)
      } else {
      }
      %add3A_300 = arith.constant 5 : i32
      %add3A_301 = arith.addi %add3A_265, %add3A_300 : i32
      %sub3A_302 = arith.constant 1 : i32
      %sub3A_303 = arith.subi %add3A_301, %sub3A_302 : i32
      %lt3A_304 = arith.constant 250 : i32
      %lt3A_305 = arith.cmpi slt, %sub3A_303, %lt3A_304 : i32
      %convert_element_type3A_306 = arith.extui %lt3A_305 : i1 to i32
      %cond3A_307 = arith.constant 0 : i32
      %cond3A_308 = arith.cmpi ne, %convert_element_type3A_306, %cond3A_307 : i32
      scf.if %cond3A_308 {
        %add3A_357 = arith.constant 5 : i32
        %add3A_358 = arith.addi %add3A_265, %add3A_357 : i32
        %sub3A_359 = arith.constant 1 : i32
        %sub3A_360 = arith.subi %add3A_358, %sub3A_359 : i32
        %dma_start3A_361 = arith.constant 0 : i32
        %dma_start3A_362 = tpu.memref_slice %arg6[%add3A, %sub3A_360, %dma_start3A_361] : memref<32x250x40xi32, #tpu.memory_space<hbm>> -> memref<1x1x40xi32, #tpu.memory_space<hbm>>
        %dma_start3A_363 = tpu.memref_squeeze %dma_start3A_362 : memref<1x1x40xi32, #tpu.memory_space<hbm>> -> memref<40xi32, #tpu.memory_space<hbm>>
        %dma_start3A_364 = arith.constant 0 : i32
        %dma_start3A_365 = tpu.memref_slice %arg6[%add3A, %sub3A_360, %dma_start3A_364] : memref<32x250x40xi32, #tpu.memory_space<hbm>> -> memref<1x1x40xi32, #tpu.memory_space<hbm>>
        %dma_start3A_366 = tpu.memref_squeeze %dma_start3A_365 : memref<1x1x40xi32, #tpu.memory_space<hbm>> -> memref<40xi32, #tpu.memory_space<hbm>>
        tpu.enqueue_dma source(%dma_start3A_366 : memref<40xi32, #tpu.memory_space<hbm>>) target(%arg18 : memref<40xi32, #tpu.memory_space<vmem>>) target_semaphore(%arg29 : memref<!tpu.dma_semaphore, #tpu.memory_space<semaphore_mem>>)
        %dma_start3A_367 = arith.constant 0 : i32
        %dma_start3A_368 = tpu.memref_slice %arg7[%add3A, %sub3A_360, %dma_start3A_367] : memref<32x250x40xf32, #tpu.memory_space<hbm>> -> memref<1x1x40xf32, #tpu.memory_space<hbm>>
        %dma_start3A_369 = tpu.memref_squeeze %dma_start3A_368 : memref<1x1x40xf32, #tpu.memory_space<hbm>> -> memref<40xf32, #tpu.memory_space<hbm>>
        %dma_start3A_370 = arith.constant 0 : i32
        %dma_start3A_371 = tpu.memref_slice %arg7[%add3A, %sub3A_360, %dma_start3A_370] : memref<32x250x40xf32, #tpu.memory_space<hbm>> -> memref<1x1x40xf32, #tpu.memory_space<hbm>>
        %dma_start3A_372 = tpu.memref_squeeze %dma_start3A_371 : memref<1x1x40xf32, #tpu.memory_space<hbm>> -> memref<40xf32, #tpu.memory_space<hbm>>
        tpu.enqueue_dma source(%dma_start3A_372 : memref<40xf32, #tpu.memory_space<hbm>>) target(%arg23 : memref<40xf32, #tpu.memory_space<vmem>>) target_semaphore(%arg29 : memref<!tpu.dma_semaphore, #tpu.memory_space<semaphore_mem>>)
        %dma_start3A_373 = arith.constant 0 : i32
        %dma_start3A_374 = tpu.memref_slice %arg10[%sub3A_360, %dma_start3A_373] : memref<250x40xi32, #tpu.memory_space<vmem>> -> memref<1x40xi32, #tpu.memory_space<vmem>>
        %dma_start3A_375 = tpu.memref_squeeze %dma_start3A_374 : memref<1x40xi32, #tpu.memory_space<vmem>> -> memref<40xi32, #tpu.memory_space<vmem>>
        %dma_start3A_376 = arith.constant 0 : i32
        %dma_start3A_377 = arith.constant 0 : i32
        %dma_start3A_378 = tpu.memref_slice %arg2[%dma_start3A_376, %dma_start3A_377] : memref<90000x128xf32, #tpu.memory_space<hbm>> -> memref<90000x128xf32, #tpu.memory_space<hbm>>
        tpu.enqueue_indirect_dma source(%dma_start3A_378 : memref<90000x128xf32, #tpu.memory_space<hbm>>) target(%arg13 : memref<40x128xf32, #tpu.memory_space<vmem>>) offsets(%dma_start3A_375 : memref<40xi32, #tpu.memory_space<vmem>>) semaphore(%arg29 : memref<!tpu.dma_semaphore, #tpu.memory_space<semaphore_mem>>)
      } else {
      }
      %mul3A_309 = arith.constant 5 : i32
      %mul3A_310 = arith.muli %scan3A_122, %mul3A_309 : i32
      %add3A_311 = arith.constant 4 : i32
      %add3A_312 = arith.addi %mul3A_310, %add3A_311 : i32
      %dma_wait3A_313 = arith.constant 0 : i32
      %dma_wait3A_314 = tpu.memref_slice %arg6[%add3A, %add3A_312, %dma_wait3A_313] : memref<32x250x40xi32, #tpu.memory_space<hbm>> -> memref<1x1x40xi32, #tpu.memory_space<hbm>>
      %dma_wait3A_315 = tpu.memref_squeeze %dma_wait3A_314 : memref<1x1x40xi32, #tpu.memory_space<hbm>> -> memref<40xi32, #tpu.memory_space<hbm>>
      %dma_wait3A_316 = arith.constant 0 : i32
      %dma_wait3A_317 = tpu.memref_slice %arg6[%add3A, %add3A_312, %dma_wait3A_316] : memref<32x250x40xi32, #tpu.memory_space<hbm>> -> memref<1x1x40xi32, #tpu.memory_space<hbm>>
      %dma_wait3A_318 = tpu.memref_squeeze %dma_wait3A_317 : memref<1x1x40xi32, #tpu.memory_space<hbm>> -> memref<40xi32, #tpu.memory_space<hbm>>
      tpu.wait_dma2 semaphore(%arg31 : memref<!tpu.dma_semaphore, #tpu.memory_space<semaphore_mem>>) src(%dma_wait3A_318 : memref<40xi32, #tpu.memory_space<hbm>>) dst(%arg20 : memref<40xi32, #tpu.memory_space<vmem>>)
      %dma_wait3A_319 = arith.constant 0 : i32
      %dma_wait3A_320 = tpu.memref_slice %arg7[%add3A, %add3A_312, %dma_wait3A_319] : memref<32x250x40xf32, #tpu.memory_space<hbm>> -> memref<1x1x40xf32, #tpu.memory_space<hbm>>
      %dma_wait3A_321 = tpu.memref_squeeze %dma_wait3A_320 : memref<1x1x40xf32, #tpu.memory_space<hbm>> -> memref<40xf32, #tpu.memory_space<hbm>>
      %dma_wait3A_322 = arith.constant 0 : i32
      %dma_wait3A_323 = tpu.memref_slice %arg7[%add3A, %add3A_312, %dma_wait3A_322] : memref<32x250x40xf32, #tpu.memory_space<hbm>> -> memref<1x1x40xf32, #tpu.memory_space<hbm>>
      %dma_wait3A_324 = tpu.memref_squeeze %dma_wait3A_323 : memref<1x1x40xf32, #tpu.memory_space<hbm>> -> memref<40xf32, #tpu.memory_space<hbm>>
      tpu.wait_dma2 semaphore(%arg31 : memref<!tpu.dma_semaphore, #tpu.memory_space<semaphore_mem>>) src(%dma_wait3A_324 : memref<40xf32, #tpu.memory_space<hbm>>) dst(%arg25 : memref<40xf32, #tpu.memory_space<vmem>>)
      %dma_wait3A_325 = arith.constant 0 : i32
      %dma_wait3A_326 = arith.constant 0 : i32
      %dma_wait3A_327 = tpu.memref_slice %arg10[%dma_wait3A_325, %dma_wait3A_326] : memref<250x40xi32, #tpu.memory_space<vmem>> -> memref<1x40xi32, #tpu.memory_space<vmem>>
      %dma_wait3A_328 = tpu.memref_squeeze %dma_wait3A_327 : memref<1x40xi32, #tpu.memory_space<vmem>> -> memref<40xi32, #tpu.memory_space<vmem>>
      %dma_wait3A_329 = arith.constant 0 : i32
      %dma_wait3A_330 = arith.constant 0 : i32
      %dma_wait3A_331 = tpu.memref_slice %arg2[%dma_wait3A_329, %dma_wait3A_330] : memref<90000x128xf32, #tpu.memory_space<hbm>> -> memref<90000x128xf32, #tpu.memory_space<hbm>>
      tpu.wait_indirect_dma semaphore(%arg31 : memref<!tpu.dma_semaphore, #tpu.memory_space<semaphore_mem>>) src(%dma_wait3A_331 : memref<90000x128xf32, #tpu.memory_space<hbm>>) dst(%arg15 : memref<40x128xf32, #tpu.memory_space<vmem>>)
      %scan3A_332 = arith.constant 0 : i32
      %scan3A_333 = arith.constant 0 : i32
      %scan3A_334 = arith.constant 40 : i32
      %scan3A_335 = arith.addi %scan3A_333, %scan3A_334 : i32
      %scan3A_336 = arith.constant 1 : i32
      %scan3A_337 = scf.for %scan3A_357 = %scan3A_333 to %scan3A_335 step %scan3A_336 iter_args(%scan3A_358 = %scan3A_332) -> (i32)  : i32 {
        %broadcast_in_dim3A = vector.broadcast %scan3A_357 : i32 to vector<16xi32>
        %gather3A = tpu.vector_load_idx %arg25[%broadcast_in_dim3A] : memref<40xf32, #tpu.memory_space<vmem>>[vector<16xi32>], vector<16xf32>,
        %get3A = arith.index_cast %scan3A_357 : i32 to index
        %get3A_359 = arith.constant 0 : index
        %get3A_360 = tpu.vector_load %arg15[%get3A, %get3A_359] {strides = array<i32>} : memref<40x128xf32, #tpu.memory_space<vmem>>, vector<16xf32>,
        %mul3A_361 = arith.mulf %get3A_360, %gather3A : vector<16xf32>
        %swap3A = arith.index_cast %scan3A_357 : i32 to index
        %swap3A_362 = arith.constant 0 : index
        %swap3A_363 = tpu.vector_load %arg15[%swap3A, %swap3A_362] {strides = array<i32>} : memref<40x128xf32, #tpu.memory_space<vmem>>, vector<16xf32>,
        tpu.vector_store %arg15[%swap3A, %swap3A_362], %mul3A_361 {strides = array<i32>} : memref<40x128xf32, #tpu.memory_space<vmem>>, vector<16xf32>,
        %get3A_364 = arith.index_cast %scan3A_357 : i32 to index
        %get3A_365 = arith.constant 16 : index
        %get3A_366 = tpu.vector_load %arg15[%get3A_364, %get3A_365] {strides = array<i32>} : memref<40x128xf32, #tpu.memory_space<vmem>>, vector<16xf32>,
        %mul3A_367 = arith.mulf %get3A_366, %gather3A : vector<16xf32>
        %swap3A_368 = arith.index_cast %scan3A_357 : i32 to index
        %swap3A_369 = arith.constant 16 : index
        %swap3A_370 = tpu.vector_load %arg15[%swap3A_368, %swap3A_369] {strides = array<i32>} : memref<40x128xf32, #tpu.memory_space<vmem>>, vector<16xf32>,
        tpu.vector_store %arg15[%swap3A_368, %swap3A_369], %mul3A_367 {strides = array<i32>} : memref<40x128xf32, #tpu.memory_space<vmem>>, vector<16xf32>,
        %get3A_371 = arith.index_cast %scan3A_357 : i32 to index
        %get3A_372 = arith.constant 32 : index
        %get3A_373 = tpu.vector_load %arg15[%get3A_371, %get3A_372] {strides = array<i32>} : memref<40x128xf32, #tpu.memory_space<vmem>>, vector<16xf32>,
        %mul3A_374 = arith.mulf %get3A_373, %gather3A : vector<16xf32>
        %swap3A_375 = arith.index_cast %scan3A_357 : i32 to index
        %swap3A_376 = arith.constant 32 : index
        %swap3A_377 = tpu.vector_load %arg15[%swap3A_375, %swap3A_376] {strides = array<i32>} : memref<40x128xf32, #tpu.memory_space<vmem>>, vector<16xf32>,
        tpu.vector_store %arg15[%swap3A_375, %swap3A_376], %mul3A_374 {strides = array<i32>} : memref<40x128xf32, #tpu.memory_space<vmem>>, vector<16xf32>,
        %get3A_378 = arith.index_cast %scan3A_357 : i32 to index
        %get3A_379 = arith.constant 48 : index
        %get3A_380 = tpu.vector_load %arg15[%get3A_378, %get3A_379] {strides = array<i32>} : memref<40x128xf32, #tpu.memory_space<vmem>>, vector<16xf32>,
        %mul3A_381 = arith.mulf %get3A_380, %gather3A : vector<16xf32>
        %swap3A_382 = arith.index_cast %scan3A_357 : i32 to index
        %swap3A_383 = arith.constant 48 : index
        %swap3A_384 = tpu.vector_load %arg15[%swap3A_382, %swap3A_383] {strides = array<i32>} : memref<40x128xf32, #tpu.memory_space<vmem>>, vector<16xf32>,
        tpu.vector_store %arg15[%swap3A_382, %swap3A_383], %mul3A_381 {strides = array<i32>} : memref<40x128xf32, #tpu.memory_space<vmem>>, vector<16xf32>,
        %get3A_385 = arith.index_cast %scan3A_357 : i32 to index
        %get3A_386 = arith.constant 64 : index
        %get3A_387 = tpu.vector_load %arg15[%get3A_385, %get3A_386] {strides = array<i32>} : memref<40x128xf32, #tpu.memory_space<vmem>>, vector<16xf32>,
        %mul3A_388 = arith.mulf %get3A_387, %gather3A : vector<16xf32>
        %swap3A_389 = arith.index_cast %scan3A_357 : i32 to index
        %swap3A_390 = arith.constant 64 : index
        %swap3A_391 = tpu.vector_load %arg15[%swap3A_389, %swap3A_390] {strides = array<i32>} : memref<40x128xf32, #tpu.memory_space<vmem>>, vector<16xf32>,
        tpu.vector_store %arg15[%swap3A_389, %swap3A_390], %mul3A_388 {strides = array<i32>} : memref<40x128xf32, #tpu.memory_space<vmem>>, vector<16xf32>,
        %get3A_392 = arith.index_cast %scan3A_357 : i32 to index
        %get3A_393 = arith.constant 80 : index
        %get3A_394 = tpu.vector_load %arg15[%get3A_392, %get3A_393] {strides = array<i32>} : memref<40x128xf32, #tpu.memory_space<vmem>>, vector<16xf32>,
        %mul3A_395 = arith.mulf %get3A_394, %gather3A : vector<16xf32>
        %swap3A_396 = arith.index_cast %scan3A_357 : i32 to index
        %swap3A_397 = arith.constant 80 : index
        %swap3A_398 = tpu.vector_load %arg15[%swap3A_396, %swap3A_397] {strides = array<i32>} : memref<40x128xf32, #tpu.memory_space<vmem>>, vector<16xf32>,
        tpu.vector_store %arg15[%swap3A_396, %swap3A_397], %mul3A_395 {strides = array<i32>} : memref<40x128xf32, #tpu.memory_space<vmem>>, vector<16xf32>,
        %get3A_399 = arith.index_cast %scan3A_357 : i32 to index
        %get3A_400 = arith.constant 96 : index
        %get3A_401 = tpu.vector_load %arg15[%get3A_399, %get3A_400] {strides = array<i32>} : memref<40x128xf32, #tpu.memory_space<vmem>>, vector<16xf32>,
        %mul3A_402 = arith.mulf %get3A_401, %gather3A : vector<16xf32>
        %swap3A_403 = arith.index_cast %scan3A_357 : i32 to index
        %swap3A_404 = arith.constant 96 : index
        %swap3A_405 = tpu.vector_load %arg15[%swap3A_403, %swap3A_404] {strides = array<i32>} : memref<40x128xf32, #tpu.memory_space<vmem>>, vector<16xf32>,
        tpu.vector_store %arg15[%swap3A_403, %swap3A_404], %mul3A_402 {strides = array<i32>} : memref<40x128xf32, #tpu.memory_space<vmem>>, vector<16xf32>,
        %get3A_406 = arith.index_cast %scan3A_357 : i32 to index
        %get3A_407 = arith.constant 112 : index
        %get3A_408 = tpu.vector_load %arg15[%get3A_406, %get3A_407] {strides = array<i32>} : memref<40x128xf32, #tpu.memory_space<vmem>>, vector<16xf32>,
        %mul3A_409 = arith.mulf %get3A_408, %gather3A : vector<16xf32>
        %swap3A_410 = arith.index_cast %scan3A_357 : i32 to index
        %swap3A_411 = arith.constant 112 : index
        %swap3A_412 = tpu.vector_load %arg15[%swap3A_410, %swap3A_411] {strides = array<i32>} : memref<40x128xf32, #tpu.memory_space<vmem>>, vector<16xf32>,
        tpu.vector_store %arg15[%swap3A_410, %swap3A_411], %mul3A_409 {strides = array<i32>} : memref<40x128xf32, #tpu.memory_space<vmem>>, vector<16xf32>,
        %scan3A_413 = arith.constant 0 : i32
        scf.yield %scan3A_413 : i32
      }
      %scan3A_338 = arith.constant 40 : i32
      %dma_start3A_339 = arith.constant 0 : i32
      %dma_start3A_340 = arith.constant 0 : i32
      %dma_start3A_341 = tpu.memref_slice %arg9[%dma_start3A_339, %dma_start3A_340] : memref<10000x128xf32, #tpu.memory_space<vmem_shared>> -> memref<10000x128xf32, #tpu.memory_space<vmem_shared>>
      tpu.enqueue_indirect_dma source(%arg15 : memref<40x128xf32, #tpu.memory_space<vmem>>) target(%dma_start3A_341 : memref<10000x128xf32, #tpu.memory_space<vmem_shared>>) offsets(%arg20 : memref<40xi32, #tpu.memory_space<vmem>>) semaphore(%arg36 : memref<!tpu.dma_semaphore, #tpu.memory_space<semaphore_mem>>) {add = true}
      %ge3A_342 = arith.constant 1 : i32
      %ge3A_343 = arith.cmpi sge, %add3A_312, %ge3A_342 : i32
      %convert_element_type3A_344 = arith.extui %ge3A_343 : i1 to i32
      %cond3A_345 = arith.constant 0 : i32
      %cond3A_346 = arith.cmpi ne, %convert_element_type3A_344, %cond3A_345 : i32
      scf.if %cond3A_346 {
        %dma_wait3A_357 = arith.constant 0 : i32
        %dma_wait3A_358 = arith.constant 0 : i32
        %dma_wait3A_359 = tpu.memref_slice %arg9[%dma_wait3A_357, %dma_wait3A_358] : memref<10000x128xf32, #tpu.memory_space<vmem_shared>> -> memref<10000x128xf32, #tpu.memory_space<vmem_shared>>
        tpu.wait_indirect_dma semaphore(%arg35 : memref<!tpu.dma_semaphore, #tpu.memory_space<semaphore_mem>>) src(%arg14 : memref<40x128xf32, #tpu.memory_space<vmem>>) dst(%dma_wait3A_359 : memref<10000x128xf32, #tpu.memory_space<vmem_shared>>)
      } else {
      }
      %add3A_347 = arith.constant 5 : i32
      %add3A_348 = arith.addi %add3A_312, %add3A_347 : i32
      %sub3A_349 = arith.constant 1 : i32
      %sub3A_350 = arith.subi %add3A_348, %sub3A_349 : i32
      %lt3A_351 = arith.constant 250 : i32
      %lt3A_352 = arith.cmpi slt, %sub3A_350, %lt3A_351 : i32
      %convert_element_type3A_353 = arith.extui %lt3A_352 : i1 to i32
      %cond3A_354 = arith.constant 0 : i32
      %cond3A_355 = arith.cmpi ne, %convert_element_type3A_353, %cond3A_354 : i32
      scf.if %cond3A_355 {
        %add3A_357 = arith.constant 5 : i32
        %add3A_358 = arith.addi %add3A_312, %add3A_357 : i32
        %sub3A_359 = arith.constant 1 : i32
        %sub3A_360 = arith.subi %add3A_358, %sub3A_359 : i32
        %dma_start3A_361 = arith.constant 0 : i32
        %dma_start3A_362 = tpu.memref_slice %arg6[%add3A, %sub3A_360, %dma_start3A_361] : memref<32x250x40xi32, #tpu.memory_space<hbm>> -> memref<1x1x40xi32, #tpu.memory_space<hbm>>
        %dma_start3A_363 = tpu.memref_squeeze %dma_start3A_362 : memref<1x1x40xi32, #tpu.memory_space<hbm>> -> memref<40xi32, #tpu.memory_space<hbm>>
        %dma_start3A_364 = arith.constant 0 : i32
        %dma_start3A_365 = tpu.memref_slice %arg6[%add3A, %sub3A_360, %dma_start3A_364] : memref<32x250x40xi32, #tpu.memory_space<hbm>> -> memref<1x1x40xi32, #tpu.memory_space<hbm>>
        %dma_start3A_366 = tpu.memref_squeeze %dma_start3A_365 : memref<1x1x40xi32, #tpu.memory_space<hbm>> -> memref<40xi32, #tpu.memory_space<hbm>>
        tpu.enqueue_dma source(%dma_start3A_366 : memref<40xi32, #tpu.memory_space<hbm>>) target(%arg19 : memref<40xi32, #tpu.memory_space<vmem>>) target_semaphore(%arg30 : memref<!tpu.dma_semaphore, #tpu.memory_space<semaphore_mem>>)
        %dma_start3A_367 = arith.constant 0 : i32
        %dma_start3A_368 = tpu.memref_slice %arg7[%add3A, %sub3A_360, %dma_start3A_367] : memref<32x250x40xf32, #tpu.memory_space<hbm>> -> memref<1x1x40xf32, #tpu.memory_space<hbm>>
        %dma_start3A_369 = tpu.memref_squeeze %dma_start3A_368 : memref<1x1x40xf32, #tpu.memory_space<hbm>> -> memref<40xf32, #tpu.memory_space<hbm>>
        %dma_start3A_370 = arith.constant 0 : i32
        %dma_start3A_371 = tpu.memref_slice %arg7[%add3A, %sub3A_360, %dma_start3A_370] : memref<32x250x40xf32, #tpu.memory_space<hbm>> -> memref<1x1x40xf32, #tpu.memory_space<hbm>>
        %dma_start3A_372 = tpu.memref_squeeze %dma_start3A_371 : memref<1x1x40xf32, #tpu.memory_space<hbm>> -> memref<40xf32, #tpu.memory_space<hbm>>
        tpu.enqueue_dma source(%dma_start3A_372 : memref<40xf32, #tpu.memory_space<hbm>>) target(%arg24 : memref<40xf32, #tpu.memory_space<vmem>>) target_semaphore(%arg30 : memref<!tpu.dma_semaphore, #tpu.memory_space<semaphore_mem>>)
        %dma_start3A_373 = arith.constant 0 : i32
        %dma_start3A_374 = tpu.memref_slice %arg10[%sub3A_360, %dma_start3A_373] : memref<250x40xi32, #tpu.memory_space<vmem>> -> memref<1x40xi32, #tpu.memory_space<vmem>>
        %dma_start3A_375 = tpu.memref_squeeze %dma_start3A_374 : memref<1x40xi32, #tpu.memory_space<vmem>> -> memref<40xi32, #tpu.memory_space<vmem>>
        %dma_start3A_376 = arith.constant 0 : i32
        %dma_start3A_377 = arith.constant 0 : i32
        %dma_start3A_378 = tpu.memref_slice %arg2[%dma_start3A_376, %dma_start3A_377] : memref<90000x128xf32, #tpu.memory_space<hbm>> -> memref<90000x128xf32, #tpu.memory_space<hbm>>
        tpu.enqueue_indirect_dma source(%dma_start3A_378 : memref<90000x128xf32, #tpu.memory_space<hbm>>) target(%arg14 : memref<40x128xf32, #tpu.memory_space<vmem>>) offsets(%dma_start3A_375 : memref<40xi32, #tpu.memory_space<vmem>>) semaphore(%arg30 : memref<!tpu.dma_semaphore, #tpu.memory_space<semaphore_mem>>)
      } else {
      }
      %scan3A_356 = arith.constant 0 : i32
      scf.yield %scan3A_356 : i32
    }
    %scan3A_117 = arith.constant 50 : i32
    %dma_wait3A_118 = arith.constant 0 : i32
    %dma_wait3A_119 = arith.constant 0 : i32
    %dma_wait3A_120 = tpu.memref_slice %arg9[%dma_wait3A_118, %dma_wait3A_119] : memref<10000x128xf32, #tpu.memory_space<vmem_shared>> -> memref<10000x128xf32, #tpu.memory_space<vmem_shared>>
    tpu.wait_indirect_dma semaphore(%arg36 : memref<!tpu.dma_semaphore, #tpu.memory_space<semaphore_mem>>) src(%arg15 : memref<40x128xf32, #tpu.memory_space<vmem>>) dst(%dma_wait3A_120 : memref<10000x128xf32, #tpu.memory_space<vmem_shared>>)
    %barrier3A_121 = arith.constant 0 : index
    tpu.barrier barrier_id(%barrier3A_121)
    "tpu.region"() ({
      %run_scoped3A = tpu.sem_alloc : memref<!tpu.dma_semaphore, #tpu.memory_space<semaphore_mem>>
      %dma_start3A_122 = arith.constant 0 : i32
      %dma_start3A_123 = tpu.memref_slice %arg8[%arg0, %mul3A_2, %dma_start3A_122] : memref<2x10000x128xf32, #tpu.memory_space<hbm>> -> memref<1x625x128xf32, #tpu.memory_space<hbm>>
      %dma_start3A_124 = tpu.memref_squeeze %dma_start3A_123 : memref<1x625x128xf32, #tpu.memory_space<hbm>> -> memref<625x128xf32, #tpu.memory_space<hbm>>
      %dma_start3A_125 = arith.constant 0 : i32
      %dma_start3A_126 = tpu.memref_slice %arg9[%mul3A_2, %dma_start3A_125] : memref<10000x128xf32, #tpu.memory_space<vmem_shared>> -> memref<625x128xf32, #tpu.memory_space<vmem_shared>>
      tpu.enqueue_dma source(%dma_start3A_126 : memref<625x128xf32, #tpu.memory_space<vmem_shared>>) target(%dma_start3A_124 : memref<625x128xf32, #tpu.memory_space<hbm>>) target_semaphore(%run_scoped3A : memref<!tpu.dma_semaphore, #tpu.memory_space<semaphore_mem>>)
      %dma_wait3A_127 = arith.constant 0 : i32
      %dma_wait3A_128 = tpu.memref_slice %arg8[%arg0, %mul3A_2, %dma_wait3A_127] : memref<2x10000x128xf32, #tpu.memory_space<hbm>> -> memref<1x625x128xf32, #tpu.memory_space<hbm>>
      %dma_wait3A_129 = tpu.memref_squeeze %dma_wait3A_128 : memref<1x625x128xf32, #tpu.memory_space<hbm>> -> memref<625x128xf32, #tpu.memory_space<hbm>>
      %dma_wait3A_130 = arith.constant 0 : i32
      %dma_wait3A_131 = tpu.memref_slice %arg9[%mul3A_2, %dma_wait3A_130] : memref<10000x128xf32, #tpu.memory_space<vmem_shared>> -> memref<625x128xf32, #tpu.memory_space<vmem_shared>>
      tpu.wait_dma2 semaphore(%run_scoped3A : memref<!tpu.dma_semaphore, #tpu.memory_space<semaphore_mem>>) src(%dma_wait3A_131 : memref<625x128xf32, #tpu.memory_space<vmem_shared>>) dst(%dma_wait3A_129 : memref<625x128xf32, #tpu.memory_space<hbm>>)
      tpu.yield
    }) : () -> ()
    return
  }
}

#map = affine_map<(d0, d1) -> (0, 0)>
#map1 = affine_map<(d0, d1) -> (0, 0, 0)>
module attributes {stable_mosaic.version = 14 : i64} {
  func.func @_agg_kernel(%arg0: i32, %arg1: i32, %arg2: memref<90000x128xf32, #tpu.memory_space<hbm>>, %arg3: memref<10000x128xf32, #tpu.memory_space<hbm>>, %arg4: memref<10000x128xf32, #tpu.memory_space<hbm>>, %arg5: memref<32x250x40xi32, #tpu.memory_space<hbm>>, %arg6: memref<32x250x40xi32, #tpu.memory_space<hbm>>, %arg7: memref<32x250x40xf32, #tpu.memory_space<hbm>>, %arg8: memref<2x10000x128xf32, #tpu.memory_space<hbm>>, %arg9: memref<10000x128xf32, #tpu.memory_space<vmem_shared>>, %arg10: memref<250x40xi32, #tpu.memory_space<vmem>>, %arg11: memref<40x128xf32, #tpu.memory_space<vmem>>, %arg12: memref<40x128xf32, #tpu.memory_space<vmem>>, %arg13: memref<40x128xf32, #tpu.memory_space<vmem>>, %arg14: memref<40x128xf32, #tpu.memory_space<vmem>>, %arg15: memref<40x128xf32, #tpu.memory_space<vmem>>, %arg16: memref<40xi32, #tpu.memory_space<vmem>>, %arg17: memref<40xi32, #tpu.memory_space<vmem>>, %arg18: memref<40xi32, #tpu.memory_space<vmem>>, %arg19: memref<40xi32, #tpu.memory_space<vmem>>, %arg20: memref<40xi32, #tpu.memory_space<vmem>>, %arg21: memref<40xf32, #tpu.memory_space<vmem>>, %arg22: memref<40xf32, #tpu.memory_space<vmem>>, %arg23: memref<40xf32, #tpu.memory_space<vmem>>, %arg24: memref<40xf32, #tpu.memory_space<vmem>>, %arg25: memref<40xf32, #tpu.memory_space<vmem>>, %arg26: memref<!tpu.dma_semaphore, #tpu.memory_space<semaphore_mem>>, %arg27: memref<!tpu.dma_semaphore, #tpu.memory_space<semaphore_mem>>, %arg28: memref<!tpu.dma_semaphore, #tpu.memory_space<semaphore_mem>>, %arg29: memref<!tpu.dma_semaphore, #tpu.memory_space<semaphore_mem>>, %arg30: memref<!tpu.dma_semaphore, #tpu.memory_space<semaphore_mem>>, %arg31: memref<!tpu.dma_semaphore, #tpu.memory_space<semaphore_mem>>, %arg32: memref<!tpu.dma_semaphore, #tpu.memory_space<semaphore_mem>>, %arg33: memref<!tpu.dma_semaphore, #tpu.memory_space<semaphore_mem>>, %arg34: memref<!tpu.dma_semaphore, #tpu.memory_space<semaphore_mem>>, %arg35: memref<!tpu.dma_semaphore, #tpu.memory_space<semaphore_mem>>, %arg36: memref<!tpu.dma_semaphore, #tpu.memory_space<semaphore_mem>>) attributes {dimension_semantics = [#tpu.dimension_semantics<core_parallel>, #tpu.dimension_semantics<subcore_parallel>], iteration_bounds = array<i64: 2, 16>, scalar_prefetch = 0 : i64, scratch_operands = 28 : i64, tpu.core_type = #tpu.core_type<sc_vector_subcore>, window_params = [{transform_indices = #map}, {transform_indices = #map}, {transform_indices = #map}, {transform_indices = #map1}, {transform_indices = #map1}, {transform_indices = #map1}, {transform_indices = #map1}]} {
    %mul3A = arith.constant 2 : i32
    %mul3A_0 = arith.muli %arg1, %mul3A : i32
    %add3A = arith.addi %mul3A_0, %arg0 : i32
    %mul3A_1 = arith.constant 625 : i32
    %mul3A_2 = arith.muli %arg1, %mul3A_1 : i32
    %dma_start3A = arith.constant 0 : i32
    %dma_start3A_3 = arith.constant 0 : i32
    %dma_start3A_4 = tpu.memref_slice %arg5[%add3A, %dma_start3A, %dma_start3A_3] : memref<32x250x40xi32, #tpu.memory_space<hbm>> -> memref<1x250x40xi32, #tpu.memory_space<hbm>>
    %dma_start3A_5 = tpu.memref_squeeze %dma_start3A_4 : memref<1x250x40xi32, #tpu.memory_space<hbm>> -> memref<250x40xi32, #tpu.memory_space<hbm>>
    %dma_start3A_6 = arith.constant 0 : i32
    %dma_start3A_7 = arith.constant 0 : i32
    %dma_start3A_8 = tpu.memref_slice %arg5[%add3A, %dma_start3A_6, %dma_start3A_7] : memref<32x250x40xi32, #tpu.memory_space<hbm>> -> memref<1x250x40xi32, #tpu.memory_space<hbm>>
    %dma_start3A_9 = tpu.memref_squeeze %dma_start3A_8 : memref<1x250x40xi32, #tpu.memory_space<hbm>> -> memref<250x40xi32, #tpu.memory_space<hbm>>
    tpu.enqueue_dma source(%dma_start3A_9 : memref<250x40xi32, #tpu.memory_space<hbm>>) target(%arg10 : memref<250x40xi32, #tpu.memory_space<vmem>>) target_semaphore(%arg26 : memref<!tpu.dma_semaphore, #tpu.memory_space<semaphore_mem>>)
    %eq3A = arith.constant 0 : i32
    %eq3A_10 = arith.cmpi eq, %arg0, %eq3A : i32
    %convert_element_type3A = arith.extui %eq3A_10 : i1 to i32
    %cond3A = arith.constant 0 : i32
    %cond3A_11 = arith.cmpi ne, %convert_element_type3A, %cond3A : i32
    scf.if %cond3A_11 {
      %dma_start3A_122 = arith.constant 0 : i32
      %dma_start3A_123 = tpu.memref_slice %arg9[%mul3A_2, %dma_start3A_122] : memref<10000x128xf32, #tpu.memory_space<vmem_shared>> -> memref<625x128xf32, #tpu.memory_space<vmem_shared>>
      %dma_start3A_124 = arith.constant 0 : i32
      %dma_start3A_125 = tpu.memref_slice %arg3[%mul3A_2, %dma_start3A_124] : memref<10000x128xf32, #tpu.memory_space<hbm>> -> memref<625x128xf32, #tpu.memory_space<hbm>>
      tpu.enqueue_dma source(%dma_start3A_125 : memref<625x128xf32, #tpu.memory_space<hbm>>) target(%dma_start3A_123 : memref<625x128xf32, #tpu.memory_space<vmem_shared>>) target_semaphore(%arg26 : memref<!tpu.dma_semaphore, #tpu.memory_space<semaphore_mem>>)
    } else {
    }
    %eq3A_12 = arith.constant 1 : i32
    %eq3A_13 = arith.cmpi eq, %arg0, %eq3A_12 : i32
    %convert_element_type3A_14 = arith.extui %eq3A_13 : i1 to i32
    %cond3A_15 = arith.constant 0 : i32
    %cond3A_16 = arith.cmpi ne, %convert_element_type3A_14, %cond3A_15 : i32
    scf.if %cond3A_16 {
      %dma_start3A_122 = arith.constant 0 : i32
      %dma_start3A_123 = tpu.memref_slice %arg9[%mul3A_2, %dma_start3A_122] : memref<10000x128xf32, #tpu.memory_space<vmem_shared>> -> memref<625x128xf32, #tpu.memory_space<vmem_shared>>
      %dma_start3A_124 = arith.constant 0 : i32
      %dma_start3A_125 = tpu.memref_slice %arg4[%mul3A_2, %dma_start3A_124] : memref<10000x128xf32, #tpu.memory_space<hbm>> -> memref<625x128xf32, #tpu.memory_space<hbm>>
      tpu.enqueue_dma source(%dma_start3A_125 : memref<625x128xf32, #tpu.memory_space<hbm>>) target(%dma_start3A_123 : memref<625x128xf32, #tpu.memory_space<vmem_shared>>) target_semaphore(%arg26 : memref<!tpu.dma_semaphore, #tpu.memory_space<semaphore_mem>>)
    } else {
    }
    %dma_wait3A = arith.constant 0 : i32
    %dma_wait3A_17 = arith.constant 0 : i32
    %dma_wait3A_18 = tpu.memref_slice %arg5[%add3A, %dma_wait3A, %dma_wait3A_17] : memref<32x250x40xi32, #tpu.memory_space<hbm>> -> memref<1x250x40xi32, #tpu.memory_space<hbm>>
    %dma_wait3A_19 = tpu.memref_squeeze %dma_wait3A_18 : memref<1x250x40xi32, #tpu.memory_space<hbm>> -> memref<250x40xi32, #tpu.memory_space<hbm>>
    %dma_wait3A_20 = arith.constant 0 : i32
    %dma_wait3A_21 = arith.constant 0 : i32
    %dma_wait3A_22 = tpu.memref_slice %arg5[%add3A, %dma_wait3A_20, %dma_wait3A_21] : memref<32x250x40xi32, #tpu.memory_space<hbm>> -> memref<1x250x40xi32, #tpu.memory_space<hbm>>
    %dma_wait3A_23 = tpu.memref_squeeze %dma_wait3A_22 : memref<1x250x40xi32, #tpu.memory_space<hbm>> -> memref<250x40xi32, #tpu.memory_space<hbm>>
    tpu.wait_dma2 semaphore(%arg26 : memref<!tpu.dma_semaphore, #tpu.memory_space<semaphore_mem>>) src(%dma_wait3A_23 : memref<250x40xi32, #tpu.memory_space<hbm>>) dst(%arg10 : memref<250x40xi32, #tpu.memory_space<vmem>>)
    %dma_wait3A_24 = arith.constant 0 : i32
    %dma_wait3A_25 = tpu.memref_slice %arg9[%mul3A_2, %dma_wait3A_24] : memref<10000x128xf32, #tpu.memory_space<vmem_shared>> -> memref<625x128xf32, #tpu.memory_space<vmem_shared>>
    %dma_wait3A_26 = arith.constant 0 : i32
    %dma_wait3A_27 = tpu.memref_slice %arg4[%mul3A_2, %dma_wait3A_26] : memref<10000x128xf32, #tpu.memory_space<hbm>> -> memref<625x128xf32, #tpu.memory_space<hbm>>
    tpu.wait_dma2 semaphore(%arg26 : memref<!tpu.dma_semaphore, #tpu.memory_space<semaphore_mem>>) src(%dma_wait3A_27 : memref<625x128xf32, #tpu.memory_space<hbm>>) dst(%dma_wait3A_25 : memref<625x128xf32, #tpu.memory_space<vmem_shared>>)
    %barrier3A = arith.constant 0 : index
    tpu.barrier barrier_id(%barrier3A)
    %dma_start3A_28 = arith.constant 0 : i32
    %dma_start3A_29 = arith.constant 0 : i32
    %dma_start3A_30 = tpu.memref_slice %arg6[%add3A, %dma_start3A_28, %dma_start3A_29] : memref<32x250x40xi32, #tpu.memory_space<hbm>> -> memref<1x1x40xi32, #tpu.memory_space<hbm>>
    %dma_start3A_31 = tpu.memref_squeeze %dma_start3A_30 : memref<1x1x40xi32, #tpu.memory_space<hbm>> -> memref<40xi32, #tpu.memory_space<hbm>>
    %dma_start3A_32 = arith.constant 0 : i32
    %dma_start3A_33 = tpu.memref_slice %arg6[%add3A, %dma_start3A_28, %dma_start3A_32] : memref<32x250x40xi32, #tpu.memory_space<hbm>> -> memref<1x1x40xi32, #tpu.memory_space<hbm>>
    %dma_start3A_34 = tpu.memref_squeeze %dma_start3A_33 : memref<1x1x40xi32, #tpu.memory_space<hbm>> -> memref<40xi32, #tpu.memory_space<hbm>>
    tpu.enqueue_dma source(%dma_start3A_34 : memref<40xi32, #tpu.memory_space<hbm>>) target(%arg16 : memref<40xi32, #tpu.memory_space<vmem>>) target_semaphore(%arg27 : memref<!tpu.dma_semaphore, #tpu.memory_space<semaphore_mem>>)
    %dma_start3A_35 = arith.constant 0 : i32
    %dma_start3A_36 = arith.constant 0 : i32
    %dma_start3A_37 = tpu.memref_slice %arg7[%add3A, %dma_start3A_35, %dma_start3A_36] : memref<32x250x40xf32, #tpu.memory_space<hbm>> -> memref<1x1x40xf32, #tpu.memory_space<hbm>>
    %dma_start3A_38 = tpu.memref_squeeze %dma_start3A_37 : memref<1x1x40xf32, #tpu.memory_space<hbm>> -> memref<40xf32, #tpu.memory_space<hbm>>
    %dma_start3A_39 = arith.constant 0 : i32
    %dma_start3A_40 = tpu.memref_slice %arg7[%add3A, %dma_start3A_35, %dma_start3A_39] : memref<32x250x40xf32, #tpu.memory_space<hbm>> -> memref<1x1x40xf32, #tpu.memory_space<hbm>>
    %dma_start3A_41 = tpu.memref_squeeze %dma_start3A_40 : memref<1x1x40xf32, #tpu.memory_space<hbm>> -> memref<40xf32, #tpu.memory_space<hbm>>
    tpu.enqueue_dma source(%dma_start3A_41 : memref<40xf32, #tpu.memory_space<hbm>>) target(%arg21 : memref<40xf32, #tpu.memory_space<vmem>>) target_semaphore(%arg27 : memref<!tpu.dma_semaphore, #tpu.memory_space<semaphore_mem>>)
    %dma_start3A_42 = arith.constant 0 : i32
    %dma_start3A_43 = arith.constant 0 : i32
    %dma_start3A_44 = tpu.memref_slice %arg10[%dma_start3A_42, %dma_start3A_43] : memref<250x40xi32, #tpu.memory_space<vmem>> -> memref<1x40xi32, #tpu.memory_space<vmem>>
    %dma_start3A_45 = tpu.memref_squeeze %dma_start3A_44 : memref<1x40xi32, #tpu.memory_space<vmem>> -> memref<40xi32, #tpu.memory_space<vmem>>
    %dma_start3A_46 = arith.constant 0 : i32
    %dma_start3A_47 = arith.constant 0 : i32
    %dma_start3A_48 = tpu.memref_slice %arg2[%dma_start3A_46, %dma_start3A_47] : memref<90000x128xf32, #tpu.memory_space<hbm>> -> memref<90000x128xf32, #tpu.memory_space<hbm>>
    tpu.enqueue_indirect_dma source(%dma_start3A_48 : memref<90000x128xf32, #tpu.memory_space<hbm>>) target(%arg11 : memref<40x128xf32, #tpu.memory_space<vmem>>) offsets(%dma_start3A_45 : memref<40xi32, #tpu.memory_space<vmem>>) semaphore(%arg27 : memref<!tpu.dma_semaphore, #tpu.memory_space<semaphore_mem>>)
    %dma_start3A_49 = arith.constant 1 : i32
    %dma_start3A_50 = arith.constant 0 : i32
    %dma_start3A_51 = tpu.memref_slice %arg6[%add3A, %dma_start3A_49, %dma_start3A_50] : memref<32x250x40xi32, #tpu.memory_space<hbm>> -> memref<1x1x40xi32, #tpu.memory_space<hbm>>
    %dma_start3A_52 = tpu.memref_squeeze %dma_start3A_51 : memref<1x1x40xi32, #tpu.memory_space<hbm>> -> memref<40xi32, #tpu.memory_space<hbm>>
    %dma_start3A_53 = arith.constant 0 : i32
    %dma_start3A_54 = tpu.memref_slice %arg6[%add3A, %dma_start3A_49, %dma_start3A_53] : memref<32x250x40xi32, #tpu.memory_space<hbm>> -> memref<1x1x40xi32, #tpu.memory_space<hbm>>
    %dma_start3A_55 = tpu.memref_squeeze %dma_start3A_54 : memref<1x1x40xi32, #tpu.memory_space<hbm>> -> memref<40xi32, #tpu.memory_space<hbm>>
    tpu.enqueue_dma source(%dma_start3A_55 : memref<40xi32, #tpu.memory_space<hbm>>) target(%arg17 : memref<40xi32, #tpu.memory_space<vmem>>) target_semaphore(%arg28 : memref<!tpu.dma_semaphore, #tpu.memory_space<semaphore_mem>>)
    %dma_start3A_56 = arith.constant 1 : i32
    %dma_start3A_57 = arith.constant 0 : i32
    %dma_start3A_58 = tpu.memref_slice %arg7[%add3A, %dma_start3A_56, %dma_start3A_57] : memref<32x250x40xf32, #tpu.memory_space<hbm>> -> memref<1x1x40xf32, #tpu.memory_space<hbm>>
    %dma_start3A_59 = tpu.memref_squeeze %dma_start3A_58 : memref<1x1x40xf32, #tpu.memory_space<hbm>> -> memref<40xf32, #tpu.memory_space<hbm>>
    %dma_start3A_60 = arith.constant 0 : i32
    %dma_start3A_61 = tpu.memref_slice %arg7[%add3A, %dma_start3A_56, %dma_start3A_60] : memref<32x250x40xf32, #tpu.memory_space<hbm>> -> memref<1x1x40xf32, #tpu.memory_space<hbm>>
    %dma_start3A_62 = tpu.memref_squeeze %dma_start3A_61 : memref<1x1x40xf32, #tpu.memory_space<hbm>> -> memref<40xf32, #tpu.memory_space<hbm>>
    tpu.enqueue_dma source(%dma_start3A_62 : memref<40xf32, #tpu.memory_space<hbm>>) target(%arg22 : memref<40xf32, #tpu.memory_space<vmem>>) target_semaphore(%arg28 : memref<!tpu.dma_semaphore, #tpu.memory_space<semaphore_mem>>)
    %dma_start3A_63 = arith.constant 1 : i32
    %dma_start3A_64 = arith.constant 0 : i32
    %dma_start3A_65 = tpu.memref_slice %arg10[%dma_start3A_63, %dma_start3A_64] : memref<250x40xi32, #tpu.memory_space<vmem>> -> memref<1x40xi32, #tpu.memory_space<vmem>>
    %dma_start3A_66 = tpu.memref_squeeze %dma_start3A_65 : memref<1x40xi32, #tpu.memory_space<vmem>> -> memref<40xi32, #tpu.memory_space<vmem>>
    %dma_start3A_67 = arith.constant 0 : i32
    %dma_start3A_68 = arith.constant 0 : i32
    %dma_start3A_69 = tpu.memref_slice %arg2[%dma_start3A_67, %dma_start3A_68] : memref<90000x128xf32, #tpu.memory_space<hbm>> -> memref<90000x128xf32, #tpu.memory_space<hbm>>
    tpu.enqueue_indirect_dma source(%dma_start3A_69 : memref<90000x128xf32, #tpu.memory_space<hbm>>) target(%arg12 : memref<40x128xf32, #tpu.memory_space<vmem>>) offsets(%dma_start3A_66 : memref<40xi32, #tpu.memory_space<vmem>>) semaphore(%arg28 : memref<!tpu.dma_semaphore, #tpu.memory_space<semaphore_mem>>)
    %dma_start3A_70 = arith.constant 2 : i32
    %dma_start3A_71 = arith.constant 0 : i32
    %dma_start3A_72 = tpu.memref_slice %arg6[%add3A, %dma_start3A_70, %dma_start3A_71] : memref<32x250x40xi32, #tpu.memory_space<hbm>> -> memref<1x1x40xi32, #tpu.memory_space<hbm>>
    %dma_start3A_73 = tpu.memref_squeeze %dma_start3A_72 : memref<1x1x40xi32, #tpu.memory_space<hbm>> -> memref<40xi32, #tpu.memory_space<hbm>>
    %dma_start3A_74 = arith.constant 0 : i32
    %dma_start3A_75 = tpu.memref_slice %arg6[%add3A, %dma_start3A_70, %dma_start3A_74] : memref<32x250x40xi32, #tpu.memory_space<hbm>> -> memref<1x1x40xi32, #tpu.memory_space<hbm>>
    %dma_start3A_76 = tpu.memref_squeeze %dma_start3A_75 : memref<1x1x40xi32, #tpu.memory_space<hbm>> -> memref<40xi32, #tpu.memory_space<hbm>>
    tpu.enqueue_dma source(%dma_start3A_76 : memref<40xi32, #tpu.memory_space<hbm>>) target(%arg18 : memref<40xi32, #tpu.memory_space<vmem>>) target_semaphore(%arg29 : memref<!tpu.dma_semaphore, #tpu.memory_space<semaphore_mem>>)
    %dma_start3A_77 = arith.constant 2 : i32
    %dma_start3A_78 = arith.constant 0 : i32
    %dma_start3A_79 = tpu.memref_slice %arg7[%add3A, %dma_start3A_77, %dma_start3A_78] : memref<32x250x40xf32, #tpu.memory_space<hbm>> -> memref<1x1x40xf32, #tpu.memory_space<hbm>>
    %dma_start3A_80 = tpu.memref_squeeze %dma_start3A_79 : memref<1x1x40xf32, #tpu.memory_space<hbm>> -> memref<40xf32, #tpu.memory_space<hbm>>
    %dma_start3A_81 = arith.constant 0 : i32
    %dma_start3A_82 = tpu.memref_slice %arg7[%add3A, %dma_start3A_77, %dma_start3A_81] : memref<32x250x40xf32, #tpu.memory_space<hbm>> -> memref<1x1x40xf32, #tpu.memory_space<hbm>>
    %dma_start3A_83 = tpu.memref_squeeze %dma_start3A_82 : memref<1x1x40xf32, #tpu.memory_space<hbm>> -> memref<40xf32, #tpu.memory_space<hbm>>
    tpu.enqueue_dma source(%dma_start3A_83 : memref<40xf32, #tpu.memory_space<hbm>>) target(%arg23 : memref<40xf32, #tpu.memory_space<vmem>>) target_semaphore(%arg29 : memref<!tpu.dma_semaphore, #tpu.memory_space<semaphore_mem>>)
    %dma_start3A_84 = arith.constant 2 : i32
    %dma_start3A_85 = arith.constant 0 : i32
    %dma_start3A_86 = tpu.memref_slice %arg10[%dma_start3A_84, %dma_start3A_85] : memref<250x40xi32, #tpu.memory_space<vmem>> -> memref<1x40xi32, #tpu.memory_space<vmem>>
    %dma_start3A_87 = tpu.memref_squeeze %dma_start3A_86 : memref<1x40xi32, #tpu.memory_space<vmem>> -> memref<40xi32, #tpu.memory_space<vmem>>
    %dma_start3A_88 = arith.constant 0 : i32
    %dma_start3A_89 = arith.constant 0 : i32
    %dma_start3A_90 = tpu.memref_slice %arg2[%dma_start3A_88, %dma_start3A_89] : memref<90000x128xf32, #tpu.memory_space<hbm>> -> memref<90000x128xf32, #tpu.memory_space<hbm>>
    tpu.enqueue_indirect_dma source(%dma_start3A_90 : memref<90000x128xf32, #tpu.memory_space<hbm>>) target(%arg13 : memref<40x128xf32, #tpu.memory_space<vmem>>) offsets(%dma_start3A_87 : memref<40xi32, #tpu.memory_space<vmem>>) semaphore(%arg29 : memref<!tpu.dma_semaphore, #tpu.memory_space<semaphore_mem>>)
    %dma_start3A_91 = arith.constant 3 : i32
    %dma_start3A_92 = arith.constant 0 : i32
    %dma_start3A_93 = tpu.memref_slice %arg6[%add3A, %dma_start3A_91, %dma_start3A_92] : memref<32x250x40xi32, #tpu.memory_space<hbm>> -> memref<1x1x40xi32, #tpu.memory_space<hbm>>
    %dma_start3A_94 = tpu.memref_squeeze %dma_start3A_93 : memref<1x1x40xi32, #tpu.memory_space<hbm>> -> memref<40xi32, #tpu.memory_space<hbm>>
    %dma_start3A_95 = arith.constant 0 : i32
    %dma_start3A_96 = tpu.memref_slice %arg6[%add3A, %dma_start3A_91, %dma_start3A_95] : memref<32x250x40xi32, #tpu.memory_space<hbm>> -> memref<1x1x40xi32, #tpu.memory_space<hbm>>
    %dma_start3A_97 = tpu.memref_squeeze %dma_start3A_96 : memref<1x1x40xi32, #tpu.memory_space<hbm>> -> memref<40xi32, #tpu.memory_space<hbm>>
    tpu.enqueue_dma source(%dma_start3A_97 : memref<40xi32, #tpu.memory_space<hbm>>) target(%arg19 : memref<40xi32, #tpu.memory_space<vmem>>) target_semaphore(%arg30 : memref<!tpu.dma_semaphore, #tpu.memory_space<semaphore_mem>>)
    %dma_start3A_98 = arith.constant 3 : i32
    %dma_start3A_99 = arith.constant 0 : i32
    %dma_start3A_100 = tpu.memref_slice %arg7[%add3A, %dma_start3A_98, %dma_start3A_99] : memref<32x250x40xf32, #tpu.memory_space<hbm>> -> memref<1x1x40xf32, #tpu.memory_space<hbm>>
    %dma_start3A_101 = tpu.memref_squeeze %dma_start3A_100 : memref<1x1x40xf32, #tpu.memory_space<hbm>> -> memref<40xf32, #tpu.memory_space<hbm>>
    %dma_start3A_102 = arith.constant 0 : i32
    %dma_start3A_103 = tpu.memref_slice %arg7[%add3A, %dma_start3A_98, %dma_start3A_102] : memref<32x250x40xf32, #tpu.memory_space<hbm>> -> memref<1x1x40xf32, #tpu.memory_space<hbm>>
    %dma_start3A_104 = tpu.memref_squeeze %dma_start3A_103 : memref<1x1x40xf32, #tpu.memory_space<hbm>> -> memref<40xf32, #tpu.memory_space<hbm>>
    tpu.enqueue_dma source(%dma_start3A_104 : memref<40xf32, #tpu.memory_space<hbm>>) target(%arg24 : memref<40xf32, #tpu.memory_space<vmem>>) target_semaphore(%arg30 : memref<!tpu.dma_semaphore, #tpu.memory_space<semaphore_mem>>)
    %dma_start3A_105 = arith.constant 3 : i32
    %dma_start3A_106 = arith.constant 0 : i32
    %dma_start3A_107 = tpu.memref_slice %arg10[%dma_start3A_105, %dma_start3A_106] : memref<250x40xi32, #tpu.memory_space<vmem>> -> memref<1x40xi32, #tpu.memory_space<vmem>>
    %dma_start3A_108 = tpu.memref_squeeze %dma_start3A_107 : memref<1x40xi32, #tpu.memory_space<vmem>> -> memref<40xi32, #tpu.memory_space<vmem>>
    %dma_start3A_109 = arith.constant 0 : i32
    %dma_start3A_110 = arith.constant 0 : i32
    %dma_start3A_111 = tpu.memref_slice %arg2[%dma_start3A_109, %dma_start3A_110] : memref<90000x128xf32, #tpu.memory_space<hbm>> -> memref<90000x128xf32, #tpu.memory_space<hbm>>
    tpu.enqueue_indirect_dma source(%dma_start3A_111 : memref<90000x128xf32, #tpu.memory_space<hbm>>) target(%arg14 : memref<40x128xf32, #tpu.memory_space<vmem>>) offsets(%dma_start3A_108 : memref<40xi32, #tpu.memory_space<vmem>>) semaphore(%arg30 : memref<!tpu.dma_semaphore, #tpu.memory_space<semaphore_mem>>)
    %scan3A = arith.constant 0 : i32
    %scan3A_112 = arith.constant 0 : i32
    %scan3A_113 = arith.constant 50 : i32
    %scan3A_114 = arith.addi %scan3A_112, %scan3A_113 : i32
    %scan3A_115 = arith.constant 1 : i32
    %scan3A_116 = scf.for %scan3A_122 = %scan3A_112 to %scan3A_114 step %scan3A_115 iter_args(%scan3A_123 = %scan3A) -> (i32)  : i32 {
      %mul3A_124 = arith.constant 5 : i32
      %mul3A_125 = arith.muli %scan3A_122, %mul3A_124 : i32
      %add3A_126 = arith.constant 0 : i32
      %add3A_127 = arith.addi %mul3A_125, %add3A_126 : i32
      %dma_wait3A_128 = arith.constant 0 : i32
      %dma_wait3A_129 = tpu.memref_slice %arg6[%add3A, %add3A_127, %dma_wait3A_128] : memref<32x250x40xi32, #tpu.memory_space<hbm>> -> memref<1x1x40xi32, #tpu.memory_space<hbm>>
      %dma_wait3A_130 = tpu.memref_squeeze %dma_wait3A_129 : memref<1x1x40xi32, #tpu.memory_space<hbm>> -> memref<40xi32, #tpu.memory_space<hbm>>
      %dma_wait3A_131 = arith.constant 0 : i32
      %dma_wait3A_132 = tpu.memref_slice %arg6[%add3A, %add3A_127, %dma_wait3A_131] : memref<32x250x40xi32, #tpu.memory_space<hbm>> -> memref<1x1x40xi32, #tpu.memory_space<hbm>>
      %dma_wait3A_133 = tpu.memref_squeeze %dma_wait3A_132 : memref<1x1x40xi32, #tpu.memory_space<hbm>> -> memref<40xi32, #tpu.memory_space<hbm>>
      tpu.wait_dma2 semaphore(%arg27 : memref<!tpu.dma_semaphore, #tpu.memory_space<semaphore_mem>>) src(%dma_wait3A_133 : memref<40xi32, #tpu.memory_space<hbm>>) dst(%arg16 : memref<40xi32, #tpu.memory_space<vmem>>)
      %dma_wait3A_134 = arith.constant 0 : i32
      %dma_wait3A_135 = tpu.memref_slice %arg7[%add3A, %add3A_127, %dma_wait3A_134] : memref<32x250x40xf32, #tpu.memory_space<hbm>> -> memref<1x1x40xf32, #tpu.memory_space<hbm>>
      %dma_wait3A_136 = tpu.memref_squeeze %dma_wait3A_135 : memref<1x1x40xf32, #tpu.memory_space<hbm>> -> memref<40xf32, #tpu.memory_space<hbm>>
      %dma_wait3A_137 = arith.constant 0 : i32
      %dma_wait3A_138 = tpu.memref_slice %arg7[%add3A, %add3A_127, %dma_wait3A_137] : memref<32x250x40xf32, #tpu.memory_space<hbm>> -> memref<1x1x40xf32, #tpu.memory_space<hbm>>
      %dma_wait3A_139 = tpu.memref_squeeze %dma_wait3A_138 : memref<1x1x40xf32, #tpu.memory_space<hbm>> -> memref<40xf32, #tpu.memory_space<hbm>>
      tpu.wait_dma2 semaphore(%arg27 : memref<!tpu.dma_semaphore, #tpu.memory_space<semaphore_mem>>) src(%dma_wait3A_139 : memref<40xf32, #tpu.memory_space<hbm>>) dst(%arg21 : memref<40xf32, #tpu.memory_space<vmem>>)
      %dma_wait3A_140 = arith.constant 0 : i32
      %dma_wait3A_141 = arith.constant 0 : i32
      %dma_wait3A_142 = tpu.memref_slice %arg10[%dma_wait3A_140, %dma_wait3A_141] : memref<250x40xi32, #tpu.memory_space<vmem>> -> memref<1x40xi32, #tpu.memory_space<vmem>>
      %dma_wait3A_143 = tpu.memref_squeeze %dma_wait3A_142 : memref<1x40xi32, #tpu.memory_space<vmem>> -> memref<40xi32, #tpu.memory_space<vmem>>
      %dma_wait3A_144 = arith.constant 0 : i32
      %dma_wait3A_145 = arith.constant 0 : i32
      %dma_wait3A_146 = tpu.memref_slice %arg2[%dma_wait3A_144, %dma_wait3A_145] : memref<90000x128xf32, #tpu.memory_space<hbm>> -> memref<90000x128xf32, #tpu.memory_space<hbm>>
      tpu.wait_indirect_dma semaphore(%arg27 : memref<!tpu.dma_semaphore, #tpu.memory_space<semaphore_mem>>) src(%dma_wait3A_146 : memref<90000x128xf32, #tpu.memory_space<hbm>>) dst(%arg11 : memref<40x128xf32, #tpu.memory_space<vmem>>)
      %scan3A_147 = arith.constant 0 : i32
      %scan3A_148 = arith.constant 0 : i32
      %scan3A_149 = arith.constant 40 : i32
      %scan3A_150 = arith.addi %scan3A_148, %scan3A_149 : i32
      %scan3A_151 = arith.constant 1 : i32
      %scan3A_152 = scf.for %scan3A_357 = %scan3A_148 to %scan3A_150 step %scan3A_151 iter_args(%scan3A_358 = %scan3A_147) -> (i32)  : i32 {
        %broadcast_in_dim3A = vector.broadcast %scan3A_357 : i32 to vector<16xi32>
        %gather3A = tpu.vector_load_idx %arg21[%broadcast_in_dim3A] : memref<40xf32, #tpu.memory_space<vmem>>[vector<16xi32>], vector<16xf32>,
        %get3A = arith.index_cast %scan3A_357 : i32 to index
        %get3A_359 = arith.constant 0 : index
        %get3A_360 = tpu.vector_load %arg11[%get3A, %get3A_359] {strides = array<i32>} : memref<40x128xf32, #tpu.memory_space<vmem>>, vector<16xf32>,
        %mul3A_361 = arith.mulf %get3A_360, %gather3A : vector<16xf32>
        %swap3A = arith.index_cast %scan3A_357 : i32 to index
        %swap3A_362 = arith.constant 0 : index
        %swap3A_363 = tpu.vector_load %arg11[%swap3A, %swap3A_362] {strides = array<i32>} : memref<40x128xf32, #tpu.memory_space<vmem>>, vector<16xf32>,
        tpu.vector_store %arg11[%swap3A, %swap3A_362], %mul3A_361 {strides = array<i32>} : memref<40x128xf32, #tpu.memory_space<vmem>>, vector<16xf32>,
        %get3A_364 = arith.index_cast %scan3A_357 : i32 to index
        %get3A_365 = arith.constant 16 : index
        %get3A_366 = tpu.vector_load %arg11[%get3A_364, %get3A_365] {strides = array<i32>} : memref<40x128xf32, #tpu.memory_space<vmem>>, vector<16xf32>,
        %mul3A_367 = arith.mulf %get3A_366, %gather3A : vector<16xf32>
        %swap3A_368 = arith.index_cast %scan3A_357 : i32 to index
        %swap3A_369 = arith.constant 16 : index
        %swap3A_370 = tpu.vector_load %arg11[%swap3A_368, %swap3A_369] {strides = array<i32>} : memref<40x128xf32, #tpu.memory_space<vmem>>, vector<16xf32>,
        tpu.vector_store %arg11[%swap3A_368, %swap3A_369], %mul3A_367 {strides = array<i32>} : memref<40x128xf32, #tpu.memory_space<vmem>>, vector<16xf32>,
        %get3A_371 = arith.index_cast %scan3A_357 : i32 to index
        %get3A_372 = arith.constant 32 : index
        %get3A_373 = tpu.vector_load %arg11[%get3A_371, %get3A_372] {strides = array<i32>} : memref<40x128xf32, #tpu.memory_space<vmem>>, vector<16xf32>,
        %mul3A_374 = arith.mulf %get3A_373, %gather3A : vector<16xf32>
        %swap3A_375 = arith.index_cast %scan3A_357 : i32 to index
        %swap3A_376 = arith.constant 32 : index
        %swap3A_377 = tpu.vector_load %arg11[%swap3A_375, %swap3A_376] {strides = array<i32>} : memref<40x128xf32, #tpu.memory_space<vmem>>, vector<16xf32>,
        tpu.vector_store %arg11[%swap3A_375, %swap3A_376], %mul3A_374 {strides = array<i32>} : memref<40x128xf32, #tpu.memory_space<vmem>>, vector<16xf32>,
        %get3A_378 = arith.index_cast %scan3A_357 : i32 to index
        %get3A_379 = arith.constant 48 : index
        %get3A_380 = tpu.vector_load %arg11[%get3A_378, %get3A_379] {strides = array<i32>} : memref<40x128xf32, #tpu.memory_space<vmem>>, vector<16xf32>,
        %mul3A_381 = arith.mulf %get3A_380, %gather3A : vector<16xf32>
        %swap3A_382 = arith.index_cast %scan3A_357 : i32 to index
        %swap3A_383 = arith.constant 48 : index
        %swap3A_384 = tpu.vector_load %arg11[%swap3A_382, %swap3A_383] {strides = array<i32>} : memref<40x128xf32, #tpu.memory_space<vmem>>, vector<16xf32>,
        tpu.vector_store %arg11[%swap3A_382, %swap3A_383], %mul3A_381 {strides = array<i32>} : memref<40x128xf32, #tpu.memory_space<vmem>>, vector<16xf32>,
        %get3A_385 = arith.index_cast %scan3A_357 : i32 to index
        %get3A_386 = arith.constant 64 : index
        %get3A_387 = tpu.vector_load %arg11[%get3A_385, %get3A_386] {strides = array<i32>} : memref<40x128xf32, #tpu.memory_space<vmem>>, vector<16xf32>,
        %mul3A_388 = arith.mulf %get3A_387, %gather3A : vector<16xf32>
        %swap3A_389 = arith.index_cast %scan3A_357 : i32 to index
        %swap3A_390 = arith.constant 64 : index
        %swap3A_391 = tpu.vector_load %arg11[%swap3A_389, %swap3A_390] {strides = array<i32>} : memref<40x128xf32, #tpu.memory_space<vmem>>, vector<16xf32>,
        tpu.vector_store %arg11[%swap3A_389, %swap3A_390], %mul3A_388 {strides = array<i32>} : memref<40x128xf32, #tpu.memory_space<vmem>>, vector<16xf32>,
        %get3A_392 = arith.index_cast %scan3A_357 : i32 to index
        %get3A_393 = arith.constant 80 : index
        %get3A_394 = tpu.vector_load %arg11[%get3A_392, %get3A_393] {strides = array<i32>} : memref<40x128xf32, #tpu.memory_space<vmem>>, vector<16xf32>,
        %mul3A_395 = arith.mulf %get3A_394, %gather3A : vector<16xf32>
        %swap3A_396 = arith.index_cast %scan3A_357 : i32 to index
        %swap3A_397 = arith.constant 80 : index
        %swap3A_398 = tpu.vector_load %arg11[%swap3A_396, %swap3A_397] {strides = array<i32>} : memref<40x128xf32, #tpu.memory_space<vmem>>, vector<16xf32>,
        tpu.vector_store %arg11[%swap3A_396, %swap3A_397], %mul3A_395 {strides = array<i32>} : memref<40x128xf32, #tpu.memory_space<vmem>>, vector<16xf32>,
        %get3A_399 = arith.index_cast %scan3A_357 : i32 to index
        %get3A_400 = arith.constant 96 : index
        %get3A_401 = tpu.vector_load %arg11[%get3A_399, %get3A_400] {strides = array<i32>} : memref<40x128xf32, #tpu.memory_space<vmem>>, vector<16xf32>,
        %mul3A_402 = arith.mulf %get3A_401, %gather3A : vector<16xf32>
        %swap3A_403 = arith.index_cast %scan3A_357 : i32 to index
        %swap3A_404 = arith.constant 96 : index
        %swap3A_405 = tpu.vector_load %arg11[%swap3A_403, %swap3A_404] {strides = array<i32>} : memref<40x128xf32, #tpu.memory_space<vmem>>, vector<16xf32>,
        tpu.vector_store %arg11[%swap3A_403, %swap3A_404], %mul3A_402 {strides = array<i32>} : memref<40x128xf32, #tpu.memory_space<vmem>>, vector<16xf32>,
        %get3A_406 = arith.index_cast %scan3A_357 : i32 to index
        %get3A_407 = arith.constant 112 : index
        %get3A_408 = tpu.vector_load %arg11[%get3A_406, %get3A_407] {strides = array<i32>} : memref<40x128xf32, #tpu.memory_space<vmem>>, vector<16xf32>,
        %mul3A_409 = arith.mulf %get3A_408, %gather3A : vector<16xf32>
        %swap3A_410 = arith.index_cast %scan3A_357 : i32 to index
        %swap3A_411 = arith.constant 112 : index
        %swap3A_412 = tpu.vector_load %arg11[%swap3A_410, %swap3A_411] {strides = array<i32>} : memref<40x128xf32, #tpu.memory_space<vmem>>, vector<16xf32>,
        tpu.vector_store %arg11[%swap3A_410, %swap3A_411], %mul3A_409 {strides = array<i32>} : memref<40x128xf32, #tpu.memory_space<vmem>>, vector<16xf32>,
        %scan3A_413 = arith.constant 0 : i32
        scf.yield %scan3A_413 : i32
      }
      %scan3A_153 = arith.constant 40 : i32
      %dma_start3A_154 = arith.constant 0 : i32
      %dma_start3A_155 = arith.constant 0 : i32
      %dma_start3A_156 = tpu.memref_slice %arg9[%dma_start3A_154, %dma_start3A_155] : memref<10000x128xf32, #tpu.memory_space<vmem_shared>> -> memref<10000x128xf32, #tpu.memory_space<vmem_shared>>
      tpu.enqueue_indirect_dma source(%arg11 : memref<40x128xf32, #tpu.memory_space<vmem>>) target(%dma_start3A_156 : memref<10000x128xf32, #tpu.memory_space<vmem_shared>>) offsets(%arg16 : memref<40xi32, #tpu.memory_space<vmem>>) semaphore(%arg32 : memref<!tpu.dma_semaphore, #tpu.memory_space<semaphore_mem>>) {add = true}
      %ge3A = arith.constant 1 : i32
      %ge3A_157 = arith.cmpi sge, %add3A_127, %ge3A : i32
      %convert_element_type3A_158 = arith.extui %ge3A_157 : i1 to i32
      %cond3A_159 = arith.constant 0 : i32
      %cond3A_160 = arith.cmpi ne, %convert_element_type3A_158, %cond3A_159 : i32
      scf.if %cond3A_160 {
        %dma_wait3A_357 = arith.constant 0 : i32
        %dma_wait3A_358 = arith.constant 0 : i32
        %dma_wait3A_359 = tpu.memref_slice %arg9[%dma_wait3A_357, %dma_wait3A_358] : memref<10000x128xf32, #tpu.memory_space<vmem_shared>> -> memref<10000x128xf32, #tpu.memory_space<vmem_shared>>
        tpu.wait_indirect_dma semaphore(%arg36 : memref<!tpu.dma_semaphore, #tpu.memory_space<semaphore_mem>>) src(%arg15 : memref<40x128xf32, #tpu.memory_space<vmem>>) dst(%dma_wait3A_359 : memref<10000x128xf32, #tpu.memory_space<vmem_shared>>)
      } else {
      }
      %add3A_161 = arith.constant 5 : i32
      %add3A_162 = arith.addi %add3A_127, %add3A_161 : i32
      %sub3A = arith.constant 1 : i32
      %sub3A_163 = arith.subi %add3A_162, %sub3A : i32
      %lt3A = arith.constant 250 : i32
      %lt3A_164 = arith.cmpi slt, %sub3A_163, %lt3A : i32
      %convert_element_type3A_165 = arith.extui %lt3A_164 : i1 to i32
      %cond3A_166 = arith.constant 0 : i32
      %cond3A_167 = arith.cmpi ne, %convert_element_type3A_165, %cond3A_166 : i32
      scf.if %cond3A_167 {
        %add3A_357 = arith.constant 5 : i32
        %add3A_358 = arith.addi %add3A_127, %add3A_357 : i32
        %sub3A_359 = arith.constant 1 : i32
        %sub3A_360 = arith.subi %add3A_358, %sub3A_359 : i32
        %dma_start3A_361 = arith.constant 0 : i32
        %dma_start3A_362 = tpu.memref_slice %arg6[%add3A, %sub3A_360, %dma_start3A_361] : memref<32x250x40xi32, #tpu.memory_space<hbm>> -> memref<1x1x40xi32, #tpu.memory_space<hbm>>
        %dma_start3A_363 = tpu.memref_squeeze %dma_start3A_362 : memref<1x1x40xi32, #tpu.memory_space<hbm>> -> memref<40xi32, #tpu.memory_space<hbm>>
        %dma_start3A_364 = arith.constant 0 : i32
        %dma_start3A_365 = tpu.memref_slice %arg6[%add3A, %sub3A_360, %dma_start3A_364] : memref<32x250x40xi32, #tpu.memory_space<hbm>> -> memref<1x1x40xi32, #tpu.memory_space<hbm>>
        %dma_start3A_366 = tpu.memref_squeeze %dma_start3A_365 : memref<1x1x40xi32, #tpu.memory_space<hbm>> -> memref<40xi32, #tpu.memory_space<hbm>>
        tpu.enqueue_dma source(%dma_start3A_366 : memref<40xi32, #tpu.memory_space<hbm>>) target(%arg20 : memref<40xi32, #tpu.memory_space<vmem>>) target_semaphore(%arg31 : memref<!tpu.dma_semaphore, #tpu.memory_space<semaphore_mem>>)
        %dma_start3A_367 = arith.constant 0 : i32
        %dma_start3A_368 = tpu.memref_slice %arg7[%add3A, %sub3A_360, %dma_start3A_367] : memref<32x250x40xf32, #tpu.memory_space<hbm>> -> memref<1x1x40xf32, #tpu.memory_space<hbm>>
        %dma_start3A_369 = tpu.memref_squeeze %dma_start3A_368 : memref<1x1x40xf32, #tpu.memory_space<hbm>> -> memref<40xf32, #tpu.memory_space<hbm>>
        %dma_start3A_370 = arith.constant 0 : i32
        %dma_start3A_371 = tpu.memref_slice %arg7[%add3A, %sub3A_360, %dma_start3A_370] : memref<32x250x40xf32, #tpu.memory_space<hbm>> -> memref<1x1x40xf32, #tpu.memory_space<hbm>>
        %dma_start3A_372 = tpu.memref_squeeze %dma_start3A_371 : memref<1x1x40xf32, #tpu.memory_space<hbm>> -> memref<40xf32, #tpu.memory_space<hbm>>
        tpu.enqueue_dma source(%dma_start3A_372 : memref<40xf32, #tpu.memory_space<hbm>>) target(%arg25 : memref<40xf32, #tpu.memory_space<vmem>>) target_semaphore(%arg31 : memref<!tpu.dma_semaphore, #tpu.memory_space<semaphore_mem>>)
        %dma_start3A_373 = arith.constant 0 : i32
        %dma_start3A_374 = tpu.memref_slice %arg10[%sub3A_360, %dma_start3A_373] : memref<250x40xi32, #tpu.memory_space<vmem>> -> memref<1x40xi32, #tpu.memory_space<vmem>>
        %dma_start3A_375 = tpu.memref_squeeze %dma_start3A_374 : memref<1x40xi32, #tpu.memory_space<vmem>> -> memref<40xi32, #tpu.memory_space<vmem>>
        %dma_start3A_376 = arith.constant 0 : i32
        %dma_start3A_377 = arith.constant 0 : i32
        %dma_start3A_378 = tpu.memref_slice %arg2[%dma_start3A_376, %dma_start3A_377] : memref<90000x128xf32, #tpu.memory_space<hbm>> -> memref<90000x128xf32, #tpu.memory_space<hbm>>
        tpu.enqueue_indirect_dma source(%dma_start3A_378 : memref<90000x128xf32, #tpu.memory_space<hbm>>) target(%arg15 : memref<40x128xf32, #tpu.memory_space<vmem>>) offsets(%dma_start3A_375 : memref<40xi32, #tpu.memory_space<vmem>>) semaphore(%arg31 : memref<!tpu.dma_semaphore, #tpu.memory_space<semaphore_mem>>)
      } else {
      }
      %mul3A_168 = arith.constant 5 : i32
      %mul3A_169 = arith.muli %scan3A_122, %mul3A_168 : i32
      %add3A_170 = arith.constant 1 : i32
      %add3A_171 = arith.addi %mul3A_169, %add3A_170 : i32
      %dma_wait3A_172 = arith.constant 0 : i32
      %dma_wait3A_173 = tpu.memref_slice %arg6[%add3A, %add3A_171, %dma_wait3A_172] : memref<32x250x40xi32, #tpu.memory_space<hbm>> -> memref<1x1x40xi32, #tpu.memory_space<hbm>>
      %dma_wait3A_174 = tpu.memref_squeeze %dma_wait3A_173 : memref<1x1x40xi32, #tpu.memory_space<hbm>> -> memref<40xi32, #tpu.memory_space<hbm>>
      %dma_wait3A_175 = arith.constant 0 : i32
      %dma_wait3A_176 = tpu.memref_slice %arg6[%add3A, %add3A_171, %dma_wait3A_175] : memref<32x250x40xi32, #tpu.memory_space<hbm>> -> memref<1x1x40xi32, #tpu.memory_space<hbm>>
      %dma_wait3A_177 = tpu.memref_squeeze %dma_wait3A_176 : memref<1x1x40xi32, #tpu.memory_space<hbm>> -> memref<40xi32, #tpu.memory_space<hbm>>
      tpu.wait_dma2 semaphore(%arg28 : memref<!tpu.dma_semaphore, #tpu.memory_space<semaphore_mem>>) src(%dma_wait3A_177 : memref<40xi32, #tpu.memory_space<hbm>>) dst(%arg17 : memref<40xi32, #tpu.memory_space<vmem>>)
      %dma_wait3A_178 = arith.constant 0 : i32
      %dma_wait3A_179 = tpu.memref_slice %arg7[%add3A, %add3A_171, %dma_wait3A_178] : memref<32x250x40xf32, #tpu.memory_space<hbm>> -> memref<1x1x40xf32, #tpu.memory_space<hbm>>
      %dma_wait3A_180 = tpu.memref_squeeze %dma_wait3A_179 : memref<1x1x40xf32, #tpu.memory_space<hbm>> -> memref<40xf32, #tpu.memory_space<hbm>>
      %dma_wait3A_181 = arith.constant 0 : i32
      %dma_wait3A_182 = tpu.memref_slice %arg7[%add3A, %add3A_171, %dma_wait3A_181] : memref<32x250x40xf32, #tpu.memory_space<hbm>> -> memref<1x1x40xf32, #tpu.memory_space<hbm>>
      %dma_wait3A_183 = tpu.memref_squeeze %dma_wait3A_182 : memref<1x1x40xf32, #tpu.memory_space<hbm>> -> memref<40xf32, #tpu.memory_space<hbm>>
      tpu.wait_dma2 semaphore(%arg28 : memref<!tpu.dma_semaphore, #tpu.memory_space<semaphore_mem>>) src(%dma_wait3A_183 : memref<40xf32, #tpu.memory_space<hbm>>) dst(%arg22 : memref<40xf32, #tpu.memory_space<vmem>>)
      %dma_wait3A_184 = arith.constant 0 : i32
      %dma_wait3A_185 = arith.constant 0 : i32
      %dma_wait3A_186 = tpu.memref_slice %arg10[%dma_wait3A_184, %dma_wait3A_185] : memref<250x40xi32, #tpu.memory_space<vmem>> -> memref<1x40xi32, #tpu.memory_space<vmem>>
      %dma_wait3A_187 = tpu.memref_squeeze %dma_wait3A_186 : memref<1x40xi32, #tpu.memory_space<vmem>> -> memref<40xi32, #tpu.memory_space<vmem>>
      %dma_wait3A_188 = arith.constant 0 : i32
      %dma_wait3A_189 = arith.constant 0 : i32
      %dma_wait3A_190 = tpu.memref_slice %arg2[%dma_wait3A_188, %dma_wait3A_189] : memref<90000x128xf32, #tpu.memory_space<hbm>> -> memref<90000x128xf32, #tpu.memory_space<hbm>>
      tpu.wait_indirect_dma semaphore(%arg28 : memref<!tpu.dma_semaphore, #tpu.memory_space<semaphore_mem>>) src(%dma_wait3A_190 : memref<90000x128xf32, #tpu.memory_space<hbm>>) dst(%arg12 : memref<40x128xf32, #tpu.memory_space<vmem>>)
      %scan3A_191 = arith.constant 0 : i32
      %scan3A_192 = arith.constant 0 : i32
      %scan3A_193 = arith.constant 40 : i32
      %scan3A_194 = arith.addi %scan3A_192, %scan3A_193 : i32
      %scan3A_195 = arith.constant 1 : i32
      %scan3A_196 = scf.for %scan3A_357 = %scan3A_192 to %scan3A_194 step %scan3A_195 iter_args(%scan3A_358 = %scan3A_191) -> (i32)  : i32 {
        %broadcast_in_dim3A = vector.broadcast %scan3A_357 : i32 to vector<16xi32>
        %gather3A = tpu.vector_load_idx %arg22[%broadcast_in_dim3A] : memref<40xf32, #tpu.memory_space<vmem>>[vector<16xi32>], vector<16xf32>,
        %get3A = arith.index_cast %scan3A_357 : i32 to index
        %get3A_359 = arith.constant 0 : index
        %get3A_360 = tpu.vector_load %arg12[%get3A, %get3A_359] {strides = array<i32>} : memref<40x128xf32, #tpu.memory_space<vmem>>, vector<16xf32>,
        %mul3A_361 = arith.mulf %get3A_360, %gather3A : vector<16xf32>
        %swap3A = arith.index_cast %scan3A_357 : i32 to index
        %swap3A_362 = arith.constant 0 : index
        %swap3A_363 = tpu.vector_load %arg12[%swap3A, %swap3A_362] {strides = array<i32>} : memref<40x128xf32, #tpu.memory_space<vmem>>, vector<16xf32>,
        tpu.vector_store %arg12[%swap3A, %swap3A_362], %mul3A_361 {strides = array<i32>} : memref<40x128xf32, #tpu.memory_space<vmem>>, vector<16xf32>,
        %get3A_364 = arith.index_cast %scan3A_357 : i32 to index
        %get3A_365 = arith.constant 16 : index
        %get3A_366 = tpu.vector_load %arg12[%get3A_364, %get3A_365] {strides = array<i32>} : memref<40x128xf32, #tpu.memory_space<vmem>>, vector<16xf32>,
        %mul3A_367 = arith.mulf %get3A_366, %gather3A : vector<16xf32>
        %swap3A_368 = arith.index_cast %scan3A_357 : i32 to index
        %swap3A_369 = arith.constant 16 : index
        %swap3A_370 = tpu.vector_load %arg12[%swap3A_368, %swap3A_369] {strides = array<i32>} : memref<40x128xf32, #tpu.memory_space<vmem>>, vector<16xf32>,
        tpu.vector_store %arg12[%swap3A_368, %swap3A_369], %mul3A_367 {strides = array<i32>} : memref<40x128xf32, #tpu.memory_space<vmem>>, vector<16xf32>,
        %get3A_371 = arith.index_cast %scan3A_357 : i32 to index
        %get3A_372 = arith.constant 32 : index
        %get3A_373 = tpu.vector_load %arg12[%get3A_371, %get3A_372] {strides = array<i32>} : memref<40x128xf32, #tpu.memory_space<vmem>>, vector<16xf32>,
        %mul3A_374 = arith.mulf %get3A_373, %gather3A : vector<16xf32>
        %swap3A_375 = arith.index_cast %scan3A_357 : i32 to index
        %swap3A_376 = arith.constant 32 : index
        %swap3A_377 = tpu.vector_load %arg12[%swap3A_375, %swap3A_376] {strides = array<i32>} : memref<40x128xf32, #tpu.memory_space<vmem>>, vector<16xf32>,
        tpu.vector_store %arg12[%swap3A_375, %swap3A_376], %mul3A_374 {strides = array<i32>} : memref<40x128xf32, #tpu.memory_space<vmem>>, vector<16xf32>,
        %get3A_378 = arith.index_cast %scan3A_357 : i32 to index
        %get3A_379 = arith.constant 48 : index
        %get3A_380 = tpu.vector_load %arg12[%get3A_378, %get3A_379] {strides = array<i32>} : memref<40x128xf32, #tpu.memory_space<vmem>>, vector<16xf32>,
        %mul3A_381 = arith.mulf %get3A_380, %gather3A : vector<16xf32>
        %swap3A_382 = arith.index_cast %scan3A_357 : i32 to index
        %swap3A_383 = arith.constant 48 : index
        %swap3A_384 = tpu.vector_load %arg12[%swap3A_382, %swap3A_383] {strides = array<i32>} : memref<40x128xf32, #tpu.memory_space<vmem>>, vector<16xf32>,
        tpu.vector_store %arg12[%swap3A_382, %swap3A_383], %mul3A_381 {strides = array<i32>} : memref<40x128xf32, #tpu.memory_space<vmem>>, vector<16xf32>,
        %get3A_385 = arith.index_cast %scan3A_357 : i32 to index
        %get3A_386 = arith.constant 64 : index
        %get3A_387 = tpu.vector_load %arg12[%get3A_385, %get3A_386] {strides = array<i32>} : memref<40x128xf32, #tpu.memory_space<vmem>>, vector<16xf32>,
        %mul3A_388 = arith.mulf %get3A_387, %gather3A : vector<16xf32>
        %swap3A_389 = arith.index_cast %scan3A_357 : i32 to index
        %swap3A_390 = arith.constant 64 : index
        %swap3A_391 = tpu.vector_load %arg12[%swap3A_389, %swap3A_390] {strides = array<i32>} : memref<40x128xf32, #tpu.memory_space<vmem>>, vector<16xf32>,
        tpu.vector_store %arg12[%swap3A_389, %swap3A_390], %mul3A_388 {strides = array<i32>} : memref<40x128xf32, #tpu.memory_space<vmem>>, vector<16xf32>,
        %get3A_392 = arith.index_cast %scan3A_357 : i32 to index
        %get3A_393 = arith.constant 80 : index
        %get3A_394 = tpu.vector_load %arg12[%get3A_392, %get3A_393] {strides = array<i32>} : memref<40x128xf32, #tpu.memory_space<vmem>>, vector<16xf32>,
        %mul3A_395 = arith.mulf %get3A_394, %gather3A : vector<16xf32>
        %swap3A_396 = arith.index_cast %scan3A_357 : i32 to index
        %swap3A_397 = arith.constant 80 : index
        %swap3A_398 = tpu.vector_load %arg12[%swap3A_396, %swap3A_397] {strides = array<i32>} : memref<40x128xf32, #tpu.memory_space<vmem>>, vector<16xf32>,
        tpu.vector_store %arg12[%swap3A_396, %swap3A_397], %mul3A_395 {strides = array<i32>} : memref<40x128xf32, #tpu.memory_space<vmem>>, vector<16xf32>,
        %get3A_399 = arith.index_cast %scan3A_357 : i32 to index
        %get3A_400 = arith.constant 96 : index
        %get3A_401 = tpu.vector_load %arg12[%get3A_399, %get3A_400] {strides = array<i32>} : memref<40x128xf32, #tpu.memory_space<vmem>>, vector<16xf32>,
        %mul3A_402 = arith.mulf %get3A_401, %gather3A : vector<16xf32>
        %swap3A_403 = arith.index_cast %scan3A_357 : i32 to index
        %swap3A_404 = arith.constant 96 : index
        %swap3A_405 = tpu.vector_load %arg12[%swap3A_403, %swap3A_404] {strides = array<i32>} : memref<40x128xf32, #tpu.memory_space<vmem>>, vector<16xf32>,
        tpu.vector_store %arg12[%swap3A_403, %swap3A_404], %mul3A_402 {strides = array<i32>} : memref<40x128xf32, #tpu.memory_space<vmem>>, vector<16xf32>,
        %get3A_406 = arith.index_cast %scan3A_357 : i32 to index
        %get3A_407 = arith.constant 112 : index
        %get3A_408 = tpu.vector_load %arg12[%get3A_406, %get3A_407] {strides = array<i32>} : memref<40x128xf32, #tpu.memory_space<vmem>>, vector<16xf32>,
        %mul3A_409 = arith.mulf %get3A_408, %gather3A : vector<16xf32>
        %swap3A_410 = arith.index_cast %scan3A_357 : i32 to index
        %swap3A_411 = arith.constant 112 : index
        %swap3A_412 = tpu.vector_load %arg12[%swap3A_410, %swap3A_411] {strides = array<i32>} : memref<40x128xf32, #tpu.memory_space<vmem>>, vector<16xf32>,
        tpu.vector_store %arg12[%swap3A_410, %swap3A_411], %mul3A_409 {strides = array<i32>} : memref<40x128xf32, #tpu.memory_space<vmem>>, vector<16xf32>,
        %scan3A_413 = arith.constant 0 : i32
        scf.yield %scan3A_413 : i32
      }
      %scan3A_197 = arith.constant 40 : i32
      %dma_start3A_198 = arith.constant 0 : i32
      %dma_start3A_199 = arith.constant 0 : i32
      %dma_start3A_200 = tpu.memref_slice %arg9[%dma_start3A_198, %dma_start3A_199] : memref<10000x128xf32, #tpu.memory_space<vmem_shared>> -> memref<10000x128xf32, #tpu.memory_space<vmem_shared>>
      tpu.enqueue_indirect_dma source(%arg12 : memref<40x128xf32, #tpu.memory_space<vmem>>) target(%dma_start3A_200 : memref<10000x128xf32, #tpu.memory_space<vmem_shared>>) offsets(%arg17 : memref<40xi32, #tpu.memory_space<vmem>>) semaphore(%arg33 : memref<!tpu.dma_semaphore, #tpu.memory_space<semaphore_mem>>) {add = true}
      %ge3A_201 = arith.constant 1 : i32
      %ge3A_202 = arith.cmpi sge, %add3A_171, %ge3A_201 : i32
      %convert_element_type3A_203 = arith.extui %ge3A_202 : i1 to i32
      %cond3A_204 = arith.constant 0 : i32
      %cond3A_205 = arith.cmpi ne, %convert_element_type3A_203, %cond3A_204 : i32
      scf.if %cond3A_205 {
        %dma_wait3A_357 = arith.constant 0 : i32
        %dma_wait3A_358 = arith.constant 0 : i32
        %dma_wait3A_359 = tpu.memref_slice %arg9[%dma_wait3A_357, %dma_wait3A_358] : memref<10000x128xf32, #tpu.memory_space<vmem_shared>> -> memref<10000x128xf32, #tpu.memory_space<vmem_shared>>
        tpu.wait_indirect_dma semaphore(%arg32 : memref<!tpu.dma_semaphore, #tpu.memory_space<semaphore_mem>>) src(%arg11 : memref<40x128xf32, #tpu.memory_space<vmem>>) dst(%dma_wait3A_359 : memref<10000x128xf32, #tpu.memory_space<vmem_shared>>)
      } else {
      }
      %add3A_206 = arith.constant 5 : i32
      %add3A_207 = arith.addi %add3A_171, %add3A_206 : i32
      %sub3A_208 = arith.constant 1 : i32
      %sub3A_209 = arith.subi %add3A_207, %sub3A_208 : i32
      %lt3A_210 = arith.constant 250 : i32
      %lt3A_211 = arith.cmpi slt, %sub3A_209, %lt3A_210 : i32
      %convert_element_type3A_212 = arith.extui %lt3A_211 : i1 to i32
      %cond3A_213 = arith.constant 0 : i32
      %cond3A_214 = arith.cmpi ne, %convert_element_type3A_212, %cond3A_213 : i32
      scf.if %cond3A_214 {
        %add3A_357 = arith.constant 5 : i32
        %add3A_358 = arith.addi %add3A_171, %add3A_357 : i32
        %sub3A_359 = arith.constant 1 : i32
        %sub3A_360 = arith.subi %add3A_358, %sub3A_359 : i32
        %dma_start3A_361 = arith.constant 0 : i32
        %dma_start3A_362 = tpu.memref_slice %arg6[%add3A, %sub3A_360, %dma_start3A_361] : memref<32x250x40xi32, #tpu.memory_space<hbm>> -> memref<1x1x40xi32, #tpu.memory_space<hbm>>
        %dma_start3A_363 = tpu.memref_squeeze %dma_start3A_362 : memref<1x1x40xi32, #tpu.memory_space<hbm>> -> memref<40xi32, #tpu.memory_space<hbm>>
        %dma_start3A_364 = arith.constant 0 : i32
        %dma_start3A_365 = tpu.memref_slice %arg6[%add3A, %sub3A_360, %dma_start3A_364] : memref<32x250x40xi32, #tpu.memory_space<hbm>> -> memref<1x1x40xi32, #tpu.memory_space<hbm>>
        %dma_start3A_366 = tpu.memref_squeeze %dma_start3A_365 : memref<1x1x40xi32, #tpu.memory_space<hbm>> -> memref<40xi32, #tpu.memory_space<hbm>>
        tpu.enqueue_dma source(%dma_start3A_366 : memref<40xi32, #tpu.memory_space<hbm>>) target(%arg16 : memref<40xi32, #tpu.memory_space<vmem>>) target_semaphore(%arg27 : memref<!tpu.dma_semaphore, #tpu.memory_space<semaphore_mem>>)
        %dma_start3A_367 = arith.constant 0 : i32
        %dma_start3A_368 = tpu.memref_slice %arg7[%add3A, %sub3A_360, %dma_start3A_367] : memref<32x250x40xf32, #tpu.memory_space<hbm>> -> memref<1x1x40xf32, #tpu.memory_space<hbm>>
        %dma_start3A_369 = tpu.memref_squeeze %dma_start3A_368 : memref<1x1x40xf32, #tpu.memory_space<hbm>> -> memref<40xf32, #tpu.memory_space<hbm>>
        %dma_start3A_370 = arith.constant 0 : i32
        %dma_start3A_371 = tpu.memref_slice %arg7[%add3A, %sub3A_360, %dma_start3A_370] : memref<32x250x40xf32, #tpu.memory_space<hbm>> -> memref<1x1x40xf32, #tpu.memory_space<hbm>>
        %dma_start3A_372 = tpu.memref_squeeze %dma_start3A_371 : memref<1x1x40xf32, #tpu.memory_space<hbm>> -> memref<40xf32, #tpu.memory_space<hbm>>
        tpu.enqueue_dma source(%dma_start3A_372 : memref<40xf32, #tpu.memory_space<hbm>>) target(%arg21 : memref<40xf32, #tpu.memory_space<vmem>>) target_semaphore(%arg27 : memref<!tpu.dma_semaphore, #tpu.memory_space<semaphore_mem>>)
        %dma_start3A_373 = arith.constant 0 : i32
        %dma_start3A_374 = tpu.memref_slice %arg10[%sub3A_360, %dma_start3A_373] : memref<250x40xi32, #tpu.memory_space<vmem>> -> memref<1x40xi32, #tpu.memory_space<vmem>>
        %dma_start3A_375 = tpu.memref_squeeze %dma_start3A_374 : memref<1x40xi32, #tpu.memory_space<vmem>> -> memref<40xi32, #tpu.memory_space<vmem>>
        %dma_start3A_376 = arith.constant 0 : i32
        %dma_start3A_377 = arith.constant 0 : i32
        %dma_start3A_378 = tpu.memref_slice %arg2[%dma_start3A_376, %dma_start3A_377] : memref<90000x128xf32, #tpu.memory_space<hbm>> -> memref<90000x128xf32, #tpu.memory_space<hbm>>
        tpu.enqueue_indirect_dma source(%dma_start3A_378 : memref<90000x128xf32, #tpu.memory_space<hbm>>) target(%arg11 : memref<40x128xf32, #tpu.memory_space<vmem>>) offsets(%dma_start3A_375 : memref<40xi32, #tpu.memory_space<vmem>>) semaphore(%arg27 : memref<!tpu.dma_semaphore, #tpu.memory_space<semaphore_mem>>)
      } else {
      }
      %mul3A_215 = arith.constant 5 : i32
      %mul3A_216 = arith.muli %scan3A_122, %mul3A_215 : i32
      %add3A_217 = arith.constant 2 : i32
      %add3A_218 = arith.addi %mul3A_216, %add3A_217 : i32
      %dma_wait3A_219 = arith.constant 0 : i32
      %dma_wait3A_220 = tpu.memref_slice %arg6[%add3A, %add3A_218, %dma_wait3A_219] : memref<32x250x40xi32, #tpu.memory_space<hbm>> -> memref<1x1x40xi32, #tpu.memory_space<hbm>>
      %dma_wait3A_221 = tpu.memref_squeeze %dma_wait3A_220 : memref<1x1x40xi32, #tpu.memory_space<hbm>> -> memref<40xi32, #tpu.memory_space<hbm>>
      %dma_wait3A_222 = arith.constant 0 : i32
      %dma_wait3A_223 = tpu.memref_slice %arg6[%add3A, %add3A_218, %dma_wait3A_222] : memref<32x250x40xi32, #tpu.memory_space<hbm>> -> memref<1x1x40xi32, #tpu.memory_space<hbm>>
      %dma_wait3A_224 = tpu.memref_squeeze %dma_wait3A_223 : memref<1x1x40xi32, #tpu.memory_space<hbm>> -> memref<40xi32, #tpu.memory_space<hbm>>
      tpu.wait_dma2 semaphore(%arg29 : memref<!tpu.dma_semaphore, #tpu.memory_space<semaphore_mem>>) src(%dma_wait3A_224 : memref<40xi32, #tpu.memory_space<hbm>>) dst(%arg18 : memref<40xi32, #tpu.memory_space<vmem>>)
      %dma_wait3A_225 = arith.constant 0 : i32
      %dma_wait3A_226 = tpu.memref_slice %arg7[%add3A, %add3A_218, %dma_wait3A_225] : memref<32x250x40xf32, #tpu.memory_space<hbm>> -> memref<1x1x40xf32, #tpu.memory_space<hbm>>
      %dma_wait3A_227 = tpu.memref_squeeze %dma_wait3A_226 : memref<1x1x40xf32, #tpu.memory_space<hbm>> -> memref<40xf32, #tpu.memory_space<hbm>>
      %dma_wait3A_228 = arith.constant 0 : i32
      %dma_wait3A_229 = tpu.memref_slice %arg7[%add3A, %add3A_218, %dma_wait3A_228] : memref<32x250x40xf32, #tpu.memory_space<hbm>> -> memref<1x1x40xf32, #tpu.memory_space<hbm>>
      %dma_wait3A_230 = tpu.memref_squeeze %dma_wait3A_229 : memref<1x1x40xf32, #tpu.memory_space<hbm>> -> memref<40xf32, #tpu.memory_space<hbm>>
      tpu.wait_dma2 semaphore(%arg29 : memref<!tpu.dma_semaphore, #tpu.memory_space<semaphore_mem>>) src(%dma_wait3A_230 : memref<40xf32, #tpu.memory_space<hbm>>) dst(%arg23 : memref<40xf32, #tpu.memory_space<vmem>>)
      %dma_wait3A_231 = arith.constant 0 : i32
      %dma_wait3A_232 = arith.constant 0 : i32
      %dma_wait3A_233 = tpu.memref_slice %arg10[%dma_wait3A_231, %dma_wait3A_232] : memref<250x40xi32, #tpu.memory_space<vmem>> -> memref<1x40xi32, #tpu.memory_space<vmem>>
      %dma_wait3A_234 = tpu.memref_squeeze %dma_wait3A_233 : memref<1x40xi32, #tpu.memory_space<vmem>> -> memref<40xi32, #tpu.memory_space<vmem>>
      %dma_wait3A_235 = arith.constant 0 : i32
      %dma_wait3A_236 = arith.constant 0 : i32
      %dma_wait3A_237 = tpu.memref_slice %arg2[%dma_wait3A_235, %dma_wait3A_236] : memref<90000x128xf32, #tpu.memory_space<hbm>> -> memref<90000x128xf32, #tpu.memory_space<hbm>>
      tpu.wait_indirect_dma semaphore(%arg29 : memref<!tpu.dma_semaphore, #tpu.memory_space<semaphore_mem>>) src(%dma_wait3A_237 : memref<90000x128xf32, #tpu.memory_space<hbm>>) dst(%arg13 : memref<40x128xf32, #tpu.memory_space<vmem>>)
      %scan3A_238 = arith.constant 0 : i32
      %scan3A_239 = arith.constant 0 : i32
      %scan3A_240 = arith.constant 40 : i32
      %scan3A_241 = arith.addi %scan3A_239, %scan3A_240 : i32
      %scan3A_242 = arith.constant 1 : i32
      %scan3A_243 = scf.for %scan3A_357 = %scan3A_239 to %scan3A_241 step %scan3A_242 iter_args(%scan3A_358 = %scan3A_238) -> (i32)  : i32 {
        %broadcast_in_dim3A = vector.broadcast %scan3A_357 : i32 to vector<16xi32>
        %gather3A = tpu.vector_load_idx %arg23[%broadcast_in_dim3A] : memref<40xf32, #tpu.memory_space<vmem>>[vector<16xi32>], vector<16xf32>,
        %get3A = arith.index_cast %scan3A_357 : i32 to index
        %get3A_359 = arith.constant 0 : index
        %get3A_360 = tpu.vector_load %arg13[%get3A, %get3A_359] {strides = array<i32>} : memref<40x128xf32, #tpu.memory_space<vmem>>, vector<16xf32>,
        %mul3A_361 = arith.mulf %get3A_360, %gather3A : vector<16xf32>
        %swap3A = arith.index_cast %scan3A_357 : i32 to index
        %swap3A_362 = arith.constant 0 : index
        %swap3A_363 = tpu.vector_load %arg13[%swap3A, %swap3A_362] {strides = array<i32>} : memref<40x128xf32, #tpu.memory_space<vmem>>, vector<16xf32>,
        tpu.vector_store %arg13[%swap3A, %swap3A_362], %mul3A_361 {strides = array<i32>} : memref<40x128xf32, #tpu.memory_space<vmem>>, vector<16xf32>,
        %get3A_364 = arith.index_cast %scan3A_357 : i32 to index
        %get3A_365 = arith.constant 16 : index
        %get3A_366 = tpu.vector_load %arg13[%get3A_364, %get3A_365] {strides = array<i32>} : memref<40x128xf32, #tpu.memory_space<vmem>>, vector<16xf32>,
        %mul3A_367 = arith.mulf %get3A_366, %gather3A : vector<16xf32>
        %swap3A_368 = arith.index_cast %scan3A_357 : i32 to index
        %swap3A_369 = arith.constant 16 : index
        %swap3A_370 = tpu.vector_load %arg13[%swap3A_368, %swap3A_369] {strides = array<i32>} : memref<40x128xf32, #tpu.memory_space<vmem>>, vector<16xf32>,
        tpu.vector_store %arg13[%swap3A_368, %swap3A_369], %mul3A_367 {strides = array<i32>} : memref<40x128xf32, #tpu.memory_space<vmem>>, vector<16xf32>,
        %get3A_371 = arith.index_cast %scan3A_357 : i32 to index
        %get3A_372 = arith.constant 32 : index
        %get3A_373 = tpu.vector_load %arg13[%get3A_371, %get3A_372] {strides = array<i32>} : memref<40x128xf32, #tpu.memory_space<vmem>>, vector<16xf32>,
        %mul3A_374 = arith.mulf %get3A_373, %gather3A : vector<16xf32>
        %swap3A_375 = arith.index_cast %scan3A_357 : i32 to index
        %swap3A_376 = arith.constant 32 : index
        %swap3A_377 = tpu.vector_load %arg13[%swap3A_375, %swap3A_376] {strides = array<i32>} : memref<40x128xf32, #tpu.memory_space<vmem>>, vector<16xf32>,
        tpu.vector_store %arg13[%swap3A_375, %swap3A_376], %mul3A_374 {strides = array<i32>} : memref<40x128xf32, #tpu.memory_space<vmem>>, vector<16xf32>,
        %get3A_378 = arith.index_cast %scan3A_357 : i32 to index
        %get3A_379 = arith.constant 48 : index
        %get3A_380 = tpu.vector_load %arg13[%get3A_378, %get3A_379] {strides = array<i32>} : memref<40x128xf32, #tpu.memory_space<vmem>>, vector<16xf32>,
        %mul3A_381 = arith.mulf %get3A_380, %gather3A : vector<16xf32>
        %swap3A_382 = arith.index_cast %scan3A_357 : i32 to index
        %swap3A_383 = arith.constant 48 : index
        %swap3A_384 = tpu.vector_load %arg13[%swap3A_382, %swap3A_383] {strides = array<i32>} : memref<40x128xf32, #tpu.memory_space<vmem>>, vector<16xf32>,
        tpu.vector_store %arg13[%swap3A_382, %swap3A_383], %mul3A_381 {strides = array<i32>} : memref<40x128xf32, #tpu.memory_space<vmem>>, vector<16xf32>,
        %get3A_385 = arith.index_cast %scan3A_357 : i32 to index
        %get3A_386 = arith.constant 64 : index
        %get3A_387 = tpu.vector_load %arg13[%get3A_385, %get3A_386] {strides = array<i32>} : memref<40x128xf32, #tpu.memory_space<vmem>>, vector<16xf32>,
        %mul3A_388 = arith.mulf %get3A_387, %gather3A : vector<16xf32>
        %swap3A_389 = arith.index_cast %scan3A_357 : i32 to index
        %swap3A_390 = arith.constant 64 : index
        %swap3A_391 = tpu.vector_load %arg13[%swap3A_389, %swap3A_390] {strides = array<i32>} : memref<40x128xf32, #tpu.memory_space<vmem>>, vector<16xf32>,
        tpu.vector_store %arg13[%swap3A_389, %swap3A_390], %mul3A_388 {strides = array<i32>} : memref<40x128xf32, #tpu.memory_space<vmem>>, vector<16xf32>,
        %get3A_392 = arith.index_cast %scan3A_357 : i32 to index
        %get3A_393 = arith.constant 80 : index
        %get3A_394 = tpu.vector_load %arg13[%get3A_392, %get3A_393] {strides = array<i32>} : memref<40x128xf32, #tpu.memory_space<vmem>>, vector<16xf32>,
        %mul3A_395 = arith.mulf %get3A_394, %gather3A : vector<16xf32>
        %swap3A_396 = arith.index_cast %scan3A_357 : i32 to index
        %swap3A_397 = arith.constant 80 : index
        %swap3A_398 = tpu.vector_load %arg13[%swap3A_396, %swap3A_397] {strides = array<i32>} : memref<40x128xf32, #tpu.memory_space<vmem>>, vector<16xf32>,
        tpu.vector_store %arg13[%swap3A_396, %swap3A_397], %mul3A_395 {strides = array<i32>} : memref<40x128xf32, #tpu.memory_space<vmem>>, vector<16xf32>,
        %get3A_399 = arith.index_cast %scan3A_357 : i32 to index
        %get3A_400 = arith.constant 96 : index
        %get3A_401 = tpu.vector_load %arg13[%get3A_399, %get3A_400] {strides = array<i32>} : memref<40x128xf32, #tpu.memory_space<vmem>>, vector<16xf32>,
        %mul3A_402 = arith.mulf %get3A_401, %gather3A : vector<16xf32>
        %swap3A_403 = arith.index_cast %scan3A_357 : i32 to index
        %swap3A_404 = arith.constant 96 : index
        %swap3A_405 = tpu.vector_load %arg13[%swap3A_403, %swap3A_404] {strides = array<i32>} : memref<40x128xf32, #tpu.memory_space<vmem>>, vector<16xf32>,
        tpu.vector_store %arg13[%swap3A_403, %swap3A_404], %mul3A_402 {strides = array<i32>} : memref<40x128xf32, #tpu.memory_space<vmem>>, vector<16xf32>,
        %get3A_406 = arith.index_cast %scan3A_357 : i32 to index
        %get3A_407 = arith.constant 112 : index
        %get3A_408 = tpu.vector_load %arg13[%get3A_406, %get3A_407] {strides = array<i32>} : memref<40x128xf32, #tpu.memory_space<vmem>>, vector<16xf32>,
        %mul3A_409 = arith.mulf %get3A_408, %gather3A : vector<16xf32>
        %swap3A_410 = arith.index_cast %scan3A_357 : i32 to index
        %swap3A_411 = arith.constant 112 : index
        %swap3A_412 = tpu.vector_load %arg13[%swap3A_410, %swap3A_411] {strides = array<i32>} : memref<40x128xf32, #tpu.memory_space<vmem>>, vector<16xf32>,
        tpu.vector_store %arg13[%swap3A_410, %swap3A_411], %mul3A_409 {strides = array<i32>} : memref<40x128xf32, #tpu.memory_space<vmem>>, vector<16xf32>,
        %scan3A_413 = arith.constant 0 : i32
        scf.yield %scan3A_413 : i32
      }
      %scan3A_244 = arith.constant 40 : i32
      %dma_start3A_245 = arith.constant 0 : i32
      %dma_start3A_246 = arith.constant 0 : i32
      %dma_start3A_247 = tpu.memref_slice %arg9[%dma_start3A_245, %dma_start3A_246] : memref<10000x128xf32, #tpu.memory_space<vmem_shared>> -> memref<10000x128xf32, #tpu.memory_space<vmem_shared>>
      tpu.enqueue_indirect_dma source(%arg13 : memref<40x128xf32, #tpu.memory_space<vmem>>) target(%dma_start3A_247 : memref<10000x128xf32, #tpu.memory_space<vmem_shared>>) offsets(%arg18 : memref<40xi32, #tpu.memory_space<vmem>>) semaphore(%arg34 : memref<!tpu.dma_semaphore, #tpu.memory_space<semaphore_mem>>) {add = true}
      %ge3A_248 = arith.constant 1 : i32
      %ge3A_249 = arith.cmpi sge, %add3A_218, %ge3A_248 : i32
      %convert_element_type3A_250 = arith.extui %ge3A_249 : i1 to i32
      %cond3A_251 = arith.constant 0 : i32
      %cond3A_252 = arith.cmpi ne, %convert_element_type3A_250, %cond3A_251 : i32
      scf.if %cond3A_252 {
        %dma_wait3A_357 = arith.constant 0 : i32
        %dma_wait3A_358 = arith.constant 0 : i32
        %dma_wait3A_359 = tpu.memref_slice %arg9[%dma_wait3A_357, %dma_wait3A_358] : memref<10000x128xf32, #tpu.memory_space<vmem_shared>> -> memref<10000x128xf32, #tpu.memory_space<vmem_shared>>
        tpu.wait_indirect_dma semaphore(%arg33 : memref<!tpu.dma_semaphore, #tpu.memory_space<semaphore_mem>>) src(%arg12 : memref<40x128xf32, #tpu.memory_space<vmem>>) dst(%dma_wait3A_359 : memref<10000x128xf32, #tpu.memory_space<vmem_shared>>)
      } else {
      }
      %add3A_253 = arith.constant 5 : i32
      %add3A_254 = arith.addi %add3A_218, %add3A_253 : i32
      %sub3A_255 = arith.constant 1 : i32
      %sub3A_256 = arith.subi %add3A_254, %sub3A_255 : i32
      %lt3A_257 = arith.constant 250 : i32
      %lt3A_258 = arith.cmpi slt, %sub3A_256, %lt3A_257 : i32
      %convert_element_type3A_259 = arith.extui %lt3A_258 : i1 to i32
      %cond3A_260 = arith.constant 0 : i32
      %cond3A_261 = arith.cmpi ne, %convert_element_type3A_259, %cond3A_260 : i32
      scf.if %cond3A_261 {
        %add3A_357 = arith.constant 5 : i32
        %add3A_358 = arith.addi %add3A_218, %add3A_357 : i32
        %sub3A_359 = arith.constant 1 : i32
        %sub3A_360 = arith.subi %add3A_358, %sub3A_359 : i32
        %dma_start3A_361 = arith.constant 0 : i32
        %dma_start3A_362 = tpu.memref_slice %arg6[%add3A, %sub3A_360, %dma_start3A_361] : memref<32x250x40xi32, #tpu.memory_space<hbm>> -> memref<1x1x40xi32, #tpu.memory_space<hbm>>
        %dma_start3A_363 = tpu.memref_squeeze %dma_start3A_362 : memref<1x1x40xi32, #tpu.memory_space<hbm>> -> memref<40xi32, #tpu.memory_space<hbm>>
        %dma_start3A_364 = arith.constant 0 : i32
        %dma_start3A_365 = tpu.memref_slice %arg6[%add3A, %sub3A_360, %dma_start3A_364] : memref<32x250x40xi32, #tpu.memory_space<hbm>> -> memref<1x1x40xi32, #tpu.memory_space<hbm>>
        %dma_start3A_366 = tpu.memref_squeeze %dma_start3A_365 : memref<1x1x40xi32, #tpu.memory_space<hbm>> -> memref<40xi32, #tpu.memory_space<hbm>>
        tpu.enqueue_dma source(%dma_start3A_366 : memref<40xi32, #tpu.memory_space<hbm>>) target(%arg17 : memref<40xi32, #tpu.memory_space<vmem>>) target_semaphore(%arg28 : memref<!tpu.dma_semaphore, #tpu.memory_space<semaphore_mem>>)
        %dma_start3A_367 = arith.constant 0 : i32
        %dma_start3A_368 = tpu.memref_slice %arg7[%add3A, %sub3A_360, %dma_start3A_367] : memref<32x250x40xf32, #tpu.memory_space<hbm>> -> memref<1x1x40xf32, #tpu.memory_space<hbm>>
        %dma_start3A_369 = tpu.memref_squeeze %dma_start3A_368 : memref<1x1x40xf32, #tpu.memory_space<hbm>> -> memref<40xf32, #tpu.memory_space<hbm>>
        %dma_start3A_370 = arith.constant 0 : i32
        %dma_start3A_371 = tpu.memref_slice %arg7[%add3A, %sub3A_360, %dma_start3A_370] : memref<32x250x40xf32, #tpu.memory_space<hbm>> -> memref<1x1x40xf32, #tpu.memory_space<hbm>>
        %dma_start3A_372 = tpu.memref_squeeze %dma_start3A_371 : memref<1x1x40xf32, #tpu.memory_space<hbm>> -> memref<40xf32, #tpu.memory_space<hbm>>
        tpu.enqueue_dma source(%dma_start3A_372 : memref<40xf32, #tpu.memory_space<hbm>>) target(%arg22 : memref<40xf32, #tpu.memory_space<vmem>>) target_semaphore(%arg28 : memref<!tpu.dma_semaphore, #tpu.memory_space<semaphore_mem>>)
        %dma_start3A_373 = arith.constant 0 : i32
        %dma_start3A_374 = tpu.memref_slice %arg10[%sub3A_360, %dma_start3A_373] : memref<250x40xi32, #tpu.memory_space<vmem>> -> memref<1x40xi32, #tpu.memory_space<vmem>>
        %dma_start3A_375 = tpu.memref_squeeze %dma_start3A_374 : memref<1x40xi32, #tpu.memory_space<vmem>> -> memref<40xi32, #tpu.memory_space<vmem>>
        %dma_start3A_376 = arith.constant 0 : i32
        %dma_start3A_377 = arith.constant 0 : i32
        %dma_start3A_378 = tpu.memref_slice %arg2[%dma_start3A_376, %dma_start3A_377] : memref<90000x128xf32, #tpu.memory_space<hbm>> -> memref<90000x128xf32, #tpu.memory_space<hbm>>
        tpu.enqueue_indirect_dma source(%dma_start3A_378 : memref<90000x128xf32, #tpu.memory_space<hbm>>) target(%arg12 : memref<40x128xf32, #tpu.memory_space<vmem>>) offsets(%dma_start3A_375 : memref<40xi32, #tpu.memory_space<vmem>>) semaphore(%arg28 : memref<!tpu.dma_semaphore, #tpu.memory_space<semaphore_mem>>)
      } else {
      }
      %mul3A_262 = arith.constant 5 : i32
      %mul3A_263 = arith.muli %scan3A_122, %mul3A_262 : i32
      %add3A_264 = arith.constant 3 : i32
      %add3A_265 = arith.addi %mul3A_263, %add3A_264 : i32
      %dma_wait3A_266 = arith.constant 0 : i32
      %dma_wait3A_267 = tpu.memref_slice %arg6[%add3A, %add3A_265, %dma_wait3A_266] : memref<32x250x40xi32, #tpu.memory_space<hbm>> -> memref<1x1x40xi32, #tpu.memory_space<hbm>>
      %dma_wait3A_268 = tpu.memref_squeeze %dma_wait3A_267 : memref<1x1x40xi32, #tpu.memory_space<hbm>> -> memref<40xi32, #tpu.memory_space<hbm>>
      %dma_wait3A_269 = arith.constant 0 : i32
      %dma_wait3A_270 = tpu.memref_slice %arg6[%add3A, %add3A_265, %dma_wait3A_269] : memref<32x250x40xi32, #tpu.memory_space<hbm>> -> memref<1x1x40xi32, #tpu.memory_space<hbm>>
      %dma_wait3A_271 = tpu.memref_squeeze %dma_wait3A_270 : memref<1x1x40xi32, #tpu.memory_space<hbm>> -> memref<40xi32, #tpu.memory_space<hbm>>
      tpu.wait_dma2 semaphore(%arg30 : memref<!tpu.dma_semaphore, #tpu.memory_space<semaphore_mem>>) src(%dma_wait3A_271 : memref<40xi32, #tpu.memory_space<hbm>>) dst(%arg19 : memref<40xi32, #tpu.memory_space<vmem>>)
      %dma_wait3A_272 = arith.constant 0 : i32
      %dma_wait3A_273 = tpu.memref_slice %arg7[%add3A, %add3A_265, %dma_wait3A_272] : memref<32x250x40xf32, #tpu.memory_space<hbm>> -> memref<1x1x40xf32, #tpu.memory_space<hbm>>
      %dma_wait3A_274 = tpu.memref_squeeze %dma_wait3A_273 : memref<1x1x40xf32, #tpu.memory_space<hbm>> -> memref<40xf32, #tpu.memory_space<hbm>>
      %dma_wait3A_275 = arith.constant 0 : i32
      %dma_wait3A_276 = tpu.memref_slice %arg7[%add3A, %add3A_265, %dma_wait3A_275] : memref<32x250x40xf32, #tpu.memory_space<hbm>> -> memref<1x1x40xf32, #tpu.memory_space<hbm>>
      %dma_wait3A_277 = tpu.memref_squeeze %dma_wait3A_276 : memref<1x1x40xf32, #tpu.memory_space<hbm>> -> memref<40xf32, #tpu.memory_space<hbm>>
      tpu.wait_dma2 semaphore(%arg30 : memref<!tpu.dma_semaphore, #tpu.memory_space<semaphore_mem>>) src(%dma_wait3A_277 : memref<40xf32, #tpu.memory_space<hbm>>) dst(%arg24 : memref<40xf32, #tpu.memory_space<vmem>>)
      %dma_wait3A_278 = arith.constant 0 : i32
      %dma_wait3A_279 = arith.constant 0 : i32
      %dma_wait3A_280 = tpu.memref_slice %arg10[%dma_wait3A_278, %dma_wait3A_279] : memref<250x40xi32, #tpu.memory_space<vmem>> -> memref<1x40xi32, #tpu.memory_space<vmem>>
      %dma_wait3A_281 = tpu.memref_squeeze %dma_wait3A_280 : memref<1x40xi32, #tpu.memory_space<vmem>> -> memref<40xi32, #tpu.memory_space<vmem>>
      %dma_wait3A_282 = arith.constant 0 : i32
      %dma_wait3A_283 = arith.constant 0 : i32
      %dma_wait3A_284 = tpu.memref_slice %arg2[%dma_wait3A_282, %dma_wait3A_283] : memref<90000x128xf32, #tpu.memory_space<hbm>> -> memref<90000x128xf32, #tpu.memory_space<hbm>>
      tpu.wait_indirect_dma semaphore(%arg30 : memref<!tpu.dma_semaphore, #tpu.memory_space<semaphore_mem>>) src(%dma_wait3A_284 : memref<90000x128xf32, #tpu.memory_space<hbm>>) dst(%arg14 : memref<40x128xf32, #tpu.memory_space<vmem>>)
      %scan3A_285 = arith.constant 0 : i32
      %scan3A_286 = arith.constant 0 : i32
      %scan3A_287 = arith.constant 40 : i32
      %scan3A_288 = arith.addi %scan3A_286, %scan3A_287 : i32
      %scan3A_289 = arith.constant 1 : i32
      %scan3A_290 = scf.for %scan3A_357 = %scan3A_286 to %scan3A_288 step %scan3A_289 iter_args(%scan3A_358 = %scan3A_285) -> (i32)  : i32 {
        %broadcast_in_dim3A = vector.broadcast %scan3A_357 : i32 to vector<16xi32>
        %gather3A = tpu.vector_load_idx %arg24[%broadcast_in_dim3A] : memref<40xf32, #tpu.memory_space<vmem>>[vector<16xi32>], vector<16xf32>,
        %get3A = arith.index_cast %scan3A_357 : i32 to index
        %get3A_359 = arith.constant 0 : index
        %get3A_360 = tpu.vector_load %arg14[%get3A, %get3A_359] {strides = array<i32>} : memref<40x128xf32, #tpu.memory_space<vmem>>, vector<16xf32>,
        %mul3A_361 = arith.mulf %get3A_360, %gather3A : vector<16xf32>
        %swap3A = arith.index_cast %scan3A_357 : i32 to index
        %swap3A_362 = arith.constant 0 : index
        %swap3A_363 = tpu.vector_load %arg14[%swap3A, %swap3A_362] {strides = array<i32>} : memref<40x128xf32, #tpu.memory_space<vmem>>, vector<16xf32>,
        tpu.vector_store %arg14[%swap3A, %swap3A_362], %mul3A_361 {strides = array<i32>} : memref<40x128xf32, #tpu.memory_space<vmem>>, vector<16xf32>,
        %get3A_364 = arith.index_cast %scan3A_357 : i32 to index
        %get3A_365 = arith.constant 16 : index
        %get3A_366 = tpu.vector_load %arg14[%get3A_364, %get3A_365] {strides = array<i32>} : memref<40x128xf32, #tpu.memory_space<vmem>>, vector<16xf32>,
        %mul3A_367 = arith.mulf %get3A_366, %gather3A : vector<16xf32>
        %swap3A_368 = arith.index_cast %scan3A_357 : i32 to index
        %swap3A_369 = arith.constant 16 : index
        %swap3A_370 = tpu.vector_load %arg14[%swap3A_368, %swap3A_369] {strides = array<i32>} : memref<40x128xf32, #tpu.memory_space<vmem>>, vector<16xf32>,
        tpu.vector_store %arg14[%swap3A_368, %swap3A_369], %mul3A_367 {strides = array<i32>} : memref<40x128xf32, #tpu.memory_space<vmem>>, vector<16xf32>,
        %get3A_371 = arith.index_cast %scan3A_357 : i32 to index
        %get3A_372 = arith.constant 32 : index
        %get3A_373 = tpu.vector_load %arg14[%get3A_371, %get3A_372] {strides = array<i32>} : memref<40x128xf32, #tpu.memory_space<vmem>>, vector<16xf32>,
        %mul3A_374 = arith.mulf %get3A_373, %gather3A : vector<16xf32>
        %swap3A_375 = arith.index_cast %scan3A_357 : i32 to index
        %swap3A_376 = arith.constant 32 : index
        %swap3A_377 = tpu.vector_load %arg14[%swap3A_375, %swap3A_376] {strides = array<i32>} : memref<40x128xf32, #tpu.memory_space<vmem>>, vector<16xf32>,
        tpu.vector_store %arg14[%swap3A_375, %swap3A_376], %mul3A_374 {strides = array<i32>} : memref<40x128xf32, #tpu.memory_space<vmem>>, vector<16xf32>,
        %get3A_378 = arith.index_cast %scan3A_357 : i32 to index
        %get3A_379 = arith.constant 48 : index
        %get3A_380 = tpu.vector_load %arg14[%get3A_378, %get3A_379] {strides = array<i32>} : memref<40x128xf32, #tpu.memory_space<vmem>>, vector<16xf32>,
        %mul3A_381 = arith.mulf %get3A_380, %gather3A : vector<16xf32>
        %swap3A_382 = arith.index_cast %scan3A_357 : i32 to index
        %swap3A_383 = arith.constant 48 : index
        %swap3A_384 = tpu.vector_load %arg14[%swap3A_382, %swap3A_383] {strides = array<i32>} : memref<40x128xf32, #tpu.memory_space<vmem>>, vector<16xf32>,
        tpu.vector_store %arg14[%swap3A_382, %swap3A_383], %mul3A_381 {strides = array<i32>} : memref<40x128xf32, #tpu.memory_space<vmem>>, vector<16xf32>,
        %get3A_385 = arith.index_cast %scan3A_357 : i32 to index
        %get3A_386 = arith.constant 64 : index
        %get3A_387 = tpu.vector_load %arg14[%get3A_385, %get3A_386] {strides = array<i32>} : memref<40x128xf32, #tpu.memory_space<vmem>>, vector<16xf32>,
        %mul3A_388 = arith.mulf %get3A_387, %gather3A : vector<16xf32>
        %swap3A_389 = arith.index_cast %scan3A_357 : i32 to index
        %swap3A_390 = arith.constant 64 : index
        %swap3A_391 = tpu.vector_load %arg14[%swap3A_389, %swap3A_390] {strides = array<i32>} : memref<40x128xf32, #tpu.memory_space<vmem>>, vector<16xf32>,
        tpu.vector_store %arg14[%swap3A_389, %swap3A_390], %mul3A_388 {strides = array<i32>} : memref<40x128xf32, #tpu.memory_space<vmem>>, vector<16xf32>,
        %get3A_392 = arith.index_cast %scan3A_357 : i32 to index
        %get3A_393 = arith.constant 80 : index
        %get3A_394 = tpu.vector_load %arg14[%get3A_392, %get3A_393] {strides = array<i32>} : memref<40x128xf32, #tpu.memory_space<vmem>>, vector<16xf32>,
        %mul3A_395 = arith.mulf %get3A_394, %gather3A : vector<16xf32>
        %swap3A_396 = arith.index_cast %scan3A_357 : i32 to index
        %swap3A_397 = arith.constant 80 : index
        %swap3A_398 = tpu.vector_load %arg14[%swap3A_396, %swap3A_397] {strides = array<i32>} : memref<40x128xf32, #tpu.memory_space<vmem>>, vector<16xf32>,
        tpu.vector_store %arg14[%swap3A_396, %swap3A_397], %mul3A_395 {strides = array<i32>} : memref<40x128xf32, #tpu.memory_space<vmem>>, vector<16xf32>,
        %get3A_399 = arith.index_cast %scan3A_357 : i32 to index
        %get3A_400 = arith.constant 96 : index
        %get3A_401 = tpu.vector_load %arg14[%get3A_399, %get3A_400] {strides = array<i32>} : memref<40x128xf32, #tpu.memory_space<vmem>>, vector<16xf32>,
        %mul3A_402 = arith.mulf %get3A_401, %gather3A : vector<16xf32>
        %swap3A_403 = arith.index_cast %scan3A_357 : i32 to index
        %swap3A_404 = arith.constant 96 : index
        %swap3A_405 = tpu.vector_load %arg14[%swap3A_403, %swap3A_404] {strides = array<i32>} : memref<40x128xf32, #tpu.memory_space<vmem>>, vector<16xf32>,
        tpu.vector_store %arg14[%swap3A_403, %swap3A_404], %mul3A_402 {strides = array<i32>} : memref<40x128xf32, #tpu.memory_space<vmem>>, vector<16xf32>,
        %get3A_406 = arith.index_cast %scan3A_357 : i32 to index
        %get3A_407 = arith.constant 112 : index
        %get3A_408 = tpu.vector_load %arg14[%get3A_406, %get3A_407] {strides = array<i32>} : memref<40x128xf32, #tpu.memory_space<vmem>>, vector<16xf32>,
        %mul3A_409 = arith.mulf %get3A_408, %gather3A : vector<16xf32>
        %swap3A_410 = arith.index_cast %scan3A_357 : i32 to index
        %swap3A_411 = arith.constant 112 : index
        %swap3A_412 = tpu.vector_load %arg14[%swap3A_410, %swap3A_411] {strides = array<i32>} : memref<40x128xf32, #tpu.memory_space<vmem>>, vector<16xf32>,
        tpu.vector_store %arg14[%swap3A_410, %swap3A_411], %mul3A_409 {strides = array<i32>} : memref<40x128xf32, #tpu.memory_space<vmem>>, vector<16xf32>,
        %scan3A_413 = arith.constant 0 : i32
        scf.yield %scan3A_413 : i32
      }
      %scan3A_291 = arith.constant 40 : i32
      %dma_start3A_292 = arith.constant 0 : i32
      %dma_start3A_293 = arith.constant 0 : i32
      %dma_start3A_294 = tpu.memref_slice %arg9[%dma_start3A_292, %dma_start3A_293] : memref<10000x128xf32, #tpu.memory_space<vmem_shared>> -> memref<10000x128xf32, #tpu.memory_space<vmem_shared>>
      tpu.enqueue_indirect_dma source(%arg14 : memref<40x128xf32, #tpu.memory_space<vmem>>) target(%dma_start3A_294 : memref<10000x128xf32, #tpu.memory_space<vmem_shared>>) offsets(%arg19 : memref<40xi32, #tpu.memory_space<vmem>>) semaphore(%arg35 : memref<!tpu.dma_semaphore, #tpu.memory_space<semaphore_mem>>) {add = true}
      %ge3A_295 = arith.constant 1 : i32
      %ge3A_296 = arith.cmpi sge, %add3A_265, %ge3A_295 : i32
      %convert_element_type3A_297 = arith.extui %ge3A_296 : i1 to i32
      %cond3A_298 = arith.constant 0 : i32
      %cond3A_299 = arith.cmpi ne, %convert_element_type3A_297, %cond3A_298 : i32
      scf.if %cond3A_299 {
        %dma_wait3A_357 = arith.constant 0 : i32
        %dma_wait3A_358 = arith.constant 0 : i32
        %dma_wait3A_359 = tpu.memref_slice %arg9[%dma_wait3A_357, %dma_wait3A_358] : memref<10000x128xf32, #tpu.memory_space<vmem_shared>> -> memref<10000x128xf32, #tpu.memory_space<vmem_shared>>
        tpu.wait_indirect_dma semaphore(%arg34 : memref<!tpu.dma_semaphore, #tpu.memory_space<semaphore_mem>>) src(%arg13 : memref<40x128xf32, #tpu.memory_space<vmem>>) dst(%dma_wait3A_359 : memref<10000x128xf32, #tpu.memory_space<vmem_shared>>)
      } else {
      }
      %add3A_300 = arith.constant 5 : i32
      %add3A_301 = arith.addi %add3A_265, %add3A_300 : i32
      %sub3A_302 = arith.constant 1 : i32
      %sub3A_303 = arith.subi %add3A_301, %sub3A_302 : i32
      %lt3A_304 = arith.constant 250 : i32
      %lt3A_305 = arith.cmpi slt, %sub3A_303, %lt3A_304 : i32
      %convert_element_type3A_306 = arith.extui %lt3A_305 : i1 to i32
      %cond3A_307 = arith.constant 0 : i32
      %cond3A_308 = arith.cmpi ne, %convert_element_type3A_306, %cond3A_307 : i32
      scf.if %cond3A_308 {
        %add3A_357 = arith.constant 5 : i32
        %add3A_358 = arith.addi %add3A_265, %add3A_357 : i32
        %sub3A_359 = arith.constant 1 : i32
        %sub3A_360 = arith.subi %add3A_358, %sub3A_359 : i32
        %dma_start3A_361 = arith.constant 0 : i32
        %dma_start3A_362 = tpu.memref_slice %arg6[%add3A, %sub3A_360, %dma_start3A_361] : memref<32x250x40xi32, #tpu.memory_space<hbm>> -> memref<1x1x40xi32, #tpu.memory_space<hbm>>
        %dma_start3A_363 = tpu.memref_squeeze %dma_start3A_362 : memref<1x1x40xi32, #tpu.memory_space<hbm>> -> memref<40xi32, #tpu.memory_space<hbm>>
        %dma_start3A_364 = arith.constant 0 : i32
        %dma_start3A_365 = tpu.memref_slice %arg6[%add3A, %sub3A_360, %dma_start3A_364] : memref<32x250x40xi32, #tpu.memory_space<hbm>> -> memref<1x1x40xi32, #tpu.memory_space<hbm>>
        %dma_start3A_366 = tpu.memref_squeeze %dma_start3A_365 : memref<1x1x40xi32, #tpu.memory_space<hbm>> -> memref<40xi32, #tpu.memory_space<hbm>>
        tpu.enqueue_dma source(%dma_start3A_366 : memref<40xi32, #tpu.memory_space<hbm>>) target(%arg18 : memref<40xi32, #tpu.memory_space<vmem>>) target_semaphore(%arg29 : memref<!tpu.dma_semaphore, #tpu.memory_space<semaphore_mem>>)
        %dma_start3A_367 = arith.constant 0 : i32
        %dma_start3A_368 = tpu.memref_slice %arg7[%add3A, %sub3A_360, %dma_start3A_367] : memref<32x250x40xf32, #tpu.memory_space<hbm>> -> memref<1x1x40xf32, #tpu.memory_space<hbm>>
        %dma_start3A_369 = tpu.memref_squeeze %dma_start3A_368 : memref<1x1x40xf32, #tpu.memory_space<hbm>> -> memref<40xf32, #tpu.memory_space<hbm>>
        %dma_start3A_370 = arith.constant 0 : i32
        %dma_start3A_371 = tpu.memref_slice %arg7[%add3A, %sub3A_360, %dma_start3A_370] : memref<32x250x40xf32, #tpu.memory_space<hbm>> -> memref<1x1x40xf32, #tpu.memory_space<hbm>>
        %dma_start3A_372 = tpu.memref_squeeze %dma_start3A_371 : memref<1x1x40xf32, #tpu.memory_space<hbm>> -> memref<40xf32, #tpu.memory_space<hbm>>
        tpu.enqueue_dma source(%dma_start3A_372 : memref<40xf32, #tpu.memory_space<hbm>>) target(%arg23 : memref<40xf32, #tpu.memory_space<vmem>>) target_semaphore(%arg29 : memref<!tpu.dma_semaphore, #tpu.memory_space<semaphore_mem>>)
        %dma_start3A_373 = arith.constant 0 : i32
        %dma_start3A_374 = tpu.memref_slice %arg10[%sub3A_360, %dma_start3A_373] : memref<250x40xi32, #tpu.memory_space<vmem>> -> memref<1x40xi32, #tpu.memory_space<vmem>>
        %dma_start3A_375 = tpu.memref_squeeze %dma_start3A_374 : memref<1x40xi32, #tpu.memory_space<vmem>> -> memref<40xi32, #tpu.memory_space<vmem>>
        %dma_start3A_376 = arith.constant 0 : i32
        %dma_start3A_377 = arith.constant 0 : i32
        %dma_start3A_378 = tpu.memref_slice %arg2[%dma_start3A_376, %dma_start3A_377] : memref<90000x128xf32, #tpu.memory_space<hbm>> -> memref<90000x128xf32, #tpu.memory_space<hbm>>
        tpu.enqueue_indirect_dma source(%dma_start3A_378 : memref<90000x128xf32, #tpu.memory_space<hbm>>) target(%arg13 : memref<40x128xf32, #tpu.memory_space<vmem>>) offsets(%dma_start3A_375 : memref<40xi32, #tpu.memory_space<vmem>>) semaphore(%arg29 : memref<!tpu.dma_semaphore, #tpu.memory_space<semaphore_mem>>)
      } else {
      }
      %mul3A_309 = arith.constant 5 : i32
      %mul3A_310 = arith.muli %scan3A_122, %mul3A_309 : i32
      %add3A_311 = arith.constant 4 : i32
      %add3A_312 = arith.addi %mul3A_310, %add3A_311 : i32
      %dma_wait3A_313 = arith.constant 0 : i32
      %dma_wait3A_314 = tpu.memref_slice %arg6[%add3A, %add3A_312, %dma_wait3A_313] : memref<32x250x40xi32, #tpu.memory_space<hbm>> -> memref<1x1x40xi32, #tpu.memory_space<hbm>>
      %dma_wait3A_315 = tpu.memref_squeeze %dma_wait3A_314 : memref<1x1x40xi32, #tpu.memory_space<hbm>> -> memref<40xi32, #tpu.memory_space<hbm>>
      %dma_wait3A_316 = arith.constant 0 : i32
      %dma_wait3A_317 = tpu.memref_slice %arg6[%add3A, %add3A_312, %dma_wait3A_316] : memref<32x250x40xi32, #tpu.memory_space<hbm>> -> memref<1x1x40xi32, #tpu.memory_space<hbm>>
      %dma_wait3A_318 = tpu.memref_squeeze %dma_wait3A_317 : memref<1x1x40xi32, #tpu.memory_space<hbm>> -> memref<40xi32, #tpu.memory_space<hbm>>
      tpu.wait_dma2 semaphore(%arg31 : memref<!tpu.dma_semaphore, #tpu.memory_space<semaphore_mem>>) src(%dma_wait3A_318 : memref<40xi32, #tpu.memory_space<hbm>>) dst(%arg20 : memref<40xi32, #tpu.memory_space<vmem>>)
      %dma_wait3A_319 = arith.constant 0 : i32
      %dma_wait3A_320 = tpu.memref_slice %arg7[%add3A, %add3A_312, %dma_wait3A_319] : memref<32x250x40xf32, #tpu.memory_space<hbm>> -> memref<1x1x40xf32, #tpu.memory_space<hbm>>
      %dma_wait3A_321 = tpu.memref_squeeze %dma_wait3A_320 : memref<1x1x40xf32, #tpu.memory_space<hbm>> -> memref<40xf32, #tpu.memory_space<hbm>>
      %dma_wait3A_322 = arith.constant 0 : i32
      %dma_wait3A_323 = tpu.memref_slice %arg7[%add3A, %add3A_312, %dma_wait3A_322] : memref<32x250x40xf32, #tpu.memory_space<hbm>> -> memref<1x1x40xf32, #tpu.memory_space<hbm>>
      %dma_wait3A_324 = tpu.memref_squeeze %dma_wait3A_323 : memref<1x1x40xf32, #tpu.memory_space<hbm>> -> memref<40xf32, #tpu.memory_space<hbm>>
      tpu.wait_dma2 semaphore(%arg31 : memref<!tpu.dma_semaphore, #tpu.memory_space<semaphore_mem>>) src(%dma_wait3A_324 : memref<40xf32, #tpu.memory_space<hbm>>) dst(%arg25 : memref<40xf32, #tpu.memory_space<vmem>>)
      %dma_wait3A_325 = arith.constant 0 : i32
      %dma_wait3A_326 = arith.constant 0 : i32
      %dma_wait3A_327 = tpu.memref_slice %arg10[%dma_wait3A_325, %dma_wait3A_326] : memref<250x40xi32, #tpu.memory_space<vmem>> -> memref<1x40xi32, #tpu.memory_space<vmem>>
      %dma_wait3A_328 = tpu.memref_squeeze %dma_wait3A_327 : memref<1x40xi32, #tpu.memory_space<vmem>> -> memref<40xi32, #tpu.memory_space<vmem>>
      %dma_wait3A_329 = arith.constant 0 : i32
      %dma_wait3A_330 = arith.constant 0 : i32
      %dma_wait3A_331 = tpu.memref_slice %arg2[%dma_wait3A_329, %dma_wait3A_330] : memref<90000x128xf32, #tpu.memory_space<hbm>> -> memref<90000x128xf32, #tpu.memory_space<hbm>>
      tpu.wait_indirect_dma semaphore(%arg31 : memref<!tpu.dma_semaphore, #tpu.memory_space<semaphore_mem>>) src(%dma_wait3A_331 : memref<90000x128xf32, #tpu.memory_space<hbm>>) dst(%arg15 : memref<40x128xf32, #tpu.memory_space<vmem>>)
      %scan3A_332 = arith.constant 0 : i32
      %scan3A_333 = arith.constant 0 : i32
      %scan3A_334 = arith.constant 40 : i32
      %scan3A_335 = arith.addi %scan3A_333, %scan3A_334 : i32
      %scan3A_336 = arith.constant 1 : i32
      %scan3A_337 = scf.for %scan3A_357 = %scan3A_333 to %scan3A_335 step %scan3A_336 iter_args(%scan3A_358 = %scan3A_332) -> (i32)  : i32 {
        %broadcast_in_dim3A = vector.broadcast %scan3A_357 : i32 to vector<16xi32>
        %gather3A = tpu.vector_load_idx %arg25[%broadcast_in_dim3A] : memref<40xf32, #tpu.memory_space<vmem>>[vector<16xi32>], vector<16xf32>,
        %get3A = arith.index_cast %scan3A_357 : i32 to index
        %get3A_359 = arith.constant 0 : index
        %get3A_360 = tpu.vector_load %arg15[%get3A, %get3A_359] {strides = array<i32>} : memref<40x128xf32, #tpu.memory_space<vmem>>, vector<16xf32>,
        %mul3A_361 = arith.mulf %get3A_360, %gather3A : vector<16xf32>
        %swap3A = arith.index_cast %scan3A_357 : i32 to index
        %swap3A_362 = arith.constant 0 : index
        %swap3A_363 = tpu.vector_load %arg15[%swap3A, %swap3A_362] {strides = array<i32>} : memref<40x128xf32, #tpu.memory_space<vmem>>, vector<16xf32>,
        tpu.vector_store %arg15[%swap3A, %swap3A_362], %mul3A_361 {strides = array<i32>} : memref<40x128xf32, #tpu.memory_space<vmem>>, vector<16xf32>,
        %get3A_364 = arith.index_cast %scan3A_357 : i32 to index
        %get3A_365 = arith.constant 16 : index
        %get3A_366 = tpu.vector_load %arg15[%get3A_364, %get3A_365] {strides = array<i32>} : memref<40x128xf32, #tpu.memory_space<vmem>>, vector<16xf32>,
        %mul3A_367 = arith.mulf %get3A_366, %gather3A : vector<16xf32>
        %swap3A_368 = arith.index_cast %scan3A_357 : i32 to index
        %swap3A_369 = arith.constant 16 : index
        %swap3A_370 = tpu.vector_load %arg15[%swap3A_368, %swap3A_369] {strides = array<i32>} : memref<40x128xf32, #tpu.memory_space<vmem>>, vector<16xf32>,
        tpu.vector_store %arg15[%swap3A_368, %swap3A_369], %mul3A_367 {strides = array<i32>} : memref<40x128xf32, #tpu.memory_space<vmem>>, vector<16xf32>,
        %get3A_371 = arith.index_cast %scan3A_357 : i32 to index
        %get3A_372 = arith.constant 32 : index
        %get3A_373 = tpu.vector_load %arg15[%get3A_371, %get3A_372] {strides = array<i32>} : memref<40x128xf32, #tpu.memory_space<vmem>>, vector<16xf32>,
        %mul3A_374 = arith.mulf %get3A_373, %gather3A : vector<16xf32>
        %swap3A_375 = arith.index_cast %scan3A_357 : i32 to index
        %swap3A_376 = arith.constant 32 : index
        %swap3A_377 = tpu.vector_load %arg15[%swap3A_375, %swap3A_376] {strides = array<i32>} : memref<40x128xf32, #tpu.memory_space<vmem>>, vector<16xf32>,
        tpu.vector_store %arg15[%swap3A_375, %swap3A_376], %mul3A_374 {strides = array<i32>} : memref<40x128xf32, #tpu.memory_space<vmem>>, vector<16xf32>,
        %get3A_378 = arith.index_cast %scan3A_357 : i32 to index
        %get3A_379 = arith.constant 48 : index
        %get3A_380 = tpu.vector_load %arg15[%get3A_378, %get3A_379] {strides = array<i32>} : memref<40x128xf32, #tpu.memory_space<vmem>>, vector<16xf32>,
        %mul3A_381 = arith.mulf %get3A_380, %gather3A : vector<16xf32>
        %swap3A_382 = arith.index_cast %scan3A_357 : i32 to index
        %swap3A_383 = arith.constant 48 : index
        %swap3A_384 = tpu.vector_load %arg15[%swap3A_382, %swap3A_383] {strides = array<i32>} : memref<40x128xf32, #tpu.memory_space<vmem>>, vector<16xf32>,
        tpu.vector_store %arg15[%swap3A_382, %swap3A_383], %mul3A_381 {strides = array<i32>} : memref<40x128xf32, #tpu.memory_space<vmem>>, vector<16xf32>,
        %get3A_385 = arith.index_cast %scan3A_357 : i32 to index
        %get3A_386 = arith.constant 64 : index
        %get3A_387 = tpu.vector_load %arg15[%get3A_385, %get3A_386] {strides = array<i32>} : memref<40x128xf32, #tpu.memory_space<vmem>>, vector<16xf32>,
        %mul3A_388 = arith.mulf %get3A_387, %gather3A : vector<16xf32>
        %swap3A_389 = arith.index_cast %scan3A_357 : i32 to index
        %swap3A_390 = arith.constant 64 : index
        %swap3A_391 = tpu.vector_load %arg15[%swap3A_389, %swap3A_390] {strides = array<i32>} : memref<40x128xf32, #tpu.memory_space<vmem>>, vector<16xf32>,
        tpu.vector_store %arg15[%swap3A_389, %swap3A_390], %mul3A_388 {strides = array<i32>} : memref<40x128xf32, #tpu.memory_space<vmem>>, vector<16xf32>,
        %get3A_392 = arith.index_cast %scan3A_357 : i32 to index
        %get3A_393 = arith.constant 80 : index
        %get3A_394 = tpu.vector_load %arg15[%get3A_392, %get3A_393] {strides = array<i32>} : memref<40x128xf32, #tpu.memory_space<vmem>>, vector<16xf32>,
        %mul3A_395 = arith.mulf %get3A_394, %gather3A : vector<16xf32>
        %swap3A_396 = arith.index_cast %scan3A_357 : i32 to index
        %swap3A_397 = arith.constant 80 : index
        %swap3A_398 = tpu.vector_load %arg15[%swap3A_396, %swap3A_397] {strides = array<i32>} : memref<40x128xf32, #tpu.memory_space<vmem>>, vector<16xf32>,
        tpu.vector_store %arg15[%swap3A_396, %swap3A_397], %mul3A_395 {strides = array<i32>} : memref<40x128xf32, #tpu.memory_space<vmem>>, vector<16xf32>,
        %get3A_399 = arith.index_cast %scan3A_357 : i32 to index
        %get3A_400 = arith.constant 96 : index
        %get3A_401 = tpu.vector_load %arg15[%get3A_399, %get3A_400] {strides = array<i32>} : memref<40x128xf32, #tpu.memory_space<vmem>>, vector<16xf32>,
        %mul3A_402 = arith.mulf %get3A_401, %gather3A : vector<16xf32>
        %swap3A_403 = arith.index_cast %scan3A_357 : i32 to index
        %swap3A_404 = arith.constant 96 : index
        %swap3A_405 = tpu.vector_load %arg15[%swap3A_403, %swap3A_404] {strides = array<i32>} : memref<40x128xf32, #tpu.memory_space<vmem>>, vector<16xf32>,
        tpu.vector_store %arg15[%swap3A_403, %swap3A_404], %mul3A_402 {strides = array<i32>} : memref<40x128xf32, #tpu.memory_space<vmem>>, vector<16xf32>,
        %get3A_406 = arith.index_cast %scan3A_357 : i32 to index
        %get3A_407 = arith.constant 112 : index
        %get3A_408 = tpu.vector_load %arg15[%get3A_406, %get3A_407] {strides = array<i32>} : memref<40x128xf32, #tpu.memory_space<vmem>>, vector<16xf32>,
        %mul3A_409 = arith.mulf %get3A_408, %gather3A : vector<16xf32>
        %swap3A_410 = arith.index_cast %scan3A_357 : i32 to index
        %swap3A_411 = arith.constant 112 : index
        %swap3A_412 = tpu.vector_load %arg15[%swap3A_410, %swap3A_411] {strides = array<i32>} : memref<40x128xf32, #tpu.memory_space<vmem>>, vector<16xf32>,
        tpu.vector_store %arg15[%swap3A_410, %swap3A_411], %mul3A_409 {strides = array<i32>} : memref<40x128xf32, #tpu.memory_space<vmem>>, vector<16xf32>,
        %scan3A_413 = arith.constant 0 : i32
        scf.yield %scan3A_413 : i32
      }
      %scan3A_338 = arith.constant 40 : i32
      %dma_start3A_339 = arith.constant 0 : i32
      %dma_start3A_340 = arith.constant 0 : i32
      %dma_start3A_341 = tpu.memref_slice %arg9[%dma_start3A_339, %dma_start3A_340] : memref<10000x128xf32, #tpu.memory_space<vmem_shared>> -> memref<10000x128xf32, #tpu.memory_space<vmem_shared>>
      tpu.enqueue_indirect_dma source(%arg15 : memref<40x128xf32, #tpu.memory_space<vmem>>) target(%dma_start3A_341 : memref<10000x128xf32, #tpu.memory_space<vmem_shared>>) offsets(%arg20 : memref<40xi32, #tpu.memory_space<vmem>>) semaphore(%arg36 : memref<!tpu.dma_semaphore, #tpu.memory_space<semaphore_mem>>) {add = true}
      %ge3A_342 = arith.constant 1 : i32
      %ge3A_343 = arith.cmpi sge, %add3A_312, %ge3A_342 : i32
      %convert_element_type3A_344 = arith.extui %ge3A_343 : i1 to i32
      %cond3A_345 = arith.constant 0 : i32
      %cond3A_346 = arith.cmpi ne, %convert_element_type3A_344, %cond3A_345 : i32
      scf.if %cond3A_346 {
        %dma_wait3A_357 = arith.constant 0 : i32
        %dma_wait3A_358 = arith.constant 0 : i32
        %dma_wait3A_359 = tpu.memref_slice %arg9[%dma_wait3A_357, %dma_wait3A_358] : memref<10000x128xf32, #tpu.memory_space<vmem_shared>> -> memref<10000x128xf32, #tpu.memory_space<vmem_shared>>
        tpu.wait_indirect_dma semaphore(%arg35 : memref<!tpu.dma_semaphore, #tpu.memory_space<semaphore_mem>>) src(%arg14 : memref<40x128xf32, #tpu.memory_space<vmem>>) dst(%dma_wait3A_359 : memref<10000x128xf32, #tpu.memory_space<vmem_shared>>)
      } else {
      }
      %add3A_347 = arith.constant 5 : i32
      %add3A_348 = arith.addi %add3A_312, %add3A_347 : i32
      %sub3A_349 = arith.constant 1 : i32
      %sub3A_350 = arith.subi %add3A_348, %sub3A_349 : i32
      %lt3A_351 = arith.constant 250 : i32
      %lt3A_352 = arith.cmpi slt, %sub3A_350, %lt3A_351 : i32
      %convert_element_type3A_353 = arith.extui %lt3A_352 : i1 to i32
      %cond3A_354 = arith.constant 0 : i32
      %cond3A_355 = arith.cmpi ne, %convert_element_type3A_353, %cond3A_354 : i32
      scf.if %cond3A_355 {
        %add3A_357 = arith.constant 5 : i32
        %add3A_358 = arith.addi %add3A_312, %add3A_357 : i32
        %sub3A_359 = arith.constant 1 : i32
        %sub3A_360 = arith.subi %add3A_358, %sub3A_359 : i32
        %dma_start3A_361 = arith.constant 0 : i32
        %dma_start3A_362 = tpu.memref_slice %arg6[%add3A, %sub3A_360, %dma_start3A_361] : memref<32x250x40xi32, #tpu.memory_space<hbm>> -> memref<1x1x40xi32, #tpu.memory_space<hbm>>
        %dma_start3A_363 = tpu.memref_squeeze %dma_start3A_362 : memref<1x1x40xi32, #tpu.memory_space<hbm>> -> memref<40xi32, #tpu.memory_space<hbm>>
        %dma_start3A_364 = arith.constant 0 : i32
        %dma_start3A_365 = tpu.memref_slice %arg6[%add3A, %sub3A_360, %dma_start3A_364] : memref<32x250x40xi32, #tpu.memory_space<hbm>> -> memref<1x1x40xi32, #tpu.memory_space<hbm>>
        %dma_start3A_366 = tpu.memref_squeeze %dma_start3A_365 : memref<1x1x40xi32, #tpu.memory_space<hbm>> -> memref<40xi32, #tpu.memory_space<hbm>>
        tpu.enqueue_dma source(%dma_start3A_366 : memref<40xi32, #tpu.memory_space<hbm>>) target(%arg19 : memref<40xi32, #tpu.memory_space<vmem>>) target_semaphore(%arg30 : memref<!tpu.dma_semaphore, #tpu.memory_space<semaphore_mem>>)
        %dma_start3A_367 = arith.constant 0 : i32
        %dma_start3A_368 = tpu.memref_slice %arg7[%add3A, %sub3A_360, %dma_start3A_367] : memref<32x250x40xf32, #tpu.memory_space<hbm>> -> memref<1x1x40xf32, #tpu.memory_space<hbm>>
        %dma_start3A_369 = tpu.memref_squeeze %dma_start3A_368 : memref<1x1x40xf32, #tpu.memory_space<hbm>> -> memref<40xf32, #tpu.memory_space<hbm>>
        %dma_start3A_370 = arith.constant 0 : i32
        %dma_start3A_371 = tpu.memref_slice %arg7[%add3A, %sub3A_360, %dma_start3A_370] : memref<32x250x40xf32, #tpu.memory_space<hbm>> -> memref<1x1x40xf32, #tpu.memory_space<hbm>>
        %dma_start3A_372 = tpu.memref_squeeze %dma_start3A_371 : memref<1x1x40xf32, #tpu.memory_space<hbm>> -> memref<40xf32, #tpu.memory_space<hbm>>
        tpu.enqueue_dma source(%dma_start3A_372 : memref<40xf32, #tpu.memory_space<hbm>>) target(%arg24 : memref<40xf32, #tpu.memory_space<vmem>>) target_semaphore(%arg30 : memref<!tpu.dma_semaphore, #tpu.memory_space<semaphore_mem>>)
        %dma_start3A_373 = arith.constant 0 : i32
        %dma_start3A_374 = tpu.memref_slice %arg10[%sub3A_360, %dma_start3A_373] : memref<250x40xi32, #tpu.memory_space<vmem>> -> memref<1x40xi32, #tpu.memory_space<vmem>>
        %dma_start3A_375 = tpu.memref_squeeze %dma_start3A_374 : memref<1x40xi32, #tpu.memory_space<vmem>> -> memref<40xi32, #tpu.memory_space<vmem>>
        %dma_start3A_376 = arith.constant 0 : i32
        %dma_start3A_377 = arith.constant 0 : i32
        %dma_start3A_378 = tpu.memref_slice %arg2[%dma_start3A_376, %dma_start3A_377] : memref<90000x128xf32, #tpu.memory_space<hbm>> -> memref<90000x128xf32, #tpu.memory_space<hbm>>
        tpu.enqueue_indirect_dma source(%dma_start3A_378 : memref<90000x128xf32, #tpu.memory_space<hbm>>) target(%arg14 : memref<40x128xf32, #tpu.memory_space<vmem>>) offsets(%dma_start3A_375 : memref<40xi32, #tpu.memory_space<vmem>>) semaphore(%arg30 : memref<!tpu.dma_semaphore, #tpu.memory_space<semaphore_mem>>)
      } else {
      }
      %scan3A_356 = arith.constant 0 : i32
      scf.yield %scan3A_356 : i32
    }
    %scan3A_117 = arith.constant 50 : i32
    %dma_wait3A_118 = arith.constant 0 : i32
    %dma_wait3A_119 = arith.constant 0 : i32
    %dma_wait3A_120 = tpu.memref_slice %arg9[%dma_wait3A_118, %dma_wait3A_119] : memref<10000x128xf32, #tpu.memory_space<vmem_shared>> -> memref<10000x128xf32, #tpu.memory_space<vmem_shared>>
    tpu.wait_indirect_dma semaphore(%arg36 : memref<!tpu.dma_semaphore, #tpu.memory_space<semaphore_mem>>) src(%arg15 : memref<40x128xf32, #tpu.memory_space<vmem>>) dst(%dma_wait3A_120 : memref<10000x128xf32, #tpu.memory_space<vmem_shared>>)
    %barrier3A_121 = arith.constant 0 : index
    tpu.barrier barrier_id(%barrier3A_121)
    "tpu.region"() ({
      %run_scoped3A = tpu.sem_alloc : memref<!tpu.dma_semaphore, #tpu.memory_space<semaphore_mem>>
      %dma_start3A_122 = arith.constant 0 : i32
      %dma_start3A_123 = tpu.memref_slice %arg8[%arg0, %mul3A_2, %dma_start3A_122] : memref<2x10000x128xf32, #tpu.memory_space<hbm>> -> memref<1x625x128xf32, #tpu.memory_space<hbm>>
      %dma_start3A_124 = tpu.memref_squeeze %dma_start3A_123 : memref<1x625x128xf32, #tpu.memory_space<hbm>> -> memref<625x128xf32, #tpu.memory_space<hbm>>
      %dma_start3A_125 = arith.constant 0 : i32
      %dma_start3A_126 = tpu.memref_slice %arg9[%mul3A_2, %dma_start3A_125] : memref<10000x128xf32, #tpu.memory_space<vmem_shared>> -> memref<625x128xf32, #tpu.memory_space<vmem_shared>>
      tpu.enqueue_dma source(%dma_start3A_126 : memref<625x128xf32, #tpu.memory_space<vmem_shared>>) target(%dma_start3A_124 : memref<625x128xf32, #tpu.memory_space<hbm>>) target_semaphore(%run_scoped3A : memref<!tpu.dma_semaphore, #tpu.memory_space<semaphore_mem>>)
      %dma_wait3A_127 = arith.constant 0 : i32
      %dma_wait3A_128 = tpu.memref_slice %arg8[%arg0, %mul3A_2, %dma_wait3A_127] : memref<2x10000x128xf32, #tpu.memory_space<hbm>> -> memref<1x625x128xf32, #tpu.memory_space<hbm>>
      %dma_wait3A_129 = tpu.memref_squeeze %dma_wait3A_128 : memref<1x625x128xf32, #tpu.memory_space<hbm>> -> memref<625x128xf32, #tpu.memory_space<hbm>>
      %dma_wait3A_130 = arith.constant 0 : i32
      %dma_wait3A_131 = tpu.memref_slice %arg9[%mul3A_2, %dma_wait3A_130] : memref<10000x128xf32, #tpu.memory_space<vmem_shared>> -> memref<625x128xf32, #tpu.memory_space<vmem_shared>>
      tpu.wait_dma2 semaphore(%run_scoped3A : memref<!tpu.dma_semaphore, #tpu.memory_space<semaphore_mem>>) src(%dma_wait3A_131 : memref<625x128xf32, #tpu.memory_space<vmem_shared>>) dst(%dma_wait3A_129 : memref<625x128xf32, #tpu.memory_space<hbm>>)
      tpu.yield
    }) : () -> ()
    return
  }
}

#map = affine_map<(d0, d1) -> (0, 0, 0)>
#map1 = affine_map<(d0, d1) -> (0, 0)>
module attributes {stable_mosaic.version = 14 : i64} {
  func.func @_count_kernel(%arg0: i32, %arg1: i32, %arg2: memref<32x125x80xi32, #tpu.memory_space<hbm>>, %arg3: memref<2x81920xf32, #tpu.memory_space<hbm>>, %arg4: memref<81920xf32, #tpu.memory_space<vmem_shared>>, %arg5: memref<5120xf32, #tpu.memory_space<vmem>>, %arg6: memref<80xf32, #tpu.memory_space<vmem>>, %arg7: memref<125x80xi32, #tpu.memory_space<vmem>>, %arg8: memref<!tpu.dma_semaphore, #tpu.memory_space<semaphore_mem>>, %arg9: memref<!tpu.dma_semaphore, #tpu.memory_space<semaphore_mem>>) attributes {dimension_semantics = [#tpu.dimension_semantics<core_parallel>, #tpu.dimension_semantics<subcore_parallel>], iteration_bounds = array<i64: 2, 16>, scalar_prefetch = 0 : i64, scratch_operands = 6 : i64, tpu.core_type = #tpu.core_type<sc_vector_subcore>, window_params = [{transform_indices = #map}, {transform_indices = #map1}]} {
    %mul3A = arith.constant 2 : i32
    %mul3A_0 = arith.muli %arg1, %mul3A : i32
    %add3A = arith.addi %mul3A_0, %arg0 : i32
    %mul3A_1 = arith.constant 5120 : i32
    %mul3A_2 = arith.muli %arg1, %mul3A_1 : i32
    %dma_start3A = arith.constant 0 : i32
    %dma_start3A_3 = arith.constant 0 : i32
    %dma_start3A_4 = tpu.memref_slice %arg2[%add3A, %dma_start3A, %dma_start3A_3] : memref<32x125x80xi32, #tpu.memory_space<hbm>> -> memref<1x125x80xi32, #tpu.memory_space<hbm>>
    %dma_start3A_5 = tpu.memref_squeeze %dma_start3A_4 : memref<1x125x80xi32, #tpu.memory_space<hbm>> -> memref<125x80xi32, #tpu.memory_space<hbm>>
    %dma_start3A_6 = arith.constant 0 : i32
    %dma_start3A_7 = arith.constant 0 : i32
    %dma_start3A_8 = tpu.memref_slice %arg2[%add3A, %dma_start3A_6, %dma_start3A_7] : memref<32x125x80xi32, #tpu.memory_space<hbm>> -> memref<1x125x80xi32, #tpu.memory_space<hbm>>
    %dma_start3A_9 = tpu.memref_squeeze %dma_start3A_8 : memref<1x125x80xi32, #tpu.memory_space<hbm>> -> memref<125x80xi32, #tpu.memory_space<hbm>>
    tpu.enqueue_dma source(%dma_start3A_9 : memref<125x80xi32, #tpu.memory_space<hbm>>) target(%arg7 : memref<125x80xi32, #tpu.memory_space<vmem>>) target_semaphore(%arg8 : memref<!tpu.dma_semaphore, #tpu.memory_space<semaphore_mem>>)
    %scan3A = arith.constant 0 : i32
    %scan3A_10 = arith.constant 0 : i32
    %scan3A_11 = arith.constant 320 : i32
    %scan3A_12 = arith.addi %scan3A_10, %scan3A_11 : i32
    %scan3A_13 = arith.constant 1 : i32
    %scan3A_14 = scf.for %scan3A_98 = %scan3A_10 to %scan3A_12 step %scan3A_13 iter_args(%scan3A_99 = %scan3A) -> (i32)  : i32 {
      %broadcast_in_dim3A = arith.constant 0.000000e+00 : f32
      %broadcast_in_dim3A_100 = vector.broadcast %broadcast_in_dim3A : f32 to vector<16xf32>
      %mul3A_101 = arith.constant 16 : i32
      %mul3A_102 = arith.muli %scan3A_98, %mul3A_101 : i32
      %swap3A = arith.index_cast %mul3A_102 : i32 to index
      %swap3A_103 = tpu.vector_load %arg5[%swap3A] {strides = array<i32>} : memref<5120xf32, #tpu.memory_space<vmem>>, vector<16xf32>,
      tpu.vector_store %arg5[%swap3A], %broadcast_in_dim3A_100 {strides = array<i32>} : memref<5120xf32, #tpu.memory_space<vmem>>, vector<16xf32>,
      %scan3A_104 = arith.constant 0 : i32
      scf.yield %scan3A_104 : i32
    }
    %scan3A_15 = arith.constant 320 : i32
    "tpu.region"() ({
      %run_scoped3A = tpu.sem_alloc : memref<!tpu.dma_semaphore, #tpu.memory_space<semaphore_mem>>
      %dma_start3A_98 = tpu.memref_slice %arg4[%mul3A_2] : memref<81920xf32, #tpu.memory_space<vmem_shared>> -> memref<5120xf32, #tpu.memory_space<vmem_shared>>
      %dma_start3A_99 = tpu.memref_slice %arg4[%mul3A_2] : memref<81920xf32, #tpu.memory_space<vmem_shared>> -> memref<5120xf32, #tpu.memory_space<vmem_shared>>
      tpu.enqueue_dma source(%arg5 : memref<5120xf32, #tpu.memory_space<vmem>>) target(%dma_start3A_99 : memref<5120xf32, #tpu.memory_space<vmem_shared>>) target_semaphore(%run_scoped3A : memref<!tpu.dma_semaphore, #tpu.memory_space<semaphore_mem>>)
      %dma_wait3A_100 = tpu.memref_slice %arg4[%mul3A_2] : memref<81920xf32, #tpu.memory_space<vmem_shared>> -> memref<5120xf32, #tpu.memory_space<vmem_shared>>
      %dma_wait3A_101 = tpu.memref_slice %arg4[%mul3A_2] : memref<81920xf32, #tpu.memory_space<vmem_shared>> -> memref<5120xf32, #tpu.memory_space<vmem_shared>>
      tpu.wait_dma2 semaphore(%run_scoped3A : memref<!tpu.dma_semaphore, #tpu.memory_space<semaphore_mem>>) src(%arg5 : memref<5120xf32, #tpu.memory_space<vmem>>) dst(%dma_wait3A_101 : memref<5120xf32, #tpu.memory_space<vmem_shared>>)
      tpu.yield
    }) : () -> ()
    %scan3A_16 = arith.constant 0 : i32
    %scan3A_17 = arith.constant 0 : i32
    %scan3A_18 = arith.constant 5 : i32
    %scan3A_19 = arith.addi %scan3A_17, %scan3A_18 : i32
    %scan3A_20 = arith.constant 1 : i32
    %scan3A_21 = scf.for %scan3A_98 = %scan3A_17 to %scan3A_19 step %scan3A_20 iter_args(%scan3A_99 = %scan3A_16) -> (i32)  : i32 {
      %broadcast_in_dim3A = arith.constant 1.000000e+00 : f32
      %broadcast_in_dim3A_100 = vector.broadcast %broadcast_in_dim3A : f32 to vector<16xf32>
      %mul3A_101 = arith.constant 16 : i32
      %mul3A_102 = arith.muli %scan3A_98, %mul3A_101 : i32
      %swap3A = arith.index_cast %mul3A_102 : i32 to index
      %swap3A_103 = tpu.vector_load %arg6[%swap3A] {strides = array<i32>} : memref<80xf32, #tpu.memory_space<vmem>>, vector<16xf32>,
      tpu.vector_store %arg6[%swap3A], %broadcast_in_dim3A_100 {strides = array<i32>} : memref<80xf32, #tpu.memory_space<vmem>>, vector<16xf32>,
      %scan3A_104 = arith.constant 0 : i32
      scf.yield %scan3A_104 : i32
    }
    %scan3A_22 = arith.constant 5 : i32
    %dma_wait3A = arith.constant 0 : i32
    %dma_wait3A_23 = arith.constant 0 : i32
    %dma_wait3A_24 = tpu.memref_slice %arg2[%add3A, %dma_wait3A, %dma_wait3A_23] : memref<32x125x80xi32, #tpu.memory_space<hbm>> -> memref<1x125x80xi32, #tpu.memory_space<hbm>>
    %dma_wait3A_25 = tpu.memref_squeeze %dma_wait3A_24 : memref<1x125x80xi32, #tpu.memory_space<hbm>> -> memref<125x80xi32, #tpu.memory_space<hbm>>
    %dma_wait3A_26 = arith.constant 0 : i32
    %dma_wait3A_27 = arith.constant 0 : i32
    %dma_wait3A_28 = tpu.memref_slice %arg2[%add3A, %dma_wait3A_26, %dma_wait3A_27] : memref<32x125x80xi32, #tpu.memory_space<hbm>> -> memref<1x125x80xi32, #tpu.memory_space<hbm>>
    %dma_wait3A_29 = tpu.memref_squeeze %dma_wait3A_28 : memref<1x125x80xi32, #tpu.memory_space<hbm>> -> memref<125x80xi32, #tpu.memory_space<hbm>>
    tpu.wait_dma2 semaphore(%arg8 : memref<!tpu.dma_semaphore, #tpu.memory_space<semaphore_mem>>) src(%dma_wait3A_29 : memref<125x80xi32, #tpu.memory_space<hbm>>) dst(%arg7 : memref<125x80xi32, #tpu.memory_space<vmem>>)
    %barrier3A = arith.constant 0 : index
    tpu.barrier barrier_id(%barrier3A)
    %scan3A_30 = arith.constant 0 : i32
    %scan3A_31 = arith.constant 0 : i32
    %scan3A_32 = arith.constant 15 : i32
    %scan3A_33 = arith.addi %scan3A_31, %scan3A_32 : i32
    %scan3A_34 = arith.constant 1 : i32
    %scan3A_35 = scf.for %scan3A_98 = %scan3A_31 to %scan3A_33 step %scan3A_34 iter_args(%scan3A_99 = %scan3A_30) -> (i32)  : i32 {
      %mul3A_100 = arith.constant 8 : i32
      %mul3A_101 = arith.muli %scan3A_98, %mul3A_100 : i32
      %add3A_102 = arith.constant 0 : i32
      %add3A_103 = arith.addi %mul3A_101, %add3A_102 : i32
      %dma_start3A_104 = arith.constant 0 : i32
      %dma_start3A_105 = tpu.memref_slice %arg7[%add3A_103, %dma_start3A_104] : memref<125x80xi32, #tpu.memory_space<vmem>> -> memref<1x80xi32, #tpu.memory_space<vmem>>
      %dma_start3A_106 = tpu.memref_squeeze %dma_start3A_105 : memref<1x80xi32, #tpu.memory_space<vmem>> -> memref<80xi32, #tpu.memory_space<vmem>>
      %dma_start3A_107 = arith.constant 0 : i32
      %dma_start3A_108 = tpu.memref_slice %arg4[%dma_start3A_107] : memref<81920xf32, #tpu.memory_space<vmem_shared>> -> memref<81920xf32, #tpu.memory_space<vmem_shared>>
      tpu.enqueue_indirect_dma source(%arg6 : memref<80xf32, #tpu.memory_space<vmem>>) target(%dma_start3A_108 : memref<81920xf32, #tpu.memory_space<vmem_shared>>) offsets(%dma_start3A_106 : memref<80xi32, #tpu.memory_space<vmem>>) semaphore(%arg9 : memref<!tpu.dma_semaphore, #tpu.memory_space<semaphore_mem>>) {add = true}
      %mul3A_109 = arith.constant 8 : i32
      %mul3A_110 = arith.muli %scan3A_98, %mul3A_109 : i32
      %add3A_111 = arith.constant 1 : i32
      %add3A_112 = arith.addi %mul3A_110, %add3A_111 : i32
      %dma_start3A_113 = arith.constant 0 : i32
      %dma_start3A_114 = tpu.memref_slice %arg7[%add3A_112, %dma_start3A_113] : memref<125x80xi32, #tpu.memory_space<vmem>> -> memref<1x80xi32, #tpu.memory_space<vmem>>
      %dma_start3A_115 = tpu.memref_squeeze %dma_start3A_114 : memref<1x80xi32, #tpu.memory_space<vmem>> -> memref<80xi32, #tpu.memory_space<vmem>>
      %dma_start3A_116 = arith.constant 0 : i32
      %dma_start3A_117 = tpu.memref_slice %arg4[%dma_start3A_116] : memref<81920xf32, #tpu.memory_space<vmem_shared>> -> memref<81920xf32, #tpu.memory_space<vmem_shared>>
      tpu.enqueue_indirect_dma source(%arg6 : memref<80xf32, #tpu.memory_space<vmem>>) target(%dma_start3A_117 : memref<81920xf32, #tpu.memory_space<vmem_shared>>) offsets(%dma_start3A_115 : memref<80xi32, #tpu.memory_space<vmem>>) semaphore(%arg9 : memref<!tpu.dma_semaphore, #tpu.memory_space<semaphore_mem>>) {add = true}
      %mul3A_118 = arith.constant 8 : i32
      %mul3A_119 = arith.muli %scan3A_98, %mul3A_118 : i32
      %add3A_120 = arith.constant 2 : i32
      %add3A_121 = arith.addi %mul3A_119, %add3A_120 : i32
      %dma_start3A_122 = arith.constant 0 : i32
      %dma_start3A_123 = tpu.memref_slice %arg7[%add3A_121, %dma_start3A_122] : memref<125x80xi32, #tpu.memory_space<vmem>> -> memref<1x80xi32, #tpu.memory_space<vmem>>
      %dma_start3A_124 = tpu.memref_squeeze %dma_start3A_123 : memref<1x80xi32, #tpu.memory_space<vmem>> -> memref<80xi32, #tpu.memory_space<vmem>>
      %dma_start3A_125 = arith.constant 0 : i32
      %dma_start3A_126 = tpu.memref_slice %arg4[%dma_start3A_125] : memref<81920xf32, #tpu.memory_space<vmem_shared>> -> memref<81920xf32, #tpu.memory_space<vmem_shared>>
      tpu.enqueue_indirect_dma source(%arg6 : memref<80xf32, #tpu.memory_space<vmem>>) target(%dma_start3A_126 : memref<81920xf32, #tpu.memory_space<vmem_shared>>) offsets(%dma_start3A_124 : memref<80xi32, #tpu.memory_space<vmem>>) semaphore(%arg9 : memref<!tpu.dma_semaphore, #tpu.memory_space<semaphore_mem>>) {add = true}
      %mul3A_127 = arith.constant 8 : i32
      %mul3A_128 = arith.muli %scan3A_98, %mul3A_127 : i32
      %add3A_129 = arith.constant 3 : i32
      %add3A_130 = arith.addi %mul3A_128, %add3A_129 : i32
      %dma_start3A_131 = arith.constant 0 : i32
      %dma_start3A_132 = tpu.memref_slice %arg7[%add3A_130, %dma_start3A_131] : memref<125x80xi32, #tpu.memory_space<vmem>> -> memref<1x80xi32, #tpu.memory_space<vmem>>
      %dma_start3A_133 = tpu.memref_squeeze %dma_start3A_132 : memref<1x80xi32, #tpu.memory_space<vmem>> -> memref<80xi32, #tpu.memory_space<vmem>>
      %dma_start3A_134 = arith.constant 0 : i32
      %dma_start3A_135 = tpu.memref_slice %arg4[%dma_start3A_134] : memref<81920xf32, #tpu.memory_space<vmem_shared>> -> memref<81920xf32, #tpu.memory_space<vmem_shared>>
      tpu.enqueue_indirect_dma source(%arg6 : memref<80xf32, #tpu.memory_space<vmem>>) target(%dma_start3A_135 : memref<81920xf32, #tpu.memory_space<vmem_shared>>) offsets(%dma_start3A_133 : memref<80xi32, #tpu.memory_space<vmem>>) semaphore(%arg9 : memref<!tpu.dma_semaphore, #tpu.memory_space<semaphore_mem>>) {add = true}
      %mul3A_136 = arith.constant 8 : i32
      %mul3A_137 = arith.muli %scan3A_98, %mul3A_136 : i32
      %add3A_138 = arith.constant 4 : i32
      %add3A_139 = arith.addi %mul3A_137, %add3A_138 : i32
      %dma_start3A_140 = arith.constant 0 : i32
      %dma_start3A_141 = tpu.memref_slice %arg7[%add3A_139, %dma_start3A_140] : memref<125x80xi32, #tpu.memory_space<vmem>> -> memref<1x80xi32, #tpu.memory_space<vmem>>
      %dma_start3A_142 = tpu.memref_squeeze %dma_start3A_141 : memref<1x80xi32, #tpu.memory_space<vmem>> -> memref<80xi32, #tpu.memory_space<vmem>>
      %dma_start3A_143 = arith.constant 0 : i32
      %dma_start3A_144 = tpu.memref_slice %arg4[%dma_start3A_143] : memref<81920xf32, #tpu.memory_space<vmem_shared>> -> memref<81920xf32, #tpu.memory_space<vmem_shared>>
      tpu.enqueue_indirect_dma source(%arg6 : memref<80xf32, #tpu.memory_space<vmem>>) target(%dma_start3A_144 : memref<81920xf32, #tpu.memory_space<vmem_shared>>) offsets(%dma_start3A_142 : memref<80xi32, #tpu.memory_space<vmem>>) semaphore(%arg9 : memref<!tpu.dma_semaphore, #tpu.memory_space<semaphore_mem>>) {add = true}
      %mul3A_145 = arith.constant 8 : i32
      %mul3A_146 = arith.muli %scan3A_98, %mul3A_145 : i32
      %add3A_147 = arith.constant 5 : i32
      %add3A_148 = arith.addi %mul3A_146, %add3A_147 : i32
      %dma_start3A_149 = arith.constant 0 : i32
      %dma_start3A_150 = tpu.memref_slice %arg7[%add3A_148, %dma_start3A_149] : memref<125x80xi32, #tpu.memory_space<vmem>> -> memref<1x80xi32, #tpu.memory_space<vmem>>
      %dma_start3A_151 = tpu.memref_squeeze %dma_start3A_150 : memref<1x80xi32, #tpu.memory_space<vmem>> -> memref<80xi32, #tpu.memory_space<vmem>>
      %dma_start3A_152 = arith.constant 0 : i32
      %dma_start3A_153 = tpu.memref_slice %arg4[%dma_start3A_152] : memref<81920xf32, #tpu.memory_space<vmem_shared>> -> memref<81920xf32, #tpu.memory_space<vmem_shared>>
      tpu.enqueue_indirect_dma source(%arg6 : memref<80xf32, #tpu.memory_space<vmem>>) target(%dma_start3A_153 : memref<81920xf32, #tpu.memory_space<vmem_shared>>) offsets(%dma_start3A_151 : memref<80xi32, #tpu.memory_space<vmem>>) semaphore(%arg9 : memref<!tpu.dma_semaphore, #tpu.memory_space<semaphore_mem>>) {add = true}
      %mul3A_154 = arith.constant 8 : i32
      %mul3A_155 = arith.muli %scan3A_98, %mul3A_154 : i32
      %add3A_156 = arith.constant 6 : i32
      %add3A_157 = arith.addi %mul3A_155, %add3A_156 : i32
      %dma_start3A_158 = arith.constant 0 : i32
      %dma_start3A_159 = tpu.memref_slice %arg7[%add3A_157, %dma_start3A_158] : memref<125x80xi32, #tpu.memory_space<vmem>> -> memref<1x80xi32, #tpu.memory_space<vmem>>
      %dma_start3A_160 = tpu.memref_squeeze %dma_start3A_159 : memref<1x80xi32, #tpu.memory_space<vmem>> -> memref<80xi32, #tpu.memory_space<vmem>>
      %dma_start3A_161 = arith.constant 0 : i32
      %dma_start3A_162 = tpu.memref_slice %arg4[%dma_start3A_161] : memref<81920xf32, #tpu.memory_space<vmem_shared>> -> memref<81920xf32, #tpu.memory_space<vmem_shared>>
      tpu.enqueue_indirect_dma source(%arg6 : memref<80xf32, #tpu.memory_space<vmem>>) target(%dma_start3A_162 : memref<81920xf32, #tpu.memory_space<vmem_shared>>) offsets(%dma_start3A_160 : memref<80xi32, #tpu.memory_space<vmem>>) semaphore(%arg9 : memref<!tpu.dma_semaphore, #tpu.memory_space<semaphore_mem>>) {add = true}
      %mul3A_163 = arith.constant 8 : i32
      %mul3A_164 = arith.muli %scan3A_98, %mul3A_163 : i32
      %add3A_165 = arith.constant 7 : i32
      %add3A_166 = arith.addi %mul3A_164, %add3A_165 : i32
      %dma_start3A_167 = arith.constant 0 : i32
      %dma_start3A_168 = tpu.memref_slice %arg7[%add3A_166, %dma_start3A_167] : memref<125x80xi32, #tpu.memory_space<vmem>> -> memref<1x80xi32, #tpu.memory_space<vmem>>
      %dma_start3A_169 = tpu.memref_squeeze %dma_start3A_168 : memref<1x80xi32, #tpu.memory_space<vmem>> -> memref<80xi32, #tpu.memory_space<vmem>>
      %dma_start3A_170 = arith.constant 0 : i32
      %dma_start3A_171 = tpu.memref_slice %arg4[%dma_start3A_170] : memref<81920xf32, #tpu.memory_space<vmem_shared>> -> memref<81920xf32, #tpu.memory_space<vmem_shared>>
      tpu.enqueue_indirect_dma source(%arg6 : memref<80xf32, #tpu.memory_space<vmem>>) target(%dma_start3A_171 : memref<81920xf32, #tpu.memory_space<vmem_shared>>) offsets(%dma_start3A_169 : memref<80xi32, #tpu.memory_space<vmem>>) semaphore(%arg9 : memref<!tpu.dma_semaphore, #tpu.memory_space<semaphore_mem>>) {add = true}
      %dma_wait3A_172 = arith.constant 0 : i32
      %dma_wait3A_173 = arith.constant 0 : i32
      %dma_wait3A_174 = tpu.memref_slice %arg7[%dma_wait3A_172, %dma_wait3A_173] : memref<125x80xi32, #tpu.memory_space<vmem>> -> memref<1x80xi32, #tpu.memory_space<vmem>>
      %dma_wait3A_175 = tpu.memref_squeeze %dma_wait3A_174 : memref<1x80xi32, #tpu.memory_space<vmem>> -> memref<80xi32, #tpu.memory_space<vmem>>
      %dma_wait3A_176 = arith.constant 0 : i32
      %dma_wait3A_177 = tpu.memref_slice %arg4[%dma_wait3A_176] : memref<81920xf32, #tpu.memory_space<vmem_shared>> -> memref<81920xf32, #tpu.memory_space<vmem_shared>>
      tpu.wait_indirect_dma semaphore(%arg9 : memref<!tpu.dma_semaphore, #tpu.memory_space<semaphore_mem>>) src(%arg6 : memref<80xf32, #tpu.memory_space<vmem>>) dst(%dma_wait3A_177 : memref<81920xf32, #tpu.memory_space<vmem_shared>>)
      %dma_wait3A_178 = arith.constant 0 : i32
      %dma_wait3A_179 = arith.constant 0 : i32
      %dma_wait3A_180 = tpu.memref_slice %arg7[%dma_wait3A_178, %dma_wait3A_179] : memref<125x80xi32, #tpu.memory_space<vmem>> -> memref<1x80xi32, #tpu.memory_space<vmem>>
      %dma_wait3A_181 = tpu.memref_squeeze %dma_wait3A_180 : memref<1x80xi32, #tpu.memory_space<vmem>> -> memref<80xi32, #tpu.memory_space<vmem>>
      %dma_wait3A_182 = arith.constant 0 : i32
      %dma_wait3A_183 = tpu.memref_slice %arg4[%dma_wait3A_182] : memref<81920xf32, #tpu.memory_space<vmem_shared>> -> memref<81920xf32, #tpu.memory_space<vmem_shared>>
      tpu.wait_indirect_dma semaphore(%arg9 : memref<!tpu.dma_semaphore, #tpu.memory_space<semaphore_mem>>) src(%arg6 : memref<80xf32, #tpu.memory_space<vmem>>) dst(%dma_wait3A_183 : memref<81920xf32, #tpu.memory_space<vmem_shared>>)
      %dma_wait3A_184 = arith.constant 0 : i32
      %dma_wait3A_185 = arith.constant 0 : i32
      %dma_wait3A_186 = tpu.memref_slice %arg7[%dma_wait3A_184, %dma_wait3A_185] : memref<125x80xi32, #tpu.memory_space<vmem>> -> memref<1x80xi32, #tpu.memory_space<vmem>>
      %dma_wait3A_187 = tpu.memref_squeeze %dma_wait3A_186 : memref<1x80xi32, #tpu.memory_space<vmem>> -> memref<80xi32, #tpu.memory_space<vmem>>
      %dma_wait3A_188 = arith.constant 0 : i32
      %dma_wait3A_189 = tpu.memref_slice %arg4[%dma_wait3A_188] : memref<81920xf32, #tpu.memory_space<vmem_shared>> -> memref<81920xf32, #tpu.memory_space<vmem_shared>>
      tpu.wait_indirect_dma semaphore(%arg9 : memref<!tpu.dma_semaphore, #tpu.memory_space<semaphore_mem>>) src(%arg6 : memref<80xf32, #tpu.memory_space<vmem>>) dst(%dma_wait3A_189 : memref<81920xf32, #tpu.memory_space<vmem_shared>>)
      %dma_wait3A_190 = arith.constant 0 : i32
      %dma_wait3A_191 = arith.constant 0 : i32
      %dma_wait3A_192 = tpu.memref_slice %arg7[%dma_wait3A_190, %dma_wait3A_191] : memref<125x80xi32, #tpu.memory_space<vmem>> -> memref<1x80xi32, #tpu.memory_space<vmem>>
      %dma_wait3A_193 = tpu.memref_squeeze %dma_wait3A_192 : memref<1x80xi32, #tpu.memory_space<vmem>> -> memref<80xi32, #tpu.memory_space<vmem>>
      %dma_wait3A_194 = arith.constant 0 : i32
      %dma_wait3A_195 = tpu.memref_slice %arg4[%dma_wait3A_194] : memref<81920xf32, #tpu.memory_space<vmem_shared>> -> memref<81920xf32, #tpu.memory_space<vmem_shared>>
      tpu.wait_indirect_dma semaphore(%arg9 : memref<!tpu.dma_semaphore, #tpu.memory_space<semaphore_mem>>) src(%arg6 : memref<80xf32, #tpu.memory_space<vmem>>) dst(%dma_wait3A_195 : memref<81920xf32, #tpu.memory_space<vmem_shared>>)
      %dma_wait3A_196 = arith.constant 0 : i32
      %dma_wait3A_197 = arith.constant 0 : i32
      %dma_wait3A_198 = tpu.memref_slice %arg7[%dma_wait3A_196, %dma_wait3A_197] : memref<125x80xi32, #tpu.memory_space<vmem>> -> memref<1x80xi32, #tpu.memory_space<vmem>>
      %dma_wait3A_199 = tpu.memref_squeeze %dma_wait3A_198 : memref<1x80xi32, #tpu.memory_space<vmem>> -> memref<80xi32, #tpu.memory_space<vmem>>
      %dma_wait3A_200 = arith.constant 0 : i32
      %dma_wait3A_201 = tpu.memref_slice %arg4[%dma_wait3A_200] : memref<81920xf32, #tpu.memory_space<vmem_shared>> -> memref<81920xf32, #tpu.memory_space<vmem_shared>>
      tpu.wait_indirect_dma semaphore(%arg9 : memref<!tpu.dma_semaphore, #tpu.memory_space<semaphore_mem>>) src(%arg6 : memref<80xf32, #tpu.memory_space<vmem>>) dst(%dma_wait3A_201 : memref<81920xf32, #tpu.memory_space<vmem_shared>>)
      %dma_wait3A_202 = arith.constant 0 : i32
      %dma_wait3A_203 = arith.constant 0 : i32
      %dma_wait3A_204 = tpu.memref_slice %arg7[%dma_wait3A_202, %dma_wait3A_203] : memref<125x80xi32, #tpu.memory_space<vmem>> -> memref<1x80xi32, #tpu.memory_space<vmem>>
      %dma_wait3A_205 = tpu.memref_squeeze %dma_wait3A_204 : memref<1x80xi32, #tpu.memory_space<vmem>> -> memref<80xi32, #tpu.memory_space<vmem>>
      %dma_wait3A_206 = arith.constant 0 : i32
      %dma_wait3A_207 = tpu.memref_slice %arg4[%dma_wait3A_206] : memref<81920xf32, #tpu.memory_space<vmem_shared>> -> memref<81920xf32, #tpu.memory_space<vmem_shared>>
      tpu.wait_indirect_dma semaphore(%arg9 : memref<!tpu.dma_semaphore, #tpu.memory_space<semaphore_mem>>) src(%arg6 : memref<80xf32, #tpu.memory_space<vmem>>) dst(%dma_wait3A_207 : memref<81920xf32, #tpu.memory_space<vmem_shared>>)
      %dma_wait3A_208 = arith.constant 0 : i32
      %dma_wait3A_209 = arith.constant 0 : i32
      %dma_wait3A_210 = tpu.memref_slice %arg7[%dma_wait3A_208, %dma_wait3A_209] : memref<125x80xi32, #tpu.memory_space<vmem>> -> memref<1x80xi32, #tpu.memory_space<vmem>>
      %dma_wait3A_211 = tpu.memref_squeeze %dma_wait3A_210 : memref<1x80xi32, #tpu.memory_space<vmem>> -> memref<80xi32, #tpu.memory_space<vmem>>
      %dma_wait3A_212 = arith.constant 0 : i32
      %dma_wait3A_213 = tpu.memref_slice %arg4[%dma_wait3A_212] : memref<81920xf32, #tpu.memory_space<vmem_shared>> -> memref<81920xf32, #tpu.memory_space<vmem_shared>>
      tpu.wait_indirect_dma semaphore(%arg9 : memref<!tpu.dma_semaphore, #tpu.memory_space<semaphore_mem>>) src(%arg6 : memref<80xf32, #tpu.memory_space<vmem>>) dst(%dma_wait3A_213 : memref<81920xf32, #tpu.memory_space<vmem_shared>>)
      %dma_wait3A_214 = arith.constant 0 : i32
      %dma_wait3A_215 = arith.constant 0 : i32
      %dma_wait3A_216 = tpu.memref_slice %arg7[%dma_wait3A_214, %dma_wait3A_215] : memref<125x80xi32, #tpu.memory_space<vmem>> -> memref<1x80xi32, #tpu.memory_space<vmem>>
      %dma_wait3A_217 = tpu.memref_squeeze %dma_wait3A_216 : memref<1x80xi32, #tpu.memory_space<vmem>> -> memref<80xi32, #tpu.memory_space<vmem>>
      %dma_wait3A_218 = arith.constant 0 : i32
      %dma_wait3A_219 = tpu.memref_slice %arg4[%dma_wait3A_218] : memref<81920xf32, #tpu.memory_space<vmem_shared>> -> memref<81920xf32, #tpu.memory_space<vmem_shared>>
      tpu.wait_indirect_dma semaphore(%arg9 : memref<!tpu.dma_semaphore, #tpu.memory_space<semaphore_mem>>) src(%arg6 : memref<80xf32, #tpu.memory_space<vmem>>) dst(%dma_wait3A_219 : memref<81920xf32, #tpu.memory_space<vmem_shared>>)
      %scan3A_220 = arith.constant 0 : i32
      scf.yield %scan3A_220 : i32
    }
    %scan3A_36 = arith.constant 15 : i32
    %dma_start3A_37 = arith.constant 120 : i32
    %dma_start3A_38 = arith.constant 0 : i32
    %dma_start3A_39 = tpu.memref_slice %arg7[%dma_start3A_37, %dma_start3A_38] : memref<125x80xi32, #tpu.memory_space<vmem>> -> memref<1x80xi32, #tpu.memory_space<vmem>>
    %dma_start3A_40 = tpu.memref_squeeze %dma_start3A_39 : memref<1x80xi32, #tpu.memory_space<vmem>> -> memref<80xi32, #tpu.memory_space<vmem>>
    %dma_start3A_41 = arith.constant 0 : i32
    %dma_start3A_42 = tpu.memref_slice %arg4[%dma_start3A_41] : memref<81920xf32, #tpu.memory_space<vmem_shared>> -> memref<81920xf32, #tpu.memory_space<vmem_shared>>
    tpu.enqueue_indirect_dma source(%arg6 : memref<80xf32, #tpu.memory_space<vmem>>) target(%dma_start3A_42 : memref<81920xf32, #tpu.memory_space<vmem_shared>>) offsets(%dma_start3A_40 : memref<80xi32, #tpu.memory_space<vmem>>) semaphore(%arg9 : memref<!tpu.dma_semaphore, #tpu.memory_space<semaphore_mem>>) {add = true}
    %dma_start3A_43 = arith.constant 121 : i32
    %dma_start3A_44 = arith.constant 0 : i32
    %dma_start3A_45 = tpu.memref_slice %arg7[%dma_start3A_43, %dma_start3A_44] : memref<125x80xi32, #tpu.memory_space<vmem>> -> memref<1x80xi32, #tpu.memory_space<vmem>>
    %dma_start3A_46 = tpu.memref_squeeze %dma_start3A_45 : memref<1x80xi32, #tpu.memory_space<vmem>> -> memref<80xi32, #tpu.memory_space<vmem>>
    %dma_start3A_47 = arith.constant 0 : i32
    %dma_start3A_48 = tpu.memref_slice %arg4[%dma_start3A_47] : memref<81920xf32, #tpu.memory_space<vmem_shared>> -> memref<81920xf32, #tpu.memory_space<vmem_shared>>
    tpu.enqueue_indirect_dma source(%arg6 : memref<80xf32, #tpu.memory_space<vmem>>) target(%dma_start3A_48 : memref<81920xf32, #tpu.memory_space<vmem_shared>>) offsets(%dma_start3A_46 : memref<80xi32, #tpu.memory_space<vmem>>) semaphore(%arg9 : memref<!tpu.dma_semaphore, #tpu.memory_space<semaphore_mem>>) {add = true}
    %dma_start3A_49 = arith.constant 122 : i32
    %dma_start3A_50 = arith.constant 0 : i32
    %dma_start3A_51 = tpu.memref_slice %arg7[%dma_start3A_49, %dma_start3A_50] : memref<125x80xi32, #tpu.memory_space<vmem>> -> memref<1x80xi32, #tpu.memory_space<vmem>>
    %dma_start3A_52 = tpu.memref_squeeze %dma_start3A_51 : memref<1x80xi32, #tpu.memory_space<vmem>> -> memref<80xi32, #tpu.memory_space<vmem>>
    %dma_start3A_53 = arith.constant 0 : i32
    %dma_start3A_54 = tpu.memref_slice %arg4[%dma_start3A_53] : memref<81920xf32, #tpu.memory_space<vmem_shared>> -> memref<81920xf32, #tpu.memory_space<vmem_shared>>
    tpu.enqueue_indirect_dma source(%arg6 : memref<80xf32, #tpu.memory_space<vmem>>) target(%dma_start3A_54 : memref<81920xf32, #tpu.memory_space<vmem_shared>>) offsets(%dma_start3A_52 : memref<80xi32, #tpu.memory_space<vmem>>) semaphore(%arg9 : memref<!tpu.dma_semaphore, #tpu.memory_space<semaphore_mem>>) {add = true}
    %dma_start3A_55 = arith.constant 123 : i32
    %dma_start3A_56 = arith.constant 0 : i32
    %dma_start3A_57 = tpu.memref_slice %arg7[%dma_start3A_55, %dma_start3A_56] : memref<125x80xi32, #tpu.memory_space<vmem>> -> memref<1x80xi32, #tpu.memory_space<vmem>>
    %dma_start3A_58 = tpu.memref_squeeze %dma_start3A_57 : memref<1x80xi32, #tpu.memory_space<vmem>> -> memref<80xi32, #tpu.memory_space<vmem>>
    %dma_start3A_59 = arith.constant 0 : i32
    %dma_start3A_60 = tpu.memref_slice %arg4[%dma_start3A_59] : memref<81920xf32, #tpu.memory_space<vmem_shared>> -> memref<81920xf32, #tpu.memory_space<vmem_shared>>
    tpu.enqueue_indirect_dma source(%arg6 : memref<80xf32, #tpu.memory_space<vmem>>) target(%dma_start3A_60 : memref<81920xf32, #tpu.memory_space<vmem_shared>>) offsets(%dma_start3A_58 : memref<80xi32, #tpu.memory_space<vmem>>) semaphore(%arg9 : memref<!tpu.dma_semaphore, #tpu.memory_space<semaphore_mem>>) {add = true}
    %dma_start3A_61 = arith.constant 124 : i32
    %dma_start3A_62 = arith.constant 0 : i32
    %dma_start3A_63 = tpu.memref_slice %arg7[%dma_start3A_61, %dma_start3A_62] : memref<125x80xi32, #tpu.memory_space<vmem>> -> memref<1x80xi32, #tpu.memory_space<vmem>>
    %dma_start3A_64 = tpu.memref_squeeze %dma_start3A_63 : memref<1x80xi32, #tpu.memory_space<vmem>> -> memref<80xi32, #tpu.memory_space<vmem>>
    %dma_start3A_65 = arith.constant 0 : i32
    %dma_start3A_66 = tpu.memref_slice %arg4[%dma_start3A_65] : memref<81920xf32, #tpu.memory_space<vmem_shared>> -> memref<81920xf32, #tpu.memory_space<vmem_shared>>
    tpu.enqueue_indirect_dma source(%arg6 : memref<80xf32, #tpu.memory_space<vmem>>) target(%dma_start3A_66 : memref<81920xf32, #tpu.memory_space<vmem_shared>>) offsets(%dma_start3A_64 : memref<80xi32, #tpu.memory_space<vmem>>) semaphore(%arg9 : memref<!tpu.dma_semaphore, #tpu.memory_space<semaphore_mem>>) {add = true}
    %dma_wait3A_67 = arith.constant 0 : i32
    %dma_wait3A_68 = arith.constant 0 : i32
    %dma_wait3A_69 = tpu.memref_slice %arg7[%dma_wait3A_67, %dma_wait3A_68] : memref<125x80xi32, #tpu.memory_space<vmem>> -> memref<1x80xi32, #tpu.memory_space<vmem>>
    %dma_wait3A_70 = tpu.memref_squeeze %dma_wait3A_69 : memref<1x80xi32, #tpu.memory_space<vmem>> -> memref<80xi32, #tpu.memory_space<vmem>>
    %dma_wait3A_71 = arith.constant 0 : i32
    %dma_wait3A_72 = tpu.memref_slice %arg4[%dma_wait3A_71] : memref<81920xf32, #tpu.memory_space<vmem_shared>> -> memref<81920xf32, #tpu.memory_space<vmem_shared>>
    tpu.wait_indirect_dma semaphore(%arg9 : memref<!tpu.dma_semaphore, #tpu.memory_space<semaphore_mem>>) src(%arg6 : memref<80xf32, #tpu.memory_space<vmem>>) dst(%dma_wait3A_72 : memref<81920xf32, #tpu.memory_space<vmem_shared>>)
    %dma_wait3A_73 = arith.constant 0 : i32
    %dma_wait3A_74 = arith.constant 0 : i32
    %dma_wait3A_75 = tpu.memref_slice %arg7[%dma_wait3A_73, %dma_wait3A_74] : memref<125x80xi32, #tpu.memory_space<vmem>> -> memref<1x80xi32, #tpu.memory_space<vmem>>
    %dma_wait3A_76 = tpu.memref_squeeze %dma_wait3A_75 : memref<1x80xi32, #tpu.memory_space<vmem>> -> memref<80xi32, #tpu.memory_space<vmem>>
    %dma_wait3A_77 = arith.constant 0 : i32
    %dma_wait3A_78 = tpu.memref_slice %arg4[%dma_wait3A_77] : memref<81920xf32, #tpu.memory_space<vmem_shared>> -> memref<81920xf32, #tpu.memory_space<vmem_shared>>
    tpu.wait_indirect_dma semaphore(%arg9 : memref<!tpu.dma_semaphore, #tpu.memory_space<semaphore_mem>>) src(%arg6 : memref<80xf32, #tpu.memory_space<vmem>>) dst(%dma_wait3A_78 : memref<81920xf32, #tpu.memory_space<vmem_shared>>)
    %dma_wait3A_79 = arith.constant 0 : i32
    %dma_wait3A_80 = arith.constant 0 : i32
    %dma_wait3A_81 = tpu.memref_slice %arg7[%dma_wait3A_79, %dma_wait3A_80] : memref<125x80xi32, #tpu.memory_space<vmem>> -> memref<1x80xi32, #tpu.memory_space<vmem>>
    %dma_wait3A_82 = tpu.memref_squeeze %dma_wait3A_81 : memref<1x80xi32, #tpu.memory_space<vmem>> -> memref<80xi32, #tpu.memory_space<vmem>>
    %dma_wait3A_83 = arith.constant 0 : i32
    %dma_wait3A_84 = tpu.memref_slice %arg4[%dma_wait3A_83] : memref<81920xf32, #tpu.memory_space<vmem_shared>> -> memref<81920xf32, #tpu.memory_space<vmem_shared>>
    tpu.wait_indirect_dma semaphore(%arg9 : memref<!tpu.dma_semaphore, #tpu.memory_space<semaphore_mem>>) src(%arg6 : memref<80xf32, #tpu.memory_space<vmem>>) dst(%dma_wait3A_84 : memref<81920xf32, #tpu.memory_space<vmem_shared>>)
    %dma_wait3A_85 = arith.constant 0 : i32
    %dma_wait3A_86 = arith.constant 0 : i32
    %dma_wait3A_87 = tpu.memref_slice %arg7[%dma_wait3A_85, %dma_wait3A_86] : memref<125x80xi32, #tpu.memory_space<vmem>> -> memref<1x80xi32, #tpu.memory_space<vmem>>
    %dma_wait3A_88 = tpu.memref_squeeze %dma_wait3A_87 : memref<1x80xi32, #tpu.memory_space<vmem>> -> memref<80xi32, #tpu.memory_space<vmem>>
    %dma_wait3A_89 = arith.constant 0 : i32
    %dma_wait3A_90 = tpu.memref_slice %arg4[%dma_wait3A_89] : memref<81920xf32, #tpu.memory_space<vmem_shared>> -> memref<81920xf32, #tpu.memory_space<vmem_shared>>
    tpu.wait_indirect_dma semaphore(%arg9 : memref<!tpu.dma_semaphore, #tpu.memory_space<semaphore_mem>>) src(%arg6 : memref<80xf32, #tpu.memory_space<vmem>>) dst(%dma_wait3A_90 : memref<81920xf32, #tpu.memory_space<vmem_shared>>)
    %dma_wait3A_91 = arith.constant 0 : i32
    %dma_wait3A_92 = arith.constant 0 : i32
    %dma_wait3A_93 = tpu.memref_slice %arg7[%dma_wait3A_91, %dma_wait3A_92] : memref<125x80xi32, #tpu.memory_space<vmem>> -> memref<1x80xi32, #tpu.memory_space<vmem>>
    %dma_wait3A_94 = tpu.memref_squeeze %dma_wait3A_93 : memref<1x80xi32, #tpu.memory_space<vmem>> -> memref<80xi32, #tpu.memory_space<vmem>>
    %dma_wait3A_95 = arith.constant 0 : i32
    %dma_wait3A_96 = tpu.memref_slice %arg4[%dma_wait3A_95] : memref<81920xf32, #tpu.memory_space<vmem_shared>> -> memref<81920xf32, #tpu.memory_space<vmem_shared>>
    tpu.wait_indirect_dma semaphore(%arg9 : memref<!tpu.dma_semaphore, #tpu.memory_space<semaphore_mem>>) src(%arg6 : memref<80xf32, #tpu.memory_space<vmem>>) dst(%dma_wait3A_96 : memref<81920xf32, #tpu.memory_space<vmem_shared>>)
    %barrier3A_97 = arith.constant 0 : index
    tpu.barrier barrier_id(%barrier3A_97)
    "tpu.region"() ({
      %run_scoped3A = tpu.sem_alloc : memref<!tpu.dma_semaphore, #tpu.memory_space<semaphore_mem>>
      %dma_start3A_98 = tpu.memref_slice %arg3[%arg0, %mul3A_2] : memref<2x81920xf32, #tpu.memory_space<hbm>> -> memref<1x5120xf32, #tpu.memory_space<hbm>>
      %dma_start3A_99 = tpu.memref_squeeze %dma_start3A_98 : memref<1x5120xf32, #tpu.memory_space<hbm>> -> memref<5120xf32, #tpu.memory_space<hbm>>
      %dma_start3A_100 = tpu.memref_slice %arg4[%mul3A_2] : memref<81920xf32, #tpu.memory_space<vmem_shared>> -> memref<5120xf32, #tpu.memory_space<vmem_shared>>
      tpu.enqueue_dma source(%dma_start3A_100 : memref<5120xf32, #tpu.memory_space<vmem_shared>>) target(%dma_start3A_99 : memref<5120xf32, #tpu.memory_space<hbm>>) target_semaphore(%run_scoped3A : memref<!tpu.dma_semaphore, #tpu.memory_space<semaphore_mem>>)
      %dma_wait3A_101 = tpu.memref_slice %arg3[%arg0, %mul3A_2] : memref<2x81920xf32, #tpu.memory_space<hbm>> -> memref<1x5120xf32, #tpu.memory_space<hbm>>
      %dma_wait3A_102 = tpu.memref_squeeze %dma_wait3A_101 : memref<1x5120xf32, #tpu.memory_space<hbm>> -> memref<5120xf32, #tpu.memory_space<hbm>>
      %dma_wait3A_103 = tpu.memref_slice %arg4[%mul3A_2] : memref<81920xf32, #tpu.memory_space<vmem_shared>> -> memref<5120xf32, #tpu.memory_space<vmem_shared>>
      tpu.wait_dma2 semaphore(%run_scoped3A : memref<!tpu.dma_semaphore, #tpu.memory_space<semaphore_mem>>) src(%dma_wait3A_103 : memref<5120xf32, #tpu.memory_space<vmem_shared>>) dst(%dma_wait3A_102 : memref<5120xf32, #tpu.memory_space<hbm>>)
      tpu.yield
    }) : () -> ()
    return
  }
}

module attributes {stable_mosaic.version = 14 : i64} {
  func.func @_idx_body(%arg0: memref<2500x128xi32, #tpu.memory_space<vmem>>, %arg1: memref<2500x128xi32, #tpu.memory_space<vmem>>, %arg2: memref<2500x128xi32, #tpu.memory_space<vmem>>, %arg3: memref<2500x128xi32, #tpu.memory_space<vmem>>, %arg4: memref<2500x128xi32, #tpu.memory_space<vmem>>) attributes {dimension_semantics = [], scalar_prefetch = 0 : i64, scratch_operands = 0 : i64, tpu.core_type = #tpu.core_type<tc>} {
    %get3A = arith.constant 0 : index
    %get3A_0 = arith.constant 0 : index
    %get3A_1 = vector.load %arg0[%get3A, %get3A_0] : memref<2500x128xi32, #tpu.memory_space<vmem>>, vector<2500x128xi32>
    %mul3A = arith.constant 9 : i32
    %mul3A_2 = vector.broadcast %mul3A : i32 to vector<2500x128xi32>
    %mul3A_3 = arith.muli %get3A_1, %mul3A_2 : vector<2500x128xi32>
    %get3A_4 = arith.constant 0 : index
    %get3A_5 = arith.constant 0 : index
    %get3A_6 = vector.load %arg2[%get3A_4, %get3A_5] : memref<2500x128xi32, #tpu.memory_space<vmem>>, vector<2500x128xi32>
    %add3A = arith.addi %mul3A_3, %get3A_6 : vector<2500x128xi32>
    %swap3A = arith.constant 0 : index
    %swap3A_7 = arith.constant 0 : index
    %swap3A_8 = vector.load %arg3[%swap3A, %swap3A_7] : memref<2500x128xi32, #tpu.memory_space<vmem>>, vector<2500x128xi32>
    tpu.vector_store %arg3[%swap3A, %swap3A_7], %add3A {strides = array<i32>} : memref<2500x128xi32, #tpu.memory_space<vmem>>, vector<2500x128xi32>,
    %get3A_9 = arith.constant 0 : index
    %get3A_10 = arith.constant 0 : index
    %get3A_11 = vector.load %arg2[%get3A_9, %get3A_10] : memref<2500x128xi32, #tpu.memory_space<vmem>>, vector<2500x128xi32>
    %mul3A_12 = arith.constant 10000 : i32
    %mul3A_13 = vector.broadcast %mul3A_12 : i32 to vector<2500x128xi32>
    %mul3A_14 = arith.muli %get3A_11, %mul3A_13 : vector<2500x128xi32>
    %get3A_15 = arith.constant 0 : index
    %get3A_16 = arith.constant 0 : index
    %get3A_17 = vector.load %arg1[%get3A_15, %get3A_16] : memref<2500x128xi32, #tpu.memory_space<vmem>>, vector<2500x128xi32>
    %add3A_18 = arith.addi %mul3A_14, %get3A_17 : vector<2500x128xi32>
    %swap3A_19 = arith.constant 0 : index
    %swap3A_20 = arith.constant 0 : index
    %swap3A_21 = vector.load %arg4[%swap3A_19, %swap3A_20] : memref<2500x128xi32, #tpu.memory_space<vmem>>, vector<2500x128xi32>
    tpu.vector_store %arg4[%swap3A_19, %swap3A_20], %add3A_18 {strides = array<i32>} : memref<2500x128xi32, #tpu.memory_space<vmem>>, vector<2500x128xi32>,
    return
  }
}

module attributes {stable_mosaic.version = 14 : i64} {
  func.func @_mm_body(%arg0: i32, %arg1: memref<400x128xf32, #tpu.memory_space<vmem>>, %arg2: memref<128x1152xf32, #tpu.memory_space<vmem>>, %arg3: memref<1x1152xf32, #tpu.memory_space<vmem>>, %arg4: memref<400x1152xf32, #tpu.memory_space<vmem>>, %arg5: memref<400x128xf32, #tpu.memory_space<vmem>>) attributes {dimension_semantics = [#tpu.dimension_semantics<arbitrary>], iteration_bounds = array<i64: 25>, scalar_prefetch = 0 : i64, scratch_operands = 0 : i64, tpu.core_type = #tpu.core_type<tc>, window_params = [{transform_indices = @transform_0, window_bounds = array<i64: 400, 128>}, {pipeline_mode = #tpu.pipeline_mode<synchronous>, transform_indices = @transform_1, window_bounds = array<i64: 128, 1152>}, {pipeline_mode = #tpu.pipeline_mode<synchronous>, transform_indices = @transform_2, window_bounds = array<i64: 1, 1152>}, {transform_indices = @transform_3, window_bounds = array<i64: 400, 1152>}, {transform_indices = @transform_4, window_bounds = array<i64: 400, 128>}]} {
    %get3A = arith.constant 0 : index
    %get3A_0 = arith.constant 0 : index
    %get3A_1 = vector.load %arg1[%get3A, %get3A_0] : memref<400x128xf32, #tpu.memory_space<vmem>>, vector<400x128xf32>
    %get3A_2 = arith.constant 0 : index
    %get3A_3 = arith.constant 0 : index
    %get3A_4 = vector.load %arg2[%get3A_2, %get3A_3] : memref<128x1152xf32, #tpu.memory_space<vmem>>, vector<128x1152xf32>
    %dot_general3A = arith.constant dense<0.000000e+00> : vector<400x1152xf32>
    %dot_general3A_5 = tpu.matmul %get3A_1, %get3A_4, %dot_general3A {dimension_numbers = #tpu.dot_dimension_numbers<[1], [0], [0], [1], [0, 0, 1, 1], [], []>, transpose_lhs_hint = false} : vector<400x128xf32>, vector<128x1152xf32>, vector<400x1152xf32> -> vector<400x1152xf32>
    %get3A_6 = arith.constant 0 : index
    %get3A_7 = arith.constant 0 : index
    %get3A_8 = vector.load %arg3[%get3A_6, %get3A_7] : memref<1x1152xf32, #tpu.memory_space<vmem>>, vector<1x1152xf32>
    %add3A = vector.broadcast %get3A_8 : vector<1x1152xf32> to vector<400x1152xf32>
    %add3A_9 = arith.addf %dot_general3A_5, %add3A : vector<400x1152xf32>
    %swap3A = arith.constant 0 : index
    %swap3A_10 = arith.constant 0 : index
    %swap3A_11 = vector.load %arg4[%swap3A, %swap3A_10] : memref<400x1152xf32, #tpu.memory_space<vmem>>, vector<400x1152xf32>
    tpu.vector_store %arg4[%swap3A, %swap3A_10], %add3A_9 {strides = array<i32>} : memref<400x1152xf32, #tpu.memory_space<vmem>>, vector<400x1152xf32>,
    %slice3A = vector.extract_strided_slice %add3A_9 {offsets = [0, 1024], sizes = [400, 128], strides = [1, 1]} : vector<400x1152xf32> to vector<400x128xf32>
    %swap3A_12 = arith.constant 0 : index
    %swap3A_13 = arith.constant 0 : index
    %swap3A_14 = vector.load %arg5[%swap3A_12, %swap3A_13] : memref<400x128xf32, #tpu.memory_space<vmem>>, vector<400x128xf32>
    tpu.vector_store %arg5[%swap3A_12, %swap3A_13], %slice3A {strides = array<i32>} : memref<400x128xf32, #tpu.memory_space<vmem>>, vector<400x128xf32>,
    return
  }
  func.func @transform_0(%arg0: i32) -> (i32, i32) {
    %c0_i32 = arith.constant 0 : i32
    %c0_i32_0 = arith.constant 0 : i32
    return %arg0, %c0_i32 : i32, i32
  }
  func.func @transform_1(%arg0: i32) -> (i32, i32) {
    %c0_i32 = arith.constant 0 : i32
    %c0_i32_0 = arith.constant 0 : i32
    %c0_i32_1 = arith.constant 0 : i32
    return %c0_i32, %c0_i32_0 : i32, i32
  }
  func.func @transform_2(%arg0: i32) -> (i32, i32) {
    %c0_i32 = arith.constant 0 : i32
    %c0_i32_0 = arith.constant 0 : i32
    %c0_i32_1 = arith.constant 0 : i32
    return %c0_i32, %c0_i32_0 : i32, i32
  }
  func.func @transform_3(%arg0: i32) -> (i32, i32) {
    %c0_i32 = arith.constant 0 : i32
    %c0_i32_0 = arith.constant 0 : i32
    return %arg0, %c0_i32 : i32, i32
  }
  func.func @transform_4(%arg0: i32) -> (i32, i32) {
    %c0_i32 = arith.constant 0 : i32
    %c0_i32_0 = arith.constant 0 : i32
    return %arg0, %c0_i32 : i32, i32
  }
}

module attributes {stable_mosaic.version = 14 : i64} {
  func.func @_mm_relu_body(%arg0: i32, %arg1: memref<2x400x128xf32, #tpu.memory_space<vmem>>, %arg2: memref<128x1152xf32, #tpu.memory_space<vmem>>, %arg3: memref<1x1152xf32, #tpu.memory_space<vmem>>, %arg4: memref<400x1152xf32, #tpu.memory_space<vmem>>, %arg5: memref<400x128xf32, #tpu.memory_space<vmem>>) attributes {dimension_semantics = [#tpu.dimension_semantics<arbitrary>], iteration_bounds = array<i64: 25>, scalar_prefetch = 0 : i64, scratch_operands = 0 : i64, tpu.core_type = #tpu.core_type<tc>, window_params = [{transform_indices = @transform_0, window_bounds = array<i64: 2, 400, 128>}, {pipeline_mode = #tpu.pipeline_mode<synchronous>, transform_indices = @transform_1, window_bounds = array<i64: 128, 1152>}, {pipeline_mode = #tpu.pipeline_mode<synchronous>, transform_indices = @transform_2, window_bounds = array<i64: 1, 1152>}, {transform_indices = @transform_3, window_bounds = array<i64: 400, 1152>}, {transform_indices = @transform_4, window_bounds = array<i64: 400, 128>}]} {
    %get3A = arith.constant 0 : index
    %get3A_0 = arith.constant 0 : index
    %get3A_1 = arith.constant 0 : index
    %get3A_2 = vector.load %arg1[%get3A, %get3A_0, %get3A_1] : memref<2x400x128xf32, #tpu.memory_space<vmem>>, vector<1x400x128xf32>
    %get3A_3 = vector.shape_cast %get3A_2 : vector<1x400x128xf32> to vector<400x128xf32>
    %get3A_4 = arith.constant 1 : index
    %get3A_5 = arith.constant 0 : index
    %get3A_6 = arith.constant 0 : index
    %get3A_7 = vector.load %arg1[%get3A_4, %get3A_5, %get3A_6] : memref<2x400x128xf32, #tpu.memory_space<vmem>>, vector<1x400x128xf32>
    %get3A_8 = vector.shape_cast %get3A_7 : vector<1x400x128xf32> to vector<400x128xf32>
    %add3A = arith.addf %get3A_3, %get3A_8 : vector<400x128xf32>
    %max3A = arith.constant 0.000000e+00 : f32
    %max3A_9 = vector.broadcast %max3A : f32 to vector<400x128xf32>
    %max3A_10 = arith.maximumf %add3A, %max3A_9 : vector<400x128xf32>
    %get3A_11 = arith.constant 0 : index
    %get3A_12 = arith.constant 0 : index
    %get3A_13 = vector.load %arg2[%get3A_11, %get3A_12] : memref<128x1152xf32, #tpu.memory_space<vmem>>, vector<128x1152xf32>
    %dot_general3A = arith.constant dense<0.000000e+00> : vector<400x1152xf32>
    %dot_general3A_14 = tpu.matmul %max3A_10, %get3A_13, %dot_general3A {dimension_numbers = #tpu.dot_dimension_numbers<[1], [0], [0], [1], [0, 0, 1, 1], [], []>, transpose_lhs_hint = false} : vector<400x128xf32>, vector<128x1152xf32>, vector<400x1152xf32> -> vector<400x1152xf32>
    %get3A_15 = arith.constant 0 : index
    %get3A_16 = arith.constant 0 : index
    %get3A_17 = vector.load %arg3[%get3A_15, %get3A_16] : memref<1x1152xf32, #tpu.memory_space<vmem>>, vector<1x1152xf32>
    %add3A_18 = vector.broadcast %get3A_17 : vector<1x1152xf32> to vector<400x1152xf32>
    %add3A_19 = arith.addf %dot_general3A_14, %add3A_18 : vector<400x1152xf32>
    %swap3A = arith.constant 0 : index
    %swap3A_20 = arith.constant 0 : index
    %swap3A_21 = vector.load %arg4[%swap3A, %swap3A_20] : memref<400x1152xf32, #tpu.memory_space<vmem>>, vector<400x1152xf32>
    tpu.vector_store %arg4[%swap3A, %swap3A_20], %add3A_19 {strides = array<i32>} : memref<400x1152xf32, #tpu.memory_space<vmem>>, vector<400x1152xf32>,
    %slice3A = vector.extract_strided_slice %add3A_19 {offsets = [0, 1024], sizes = [400, 128], strides = [1, 1]} : vector<400x1152xf32> to vector<400x128xf32>
    %swap3A_22 = arith.constant 0 : index
    %swap3A_23 = arith.constant 0 : index
    %swap3A_24 = vector.load %arg5[%swap3A_22, %swap3A_23] : memref<400x128xf32, #tpu.memory_space<vmem>>, vector<400x128xf32>
    tpu.vector_store %arg5[%swap3A_22, %swap3A_23], %slice3A {strides = array<i32>} : memref<400x128xf32, #tpu.memory_space<vmem>>, vector<400x128xf32>,
    return
  }
  func.func @transform_0(%arg0: i32) -> (i32, i32, i32) {
    %c0_i32 = arith.constant 0 : i32
    %c0_i32_0 = arith.constant 0 : i32
    %c0_i32_1 = arith.constant 0 : i32
    return %c0_i32, %arg0, %c0_i32_0 : i32, i32, i32
  }
  func.func @transform_1(%arg0: i32) -> (i32, i32) {
    %c0_i32 = arith.constant 0 : i32
    %c0_i32_0 = arith.constant 0 : i32
    %c0_i32_1 = arith.constant 0 : i32
    return %c0_i32, %c0_i32_0 : i32, i32
  }
  func.func @transform_2(%arg0: i32) -> (i32, i32) {
    %c0_i32 = arith.constant 0 : i32
    %c0_i32_0 = arith.constant 0 : i32
    %c0_i32_1 = arith.constant 0 : i32
    return %c0_i32, %c0_i32_0 : i32, i32
  }
  func.func @transform_3(%arg0: i32) -> (i32, i32) {
    %c0_i32 = arith.constant 0 : i32
    %c0_i32_0 = arith.constant 0 : i32
    return %arg0, %c0_i32 : i32, i32
  }
  func.func @transform_4(%arg0: i32) -> (i32, i32) {
    %c0_i32 = arith.constant 0 : i32
    %c0_i32_0 = arith.constant 0 : i32
    return %arg0, %c0_i32 : i32, i32
  }
}

module attributes {stable_mosaic.version = 14 : i64} {
  func.func @_sum_body(%arg0: i32, %arg1: memref<2x400x128xf32, #tpu.memory_space<vmem>>, %arg2: memref<400x128xf32, #tpu.memory_space<vmem>>) attributes {dimension_semantics = [#tpu.dimension_semantics<arbitrary>], iteration_bounds = array<i64: 25>, scalar_prefetch = 0 : i64, scratch_operands = 0 : i64, tpu.core_type = #tpu.core_type<tc>, window_params = [{transform_indices = @transform_0, window_bounds = array<i64: 2, 400, 128>}, {transform_indices = @transform_1, window_bounds = array<i64: 400, 128>}]} {
    %get3A = arith.constant 0 : index
    %get3A_0 = arith.constant 0 : index
    %get3A_1 = arith.constant 0 : index
    %get3A_2 = vector.load %arg1[%get3A, %get3A_0, %get3A_1] : memref<2x400x128xf32, #tpu.memory_space<vmem>>, vector<1x400x128xf32>
    %get3A_3 = vector.shape_cast %get3A_2 : vector<1x400x128xf32> to vector<400x128xf32>
    %get3A_4 = arith.constant 1 : index
    %get3A_5 = arith.constant 0 : index
    %get3A_6 = arith.constant 0 : index
    %get3A_7 = vector.load %arg1[%get3A_4, %get3A_5, %get3A_6] : memref<2x400x128xf32, #tpu.memory_space<vmem>>, vector<1x400x128xf32>
    %get3A_8 = vector.shape_cast %get3A_7 : vector<1x400x128xf32> to vector<400x128xf32>
    %add3A = arith.addf %get3A_3, %get3A_8 : vector<400x128xf32>
    %swap3A = arith.constant 0 : index
    %swap3A_9 = arith.constant 0 : index
    %swap3A_10 = vector.load %arg2[%swap3A, %swap3A_9] : memref<400x128xf32, #tpu.memory_space<vmem>>, vector<400x128xf32>
    tpu.vector_store %arg2[%swap3A, %swap3A_9], %add3A {strides = array<i32>} : memref<400x128xf32, #tpu.memory_space<vmem>>, vector<400x128xf32>,
    return
  }
  func.func @transform_0(%arg0: i32) -> (i32, i32, i32) {
    %c0_i32 = arith.constant 0 : i32
    %c0_i32_0 = arith.constant 0 : i32
    %c0_i32_1 = arith.constant 0 : i32
    return %c0_i32, %arg0, %c0_i32_0 : i32, i32, i32
  }
  func.func @transform_1(%arg0: i32) -> (i32, i32) {
    %c0_i32 = arith.constant 0 : i32
    %c0_i32_0 = arith.constant 0 : i32
    return %arg0, %c0_i32 : i32, i32
  }
}

</mosaic_0001>

<sc_bundles>
// kernel: kernel.10.cloned.1.call-start
scs
__scs_entry_jumppad:
0x0: {  	(pc) =	sbr.rel $0x88, $3  }
0x1: {  	(tag) =	ssettag $0x0;
	lr =	simm.s32 $0x1  }
0x2: {  	[smem:$0x3F98] =	sst lr;
	_ =	strace $0xD0000000  }
0x3: {  	_ = 	snop  }
0x4: {  	_ = 	snop  }
0x5: {  	_ = 	snop  }
0x6: {  	_ = 	snop  }
0x7: {  	_ = 	snop  }
__scs_overlays_trampoline_lowered:
0x8: {  	[smem:$0x3FA7] =	sst s0  }
0x9: {  	[smem:$0x3FA8] =	sst s1  }
0xa: {  	[smem:$0x3FA9] =	sst s2  }
0xb: {  	[smem:$0x3FAA] =	sst s3  }
0xc: {  	[smem:$0x3FAB] =	sst s4  }
0xd: {  	[smem:$0x3FAC] =	sst s5  }
0xe: {  	[smem:$0x3FAD] =	sst s6  }
0xf: {  	[smem:$0x3FAE] =	sst s7  }
0x10: {  	[smem:$0x3FAF] =	sst s8  }
0x11: {  	[smem:$0x3FB0] =	sst s9;
	s0 =	simm.s32 @!p0 $0x0  }
0x12: {  	s1 =	sld [smem:$0x3F96];
	s0 =	simm.s32 @p0 $0x1  }
0x13: {  	[smem:$0x3FB1] =	sst s0;
	s0 =	simm.s32 @!p1 $0x0  }
0x14: {  	s2 =	sld [smem:$0x3F95];
	s0 =	simm.s32 @p1 $0x1  }
0x15: {  	[smem:$0x3FB2] =	sst s0;
	s0 =	simm.s32 @!p2 $0x0  }
0x16: {  	s3 =	sld [smem:$0x3FDB];
	s0 =	simm.s32 @p2 $0x1  }
0x17: {  	s4 =	simm.s32 $0x1BF5;
	[smem:$0x3FB4] =	sst s0  }
0x18: {  	s0 =	sld [smem:$0x3F97];
	_ =	swait.ge [sflag:s4], $0x0  }
0x19: {  	s7 =	sld [smem:$0x3F98]  }
0x1a: {  	s8 =	sadd.s32 $0xFFFFE003, lr  }
0x1b: {  	s9 =	sadd.s32 $0xFFFFFEF7, lr;
	s5 =	simm.s32 $0xFFFFFFFF;
	p2 =	slt.u32 s8, $0xFFFFF086  }
0x1c: {  	p1 =	slt.u32 s9, $0xF7A;
	s5 =	simm.s32 @!p2 $0x0  }
0x1d: {  	s5 =	simm.s32 @p1 $0x1;
	p0 =	seq.s32 s7, s2  }
0x1e: {  	s7 =	smul.u32 @!p0 $0xF7A, s2;
	p2 =	seq.s32 @!p0 s5, $0x0  }
0x1f: {  	s9 =	smul.u32 $0xF7A, s1;
	s8 =	simm.s32 @!p0 $0x1BF5;
	p2 =	por !p2, p0  }
0x20: {  	[sflag:s8] =	ssyncset.s32 @!p0 $0xFFFFF086;
	s6 =	sadd.s32 @!p0 s3, s7;
	s7 =	simm.s32 @!p0 $0x108  }
0x21: {  	s3 =	sadd.s32 s3, s9;
	s6 =	sadd.s32 @!p0 $0x88, s6;
	s7 =	simm.s32 @p2 $0x1082  }
0x22: {  	[simem:s7], [sflag:s8] =	dma.local @!p0 [hbm:s6], $0xF7A  }
0x23: {  	s9 =	sor.u32 $0xD0000000, s2;
	s6 =	simm.s32 $0x108;
	_ =	swait.ge @!p0 [sflag:s8], $0x0  }
0x24: {  	s3 =	sadd.s32 $0x88, s3;
	s6 =	simm.s32 @!p1 $0x1082;
	[sflag:s4] =	ssyncset.s32 $0xFFFFF086  }
0x25: {  	[simem:s6], [sflag:s4] =	dma.local [hbm:s3], $0xF7A  }
0x26: {  	[smem:$0x3F98] =	sst s1;
	(tag) =	ssettag s2;
	_ =	strace s9  }
0x27: {  	s1 =	sld [smem:$0x3FA8]  }
0x28: {  	s2 =	sld [smem:$0x3FA9]  }
0x29: {  	s4 =	sld [smem:$0x3FAB]  }
0x2a: {  	p0 =	seq.s32 s5, $0x0;
	s5 =	sld [smem:$0x3FAC]  }
0x2b: {  	s6 =	sld [smem:$0x3FAD]  }
0x2c: {  	s7 =	sld [smem:$0x3FAE]  }
0x2d: {  	s3 =	simm.s32 $0x108;
	s8 =	sld [smem:$0x3FAF]  }
0x2e: {  	s3 =	simm.s32 @!p0 $0x1082;
	s9 =	sld [smem:$0x3FB0]  }
0x2f: {  	lr =	sadd.s32 s0, s3;
	s0 =	sld [smem:$0x3FA7]  }
0x30: {  	s3 =	sld [smem:$0x3FAA]  }
0x31: {  	[smem:$0x3FB3] =	sst s10  }
0x32: {  	s10 =	sld [smem:$0x3FB1];
	_ =	sdelay $0x3  }
0x33: {  	p0 =	seq.s32 s10, $0x1;
	s10 =	sld [smem:$0x3FB3];
	_ =	sdelay $0x3  }
0x34: {  	[smem:$0x3FB3] =	sst s10  }
0x35: {  	s10 =	sld [smem:$0x3FB2];
	_ =	sdelay $0x3  }
0x36: {  	p1 =	seq.s32 s10, $0x1;
	s10 =	sld [smem:$0x3FB3];
	_ =	sdelay $0x3  }
0x37: {  	[smem:$0x3FB3] =	sst s10  }
0x38: {  	s10 =	sld [smem:$0x3FB4]  }
0x39: {  	_ = 	snop;
	(pc) =	sbr.ind lr, $3  }
0x3a: {  	_ = 	snop  }
0x3b: {  	_ = 	snop  }
0x3c: {  	p2 =	seq.s32 s10, $0x1;
	s10 =	sld [smem:$0x3FB3]  }
0x3d: {  	_ =	shalt  }
0x3e: {  	_ =	shalt  }
0x3f: {  	_ =	shalt  }
0x40: {  	_ =	shalt  }
0x41: {  	_ =	shalt  }
0x42: {  	_ =	shalt  }
0x43: {  	_ =	shalt  }
0x44: {  	_ =	shalt  }
0x45: {  	_ =	shalt  }
0x46: {  	_ =	shalt  }
0x47: {  	_ =	shalt  }
0x48: {  	_ =	shalt  }
0x49: {  	_ =	shalt  }
0x4a: {  	_ =	shalt  }
0x4b: {  	_ =	shalt  }
0x4c: {  	_ =	shalt  }
0x4d: {  	_ =	shalt  }
0x4e: {  	_ =	shalt  }
0x4f: {  	_ =	shalt  }
0x50: {  	_ =	shalt  }
0x51: {  	_ =	shalt  }
0x52: {  	_ =	shalt  }
0x53: {  	_ =	shalt  }
0x54: {  	_ =	shalt  }
0x55: {  	_ =	shalt  }
0x56: {  	_ =	shalt  }
0x57: {  	_ =	shalt  }
0x58: {  	_ =	shalt  }
0x59: {  	_ =	shalt  }
0x5a: {  	_ =	shalt  }
0x5b: {  	_ =	shalt  }
0x5c: {  	_ =	shalt  }
0x5d: {  	_ =	shalt  }
0x5e: {  	_ =	shalt  }
0x5f: {  	_ =	shalt  }
0x60: {  	_ =	shalt  }
0x61: {  	_ =	shalt  }
0x62: {  	_ =	shalt  }
0x63: {  	_ =	shalt  }
0x64: {  	_ =	shalt  }
0x65: {  	_ =	shalt  }
0x66: {  	_ =	shalt  }
0x67: {  	_ =	shalt  }
0x68: {  	_ =	shalt  }
0x69: {  	_ =	shalt  }
0x6a: {  	_ =	shalt  }
0x6b: {  	_ =	shalt  }
0x6c: {  	_ =	shalt  }
0x6d: {  	_ =	shalt  }
0x6e: {  	_ =	shalt  }
0x6f: {  	_ =	shalt  }
0x70: {  	_ =	shalt  }
0x71: {  	_ =	shalt  }
0x72: {  	_ =	shalt  }
0x73: {  	_ =	shalt  }
0x74: {  	_ =	shalt  }
0x75: {  	_ =	shalt  }
0x76: {  	_ =	shalt  }
0x77: {  	_ =	shalt  }
0x78: {  	_ =	shalt  }
0x79: {  	_ =	shalt  }
0x7a: {  	_ =	shalt  }
0x7b: {  	_ =	shalt  }
0x7c: {  	_ =	shalt  }
0x7d: {  	_ =	shalt  }
0x7e: {  	_ =	shalt  }
0x7f: {  	_ =	shalt  }
0x80: {  	_ =	shalt  }
0x81: {  	_ =	shalt  }
0x82: {  	_ =	shalt  }
0x83: {  	_ =	shalt  }
0x84: {  	_ =	shalt  }
0x85: {  	_ =	shalt  }
0x86: {  	_ =	shalt  }
0x87: {  	_ =	shalt  }
.Lfunc_end0:
.L_simem_size_0:
called_computation_lowered:
.L_overlay_start_0:
0x88: {  	s2 =	sld [smem:$0x3FD9]  }
0x89: {  	s3 =	sld [smem:$0x3FFE];
	_ =	sdelay $0x1  }
0x8a: {  	s1 =	srdreg.scid  }
0x8b: {  	s0 =	sand.u32 $0x1, s1  }
0x8c: {  	s16 =	sshll.u32 s0, $0xA;
	s2 =	sadd.s32 s3, s2  }
0x8d: {  	s2 =	sadd.s32 s2, s16  }
0x8e: {  	[smem:$0x3FBF] =	sst s2  }
0x8f: {  	_ = 	snop  }
0x90: {  	(tm) =	ssettm $0x1  }
0x91: {  	s17 =	sld [smem:$0x3FFB];
	_ =	sdelay $0x3  }
0x92: {  	_ =	strace s17  }
0x93: {  	s2 =	sld [smem:$0x3FFC];
	_ =	sdelay $0x3  }
0x94: {  	_ =	strace s2  }
0x95: {  	s2 =	sld [smem:$0x3FFD];
	_ =	sdelay $0x3  }
0x96: {  	_ =	strace s2  }
0x97: {  	_ =	strace $0x8FFFFFFF  }
0x98: {  	s18 =	sld [smem:$0x3FDB];
	_ =	sdelay $0x1  }
0x99: {  	s19 =	simm.s32 $_scs_section_size  }
0x9a: {  	s4 =	simm.s32 $_size__tile_overlayer_lowered;
	s5 =	simm.s32 $_tile_overlayer_lowered  }
0x9b: {  	s22 =	simm.s32 $0x1BFF;
	s21 =	sshll.u32 s5, $0x1;
	s2 =	sadd.s32 s19, s18  }
0x9c: {  	s6 =	simm.s32 $0x0;
	s20 =	sshll.u32 s4, $0x1;
	s4 =	sadd.s32 s21, s2  }
0x9d: {  	[timem:s6], [sflag:s22] =	dma.local [hbm:s4], s20  }
0x9e: {  	_ =	swait.ge [sflag:s22], s20  }
0x9f: {  	s3 =	ssub.s32 $0x0, s20;
	[sflag:s22] =	ssyncset.done $0x0  }
0xa0: {  	[sflag:s22] =	ssyncadd.s32 s3;
	_ =	sdelay $0x1  }
0xa1: {  	s23 =	simm.s32 $0x1B8B  }
0xa2: {  	_ =	swait.ge [sflag:s23], $0x1  }
0xa3: {  	[sflag:s23] =	ssyncset.done $0x0  }
0xa4: {  	s25 =	simm.s32 $0x1B8E;
	s24 =	sld [smem:$0x3FFE];
	[sflag:s23] =	ssyncadd.s32 $0xFFFFFFFF  }
0xa5: {  	s26 =	simm.s32 $execute0_lowered;
	[smem:$0x3FD2] =	sst s25  }
0xa6: {  	s4 =	sshll.u32 s26, $0x1;
	_ =	strace $0x80000046;
	[dreg:$0x1] =	wrdreg $0xFFFFFFFF  }
0xa7: {  	s28 =	simm.s32 $_size_execute0_lowered;
	s2 =	sadd.s32 s2, s4;
	[dreg:$0x0] =	wrdreg $0x0  }
0xa8: {  	s4 =	sshll.u32 s28, $0x1;
	[dreg:$0x2] =	wrdreg s2  }
0xa9: {  	[dreg:$0x3] =	wrdreg s4  }
0xaa: {  	[dreg:$0x4] =	wrdreg $0xC0  }
0xab: {  	_ =	task [dreg:s6], $0x5FFFF  }
0xac: {  	[dreg:$0x1] =	wrdreg $0xFFFFFFFF  }
0xad: {  	[dreg:$0x0] =	wrdreg $0x60  }
0xae: {  	[dreg:$0x2] =	wrdreg s24  }
0xaf: {  	[dreg:$0x3] =	wrdreg $0x0  }
0xb0: {  	[dreg:$0x4] =	wrdreg $0x9  }
0xb1: {  	_ =	task.clear_ibuf [dreg:s6], $0x5FFFF;
	_ =	strace $0x90000046  }
0xb2: {  	s29 =	simm.s32 $0x9;
	_ =	strace $0x80000048  }
0xb3: {  	_ =	swait.ge [sflag:s29], $0x1  }
0xb4: {  	[sflag:s29] =	ssyncadd.s32 $0xFFFFFFFF  }
0xb5: {  	_ =	strace $0x90000048  }
0xb6: {  	_ =	sfence  }
0xb7: {  	s30 =	sld [smem:$0x0];
	_ =	sdelay $0x2  }
0xb8: {  	s31 =	sshll.u32 s1, $0xD;
	s1 =	sshrl.u32 s1, $0x2  }
0xb9: {  	s3 =	sand.u32 $0x4000, s31;
	s1 =	sadd.s32 s1, s30  }
0xba: {  	s0 =	sor.u32 s3, s0;
	s1 =	sshll.u32 s1, $0x11  }
0xbb: {  	s0 =	sor.u32 s1, s0  }
0xbc: {  	s0 =	sadd.s32 $0x8F2B, s0  }
0xbd: {  	[sflag:s0] =	ssyncadd.remote.s32 $0x1  }
0xbe: {  	_ =	sfence.sel $0xFFFF  }
0xbf: {  	[dreg:$0x0] =	wrdreg $0xFFFFFFFF;
	(pc) =	sbr.abs _section_cstart, $3  }
0xc0: {  	[dreg:$0x1] =	wrdreg $0xFFFFFFFF  }
0xc1: {  	_ =	task.clear_ibuf [dreg:s6], $0x2FFFF;
	_ =	strace $0x9FFFFFFF  }
0xc2: {  	(tm) =	ssettm $0x7FFFFFFF  }
0xc3: {  	_ =	shalt  }
tec
execute0_lowered:
.L_overlay_start_1:
0x0: {  	(tag) =	ssettag $0x1  }
0x1: {  	s1 =	srdreg.scid;
	s4 =	rddreg [dreg:$0x0]  }
0x2: {  	s0 =	stileid.u32;
	s2 =	rddreg [dreg:$0x1];
	s3 =	simm.s32 $0x0  }
0x3: {  	s10 =	simm.s32 $0x3;
	s11 =	simm.s32 $0x1;
	s12 =	simm.s32 $0x50  }
0x4: {  	s13 =	simm.s32 $0x2800;
	s14 =	simm.s32 $0x2;
	s15 =	simm.s32 $0x4DD0  }
0x5: {  	s16 =	simm.s32 $0x4E20;
	s17 =	simm.s32 $0x4E70;
	s18 =	simm.s32 $0x4EC0  }
0x6: {  	s19 =	simm.s32 $0x4F10;
	s22 =	simm.s32 $0x0;
	s5 =	sand.u32 $0x1, s1  }
0x7: {  	s6 =	smul.u32 $0x1400, s0;
	s7 =	sshll.u32 s0, $0x1;
	s1 =	rddreg [dreg:$0x2]  }
0x8: {  	[smem:$0x7FF] =	sst s3;
	s20 =	sshll.u32 s0, $0x6;
	s8 =	smul.u32 $0x14000, s5  }
0x9: {  	s7 =	sor.u32 s5, s7;
	_ =	strace $0x80000047;
	s5 =	ssub.s32 $0x2, s5  }
0xa: {  	s20 =	sor.u32 $0x1C03, s20;
	s7 =	smul.u32 $0x4E2, s7;
	s31 =	sshrl.u32 s5, $0x1  }
0xb: {  	s8 =	sadd.s32 s6, s8;
	s9 =	ssub.s32 s5, s31;
	s5 =	sadd.s32 s6, s2  }
0xc: {  	s8 =	sshrl.u32 s8, $0x3;
	s7 =	sadd.s32 s7, s4;
	s21 =	sshrl.u32 s5, $0x3  }
0xd: {  	s8 =	sadd.s32 s8, s4;
	s4 =	sadd.s32 $0xD200, s7;
	s7 =	smax.u32 s9, $0x1  }
0xe: {  	v0 =	vimm.f32 $0.0e+00;
	v1 =	vimm.f32 $1.000000000e+00;
	s9 =	simm.s32 $0x1400;
	s6 =	sadd.s32 $0x20E00, s8;
	s8 =	simm.s32 $0x2850  }
.LBB2_1:
0xf: {  	[tilespmem:s8], [sflag:$0x1] =	stream.linear.gather [hbm4b:s4+s3], $0x2710, $0x38;
	[tilespmem:$0x4F60] =	vst v63  }
0x10: {  	s23 =	simm.s32 $0x40;
	s24 =	simm.s32 $0x0  }
.LBB2_2:
0x11: {  	p0 =	sne.s32 s23, $0x4FC0;
	[tilespmem:s24+$0x1400] =	vst v0;
	s24 =	smov.u32 s23;
	s23 =	sadd.s32 $0x40, s23  }
.Ltmp0:
0x12: {  	(pc) =	sbr.rel @p0 .LBB2_2-.Ltmp0, $2  }
0x13: {  	_ =	sdelay $0x2  }
0x14: {  	s24 =	sshra.s32 s24, $0x2  }
0x15: {  	[tilespmem:s24+$0x1400] =	vst v0  }
0x16: {  	[spmem:s5] =	stream.linear.scatter [tilespmem:s9], [sflag:$0x3], $0x1400, $0x38;
	[tilespmem:$0x4F60] =	vst v63  }
0x17: {  	_ =	swait.ge [sflag:s10], $0x1400  }
0x18: {  	[sflag:s10] =	ssyncset.done $0x0  }
0x19: {  	[sflag:s10] =	ssyncadd.s32 $0xFFFFEC00  }
0x1a: {  	[tilespmem:$0x2800] =	vst v1  }
0x1b: {  	[tilespmem:$0x2810] =	vst v1  }
0x1c: {  	[tilespmem:$0x2820] =	vst v1  }
0x1d: {  	[tilespmem:$0x2830] =	vst v1  }
0x1e: {  	[tilespmem:$0x2840] =	vst v1  }
0x1f: {  	_ =	swait.ge [sflag:s11], $0x2710  }
0x20: {  	[sflag:s11] =	ssyncset.done $0x0  }
0x21: {  	[sflag:s11] =	ssyncadd.s32 $0xFFFFD8F0  }
0x22: {  	s23 =	simm.s32 $0x2850;
	[bflag:$0x0] =	sbarrier.arrive $0xFFFF  }
0x23: {  	[spmem:s2] =	stream.indirect.scatter.add.f32 [tilespmem:s13], [sflag:$0x2], $0x1, s23, s12, $0xb8;
	[tilespmem:$0x4F60] =	vst v63  }
0x24: {  	s24 =	simm.s32 $0x28A0  }
0x25: {  	[spmem:s2] =	stream.indirect.scatter.add.f32 [tilespmem:s13], [sflag:$0x2], $0x1, s24, s12, $0xb8;
	[tilespmem:$0x4F60] =	vst v63  }
0x26: {  	s25 =	simm.s32 $0x28F0  }
0x27: {  	[spmem:s2] =	stream.indirect.scatter.add.f32 [tilespmem:s13], [sflag:$0x2], $0x1, s25, s12, $0xb8;
	[tilespmem:$0x4F60] =	vst v63  }
0x28: {  	s26 =	simm.s32 $0x2940  }
0x29: {  	[spmem:s2] =	stream.indirect.scatter.add.f32 [tilespmem:s13], [sflag:$0x2], $0x1, s26, s12, $0xb8;
	[tilespmem:$0x4F60] =	vst v63  }
0x2a: {  	s28 =	simm.s32 $0x2990  }
0x2b: {  	[spmem:s2] =	stream.indirect.scatter.add.f32 [tilespmem:s13], [sflag:$0x2], $0x1, s28, s12, $0xb8;
	[tilespmem:$0x4F60] =	vst v63  }
0x2c: {  	s29 =	simm.s32 $0x29E0  }
0x2d: {  	[spmem:s2] =	stream.indirect.scatter.add.f32 [tilespmem:s13], [sflag:$0x2], $0x1, s29, s12, $0xb8;
	[tilespmem:$0x4F60] =	vst v63  }
0x2e: {  	s30 =	simm.s32 $0x2A30  }
0x2f: {  	[spmem:s2] =	stream.indirect.scatter.add.f32 [tilespmem:s13], [sflag:$0x2], $0x1, s30, s12, $0xb8;
	[tilespmem:$0x4F60] =	vst v63  }
0x30: {  	s31 =	simm.s32 $0x2A80  }
0x31: {  	[spmem:s2] =	stream.indirect.scatter.add.f32 [tilespmem:s13], [sflag:$0x2], $0x1, s31, s12, $0xb8;
	[tilespmem:$0x4F60] =	vst v63  }
0x32: {  	_ =	swait.ge [sflag:s14], $0x50  }
0x33: {  	[sflag:s14] =	ssyncset.done $0x0  }
0x34: {  	[sflag:s14] =	ssyncadd.s32 $0xFFFFFFB0  }
0x35: {  	_ =	swait.ge [sflag:s14], $0x50  }
0x36: {  	[sflag:s14] =	ssyncset.done $0x0  }
0x37: {  	[sflag:s14] =	ssyncadd.s32 $0xFFFFFFB0  }
0x38: {  	_ =	swait.ge [sflag:s14], $0x50  }
0x39: {  	[sflag:s14] =	ssyncset.done $0x0  }
0x3a: {  	[sflag:s14] =	ssyncadd.s32 $0xFFFFFFB0  }
0x3b: {  	_ =	swait.ge [sflag:s14], $0x50  }
0x3c: {  	[sflag:s14] =	ssyncset.done $0x0  }
0x3d: {  	[sflag:s14] =	ssyncadd.s32 $0xFFFFFFB0  }
0x3e: {  	_ =	swait.ge [sflag:s14], $0x50  }
0x3f: {  	[sflag:s14] =	ssyncset.done $0x0  }
0x40: {  	[sflag:s14] =	ssyncadd.s32 $0xFFFFFFB0  }
0x41: {  	_ =	swait.ge [sflag:s14], $0x50  }
0x42: {  	[sflag:s14] =	ssyncset.done $0x0  }
0x43: {  	[sflag:s14] =	ssyncadd.s32 $0xFFFFFFB0  }
0x44: {  	_ =	swait.ge [sflag:s14], $0x50  }
0x45: {  	[sflag:s14] =	ssyncset.done $0x0  }
0x46: {  	[sflag:s14] =	ssyncadd.s32 $0xFFFFFFB0  }
0x47: {  	_ =	swait.ge [sflag:s14], $0x50  }
0x48: {  	s25 =	simm.s32 $0x280;
	s26 =	simm.s32 $0x1400;
	[sflag:s14] =	ssyncset.done $0x0  }
.LBB2_4:
0x49: {  	s28 =	sadd.s32 $0x2850, s25  }
0x4a: {  	[sflag:s14] =	ssyncadd.s32 $0xFFFFFFB0;
	s24 =	smov.u32 s26;
	s23 =	sadd.s32 $0xA00, s26  }
0x4b: {  	[spmem:s2] =	stream.indirect.scatter.add.f32 [tilespmem:s13], [sflag:$0x2], $0x1, s28, s12, $0xb8;
	[tilespmem:$0x4F60] =	vst v63  }
0x4c: {  	p0 =	sne.s32 s26, $0x8C00;
	s26 =	sadd.s32 $0x28A0, s25  }
0x4d: {  	[spmem:s2] =	stream.indirect.scatter.add.f32 [tilespmem:s13], [sflag:$0x2], $0x1, s26, s12, $0xb8;
	[tilespmem:$0x4F60] =	vst v63  }
0x4e: {  	s26 =	sadd.s32 $0x28F0, s25  }
0x4f: {  	[spmem:s2] =	stream.indirect.scatter.add.f32 [tilespmem:s13], [sflag:$0x2], $0x1, s26, s12, $0xb8;
	[tilespmem:$0x4F60] =	vst v63  }
0x50: {  	s26 =	sadd.s32 $0x2940, s25  }
0x51: {  	[spmem:s2] =	stream.indirect.scatter.add.f32 [tilespmem:s13], [sflag:$0x2], $0x1, s26, s12, $0xb8;
	[tilespmem:$0x4F60] =	vst v63  }
0x52: {  	s26 =	sadd.s32 $0x2990, s25  }
0x53: {  	[spmem:s2] =	stream.indirect.scatter.add.f32 [tilespmem:s13], [sflag:$0x2], $0x1, s26, s12, $0xb8;
	[tilespmem:$0x4F60] =	vst v63  }
0x54: {  	s26 =	sadd.s32 $0x29E0, s25  }
0x55: {  	[spmem:s2] =	stream.indirect.scatter.add.f32 [tilespmem:s13], [sflag:$0x2], $0x1, s26, s12, $0xb8;
	[tilespmem:$0x4F60] =	vst v63  }
0x56: {  	s26 =	sadd.s32 $0x2A30, s25  }
0x57: {  	[spmem:s2] =	stream.indirect.scatter.add.f32 [tilespmem:s13], [sflag:$0x2], $0x1, s26, s12, $0xb8;
	[tilespmem:$0x4F60] =	vst v63  }
0x58: {  	s25 =	sadd.s32 $0x2A80, s25  }
0x59: {  	[spmem:s2] =	stream.indirect.scatter.add.f32 [tilespmem:s13], [sflag:$0x2], $0x1, s25, s12, $0xb8;
	[tilespmem:$0x4F60] =	vst v63  }
0x5a: {  	_ =	swait.ge [sflag:s14], $0x50  }
0x5b: {  	[sflag:s14] =	ssyncset.done $0x0  }
0x5c: {  	[sflag:s14] =	ssyncadd.s32 $0xFFFFFFB0  }
0x5d: {  	_ =	swait.ge [sflag:s14], $0x50  }
0x5e: {  	[sflag:s14] =	ssyncset.done $0x0  }
0x5f: {  	[sflag:s14] =	ssyncadd.s32 $0xFFFFFFB0  }
0x60: {  	_ =	swait.ge [sflag:s14], $0x50  }
0x61: {  	[sflag:s14] =	ssyncset.done $0x0  }
0x62: {  	[sflag:s14] =	ssyncadd.s32 $0xFFFFFFB0  }
0x63: {  	_ =	swait.ge [sflag:s14], $0x50  }
0x64: {  	[sflag:s14] =	ssyncset.done $0x0  }
0x65: {  	[sflag:s14] =	ssyncadd.s32 $0xFFFFFFB0  }
0x66: {  	_ =	swait.ge [sflag:s14], $0x50  }
0x67: {  	[sflag:s14] =	ssyncset.done $0x0  }
0x68: {  	[sflag:s14] =	ssyncadd.s32 $0xFFFFFFB0  }
0x69: {  	_ =	swait.ge [sflag:s14], $0x50  }
0x6a: {  	[sflag:s14] =	ssyncset.done $0x0  }
0x6b: {  	[sflag:s14] =	ssyncadd.s32 $0xFFFFFFB0  }
.Ltmp1:
0x6c: {  	_ =	swait.ge [sflag:s14], $0x50;
	(pc) =	sbr.rel @p0 .LBB2_4-.Ltmp1, $4  }
0x6d: {  	[sflag:s14] =	ssyncset.done $0x0  }
0x6e: {  	[sflag:s14] =	ssyncadd.s32 $0xFFFFFFB0  }
0x6f: {  	_ =	swait.ge [sflag:s14], $0x50  }
0x70: {  	s26 =	smov.u32 s23;
	s25 =	sshra.s32 s24, $0x2;
	[sflag:s14] =	ssyncset.done $0x0  }
0x71: {  	s23 =	sadd.s32 $0x2850, s25;
	[sflag:s14] =	ssyncadd.s32 $0xFFFFFFB0  }
0x72: {  	[spmem:s2] =	stream.indirect.scatter.add.f32 [tilespmem:s13], [sflag:$0x2], $0x1, s23, s12, $0xb8;
	[tilespmem:$0x4F60] =	vst v63  }
0x73: {  	s31 =	sadd.s32 $0x28A0, s25  }
0x74: {  	[spmem:s2] =	stream.indirect.scatter.add.f32 [tilespmem:s13], [sflag:$0x2], $0x1, s31, s12, $0xb8;
	[tilespmem:$0x4F60] =	vst v63  }
0x75: {  	s24 =	sadd.s32 $0x28F0, s25  }
0x76: {  	[spmem:s2] =	stream.indirect.scatter.add.f32 [tilespmem:s13], [sflag:$0x2], $0x1, s24, s12, $0xb8;
	[tilespmem:$0x4F60] =	vst v63  }
0x77: {  	s26 =	sadd.s32 $0x2940, s25  }
0x78: {  	[spmem:s2] =	stream.indirect.scatter.add.f32 [tilespmem:s13], [sflag:$0x2], $0x1, s26, s12, $0xb8;
	[tilespmem:$0x4F60] =	vst v63  }
0x79: {  	s28 =	sadd.s32 $0x2990, s25  }
0x7a: {  	[spmem:s2] =	stream.indirect.scatter.add.f32 [tilespmem:s13], [sflag:$0x2], $0x1, s28, s12, $0xb8;
	[tilespmem:$0x4F60] =	vst v63  }
0x7b: {  	s29 =	sadd.s32 $0x29E0, s25  }
0x7c: {  	[spmem:s2] =	stream.indirect.scatter.add.f32 [tilespmem:s13], [sflag:$0x2], $0x1, s29, s12, $0xb8;
	[tilespmem:$0x4F60] =	vst v63  }
0x7d: {  	s30 =	sadd.s32 $0x2A30, s25  }
0x7e: {  	[spmem:s2] =	stream.indirect.scatter.add.f32 [tilespmem:s13], [sflag:$0x2], $0x1, s30, s12, $0xb8;
	[tilespmem:$0x4F60] =	vst v63  }
0x7f: {  	s31 =	sadd.s32 $0x2A80, s25  }
0x80: {  	[spmem:s2] =	stream.indirect.scatter.add.f32 [tilespmem:s13], [sflag:$0x2], $0x1, s31, s12, $0xb8;
	[tilespmem:$0x4F60] =	vst v63  }
0x81: {  	_ =	swait.ge [sflag:s14], $0x50  }
0x82: {  	[sflag:s14] =	ssyncset.done $0x0  }
0x83: {  	[sflag:s14] =	ssyncadd.s32 $0xFFFFFFB0  }
0x84: {  	_ =	swait.ge [sflag:s14], $0x50  }
0x85: {  	[sflag:s14] =	ssyncset.done $0x0  }
0x86: {  	[sflag:s14] =	ssyncadd.s32 $0xFFFFFFB0  }
0x87: {  	_ =	swait.ge [sflag:s14], $0x50  }
0x88: {  	[sflag:s14] =	ssyncset.done $0x0  }
0x89: {  	[sflag:s14] =	ssyncadd.s32 $0xFFFFFFB0  }
0x8a: {  	_ =	swait.ge [sflag:s14], $0x50  }
0x8b: {  	[sflag:s14] =	ssyncset.done $0x0  }
0x8c: {  	[sflag:s14] =	ssyncadd.s32 $0xFFFFFFB0  }
0x8d: {  	_ =	swait.ge [sflag:s14], $0x50  }
0x8e: {  	[sflag:s14] =	ssyncset.done $0x0  }
0x8f: {  	[sflag:s14] =	ssyncadd.s32 $0xFFFFFFB0  }
0x90: {  	_ =	swait.ge [sflag:s14], $0x50  }
0x91: {  	[sflag:s14] =	ssyncset.done $0x0  }
0x92: {  	[sflag:s14] =	ssyncadd.s32 $0xFFFFFFB0  }
0x93: {  	_ =	swait.ge [sflag:s14], $0x50  }
0x94: {  	[sflag:s14] =	ssyncset.done $0x0  }
0x95: {  	[sflag:s14] =	ssyncadd.s32 $0xFFFFFFB0  }
0x96: {  	_ =	swait.ge [sflag:s14], $0x50  }
0x97: {  	[sflag:s14] =	ssyncset.done $0x0  }
0x98: {  	[sflag:s14] =	ssyncadd.s32 $0xFFFFFFB0  }
0x99: {  	[spmem:s2] =	stream.indirect.scatter.add.f32 [tilespmem:s13], [sflag:$0x2], $0x1, s15, s12, $0xb8;
	[tilespmem:$0x4F60] =	vst v63  }
0x9a: {  	_ = 	snop  }
0x9b: {  	[spmem:s2] =	stream.indirect.scatter.add.f32 [tilespmem:s13], [sflag:$0x2], $0x1, s16, s12, $0xb8;
	[tilespmem:$0x4F60] =	vst v63  }
0x9c: {  	_ = 	snop  }
0x9d: {  	[spmem:s2] =	stream.indirect.scatter.add.f32 [tilespmem:s13], [sflag:$0x2], $0x1, s17, s12, $0xb8;
	[tilespmem:$0x4F60] =	vst v63  }
0x9e: {  	_ = 	snop  }
0x9f: {  	[spmem:s2] =	stream.indirect.scatter.add.f32 [tilespmem:s13], [sflag:$0x2], $0x1, s18, s12, $0xb8;
	[tilespmem:$0x4F60] =	vst v63  }
0xa0: {  	_ = 	snop  }
0xa1: {  	[spmem:s2] =	stream.indirect.scatter.add.f32 [tilespmem:s13], [sflag:$0x2], $0x1, s19, s12, $0xb8;
	[tilespmem:$0x4F60] =	vst v63  }
0xa2: {  	_ =	swait.ge [sflag:s14], $0x50  }
0xa3: {  	[sflag:s14] =	ssyncset.done $0x0  }
0xa4: {  	[sflag:s14] =	ssyncadd.s32 $0xFFFFFFB0  }
0xa5: {  	_ =	swait.ge [sflag:s14], $0x50  }
0xa6: {  	[sflag:s14] =	ssyncset.done $0x0  }
0xa7: {  	[sflag:s14] =	ssyncadd.s32 $0xFFFFFFB0  }
0xa8: {  	_ =	swait.ge [sflag:s14], $0x50  }
0xa9: {  	[sflag:s14] =	ssyncset.done $0x0  }
0xaa: {  	[sflag:s14] =	ssyncadd.s32 $0xFFFFFFB0  }
0xab: {  	_ =	swait.ge [sflag:s14], $0x50  }
0xac: {  	[sflag:s14] =	ssyncset.done $0x0  }
0xad: {  	[sflag:s14] =	ssyncadd.s32 $0xFFFFFFB0  }
0xae: {  	_ =	swait.ge [sflag:s14], $0x50  }
0xaf: {  	s22 =	sadd.s32 $0x1, s22;
	[sflag:s14] =	ssyncset.done $0x0  }
0xb0: {  	p0 =	sne.s32 s22, s7;
	[sflag:s14] =	ssyncadd.s32 $0xFFFFFFB0  }
.Ltmp2:
0xb1: {  	[bflag:$0x0] =	sbarrier.arrive $0xFFFF;
	(pc) =	sbr.rel @p0 .LBB2_1-.Ltmp2, $4  }
0xb2: {  	[hbm:s6], [sflag:s20] =	dma.local [spmem:s21], $0x280  }
0xb3: {  	_ =	swait.ge [sflag:s10], $0x280  }
0xb4: {  	[sflag:s10] =	ssyncset.done $0x0  }
0xb5: {  	[sflag:s10] =	ssyncadd.s32 $0xFFFFFD80  }
0xb6: {  	_ =	sfence.sel $0x180000  }
0xb7: {  	[bflag:$0x0] =	sbarrier.arrive $0xFFFF  }
0xb8: {  	p0 =	sne.s32 s0, $0x0;
	_ =	strace $0x90000047  }
0xb9: {  	s0 =	sadd.s32 @!p0 $0x100000, s1;
	[bflag:$0x2] =	sbarrier.arrive $0xFFFF  }
0xba: {  	[sflag:s0] =	ssyncadd.tile.s32 @!p0 $0x1;
	_ =	shalt  }
.Lfunc_end2:
_tile_overlayer_lowered:
.L_overlay_start_2:
0xbb: {  	(tag) =	ssettag $0x2  }
0xbc: {  	s0 =	rddreg [dreg:$0x0];
	s2 =	stileid.u32  }
0xbd: {  	s1 =	rddreg [dreg:$0x1];
	p0 =	sne.s32 s2, $0x0  }
0xbe: {  	s3 =	rddreg [dreg:$0x2];
	[bflag:$0x3] =	sbarrier.arrive $0xFFFF;
	s2 =	simm.s32 @!p0 $0x1C03  }
0xbf: {  	[timem:s3], [sflag:s2] =	dma.local @!p0 [hbm:s0], s1  }
0xc0: {  	s0 =	simm.s32 @!p0 $0x3  }
0xc1: {  	_ =	swait.ge @!p0 [sflag:s0], s1  }
0xc2: {  	s1 =	ssub.s32 @!p0 $0x0, s1;
	[sflag:s0] =	ssyncset.done @!p0 $0x0  }
0xc3: {  	[sflag:s0] =	ssyncadd.s32 @!p0 s1  }
0xc4: {  	[bflag:$0x3] =	sbarrier.arrive $0xFFFF  }
0xc5: {  	_ =	shalt  }

// kernel: kernel.13.cloned.1.call-start
scs
__scs_entry_jumppad:
0x0: {  	(pc) =	sbr.rel $0x88, $3  }
0x1: {  	(tag) =	ssettag $0x0;
	lr =	simm.s32 $0x1  }
0x2: {  	[smem:$0x3F98] =	sst lr;
	_ =	strace $0xD0000000  }
0x3: {  	_ = 	snop  }
0x4: {  	_ = 	snop  }
0x5: {  	_ = 	snop  }
0x6: {  	_ = 	snop  }
0x7: {  	_ = 	snop  }
__scs_overlays_trampoline_lowered:
0x8: {  	[smem:$0x3FA7] =	sst s0  }
0x9: {  	[smem:$0x3FA8] =	sst s1  }
0xa: {  	[smem:$0x3FA9] =	sst s2  }
0xb: {  	[smem:$0x3FAA] =	sst s3  }
0xc: {  	[smem:$0x3FAB] =	sst s4  }
0xd: {  	[smem:$0x3FAC] =	sst s5  }
0xe: {  	[smem:$0x3FAD] =	sst s6  }
0xf: {  	[smem:$0x3FAE] =	sst s7  }
0x10: {  	[smem:$0x3FAF] =	sst s8  }
0x11: {  	[smem:$0x3FB0] =	sst s9;
	s0 =	simm.s32 @!p0 $0x0  }
0x12: {  	s1 =	sld [smem:$0x3F96];
	s0 =	simm.s32 @p0 $0x1  }
0x13: {  	[smem:$0x3FB1] =	sst s0;
	s0 =	simm.s32 @!p1 $0x0  }
0x14: {  	s2 =	sld [smem:$0x3F95];
	s0 =	simm.s32 @p1 $0x1  }
0x15: {  	[smem:$0x3FB2] =	sst s0;
	s0 =	simm.s32 @!p2 $0x0  }
0x16: {  	s3 =	sld [smem:$0x3FDB];
	s0 =	simm.s32 @p2 $0x1  }
0x17: {  	s4 =	simm.s32 $0x1BF5;
	[smem:$0x3FB4] =	sst s0  }
0x18: {  	s0 =	sld [smem:$0x3F97];
	_ =	swait.ge [sflag:s4], $0x0  }
0x19: {  	s7 =	sld [smem:$0x3F98]  }
0x1a: {  	s8 =	sadd.s32 $0xFFFFE003, lr  }
0x1b: {  	s9 =	sadd.s32 $0xFFFFFEF7, lr;
	s5 =	simm.s32 $0xFFFFFFFF;
	p2 =	slt.u32 s8, $0xFFFFF086  }
0x1c: {  	p1 =	slt.u32 s9, $0xF7A;
	s5 =	simm.s32 @!p2 $0x0  }
0x1d: {  	s5 =	simm.s32 @p1 $0x1;
	p0 =	seq.s32 s7, s2  }
0x1e: {  	s7 =	smul.u32 @!p0 $0xF7A, s2;
	p2 =	seq.s32 @!p0 s5, $0x0  }
0x1f: {  	s9 =	smul.u32 $0xF7A, s1;
	s8 =	simm.s32 @!p0 $0x1BF5;
	p2 =	por !p2, p0  }
0x20: {  	[sflag:s8] =	ssyncset.s32 @!p0 $0xFFFFF086;
	s6 =	sadd.s32 @!p0 s3, s7;
	s7 =	simm.s32 @!p0 $0x108  }
0x21: {  	s3 =	sadd.s32 s3, s9;
	s6 =	sadd.s32 @!p0 $0x88, s6;
	s7 =	simm.s32 @p2 $0x1082  }
0x22: {  	[simem:s7], [sflag:s8] =	dma.local @!p0 [hbm:s6], $0xF7A  }
0x23: {  	s9 =	sor.u32 $0xD0000000, s2;
	s6 =	simm.s32 $0x108;
	_ =	swait.ge @!p0 [sflag:s8], $0x0  }
0x24: {  	s3 =	sadd.s32 $0x88, s3;
	s6 =	simm.s32 @!p1 $0x1082;
	[sflag:s4] =	ssyncset.s32 $0xFFFFF086  }
0x25: {  	[simem:s6], [sflag:s4] =	dma.local [hbm:s3], $0xF7A  }
0x26: {  	[smem:$0x3F98] =	sst s1;
	(tag) =	ssettag s2;
	_ =	strace s9  }
0x27: {  	s1 =	sld [smem:$0x3FA8]  }
0x28: {  	s2 =	sld [smem:$0x3FA9]  }
0x29: {  	s4 =	sld [smem:$0x3FAB]  }
0x2a: {  	p0 =	seq.s32 s5, $0x0;
	s5 =	sld [smem:$0x3FAC]  }
0x2b: {  	s6 =	sld [smem:$0x3FAD]  }
0x2c: {  	s7 =	sld [smem:$0x3FAE]  }
0x2d: {  	s3 =	simm.s32 $0x108;
	s8 =	sld [smem:$0x3FAF]  }
0x2e: {  	s3 =	simm.s32 @!p0 $0x1082;
	s9 =	sld [smem:$0x3FB0]  }
0x2f: {  	lr =	sadd.s32 s0, s3;
	s0 =	sld [smem:$0x3FA7]  }
0x30: {  	s3 =	sld [smem:$0x3FAA]  }
0x31: {  	[smem:$0x3FB3] =	sst s10  }
0x32: {  	s10 =	sld [smem:$0x3FB1];
	_ =	sdelay $0x3  }
0x33: {  	p0 =	seq.s32 s10, $0x1;
	s10 =	sld [smem:$0x3FB3];
	_ =	sdelay $0x3  }
0x34: {  	[smem:$0x3FB3] =	sst s10  }
0x35: {  	s10 =	sld [smem:$0x3FB2];
	_ =	sdelay $0x3  }
0x36: {  	p1 =	seq.s32 s10, $0x1;
	s10 =	sld [smem:$0x3FB3];
	_ =	sdelay $0x3  }
0x37: {  	[smem:$0x3FB3] =	sst s10  }
0x38: {  	s10 =	sld [smem:$0x3FB4]  }
0x39: {  	_ = 	snop;
	(pc) =	sbr.ind lr, $3  }
0x3a: {  	_ = 	snop  }
0x3b: {  	_ = 	snop  }
0x3c: {  	p2 =	seq.s32 s10, $0x1;
	s10 =	sld [smem:$0x3FB3]  }
0x3d: {  	_ =	shalt  }
0x3e: {  	_ =	shalt  }
0x3f: {  	_ =	shalt  }
0x40: {  	_ =	shalt  }
0x41: {  	_ =	shalt  }
0x42: {  	_ =	shalt  }
0x43: {  	_ =	shalt  }
0x44: {  	_ =	shalt  }
0x45: {  	_ =	shalt  }
0x46: {  	_ =	shalt  }
0x47: {  	_ =	shalt  }
0x48: {  	_ =	shalt  }
0x49: {  	_ =	shalt  }
0x4a: {  	_ =	shalt  }
0x4b: {  	_ =	shalt  }
0x4c: {  	_ =	shalt  }
0x4d: {  	_ =	shalt  }
0x4e: {  	_ =	shalt  }
0x4f: {  	_ =	shalt  }
0x50: {  	_ =	shalt  }
0x51: {  	_ =	shalt  }
0x52: {  	_ =	shalt  }
0x53: {  	_ =	shalt  }
0x54: {  	_ =	shalt  }
0x55: {  	_ =	shalt  }
0x56: {  	_ =	shalt  }
0x57: {  	_ =	shalt  }
0x58: {  	_ =	shalt  }
0x59: {  	_ =	shalt  }
0x5a: {  	_ =	shalt  }
0x5b: {  	_ =	shalt  }
0x5c: {  	_ =	shalt  }
0x5d: {  	_ =	shalt  }
0x5e: {  	_ =	shalt  }
0x5f: {  	_ =	shalt  }
0x60: {  	_ =	shalt  }
0x61: {  	_ =	shalt  }
0x62: {  	_ =	shalt  }
0x63: {  	_ =	shalt  }
0x64: {  	_ =	shalt  }
0x65: {  	_ =	shalt  }
0x66: {  	_ =	shalt  }
0x67: {  	_ =	shalt  }
0x68: {  	_ =	shalt  }
0x69: {  	_ =	shalt  }
0x6a: {  	_ =	shalt  }
0x6b: {  	_ =	shalt  }
0x6c: {  	_ =	shalt  }
0x6d: {  	_ =	shalt  }
0x6e: {  	_ =	shalt  }
0x6f: {  	_ =	shalt  }
0x70: {  	_ =	shalt  }
0x71: {  	_ =	shalt  }
0x72: {  	_ =	shalt  }
0x73: {  	_ =	shalt  }
0x74: {  	_ =	shalt  }
0x75: {  	_ =	shalt  }
0x76: {  	_ =	shalt  }
0x77: {  	_ =	shalt  }
0x78: {  	_ =	shalt  }
0x79: {  	_ =	shalt  }
0x7a: {  	_ =	shalt  }
0x7b: {  	_ =	shalt  }
0x7c: {  	_ =	shalt  }
0x7d: {  	_ =	shalt  }
0x7e: {  	_ =	shalt  }
0x7f: {  	_ =	shalt  }
0x80: {  	_ =	shalt  }
0x81: {  	_ =	shalt  }
0x82: {  	_ =	shalt  }
0x83: {  	_ =	shalt  }
0x84: {  	_ =	shalt  }
0x85: {  	_ =	shalt  }
0x86: {  	_ =	shalt  }
0x87: {  	_ =	shalt  }
.Lfunc_end0:
.L_simem_size_0:
called_computation.1_lowered:
.L_overlay_start_0:
0x88: {  	s2 =	sld [smem:$0x3FD9]  }
0x89: {  	s3 =	sld [smem:$0x3FFE];
	_ =	sdelay $0x1  }
0x8a: {  	s1 =	srdreg.scid  }
0x8b: {  	s0 =	sand.u32 $0x1, s1  }
0x8c: {  	s16 =	sshll.u32 s0, $0xA;
	s2 =	sadd.s32 s3, s2  }
0x8d: {  	s2 =	sadd.s32 s2, s16  }
0x8e: {  	[smem:$0x3FBF] =	sst s2  }
0x8f: {  	_ = 	snop  }
0x90: {  	(tm) =	ssettm $0x1  }
0x91: {  	s17 =	sld [smem:$0x3FFB];
	_ =	sdelay $0x3  }
0x92: {  	_ =	strace s17  }
0x93: {  	s2 =	sld [smem:$0x3FFC];
	_ =	sdelay $0x3  }
0x94: {  	_ =	strace s2  }
0x95: {  	s2 =	sld [smem:$0x3FFD];
	_ =	sdelay $0x3  }
0x96: {  	_ =	strace s2  }
0x97: {  	_ =	strace $0x8FFFFFFF  }
0x98: {  	s18 =	sld [smem:$0x3FDB];
	_ =	sdelay $0x1  }
0x99: {  	s19 =	simm.s32 $_scs_section_size  }
0x9a: {  	s4 =	simm.s32 $_size__tile_overlayer_lowered;
	s5 =	simm.s32 $_tile_overlayer_lowered  }
0x9b: {  	s22 =	simm.s32 $0x1BFF;
	s21 =	sshll.u32 s5, $0x1;
	s2 =	sadd.s32 s19, s18  }
0x9c: {  	s6 =	simm.s32 $0x0;
	s20 =	sshll.u32 s4, $0x1;
	s4 =	sadd.s32 s21, s2  }
0x9d: {  	[timem:s6], [sflag:s22] =	dma.local [hbm:s4], s20  }
0x9e: {  	_ =	swait.ge [sflag:s22], s20  }
0x9f: {  	s3 =	ssub.s32 $0x0, s20;
	[sflag:s22] =	ssyncset.done $0x0  }
0xa0: {  	[sflag:s22] =	ssyncadd.s32 s3;
	_ =	sdelay $0x1  }
0xa1: {  	s23 =	simm.s32 $0x1B8B  }
0xa2: {  	_ =	swait.ge [sflag:s23], $0x1  }
0xa3: {  	[sflag:s23] =	ssyncset.done $0x0  }
0xa4: {  	s25 =	simm.s32 $0x1B8E;
	s24 =	sld [smem:$0x3FFE];
	[sflag:s23] =	ssyncadd.s32 $0xFFFFFFFF  }
0xa5: {  	s26 =	simm.s32 $execute0_lowered;
	[smem:$0x3FD2] =	sst s25  }
0xa6: {  	s4 =	sshll.u32 s26, $0x1;
	_ =	strace $0x80000049;
	[dreg:$0x1] =	wrdreg $0xFFFFFFFF  }
0xa7: {  	s28 =	simm.s32 $_size_execute0_lowered;
	s2 =	sadd.s32 s2, s4;
	[dreg:$0x0] =	wrdreg $0x0  }
0xa8: {  	s4 =	sshll.u32 s28, $0x1;
	[dreg:$0x2] =	wrdreg s2  }
0xa9: {  	[dreg:$0x3] =	wrdreg s4  }
0xaa: {  	[dreg:$0x4] =	wrdreg $0xC0  }
0xab: {  	_ =	task [dreg:s6], $0x5FFFF  }
0xac: {  	[dreg:$0x1] =	wrdreg $0xFFFFFFFF  }
0xad: {  	[dreg:$0x0] =	wrdreg $0x60  }
0xae: {  	[dreg:$0x2] =	wrdreg s24  }
0xaf: {  	[dreg:$0x3] =	wrdreg $0x0  }
0xb0: {  	[dreg:$0x4] =	wrdreg $0x9  }
0xb1: {  	_ =	task.clear_ibuf [dreg:s6], $0x5FFFF;
	_ =	strace $0x90000049  }
0xb2: {  	s29 =	simm.s32 $0x9;
	_ =	strace $0x8000004B  }
0xb3: {  	_ =	swait.ge [sflag:s29], $0x1  }
0xb4: {  	[sflag:s29] =	ssyncadd.s32 $0xFFFFFFFF  }
0xb5: {  	_ =	strace $0x9000004B  }
0xb6: {  	_ =	sfence  }
0xb7: {  	s30 =	sld [smem:$0x0];
	_ =	sdelay $0x2  }
0xb8: {  	s31 =	sshll.u32 s1, $0xD;
	s1 =	sshrl.u32 s1, $0x2  }
0xb9: {  	s3 =	sand.u32 $0x4000, s31;
	s1 =	sadd.s32 s1, s30  }
0xba: {  	s0 =	sor.u32 s3, s0;
	s1 =	sshll.u32 s1, $0x11  }
0xbb: {  	s0 =	sor.u32 s1, s0  }
0xbc: {  	s0 =	sadd.s32 $0x8F2B, s0  }
0xbd: {  	[sflag:s0] =	ssyncadd.remote.s32 $0x1  }
0xbe: {  	_ =	sfence.sel $0xFFFF  }
0xbf: {  	[dreg:$0x0] =	wrdreg $0xFFFFFFFF;
	(pc) =	sbr.abs _section_cstart, $3  }
0xc0: {  	[dreg:$0x1] =	wrdreg $0xFFFFFFFF  }
0xc1: {  	_ =	task.clear_ibuf [dreg:s6], $0x2FFFF;
	_ =	strace $0x9FFFFFFF  }
0xc2: {  	(tm) =	ssettm $0x7FFFFFFF  }
0xc3: {  	_ =	shalt  }
tec
execute0_lowered:
.L_overlay_start_1:
0x0: {  	(tag) =	ssettag $0x1  }
0x1: {  	s4 =	rddreg [dreg:$0x0]  }
0x2: {  	s2 =	rddreg [dreg:$0x1];
	s1 =	stileid.u32  }
0x3: {  	s3 =	srdreg.scid;
	s0 =	rddreg [dreg:$0x2];
	s11 =	simm.s32 $0x1400  }
0x4: {  	s12 =	simm.s32 $0x2;
	s13 =	simm.s32 $0x2800;
	s14 =	simm.s32 $0x3C00  }
0x5: {  	s15 =	simm.s32 $0x1;
	s16 =	simm.s32 $0x19B90;
	s17 =	simm.s32 $0x0  }
0x6: {  	s5 =	sand.u32 $0x1, s3;
	s6 =	sshll.u32 s1, $0x1;
	s3 =	simm.s32 $0x0  }
0x7: {  	s7 =	smul.u32 $0x1400, s1;
	s6 =	sor.u32 s5, s6;
	[smem:$0x7FF] =	sst s3  }
0x8: {  	s5 =	ssub.s32 $0x2, s5;
	s6 =	smul.u32 $0x4E2, s6;
	_ =	strace $0x8000004A  }
0x9: {  	s8 =	sshrl.u32 s7, $0x3;
	s31 =	sshrl.u32 s5, $0x1;
	s7 =	sadd.s32 s7, s2  }
0xa: {  	s8 =	sadd.s32 s8, s4;
	s10 =	ssub.s32 s5, s31;
	s9 =	sadd.s32 s6, s4  }
0xb: {  	s5 =	sadd.s32 $0x20E00, s8;
	s6 =	sadd.s32 $0x23600, s8;
	s4 =	sadd.s32 $0xD200, s9  }
0xc: {  	s8 =	sadd.s32 $0x25E00, s9;
	s9 =	smax.u32 s10, $0x1;
	s10 =	simm.s32 $0x17480  }
.LBB2_1:
0xd: {  	[tilespmem:s10], [sflag:$0x1] =	stream.linear.gather [hbm4b:s4+s3], $0x2710, $0x38;
	[tilespmem:$0x1C2A0] =	vst v63  }
0xe: {  	_ = 	snop  }
0xf: {  	[tilespmem:s11], [sflag:$0x2] =	stream.linear.gather [hbm4b:s5+s3], $0x1400, $0x38;
	[tilespmem:$0x1C2A0] =	vst v63  }
0x10: {  	_ =	swait.ge [sflag:s12], $0x1400  }
0x11: {  	[sflag:s12] =	ssyncset.done $0x0  }
0x12: {  	[sflag:s12] =	ssyncadd.s32 $0xFFFFEC00  }
0x13: {  	[tilespmem:s13], [sflag:$0x2] =	stream.linear.gather [hbm4b:s6+s3], $0x1400, $0x38;
	[tilespmem:$0x1C2A0] =	vst v63  }
0x14: {  	_ =	swait.ge [sflag:s12], $0x1400  }
0x15: {  	[sflag:s12] =	ssyncset.done $0x0  }
0x16: {  	s18 =	simm.s32 $0x0;
	[sflag:s12] =	ssyncadd.s32 $0xFFFFEC00  }
0x17: {  	s19 =	simm.s32 $0x40;
	v0 =	vld [tilespmem:s18+$0x2800]  }
.LBB2_2:
0x18: {  	p0 =	sne.s32 s19, $0x4FC0;
	v1 =	vld [tilespmem:s18+$0x1400];
	_ =	sdelay $0x4  }
0x19: {  	v0 =	vadd.f32 v0, v1;
	_ =	sdelay $0x1  }
0x1a: {  	v0 =	vmax.f32 v0, $1.000000000e+00  }
0x1b: {  	(erf) = vrcp.f32 v0;
	_ =	sdelay $0x5  }
.Ltmp0:
0x1c: {  	(pc) =	sbr.rel @p0 .LBB2_2-.Ltmp0, $3  }
0x1d: {  	_ =	sdelay $0x1  }
0x1e: {  	s20 =	sshra.s32 s19, $0x2;
	v1 =	vpop (erf)  }
0x1f: {  	s19 =	sadd.s32 $0x40, s19;
	v0 =	vld [tilespmem:s20+$0x2800];
	[tilespmem:s18+$0x1400] =	vst v1;
	s18 =	smov.u32 s20  }
0x20: {  	v1 =	vld [tilespmem:s18+$0x1400];
	_ =	sdelay $0x4  }
0x21: {  	v0 =	vadd.f32 v0, v1;
	_ =	sdelay $0x1  }
0x22: {  	v0 =	vmax.f32 v0, $1.000000000e+00  }
0x23: {  	(erf) = vrcp.f32 v0;
	_ =	sdelay $0x8  }
0x24: {  	v0 =	vpop (erf)  }
0x25: {  	[tilespmem:s18+$0x1400] =	vst v0  }
0x26: {  	[spmem:s7] =	stream.linear.scatter [tilespmem:s11], [sflag:$0x2], $0x1400, $0x38;
	[tilespmem:$0x1C2A0] =	vst v63  }
0x27: {  	_ =	swait.ge [sflag:s12], $0x1400  }
0x28: {  	[sflag:s12] =	ssyncset.done $0x0  }
0x29: {  	[sflag:s12] =	ssyncadd.s32 $0xFFFFEC00  }
0x2a: {  	[bflag:$0x0] =	sbarrier.arrive $0xFFFF  }
0x2b: {  	[tilespmem:s14], [sflag:$0x2] =	stream.linear.gather [spmem:s2], $0x13880, $0x38;
	[tilespmem:$0x1C2A0] =	vst v63  }
0x2c: {  	_ =	swait.ge [sflag:s12], $0x13880  }
0x2d: {  	[sflag:s12] =	ssyncset.done $0x0  }
0x2e: {  	[sflag:s12] =	ssyncadd.s32 $0xFFFEC780  }
0x2f: {  	_ =	swait.ge [sflag:s15], $0x2710  }
0x30: {  	[sflag:s15] =	ssyncset.done $0x0  }
0x31: {  	s18 =	simm.s32 $0x0;
	[sflag:s15] =	ssyncadd.s32 $0xFFFFD8F0  }
0x32: {  	v0 =	vld [tilespmem:s18+$0x17480];
	_ =	sdelay $0x6  }
0x33: {  	v1 =	vld [tilespmem:s18+$0x17490]  }
0x34: {  	v0 =	vld.idx.msk [tilespmem:v0+s14+$0x0], $0xffff;
	_ =	sdelay $0x4  }
0x35: {  	[tilespmem:s18+$0x19B90] =	vst v0;
	v0 =	vld [tilespmem:s18+$0x174A0];
	_ =	sdelay $0x1  }
0x36: {  	v1 =	vld.idx.msk [tilespmem:v1+s14+$0x0], $0xffff;
	_ =	sdelay $0x4  }
0x37: {  	[tilespmem:s18+$0x19BA0] =	vst v1;
	v1 =	vld [tilespmem:s18+$0x174B0]  }
0x38: {  	v0 =	vld.idx.msk [tilespmem:v0+s14+$0x0], $0xffff;
	_ =	sdelay $0x4  }
0x39: {  	[tilespmem:s18+$0x19BB0] =	vst v0;
	v0 =	vld [tilespmem:s18+$0x174C0];
	_ =	sdelay $0x1  }
0x3a: {  	v1 =	vld.idx.msk [tilespmem:v1+s14+$0x0], $0xffff;
	_ =	sdelay $0x3  }
0x3b: {  	s20 =	simm.s32 $0x50;
	s19 =	simm.s32 $0x280  }
.LBB2_4:
0x3c: {  	p0 =	sne.s32 s19, $0x9B00;
	v2 =	vld [tilespmem:s20+$0x17480];
	[tilespmem:s18+$0x19BC0] =	vst v1  }
0x3d: {  	v0 =	vld.idx.msk [tilespmem:v0+s14+$0x0], $0xffff;
	_ =	sdelay $0x5  }
0x3e: {  	v1 =	vld [tilespmem:s20+$0x17490];
	[tilespmem:s18+$0x19BD0] =	vst v0;
	s18 =	smov.u32 s20  }
0x3f: {  	v0 =	vld.idx.msk [tilespmem:v2+s14+$0x0], $0xffff;
	_ =	sdelay $0x5  }
0x40: {  	[tilespmem:s18+$0x19B90] =	vst v0;
	v0 =	vld [tilespmem:s18+$0x174A0]  }
0x41: {  	v1 =	vld.idx.msk [tilespmem:v1+s14+$0x0], $0xffff;
	_ =	sdelay $0x5  }
0x42: {  	[tilespmem:s18+$0x19BA0] =	vst v1;
	v1 =	vld [tilespmem:s18+$0x174B0]  }
0x43: {  	v0 =	vld.idx.msk [tilespmem:v0+s14+$0x0], $0xffff;
	_ =	sdelay $0x5  }
0x44: {  	[tilespmem:s18+$0x19BB0] =	vst v0;
	v0 =	vld [tilespmem:s18+$0x174C0]  }
0x45: {  	v1 =	vld.idx.msk [tilespmem:v1+s14+$0x0], $0xffff  }
.Ltmp1:
0x46: {  	(pc) =	sbr.rel @p0 .LBB2_4-.Ltmp1, $2  }
0x47: {  	_ =	sdelay $0x2  }
0x48: {  	s20 =	sshra.s32 s19, $0x2;
	s19 =	sadd.s32 $0x140, s19  }
0x49: {  	_ =	sdelay $0x1  }
0x4a: {  	v2 =	vld [tilespmem:s20+$0x17480]  }
0x4b: {  	[tilespmem:s18+$0x19BC0] =	vst v1  }
0x4c: {  	v0 =	vld.idx.msk [tilespmem:v0+s14+$0x0], $0xffff;
	_ =	sdelay $0x3  }
0x4d: {  	v1 =	vld [tilespmem:s20+$0x17490]  }
0x4e: {  	[tilespmem:s18+$0x19BD0] =	vst v0  }
0x4f: {  	v0 =	vld.idx.msk [tilespmem:v2+s14+$0x0], $0xffff;
	_ =	sdelay $0x3  }
0x50: {  	v61 =	vld [tilespmem:s20+$0x174A0]  }
0x51: {  	[tilespmem:s20+$0x19B90] =	vst v0  }
0x52: {  	v1 =	vld.idx.msk [tilespmem:v1+s14+$0x0], $0xffff;
	_ =	sdelay $0x3  }
0x53: {  	v62 =	vld [tilespmem:s20+$0x174B0]  }
0x54: {  	[tilespmem:s20+$0x19BA0] =	vst v1  }
0x55: {  	v0 =	vld.idx.msk [tilespmem:v61+s14+$0x0], $0xffff;
	_ =	sdelay $0x3  }
0x56: {  	v63 =	vld [tilespmem:s20+$0x174C0]  }
0x57: {  	[tilespmem:s20+$0x19BB0] =	vst v0  }
0x58: {  	v1 =	vld.idx.msk [tilespmem:v62+s14+$0x0], $0xffff;
	_ =	sdelay $0x4  }
0x59: {  	[tilespmem:s20+$0x19BC0] =	vst v1  }
0x5a: {  	v0 =	vld.idx.msk [tilespmem:v63+s14+$0x0], $0xffff;
	_ =	sdelay $0x2  }
0x5b: {  	s17 =	sadd.s32 $0x1, s17  }
0x5c: {  	p0 =	sne.s32 s17, s9  }
.Ltmp2:
0x5d: {  	[tilespmem:s20+$0x19BD0] =	vst v0;
	(pc) =	sbr.rel @p0 .LBB2_1-.Ltmp2, $4  }
0x5e: {  	[hbm4b:s8+s3] =	stream.linear.scatter [tilespmem:s16], [sflag:$0x2], $0x2710, $0x38;
	[tilespmem:$0x1C2A0] =	vst v63  }
0x5f: {  	_ =	swait.ge [sflag:s12], $0x2710  }
0x60: {  	[sflag:s12] =	ssyncset.done $0x0  }
0x61: {  	[sflag:s12] =	ssyncadd.s32 $0xFFFFD8F0  }
0x62: {  	_ =	sfence.sel $0x180000  }
0x63: {  	[bflag:$0x0] =	sbarrier.arrive $0xFFFF  }
0x64: {  	p0 =	sne.s32 s1, $0x0;
	_ =	strace $0x9000004A  }
0x65: {  	s0 =	sadd.s32 @!p0 $0x100000, s0;
	[bflag:$0x2] =	sbarrier.arrive $0xFFFF  }
0x66: {  	[sflag:s0] =	ssyncadd.tile.s32 @!p0 $0x1;
	_ =	shalt  }
.Lfunc_end2:
_tile_overlayer_lowered:
.L_overlay_start_2:
0x67: {  	(tag) =	ssettag $0x2  }
0x68: {  	s0 =	rddreg [dreg:$0x0];
	s2 =	stileid.u32  }
0x69: {  	s1 =	rddreg [dreg:$0x1];
	p0 =	sne.s32 s2, $0x0  }
0x6a: {  	s3 =	rddreg [dreg:$0x2];
	[bflag:$0x3] =	sbarrier.arrive $0xFFFF;
	s2 =	simm.s32 @!p0 $0x1C02  }
0x6b: {  	[timem:s3], [sflag:s2] =	dma.local @!p0 [hbm:s0], s1  }
0x6c: {  	s0 =	simm.s32 @!p0 $0x2  }
0x6d: {  	_ =	swait.ge @!p0 [sflag:s0], s1  }
0x6e: {  	s1 =	ssub.s32 @!p0 $0x0, s1;
	[sflag:s0] =	ssyncset.done @!p0 $0x0  }
0x6f: {  	[sflag:s0] =	ssyncadd.s32 @!p0 s1  }
0x70: {  	[bflag:$0x3] =	sbarrier.arrive $0xFFFF  }
0x71: {  	_ =	shalt  }

// kernel: kernel.16.cloned.1.call-start
scs
__scs_entry_jumppad:
0x0: {  	(pc) =	sbr.rel $0x88, $3  }
0x1: {  	(tag) =	ssettag $0x0;
	lr =	simm.s32 $0x1  }
0x2: {  	[smem:$0x3F98] =	sst lr;
	_ =	strace $0xD0000000  }
0x3: {  	_ = 	snop  }
0x4: {  	_ = 	snop  }
0x5: {  	_ = 	snop  }
0x6: {  	_ = 	snop  }
0x7: {  	_ = 	snop  }
__scs_overlays_trampoline_lowered:
0x8: {  	[smem:$0x3FA7] =	sst s0  }
0x9: {  	[smem:$0x3FA8] =	sst s1  }
0xa: {  	[smem:$0x3FA9] =	sst s2  }
0xb: {  	[smem:$0x3FAA] =	sst s3  }
0xc: {  	[smem:$0x3FAB] =	sst s4  }
0xd: {  	[smem:$0x3FAC] =	sst s5  }
0xe: {  	[smem:$0x3FAD] =	sst s6  }
0xf: {  	[smem:$0x3FAE] =	sst s7  }
0x10: {  	[smem:$0x3FAF] =	sst s8  }
0x11: {  	[smem:$0x3FB0] =	sst s9;
	s0 =	simm.s32 @!p0 $0x0  }
0x12: {  	s1 =	sld [smem:$0x3F96];
	s0 =	simm.s32 @p0 $0x1  }
0x13: {  	[smem:$0x3FB1] =	sst s0;
	s0 =	simm.s32 @!p1 $0x0  }
0x14: {  	s2 =	sld [smem:$0x3F95];
	s0 =	simm.s32 @p1 $0x1  }
0x15: {  	[smem:$0x3FB2] =	sst s0;
	s0 =	simm.s32 @!p2 $0x0  }
0x16: {  	s3 =	sld [smem:$0x3FDB];
	s0 =	simm.s32 @p2 $0x1  }
0x17: {  	s4 =	simm.s32 $0x1BF5;
	[smem:$0x3FB4] =	sst s0  }
0x18: {  	s0 =	sld [smem:$0x3F97];
	_ =	swait.ge [sflag:s4], $0x0  }
0x19: {  	s7 =	sld [smem:$0x3F98]  }
0x1a: {  	s8 =	sadd.s32 $0xFFFFE003, lr  }
0x1b: {  	s9 =	sadd.s32 $0xFFFFFEF7, lr;
	s5 =	simm.s32 $0xFFFFFFFF;
	p2 =	slt.u32 s8, $0xFFFFF086  }
0x1c: {  	p1 =	slt.u32 s9, $0xF7A;
	s5 =	simm.s32 @!p2 $0x0  }
0x1d: {  	s5 =	simm.s32 @p1 $0x1;
	p0 =	seq.s32 s7, s2  }
0x1e: {  	s7 =	smul.u32 @!p0 $0xF7A, s2;
	p2 =	seq.s32 @!p0 s5, $0x0  }
0x1f: {  	s9 =	smul.u32 $0xF7A, s1;
	s8 =	simm.s32 @!p0 $0x1BF5;
	p2 =	por !p2, p0  }
0x20: {  	[sflag:s8] =	ssyncset.s32 @!p0 $0xFFFFF086;
	s6 =	sadd.s32 @!p0 s3, s7;
	s7 =	simm.s32 @!p0 $0x108  }
0x21: {  	s3 =	sadd.s32 s3, s9;
	s6 =	sadd.s32 @!p0 $0x88, s6;
	s7 =	simm.s32 @p2 $0x1082  }
0x22: {  	[simem:s7], [sflag:s8] =	dma.local @!p0 [hbm:s6], $0xF7A  }
0x23: {  	s9 =	sor.u32 $0xD0000000, s2;
	s6 =	simm.s32 $0x108;
	_ =	swait.ge @!p0 [sflag:s8], $0x0  }
0x24: {  	s3 =	sadd.s32 $0x88, s3;
	s6 =	simm.s32 @!p1 $0x1082;
	[sflag:s4] =	ssyncset.s32 $0xFFFFF086  }
0x25: {  	[simem:s6], [sflag:s4] =	dma.local [hbm:s3], $0xF7A  }
0x26: {  	[smem:$0x3F98] =	sst s1;
	(tag) =	ssettag s2;
	_ =	strace s9  }
0x27: {  	s1 =	sld [smem:$0x3FA8]  }
0x28: {  	s2 =	sld [smem:$0x3FA9]  }
0x29: {  	s4 =	sld [smem:$0x3FAB]  }
0x2a: {  	p0 =	seq.s32 s5, $0x0;
	s5 =	sld [smem:$0x3FAC]  }
0x2b: {  	s6 =	sld [smem:$0x3FAD]  }
0x2c: {  	s7 =	sld [smem:$0x3FAE]  }
0x2d: {  	s3 =	simm.s32 $0x108;
	s8 =	sld [smem:$0x3FAF]  }
0x2e: {  	s3 =	simm.s32 @!p0 $0x1082;
	s9 =	sld [smem:$0x3FB0]  }
0x2f: {  	lr =	sadd.s32 s0, s3;
	s0 =	sld [smem:$0x3FA7]  }
0x30: {  	s3 =	sld [smem:$0x3FAA]  }
0x31: {  	[smem:$0x3FB3] =	sst s10  }
0x32: {  	s10 =	sld [smem:$0x3FB1];
	_ =	sdelay $0x3  }
0x33: {  	p0 =	seq.s32 s10, $0x1;
	s10 =	sld [smem:$0x3FB3];
	_ =	sdelay $0x3  }
0x34: {  	[smem:$0x3FB3] =	sst s10  }
0x35: {  	s10 =	sld [smem:$0x3FB2];
	_ =	sdelay $0x3  }
0x36: {  	p1 =	seq.s32 s10, $0x1;
	s10 =	sld [smem:$0x3FB3];
	_ =	sdelay $0x3  }
0x37: {  	[smem:$0x3FB3] =	sst s10  }
0x38: {  	s10 =	sld [smem:$0x3FB4]  }
0x39: {  	_ = 	snop;
	(pc) =	sbr.ind lr, $3  }
0x3a: {  	_ = 	snop  }
0x3b: {  	_ = 	snop  }
0x3c: {  	p2 =	seq.s32 s10, $0x1;
	s10 =	sld [smem:$0x3FB3]  }
0x3d: {  	_ =	shalt  }
0x3e: {  	_ =	shalt  }
0x3f: {  	_ =	shalt  }
0x40: {  	_ =	shalt  }
0x41: {  	_ =	shalt  }
0x42: {  	_ =	shalt  }
0x43: {  	_ =	shalt  }
0x44: {  	_ =	shalt  }
0x45: {  	_ =	shalt  }
0x46: {  	_ =	shalt  }
0x47: {  	_ =	shalt  }
0x48: {  	_ =	shalt  }
0x49: {  	_ =	shalt  }
0x4a: {  	_ =	shalt  }
0x4b: {  	_ =	shalt  }
0x4c: {  	_ =	shalt  }
0x4d: {  	_ =	shalt  }
0x4e: {  	_ =	shalt  }
0x4f: {  	_ =	shalt  }
0x50: {  	_ =	shalt  }
0x51: {  	_ =	shalt  }
0x52: {  	_ =	shalt  }
0x53: {  	_ =	shalt  }
0x54: {  	_ =	shalt  }
0x55: {  	_ =	shalt  }
0x56: {  	_ =	shalt  }
0x57: {  	_ =	shalt  }
0x58: {  	_ =	shalt  }
0x59: {  	_ =	shalt  }
0x5a: {  	_ =	shalt  }
0x5b: {  	_ =	shalt  }
0x5c: {  	_ =	shalt  }
0x5d: {  	_ =	shalt  }
0x5e: {  	_ =	shalt  }
0x5f: {  	_ =	shalt  }
0x60: {  	_ =	shalt  }
0x61: {  	_ =	shalt  }
0x62: {  	_ =	shalt  }
0x63: {  	_ =	shalt  }
0x64: {  	_ =	shalt  }
0x65: {  	_ =	shalt  }
0x66: {  	_ =	shalt  }
0x67: {  	_ =	shalt  }
0x68: {  	_ =	shalt  }
0x69: {  	_ =	shalt  }
0x6a: {  	_ =	shalt  }
0x6b: {  	_ =	shalt  }
0x6c: {  	_ =	shalt  }
0x6d: {  	_ =	shalt  }
0x6e: {  	_ =	shalt  }
0x6f: {  	_ =	shalt  }
0x70: {  	_ =	shalt  }
0x71: {  	_ =	shalt  }
0x72: {  	_ =	shalt  }
0x73: {  	_ =	shalt  }
0x74: {  	_ =	shalt  }
0x75: {  	_ =	shalt  }
0x76: {  	_ =	shalt  }
0x77: {  	_ =	shalt  }
0x78: {  	_ =	shalt  }
0x79: {  	_ =	shalt  }
0x7a: {  	_ =	shalt  }
0x7b: {  	_ =	shalt  }
0x7c: {  	_ =	shalt  }
0x7d: {  	_ =	shalt  }
0x7e: {  	_ =	shalt  }
0x7f: {  	_ =	shalt  }
0x80: {  	_ =	shalt  }
0x81: {  	_ =	shalt  }
0x82: {  	_ =	shalt  }
0x83: {  	_ =	shalt  }
0x84: {  	_ =	shalt  }
0x85: {  	_ =	shalt  }
0x86: {  	_ =	shalt  }
0x87: {  	_ =	shalt  }
.Lfunc_end0:
.L_simem_size_0:
called_computation.2_lowered:
.L_overlay_start_0:
0x88: {  	s2 =	sld [smem:$0x3FD9]  }
0x89: {  	s3 =	sld [smem:$0x3FFE];
	_ =	sdelay $0x1  }
0x8a: {  	s1 =	srdreg.scid  }
0x8b: {  	s0 =	sand.u32 $0x1, s1  }
0x8c: {  	s17 =	sshll.u32 s0, $0xA;
	s2 =	sadd.s32 s3, s2  }
0x8d: {  	s2 =	sadd.s32 s2, s17  }
0x8e: {  	[smem:$0x3FBF] =	sst s2  }
0x8f: {  	_ = 	snop  }
0x90: {  	s2 =	sld [smem:$0x3FD0];
	(tm) =	ssettm $0x1  }
0x91: {  	s18 =	sld [smem:$0x3FFB];
	_ =	sdelay $0x3  }
0x92: {  	_ =	strace s18  }
0x93: {  	s3 =	sld [smem:$0x3FFC];
	_ =	sdelay $0x3  }
0x94: {  	_ =	strace s3  }
0x95: {  	s3 =	sld [smem:$0x3FFD];
	_ =	sdelay $0x3  }
0x96: {  	_ =	strace s3  }
0x97: {  	_ =	strace $0x8FFFFFFF  }
0x98: {  	s19 =	sld [smem:$0x3FDB];
	_ =	sdelay $0x1  }
0x99: {  	s4 =	simm.s32 $_scs_section_size  }
0x9a: {  	s5 =	simm.s32 $_size__tile_overlayer_lowered;
	s6 =	simm.s32 $_tile_overlayer_lowered  }
0x9b: {  	s22 =	simm.s32 $0x1BFF;
	s21 =	sshll.u32 s6, $0x1;
	s3 =	sadd.s32 s4, s19  }
0x9c: {  	s7 =	simm.s32 $0x0;
	s20 =	sshll.u32 s5, $0x1;
	s5 =	sadd.s32 s21, s3  }
0x9d: {  	[timem:s7], [sflag:s22] =	dma.local [hbm:s5], s20  }
0x9e: {  	_ =	swait.ge [sflag:s22], s20  }
0x9f: {  	s4 =	ssub.s32 $0x0, s20;
	[sflag:s22] =	ssyncset.done $0x0  }
0xa0: {  	[sflag:s22] =	ssyncadd.s32 s4;
	_ =	sdelay $0x1  }
0xa1: {  	s23 =	simm.s32 $0x1B8B  }
0xa2: {  	_ =	swait.ge [sflag:s23], $0x1  }
0xa3: {  	[sflag:s23] =	ssyncset.done $0x0  }
0xa4: {  	s25 =	simm.s32 $0x1B8E;
	s24 =	sld [smem:$0x3FFE];
	[sflag:s23] =	ssyncadd.s32 $0xFFFFFFFF  }
0xa5: {  	s26 =	simm.s32 $execute0_lowered;
	[smem:$0x3FD2] =	sst s25  }
0xa6: {  	s5 =	sshll.u32 s26, $0x1;
	_ =	strace $0x8000004C;
	[dreg:$0x1] =	wrdreg $0xFFFFFFFF  }
0xa7: {  	s28 =	simm.s32 $_size_execute0_lowered;
	s3 =	sadd.s32 s3, s5;
	[dreg:$0x0] =	wrdreg $0x0  }
0xa8: {  	s5 =	sshll.u32 s28, $0x1;
	[dreg:$0x2] =	wrdreg s3  }
0xa9: {  	[dreg:$0x3] =	wrdreg s5  }
0xaa: {  	[dreg:$0x4] =	wrdreg $0xC0  }
0xab: {  	_ =	task [dreg:s7], $0x5FFFF  }
0xac: {  	[dreg:$0x1] =	wrdreg $0xFFFFFFFF  }
0xad: {  	[dreg:$0x0] =	wrdreg $0x60  }
0xae: {  	[dreg:$0x2] =	wrdreg s24  }
0xaf: {  	[dreg:$0x3] =	wrdreg s2  }
0xb0: {  	[dreg:$0x4] =	wrdreg $0x0  }
0xb1: {  	[dreg:$0x5] =	wrdreg $0x9  }
0xb2: {  	_ =	task.clear_ibuf [dreg:s7], $0x6FFFF;
	_ =	strace $0x9000004C  }
0xb3: {  	s29 =	simm.s32 $0x9;
	_ =	strace $0x8000004E  }
0xb4: {  	_ =	swait.ge [sflag:s29], $0x1  }
0xb5: {  	[sflag:s29] =	ssyncadd.s32 $0xFFFFFFFF  }
0xb6: {  	_ =	strace $0x9000004E  }
0xb7: {  	_ =	sfence  }
0xb8: {  	s30 =	sld [smem:$0x0];
	_ =	sdelay $0x2  }
0xb9: {  	s31 =	sshll.u32 s1, $0xD;
	s1 =	sshrl.u32 s1, $0x2  }
0xba: {  	s3 =	sand.u32 $0x4000, s31;
	s1 =	sadd.s32 s1, s30  }
0xbb: {  	s0 =	sor.u32 s3, s0;
	s1 =	sshll.u32 s1, $0x11  }
0xbc: {  	s0 =	sor.u32 s1, s0  }
0xbd: {  	s0 =	sadd.s32 $0x8F2B, s0  }
0xbe: {  	[sflag:s0] =	ssyncadd.remote.s32 $0x1  }
0xbf: {  	_ =	sfence.sel $0xFFFF  }
0xc0: {  	[dreg:$0x0] =	wrdreg $0xFFFFFFFF;
	(pc) =	sbr.abs _section_cstart, $3  }
0xc1: {  	[dreg:$0x1] =	wrdreg $0xFFFFFFFF  }
0xc2: {  	_ =	task.clear_ibuf [dreg:s7], $0x2FFFF;
	_ =	strace $0x9FFFFFFF  }
0xc3: {  	(tm) =	ssettm $0x7FFFFFFF  }
tec
execute0_lowered:
.L_overlay_start_1:
0x0: {  	(tag) =	ssettag $0x1  }
0x1: {  	s0 =	srdreg.scid  }
0x2: {  	s15 =	stileid.u32;
	s1 =	rddreg [dreg:$0x0]  }
0x3: {  	s8 =	rddreg [dreg:$0x1];
	s4 =	simm.s32 $0x0;
	s28 =	simm.s32 $0x28  }
0x4: {  	s31 =	simm.s32 $0x1C480;
	s0 =	sand.u32 $0x1, s0;
	s2 =	sshll.u32 s15, $0x1  }
0x5: {  	s9 =	smul.u32 $0x13880, s15;
	[smem:$0x7FF] =	sst s4;
	s5 =	sadd.s32 $0x18F600, s1  }
0x6: {  	s11 =	sadd.s32 $0x2FC00, s1;
	s26 =	sshll.u32 s15, $0x6;
	s15 =	simm.s32 $0x1AF90  }
0x7: {  	s3 =	sor.u32 s0, s2;
	s2 =	rddreg [dreg:$0x2];
	s6 =	smul.u32 $0x138800, s0  }
0x8: {  	_ =	strace $0x8000004D;
	s14 =	ssub.s32 $0x2, s0;
	p0 =	seq.s32 s0, $0x1  }
0x9: {  	[dreg:$0xf] =	wrdreg s26;
	s3 =	smul.u32 $0x2710, s3;
	s30 =	sshrl.u32 s14, $0x1  }
0xa: {  	s16 =	sadd.s32 s9, s2;
	s17 =	sshrl.u32 s9, $0x3;
	s8 =	smov.u32 @p0 s11  }
0xb: {  	s11 =	simm.s32 $0x1C4D0;
	s7 =	sadd.s32 s9, s6;
	s6 =	sadd.s32 $0x3400, s1  }
0xc: {  	[dreg:$0x5] =	wrdreg s16;
	s0 =	sadd.s32 s8, s17;
	s8 =	simm.s32 $0x1C4A8  }
0xd: {  	s16 =	simm.s32 $0x3;
	s17 =	simm.s32 $0x7;
	s10 =	sshrl.u32 s3, $0x3  }
0xe: {  	s13 =	sshrl.u32 s7, $0x3;
	s7 =	sadd.s32 $0x25E00, s1;
	s18 =	sadd.s32 $0x28, s3  }
0xf: {  	s22 =	sadd.s32 $0x78, s3;
	[dreg:$0x11] =	wrdreg s0;
	s12 =	sadd.s32 s10, s1  }
0x10: {  	s1 =	sadd.s32 s13, s1;
	s13 =	ssub.s32 s14, s30;
	s19 =	sadd.s32 s6, s10  }
0x11: {  	s20 =	sadd.s32 s7, s10;
	s9 =	sshrl.u32 s18, $0x3;
	[dreg:$0x6] =	wrdreg s19  }
0x12: {  	s10 =	sadd.s32 $0xA, s10;
	s30 =	sor.u32 $0x1C01, s26;
	[dreg:$0x7] =	wrdreg s20  }
0x13: {  	s24 =	sshrl.u32 s22, $0x3;
	s12 =	sadd.s32 $0x17000, s12;
	[dreg:$0x12] =	wrdreg s30  }
0x14: {  	s26 =	simm.s32 $0x1C458;
	s21 =	sadd.s32 s6, s9;
	[dreg:$0x4] =	wrdreg s12  }
0x15: {  	s14 =	simm.s32 $0x1C430;
	s9 =	sadd.s32 s7, s9;
	[dreg:$0x8] =	wrdreg s21  }
0x16: {  	s18 =	simm.s32 $0x4;
	s23 =	sadd.s32 s6, s10;
	[dreg:$0x9] =	wrdreg s9  }
0x17: {  	s22 =	simm.s32 $0x9;
	s10 =	sadd.s32 s7, s10;
	[dreg:$0xa] =	wrdreg s23  }
0x18: {  	s25 =	sadd.s32 s6, s24;
	s1 =	sadd.s32 $0x56E00, s1;
	[dreg:$0xb] =	wrdreg s10  }
.Ltmp0:
0x19: {  	s29 =	smax.u32 s13, $0x1;
	[dreg:$0xc] =	wrdreg s25;
	(pc) =	sbr.rel .LBB2_1-.Ltmp0, $4  }
0x1a: {  	s13 =	simm.s32 $0x2;
	s20 =	simm.s32 $0x8;
	[dreg:$0xe] =	wrdreg s1  }
0x1b: {  	s19 =	simm.s32 $0x6;
	s9 =	sadd.s32 s7, s24;
	[dreg:$0x10] =	wrdreg s29  }
0x1c: {  	s12 =	simm.s32 $0x1C408;
	s23 =	simm.s32 $0x1C4F8;
	s21 =	simm.s32 $0x5  }
0x1d: {  	s24 =	simm.s32 $0xA;
	[dreg:$0xd] =	wrdreg s9;
	s9 =	simm.s32 $0x0  }
.LBB2_14:
0x1e: {  	s0 =	simm.s32 $0xB  }
0x1f: {  	_ =	swait.ge [sflag:s0], $0x1400  }
0x20: {  	[sflag:s0] =	ssyncset.done $0x0  }
0x21: {  	[sflag:s0] =	ssyncadd.s32 $0xFFFFEC00  }
0x22: {  	[bflag:$0x0] =	sbarrier.arrive $0xFFFF  }
0x23: {  	s10 =	rddreg [dreg:$0xf]  }
0x24: {  	s1 =	rddreg [dreg:$0xe]  }
0x25: {  	s25 =	simm.s32 $0xC;
	s9 =	rddreg [dreg:$0x14];
	s0 =	sor.u32 $0x1C0C, s10  }
0x26: {  	[hbm:s1], [sflag:s0] =	dma.local [spmem:s9], $0x2710  }
0x27: {  	_ =	swait.ge [sflag:s25], $0x2710  }
0x28: {  	s29 =	rddreg [dreg:$0x13]  }
0x29: {  	s30 =	rddreg [dreg:$0x10];
	s9 =	sadd.s32 $0x1, s29  }
0x2a: {  	p0 =	sne.s32 s9, s30  }
.Ltmp1:
0x2b: {  	_ = 	snop;
	(pc) =	sbr.rel @!p0 .LBB2_15-.Ltmp1, $3  }
0x2c: {  	_ =	sdelay $0x1  }
0x2d: {  	[sflag:s25] =	ssyncset.done $0x0  }
0x2e: {  	[sflag:s25] =	ssyncadd.s32 $0xFFFFD8F0  }
.LBB2_1:
0x2f: {  	[dreg:$0x13] =	wrdreg s9  }
0x30: {  	s0 =	rddreg [dreg:$0x4]  }
0x31: {  	s29 =	rddreg [dreg:$0x5]  }
0x32: {  	s9 =	simm.s32 $0x13880;
	s30 =	rddreg [dreg:$0x11]  }
0x33: {  	[tilespmem:s9], [sflag:$0x1] =	stream.linear.gather [hbm4b:s0+s4], $0x2710, $0x38;
	[tilespmem:$0x1C520] =	vst v63  }
0x34: {  	s1 =	rddreg [dreg:$0x12];
	s10 =	sshrl.u32 s29, $0x3  }
0x35: {  	s25 =	simm.s32 $0x1;
	[dreg:$0x14] =	wrdreg s10  }
0x36: {  	[spmem:s10], [sflag:s1] =	dma.local [hbm:s30], $0x2710  }
0x37: {  	_ =	swait.ge [sflag:s25], $0x2710  }
0x38: {  	[sflag:s25] =	ssyncset.done $0x0  }
0x39: {  	[sflag:s25] =	ssyncadd.s32 $0xFFFFD8F0  }
0x3a: {  	_ =	swait.ge [sflag:s25], $0x2710  }
0x3b: {  	[sflag:s25] =	ssyncset.done $0x0  }
0x3c: {  	[sflag:s25] =	ssyncadd.s32 $0xFFFFD8F0  }
0x3d: {  	[bflag:$0x0] =	sbarrier.arrive $0xFFFF  }
0x3e: {  	s30 =	simm.s32 $0x1C390;
	s29 =	rddreg [dreg:$0x6]  }
0x3f: {  	[tilespmem:s30], [sflag:$0x2] =	stream.linear.gather [hbm4b:s29+s4], $0x28, $0x38;
	[tilespmem:$0x1C520] =	vst v63  }
0x40: {  	s10 =	rddreg [dreg:$0x7]  }
0x41: {  	[tilespmem:s26], [sflag:$0x2] =	stream.linear.gather [hbm4b:s10+s4], $0x28, $0x38;
	[tilespmem:$0x1C520] =	vst v63  }
0x42: {  	s25 =	simm.s32 $0x15F90  }
0x43: {  	[tilespmem:s25], [sflag:$0x2] =	stream.indirect.gather [hbm4b:s5+s28], $0x80, s9, s28, $0xb8;
	[tilespmem:$0x1C520] =	vst v63  }
0x44: {  	s29 =	rddreg [dreg:$0x8];
	s30 =	simm.s32 $0x1C3B8  }
0x45: {  	[tilespmem:s30], [sflag:$0x3] =	stream.linear.gather [hbm4b:s29+s4], $0x28, $0x38;
	[tilespmem:$0x1C520] =	vst v63  }
0x46: {  	s1 =	rddreg [dreg:$0x9]  }
0x47: {  	[tilespmem:s31], [sflag:$0x3] =	stream.linear.gather [hbm4b:s1+s4], $0x28, $0x38;
	[tilespmem:$0x1C520] =	vst v63  }
0x48: {  	s10 =	simm.s32 $0x17390;
	s9 =	simm.s32 $0x138A8  }
0x49: {  	[tilespmem:s10], [sflag:$0x3] =	stream.indirect.gather [hbm4b:s5+s28], $0x80, s9, s28, $0xb8;
	[tilespmem:$0x1C520] =	vst v63  }
0x4a: {  	s25 =	rddreg [dreg:$0xa];
	s29 =	simm.s32 $0x1C3E0  }
0x4b: {  	[tilespmem:s29], [sflag:$0x4] =	stream.linear.gather [hbm4b:s25+s4], $0x28, $0x38;
	[tilespmem:$0x1C520] =	vst v63  }
0x4c: {  	s30 =	rddreg [dreg:$0xb]  }
0x4d: {  	[tilespmem:s8], [sflag:$0x4] =	stream.linear.gather [hbm4b:s30+s4], $0x28, $0x38;
	[tilespmem:$0x1C520] =	vst v63  }
0x4e: {  	s1 =	simm.s32 $0x138D0;
	s9 =	simm.s32 $0x18790  }
0x4f: {  	[tilespmem:s9], [sflag:$0x4] =	stream.indirect.gather [hbm4b:s5+s28], $0x80, s1, s28, $0xb8;
	[tilespmem:$0x1C520] =	vst v63  }
0x50: {  	s10 =	rddreg [dreg:$0xc]  }
0x51: {  	[tilespmem:s12], [sflag:$0x5] =	stream.linear.gather [hbm4b:s10+s4], $0x28, $0x38;
	[tilespmem:$0x1C520] =	vst v63  }
0x52: {  	s25 =	rddreg [dreg:$0xd]  }
0x53: {  	[tilespmem:s11], [sflag:$0x5] =	stream.linear.gather [hbm4b:s25+s4], $0x28, $0x38;
	[tilespmem:$0x1C520] =	vst v63  }
0x54: {  	s29 =	simm.s32 $0x138F8;
	s30 =	simm.s32 $0x19B90;
	s25 =	simm.s32 $0x0  }
0x55: {  	[tilespmem:s30], [sflag:$0x5] =	stream.indirect.gather [hbm4b:s5+s28], $0x80, s29, s28, $0xb8;
	[tilespmem:$0x1C520] =	vst v63  }
.LBB2_2:
0x56: {  	_ =	swait.ge [sflag:s13], $0x28  }
0x57: {  	[sflag:s13] =	ssyncset.done $0x0  }
0x58: {  	[sflag:s13] =	ssyncadd.s32 $0xFFFFFFD8  }
0x59: {  	_ =	swait.ge [sflag:s13], $0x28  }
0x5a: {  	[sflag:s13] =	ssyncset.done $0x0  }
0x5b: {  	[sflag:s13] =	ssyncadd.s32 $0xFFFFFFD8  }
0x5c: {  	s0 =	simm.s32 $0x0;
	_ =	swait.ge [sflag:s13], $0x1400  }
0x5d: {  	v0 =	vmov s0;
	[sflag:s13] =	ssyncset.done $0x0  }
0x5e: {  	s0 =	simm.s32 $0x15FD0;
	[sflag:s13] =	ssyncadd.s32 $0xFFFFEC00  }
0x5f: {  	v4 =	vld [tilespmem:s0+$0x30]  }
0x60: {  	v7 =	vld [tilespmem:s0+$0x10]  }
0x61: {  	v5 =	vld [tilespmem:s0+$0xFFFFFFC0]  }
0x62: {  	v1 =	vld.idx.msk [tilespmem:v0+s26+$0x0], $0xffff  }
0x63: {  	v9 =	vld [tilespmem:s0+$0xFFFFFFE0]  }
0x64: {  	v0 =	vld [tilespmem:s0+$0xFFFFFFF0]  }
0x65: {  	v2 =	vld [tilespmem:s0+$0x20]  }
0x66: {  	v3 =	vld [tilespmem:s0+$0xFFFFFFD0]  }
0x67: {  	v8 =	vmul.f32 v4, v1;
	v4 =	vld [tilespmem:s0+$0x0]  }
0x68: {  	v6 =	vmul.f32 v5, v1  }
0x69: {  	s1 =	simm.s32 $0x1;
	s9 =	simm.s32 $0x15FD0;
	v5 =	vmul.f32 v9, v1;
	v7 =	vmul.f32 v7, v1  }
.LBB2_3:
0x6a: {  	p0 =	sne.s32 s1, $0x27  }
0x6b: {  	v3 =	vmul.f32 v3, v1;
	v2 =	vmul.f32 v2, v1;
	[tilespmem:s0+$0x30] =	vst v8;
	s9 =	sadd.s32 $0x80, s9;
	s10 =	smov.u32 s1;
	s1 =	sadd.s32 $0x1, s1  }
0x6c: {  	[tilespmem:s0+$0xFFFFFFC0] =	vst v6;
	v6 =	vmul.f32 v0, v1;
	v1 =	vmul.f32 v4, v1  }
0x6d: {  	[tilespmem:s0+$0x10] =	vst v7  }
0x6e: {  	v4 =	vmov s10;
	[tilespmem:s0+$0xFFFFFFE0] =	vst v5  }
0x6f: {  	v0 =	vld [tilespmem:s9+$0xFFFFFFF0];
	[tilespmem:s0+$0xFFFFFFF0] =	vst v6  }
0x70: {  	v5 =	vld [tilespmem:s9+$0x30];
	[tilespmem:s0+$0x0] =	vst v1  }
0x71: {  	v7 =	vld [tilespmem:s9+$0x10];
	[tilespmem:s0+$0x20] =	vst v2  }
0x72: {  	v6 =	vld [tilespmem:s9+$0xFFFFFFC0];
	[tilespmem:s0+$0xFFFFFFD0] =	vst v3;
	s0 =	smov.u32 s9  }
0x73: {  	v1 =	vld.idx.msk [tilespmem:v4+s26+$0x0], $0xffff  }
0x74: {  	v9 =	vld [tilespmem:s9+$0xFFFFFFE0]  }
0x75: {  	v2 =	vld [tilespmem:s9+$0x20]  }
.Ltmp2:
0x76: {  	v3 =	vld [tilespmem:s9+$0xFFFFFFD0];
	(pc) =	sbr.rel @p0 .LBB2_3-.Ltmp2, $3  }
0x77: {  	v4 =	vld [tilespmem:s9+$0x0];
	_ =	sdelay $0x1  }
0x78: {  	v6 =	vmul.f32 v6, v1;
	v8 =	vmul.f32 v5, v1  }
0x79: {  	v7 =	vmul.f32 v7, v1;
	v5 =	vmul.f32 v9, v1  }
0x7a: {  	[tilespmem:s0+$0x30] =	vst v8  }
0x7b: {  	[tilespmem:s0+$0xFFFFFFC0] =	vst v6  }
0x7c: {  	v0 =	vmul.f32 v0, v1;
	[tilespmem:s0+$0x10] =	vst v7  }
0x7d: {  	v2 =	vmul.f32 v2, v1;
	[tilespmem:s0+$0xFFFFFFE0] =	vst v5  }
0x7e: {  	v4 =	vmul.f32 v4, v1;
	[tilespmem:s0+$0xFFFFFFF0] =	vst v0  }
0x7f: {  	s29 =	smul.u32 $0xC8, s25;
	v0 =	vmul.f32 v3, v1;
	[tilespmem:s0+$0x20] =	vst v2  }
0x80: {  	s9 =	simm.s32 $0x1C390;
	p0 =	seq.s32 s25, $0x0;
	[tilespmem:s0+$0x0] =	vst v4  }
0x81: {  	s1 =	simm.s32 $0x15F90;
	s10 =	sadd.s32 s3, s29;
	[tilespmem:s0+$0xFFFFFFD0] =	vst v0;
	s0 =	simm.s32 @!p0 $0xB  }
0x82: {  	[spmem:s2] =	stream.indirect.scatter.add.f32 [tilespmem:s1], [sflag:$0x7], $0x80, s9, s28, $0xb8;
	[tilespmem:$0x1C520] =	vst v63  }
0x83: {  	s30 =	sshrl.u32 s10, $0x3;
	_ =	swait.ge @!p0 [sflag:s0], $0x1400  }
0x84: {  	s1 =	sadd.s32 $0x14, s30;
	[sflag:s0] =	ssyncset.done @!p0 $0x0  }
0x85: {  	s9 =	simm.s32 $0x0;
	s12 =	sadd.s32 s6, s1;
	[sflag:s0] =	ssyncadd.s32 @!p0 $0xFFFFEC00  }
0x86: {  	[tilespmem:s14], [sflag:$0x6] =	stream.linear.gather [hbm4b:s12+s9], $0x28, $0x38;
	[tilespmem:$0x1C520] =	vst v63  }
0x87: {  	s10 =	sadd.s32 s7, s1  }
0x88: {  	[tilespmem:s23], [sflag:$0x6] =	stream.linear.gather [hbm4b:s10+s9], $0x28, $0x38;
	[tilespmem:$0x1C520] =	vst v63  }
0x89: {  	s12 =	sadd.s32 $0x13920, s29  }
0x8a: {  	[tilespmem:s15], [sflag:$0x6] =	stream.indirect.gather [hbm4b:s5+s28], $0x80, s12, s28, $0xb8;
	[tilespmem:$0x1C520] =	vst v63  }
0x8b: {  	_ =	swait.ge [sflag:s16], $0x28  }
0x8c: {  	[sflag:s16] =	ssyncset.done $0x0  }
0x8d: {  	[sflag:s16] =	ssyncadd.s32 $0xFFFFFFD8  }
0x8e: {  	_ =	swait.ge [sflag:s16], $0x28  }
0x8f: {  	[sflag:s16] =	ssyncset.done $0x0  }
0x90: {  	[sflag:s16] =	ssyncadd.s32 $0xFFFFFFD8  }
0x91: {  	_ =	swait.ge [sflag:s16], $0x1400  }
0x92: {  	v0 =	vmov s9;
	[sflag:s16] =	ssyncset.done $0x0  }
0x93: {  	s0 =	simm.s32 $0x173D0;
	[sflag:s16] =	ssyncadd.s32 $0xFFFFEC00  }
0x94: {  	v4 =	vld [tilespmem:s0+$0x30]  }
0x95: {  	v7 =	vld [tilespmem:s0+$0x10]  }
0x96: {  	v5 =	vld [tilespmem:s0+$0xFFFFFFC0]  }
0x97: {  	v1 =	vld.idx.msk [tilespmem:v0+s31+$0x0], $0xffff  }
0x98: {  	v9 =	vld [tilespmem:s0+$0xFFFFFFE0]  }
0x99: {  	v0 =	vld [tilespmem:s0+$0xFFFFFFF0]  }
0x9a: {  	v2 =	vld [tilespmem:s0+$0x20]  }
0x9b: {  	v3 =	vld [tilespmem:s0+$0xFFFFFFD0]  }
0x9c: {  	v8 =	vmul.f32 v4, v1;
	v4 =	vld [tilespmem:s0+$0x0]  }
0x9d: {  	v6 =	vmul.f32 v5, v1  }
0x9e: {  	s1 =	simm.s32 $0x1;
	s9 =	simm.s32 $0x173D0;
	v5 =	vmul.f32 v9, v1;
	v7 =	vmul.f32 v7, v1  }
.LBB2_5:
0x9f: {  	p0 =	sne.s32 s1, $0x27  }
0xa0: {  	v3 =	vmul.f32 v3, v1;
	v2 =	vmul.f32 v2, v1;
	[tilespmem:s0+$0x30] =	vst v8;
	s9 =	sadd.s32 $0x80, s9;
	s10 =	smov.u32 s1;
	s1 =	sadd.s32 $0x1, s1  }
0xa1: {  	[tilespmem:s0+$0xFFFFFFC0] =	vst v6;
	v6 =	vmul.f32 v0, v1;
	v1 =	vmul.f32 v4, v1  }
0xa2: {  	[tilespmem:s0+$0x10] =	vst v7  }
0xa3: {  	v4 =	vmov s10;
	[tilespmem:s0+$0xFFFFFFE0] =	vst v5  }
0xa4: {  	v0 =	vld [tilespmem:s9+$0xFFFFFFF0];
	[tilespmem:s0+$0xFFFFFFF0] =	vst v6  }
0xa5: {  	v5 =	vld [tilespmem:s9+$0x30];
	[tilespmem:s0+$0x0] =	vst v1  }
0xa6: {  	v7 =	vld [tilespmem:s9+$0x10];
	[tilespmem:s0+$0x20] =	vst v2  }
0xa7: {  	v6 =	vld [tilespmem:s9+$0xFFFFFFC0];
	[tilespmem:s0+$0xFFFFFFD0] =	vst v3;
	s0 =	smov.u32 s9  }
0xa8: {  	v1 =	vld.idx.msk [tilespmem:v4+s31+$0x0], $0xffff  }
0xa9: {  	v9 =	vld [tilespmem:s9+$0xFFFFFFE0]  }
0xaa: {  	v2 =	vld [tilespmem:s9+$0x20]  }
.Ltmp3:
0xab: {  	v3 =	vld [tilespmem:s9+$0xFFFFFFD0];
	(pc) =	sbr.rel @p0 .LBB2_5-.Ltmp3, $3  }
0xac: {  	v4 =	vld [tilespmem:s9+$0x0];
	_ =	sdelay $0x1  }
0xad: {  	v6 =	vmul.f32 v6, v1;
	v8 =	vmul.f32 v5, v1  }
0xae: {  	v7 =	vmul.f32 v7, v1;
	v5 =	vmul.f32 v9, v1  }
0xaf: {  	[tilespmem:s0+$0x30] =	vst v8  }
0xb0: {  	[tilespmem:s0+$0xFFFFFFC0] =	vst v6  }
0xb1: {  	v0 =	vmul.f32 v0, v1;
	[tilespmem:s0+$0x10] =	vst v7  }
0xb2: {  	v2 =	vmul.f32 v2, v1;
	[tilespmem:s0+$0xFFFFFFE0] =	vst v5  }
0xb3: {  	v4 =	vmul.f32 v4, v1;
	[tilespmem:s0+$0xFFFFFFF0] =	vst v0  }
0xb4: {  	v0 =	vmul.f32 v3, v1;
	[tilespmem:s0+$0x20] =	vst v2  }
0xb5: {  	p0 =	seq.s32 s25, $0x31;
	[tilespmem:s0+$0x0] =	vst v4  }
0xb6: {  	s10 =	simm.s32 $0x1C3B8;
	s1 =	simm.s32 $0x17390;
	[tilespmem:s0+$0xFFFFFFD0] =	vst v0;
	s0 =	sadd.s32 @!p0 s3, s29  }
0xb7: {  	[spmem:s2] =	stream.indirect.scatter.add.f32 [tilespmem:s1], [sflag:$0x8], $0x80, s10, s28, $0xb8;
	[tilespmem:$0x1C520] =	vst v63  }
0xb8: {  	s1 =	sadd.s32 @!p0 $0xC8, s0;
	_ =	swait.ge [sflag:s17], $0x1400  }
0xb9: {  	s12 =	simm.s32 @!p0 $0x1C390;
	s1 =	sshrl.u32 @!p0 s1, $0x3;
	[sflag:s17] =	ssyncset.done $0x0  }
0xba: {  	s10 =	simm.s32 @!p0 $0x0;
	s9 =	sadd.s32 @!p0 s6, s1;
	[sflag:s17] =	ssyncadd.s32 $0xFFFFEC00  }
0xbb: {  	[tilespmem:s12], [sflag:$0x2] =	stream.linear.gather @!p0 [hbm4b:s9+s10], $0x28, $0x38;
	[tilespmem:$0x1C520] =	vst v63  }
0xbc: {  	s1 =	sadd.s32 @!p0 s7, s1;
	s9 =	simm.s32 @!p0 $0x1C458  }
0xbd: {  	[tilespmem:s9], [sflag:$0x2] =	stream.linear.gather @!p0 [hbm4b:s1+s10], $0x28, $0x38;
	[tilespmem:$0x1C520] =	vst v63  }
0xbe: {  	s1 =	sadd.s32 @!p0 $0x13948, s29;
	s9 =	simm.s32 @!p0 $0x28;
	s10 =	simm.s32 @!p0 $0x15F90  }
0xbf: {  	[tilespmem:s10], [sflag:$0x2] =	stream.indirect.gather @!p0 [hbm4b:s5+s9], $0x80, s1, s9, $0xb8;
	[tilespmem:$0x1C520] =	vst v63  }
0xc0: {  	_ =	swait.ge [sflag:s18], $0x28  }
0xc1: {  	[sflag:s18] =	ssyncset.done $0x0  }
0xc2: {  	[sflag:s18] =	ssyncadd.s32 $0xFFFFFFD8  }
0xc3: {  	_ =	swait.ge [sflag:s18], $0x28  }
0xc4: {  	[sflag:s18] =	ssyncset.done $0x0  }
0xc5: {  	[sflag:s18] =	ssyncadd.s32 $0xFFFFFFD8  }
0xc6: {  	s12 =	simm.s32 $0x0;
	_ =	swait.ge [sflag:s18], $0x1400  }
0xc7: {  	v0 =	vmov s12;
	[sflag:s18] =	ssyncset.done $0x0  }
0xc8: {  	s1 =	simm.s32 $0x187D0;
	[sflag:s18] =	ssyncadd.s32 $0xFFFFEC00  }
0xc9: {  	v4 =	vld [tilespmem:s1+$0x30]  }
0xca: {  	v7 =	vld [tilespmem:s1+$0x10]  }
0xcb: {  	v5 =	vld [tilespmem:s1+$0xFFFFFFC0]  }
0xcc: {  	v1 =	vld.idx.msk [tilespmem:v0+s8+$0x0], $0xffff  }
0xcd: {  	v9 =	vld [tilespmem:s1+$0xFFFFFFE0]  }
0xce: {  	v0 =	vld [tilespmem:s1+$0xFFFFFFF0]  }
0xcf: {  	v2 =	vld [tilespmem:s1+$0x20]  }
0xd0: {  	v3 =	vld [tilespmem:s1+$0xFFFFFFD0]  }
0xd1: {  	v8 =	vmul.f32 v4, v1;
	v4 =	vld [tilespmem:s1+$0x0]  }
0xd2: {  	v6 =	vmul.f32 v5, v1  }
0xd3: {  	s9 =	simm.s32 $0x1;
	s10 =	simm.s32 $0x187D0;
	v5 =	vmul.f32 v9, v1;
	v7 =	vmul.f32 v7, v1  }
.LBB2_7:
0xd4: {  	p1 =	sne.s32 s9, $0x27  }
0xd5: {  	v3 =	vmul.f32 v3, v1;
	v2 =	vmul.f32 v2, v1;
	[tilespmem:s1+$0x30] =	vst v8;
	s10 =	sadd.s32 $0x80, s10;
	s12 =	smov.u32 s9;
	s9 =	sadd.s32 $0x1, s9  }
0xd6: {  	[tilespmem:s1+$0xFFFFFFC0] =	vst v6;
	v6 =	vmul.f32 v0, v1;
	v1 =	vmul.f32 v4, v1  }
0xd7: {  	[tilespmem:s1+$0x10] =	vst v7  }
0xd8: {  	v4 =	vmov s12;
	[tilespmem:s1+$0xFFFFFFE0] =	vst v5  }
0xd9: {  	v0 =	vld [tilespmem:s10+$0xFFFFFFF0];
	[tilespmem:s1+$0xFFFFFFF0] =	vst v6  }
0xda: {  	v5 =	vld [tilespmem:s10+$0x30];
	[tilespmem:s1+$0x0] =	vst v1  }
0xdb: {  	v7 =	vld [tilespmem:s10+$0x10];
	[tilespmem:s1+$0x20] =	vst v2  }
0xdc: {  	v6 =	vld [tilespmem:s10+$0xFFFFFFC0];
	[tilespmem:s1+$0xFFFFFFD0] =	vst v3;
	s1 =	smov.u32 s10  }
0xdd: {  	v1 =	vld.idx.msk [tilespmem:v4+s8+$0x0], $0xffff  }
0xde: {  	v9 =	vld [tilespmem:s10+$0xFFFFFFE0]  }
0xdf: {  	v2 =	vld [tilespmem:s10+$0x20]  }
.Ltmp4:
0xe0: {  	v3 =	vld [tilespmem:s10+$0xFFFFFFD0];
	(pc) =	sbr.rel @p1 .LBB2_7-.Ltmp4, $3  }
0xe1: {  	v4 =	vld [tilespmem:s10+$0x0];
	_ =	sdelay $0x1  }
0xe2: {  	v6 =	vmul.f32 v6, v1;
	v8 =	vmul.f32 v5, v1  }
0xe3: {  	v7 =	vmul.f32 v7, v1;
	v5 =	vmul.f32 v9, v1  }
0xe4: {  	[tilespmem:s1+$0x30] =	vst v8  }
0xe5: {  	[tilespmem:s1+$0xFFFFFFC0] =	vst v6  }
0xe6: {  	v0 =	vmul.f32 v0, v1;
	[tilespmem:s1+$0x10] =	vst v7  }
0xe7: {  	v2 =	vmul.f32 v2, v1;
	[tilespmem:s1+$0xFFFFFFE0] =	vst v5  }
0xe8: {  	v4 =	vmul.f32 v4, v1;
	[tilespmem:s1+$0xFFFFFFF0] =	vst v0  }
0xe9: {  	v0 =	vmul.f32 v3, v1;
	[tilespmem:s1+$0x20] =	vst v2  }
0xea: {  	[tilespmem:s1+$0x0] =	vst v4  }
0xeb: {  	s10 =	simm.s32 $0x1C3E0;
	s9 =	simm.s32 $0x18790;
	[tilespmem:s1+$0xFFFFFFD0] =	vst v0  }
0xec: {  	[spmem:s2] =	stream.indirect.scatter.add.f32 [tilespmem:s9], [sflag:$0x9], $0x80, s10, s28, $0xb8;
	[tilespmem:$0x1C520] =	vst v63  }
0xed: {  	s1 =	sshrl.u32 @!p0 s0, $0x3;
	_ =	swait.ge [sflag:s20], $0x1400  }
0xee: {  	s12 =	simm.s32 @!p0 $0x1C3B8;
	s1 =	sadd.s32 @!p0 $0x1E, s1;
	[sflag:s20] =	ssyncset.done $0x0  }
0xef: {  	s10 =	simm.s32 @!p0 $0x0;
	s9 =	sadd.s32 @!p0 s6, s1;
	[sflag:s20] =	ssyncadd.s32 $0xFFFFEC00  }
0xf0: {  	[tilespmem:s12], [sflag:$0x3] =	stream.linear.gather @!p0 [hbm4b:s9+s10], $0x28, $0x38;
	[tilespmem:$0x1C520] =	vst v63  }
0xf1: {  	s1 =	sadd.s32 @!p0 s7, s1;
	s9 =	simm.s32 @!p0 $0x1C480  }
0xf2: {  	[tilespmem:s9], [sflag:$0x3] =	stream.linear.gather @!p0 [hbm4b:s1+s10], $0x28, $0x38;
	[tilespmem:$0x1C520] =	vst v63  }
0xf3: {  	s1 =	sadd.s32 @!p0 $0x13970, s29;
	s9 =	simm.s32 @!p0 $0x28;
	s10 =	simm.s32 @!p0 $0x17390  }
0xf4: {  	[tilespmem:s10], [sflag:$0x3] =	stream.indirect.gather @!p0 [hbm4b:s5+s9], $0x80, s1, s9, $0xb8;
	[tilespmem:$0x1C520] =	vst v63  }
0xf5: {  	_ =	swait.ge [sflag:s21], $0x28  }
0xf6: {  	[sflag:s21] =	ssyncset.done $0x0  }
0xf7: {  	[sflag:s21] =	ssyncadd.s32 $0xFFFFFFD8  }
0xf8: {  	_ =	swait.ge [sflag:s21], $0x28  }
0xf9: {  	[sflag:s21] =	ssyncset.done $0x0  }
0xfa: {  	[sflag:s21] =	ssyncadd.s32 $0xFFFFFFD8  }
0xfb: {  	s12 =	simm.s32 $0x0;
	_ =	swait.ge [sflag:s21], $0x1400  }
0xfc: {  	v0 =	vmov s12;
	[sflag:s21] =	ssyncset.done $0x0  }
0xfd: {  	s1 =	simm.s32 $0x19BD0;
	[sflag:s21] =	ssyncadd.s32 $0xFFFFEC00  }
0xfe: {  	v4 =	vld [tilespmem:s1+$0x30]  }
0xff: {  	v7 =	vld [tilespmem:s1+$0x10]  }
0x100: {  	v5 =	vld [tilespmem:s1+$0xFFFFFFC0]  }
0x101: {  	v1 =	vld.idx.msk [tilespmem:v0+s11+$0x0], $0xffff  }
0x102: {  	v9 =	vld [tilespmem:s1+$0xFFFFFFE0]  }
0x103: {  	v0 =	vld [tilespmem:s1+$0xFFFFFFF0]  }
0x104: {  	v2 =	vld [tilespmem:s1+$0x20]  }
0x105: {  	v3 =	vld [tilespmem:s1+$0xFFFFFFD0]  }
0x106: {  	v8 =	vmul.f32 v4, v1;
	v4 =	vld [tilespmem:s1+$0x0]  }
0x107: {  	v6 =	vmul.f32 v5, v1  }
0x108: {  	s9 =	simm.s32 $0x1;
	s10 =	simm.s32 $0x19BD0;
	v5 =	vmul.f32 v9, v1;
	v7 =	vmul.f32 v7, v1  }
.LBB2_9:
0x109: {  	p1 =	sne.s32 s9, $0x27  }
0x10a: {  	v3 =	vmul.f32 v3, v1;
	v2 =	vmul.f32 v2, v1;
	[tilespmem:s1+$0x30] =	vst v8;
	s10 =	sadd.s32 $0x80, s10;
	s12 =	smov.u32 s9;
	s9 =	sadd.s32 $0x1, s9  }
0x10b: {  	[tilespmem:s1+$0xFFFFFFC0] =	vst v6;
	v6 =	vmul.f32 v0, v1;
	v1 =	vmul.f32 v4, v1  }
0x10c: {  	[tilespmem:s1+$0x10] =	vst v7  }
0x10d: {  	v4 =	vmov s12;
	[tilespmem:s1+$0xFFFFFFE0] =	vst v5  }
0x10e: {  	v0 =	vld [tilespmem:s10+$0xFFFFFFF0];
	[tilespmem:s1+$0xFFFFFFF0] =	vst v6  }
0x10f: {  	v5 =	vld [tilespmem:s10+$0x30];
	[tilespmem:s1+$0x0] =	vst v1  }
0x110: {  	v7 =	vld [tilespmem:s10+$0x10];
	[tilespmem:s1+$0x20] =	vst v2  }
0x111: {  	v6 =	vld [tilespmem:s10+$0xFFFFFFC0];
	[tilespmem:s1+$0xFFFFFFD0] =	vst v3;
	s1 =	smov.u32 s10  }
0x112: {  	v1 =	vld.idx.msk [tilespmem:v4+s11+$0x0], $0xffff  }
0x113: {  	v9 =	vld [tilespmem:s10+$0xFFFFFFE0]  }
0x114: {  	v2 =	vld [tilespmem:s10+$0x20]  }
.Ltmp5:
0x115: {  	v3 =	vld [tilespmem:s10+$0xFFFFFFD0];
	(pc) =	sbr.rel @p1 .LBB2_9-.Ltmp5, $3  }
0x116: {  	v4 =	vld [tilespmem:s10+$0x0];
	_ =	sdelay $0x1  }
0x117: {  	v6 =	vmul.f32 v6, v1;
	v8 =	vmul.f32 v5, v1  }
0x118: {  	v7 =	vmul.f32 v7, v1;
	v5 =	vmul.f32 v9, v1  }
0x119: {  	[tilespmem:s1+$0x30] =	vst v8  }
0x11a: {  	[tilespmem:s1+$0xFFFFFFC0] =	vst v6  }
0x11b: {  	v0 =	vmul.f32 v0, v1;
	[tilespmem:s1+$0x10] =	vst v7  }
0x11c: {  	v2 =	vmul.f32 v2, v1;
	[tilespmem:s1+$0xFFFFFFE0] =	vst v5  }
0x11d: {  	v4 =	vmul.f32 v4, v1;
	[tilespmem:s1+$0xFFFFFFF0] =	vst v0  }
0x11e: {  	v0 =	vmul.f32 v3, v1;
	[tilespmem:s1+$0x20] =	vst v2  }
0x11f: {  	[tilespmem:s1+$0x0] =	vst v4  }
0x120: {  	s12 =	simm.s32 $0x1C408;
	s9 =	simm.s32 $0x19B90;
	[tilespmem:s1+$0xFFFFFFD0] =	vst v0  }
0x121: {  	[spmem:s2] =	stream.indirect.scatter.add.f32 [tilespmem:s9], [sflag:$0xA], $0x80, s12, s28, $0xb8;
	[tilespmem:$0x1C520] =	vst v63  }
0x122: {  	s0 =	sadd.s32 @!p0 $0x118, s0;
	_ =	swait.ge [sflag:s22], $0x1400  }
0x123: {  	s10 =	simm.s32 @!p0 $0x1C3E0;
	s0 =	sshrl.u32 @!p0 s0, $0x3;
	[sflag:s22] =	ssyncset.done $0x0  }
0x124: {  	s1 =	sadd.s32 @!p0 s6, s0;
	s9 =	simm.s32 @!p0 $0x0;
	[sflag:s22] =	ssyncadd.s32 $0xFFFFEC00  }
0x125: {  	[tilespmem:s10], [sflag:$0x4] =	stream.linear.gather @!p0 [hbm4b:s1+s9], $0x28, $0x38;
	[tilespmem:$0x1C520] =	vst v63  }
0x126: {  	s0 =	sadd.s32 @!p0 s7, s0;
	s1 =	simm.s32 @!p0 $0x1C4A8  }
0x127: {  	[tilespmem:s1], [sflag:$0x4] =	stream.linear.gather @!p0 [hbm4b:s0+s9], $0x28, $0x38;
	[tilespmem:$0x1C520] =	vst v63  }
0x128: {  	s0 =	sadd.s32 @!p0 $0x13998, s29;
	s1 =	simm.s32 @!p0 $0x28;
	s9 =	simm.s32 @!p0 $0x18790  }
0x129: {  	[tilespmem:s9], [sflag:$0x4] =	stream.indirect.gather @!p0 [hbm4b:s5+s1], $0x80, s0, s1, $0xb8;
	[tilespmem:$0x1C520] =	vst v63  }
0x12a: {  	_ =	swait.ge [sflag:s19], $0x28  }
0x12b: {  	[sflag:s19] =	ssyncset.done $0x0  }
0x12c: {  	[sflag:s19] =	ssyncadd.s32 $0xFFFFFFD8  }
0x12d: {  	_ =	swait.ge [sflag:s19], $0x28  }
0x12e: {  	[sflag:s19] =	ssyncset.done $0x0  }
0x12f: {  	[sflag:s19] =	ssyncadd.s32 $0xFFFFFFD8  }
0x130: {  	s10 =	simm.s32 $0x0;
	_ =	swait.ge [sflag:s19], $0x1400  }
0x131: {  	v0 =	vmov s10;
	[sflag:s19] =	ssyncset.done $0x0  }
0x132: {  	s0 =	simm.s32 $0x1AFD0;
	[sflag:s19] =	ssyncadd.s32 $0xFFFFEC00  }
0x133: {  	v4 =	vld [tilespmem:s0+$0x30]  }
0x134: {  	v7 =	vld [tilespmem:s0+$0x10]  }
0x135: {  	v5 =	vld [tilespmem:s0+$0xFFFFFFC0]  }
0x136: {  	v1 =	vld.idx.msk [tilespmem:v0+s23+$0x0], $0xffff  }
0x137: {  	v9 =	vld [tilespmem:s0+$0xFFFFFFE0]  }
0x138: {  	v0 =	vld [tilespmem:s0+$0xFFFFFFF0]  }
0x139: {  	v2 =	vld [tilespmem:s0+$0x20]  }
0x13a: {  	v3 =	vld [tilespmem:s0+$0xFFFFFFD0]  }
0x13b: {  	v8 =	vmul.f32 v4, v1;
	v4 =	vld [tilespmem:s0+$0x0]  }
0x13c: {  	v6 =	vmul.f32 v5, v1  }
0x13d: {  	s1 =	simm.s32 $0x1;
	s9 =	simm.s32 $0x1AFD0;
	v5 =	vmul.f32 v9, v1;
	v7 =	vmul.f32 v7, v1  }
.LBB2_11:
0x13e: {  	p1 =	sne.s32 s1, $0x27  }
0x13f: {  	v3 =	vmul.f32 v3, v1;
	v2 =	vmul.f32 v2, v1;
	[tilespmem:s0+$0x30] =	vst v8;
	s9 =	sadd.s32 $0x80, s9;
	s10 =	smov.u32 s1;
	s1 =	sadd.s32 $0x1, s1  }
0x140: {  	[tilespmem:s0+$0xFFFFFFC0] =	vst v6;
	v6 =	vmul.f32 v0, v1;
	v1 =	vmul.f32 v4, v1  }
0x141: {  	[tilespmem:s0+$0x10] =	vst v7  }
0x142: {  	v4 =	vmov s10;
	[tilespmem:s0+$0xFFFFFFE0] =	vst v5  }
0x143: {  	v0 =	vld [tilespmem:s9+$0xFFFFFFF0];
	[tilespmem:s0+$0xFFFFFFF0] =	vst v6  }
0x144: {  	v5 =	vld [tilespmem:s9+$0x30];
	[tilespmem:s0+$0x0] =	vst v1  }
0x145: {  	v7 =	vld [tilespmem:s9+$0x10];
	[tilespmem:s0+$0x20] =	vst v2  }
0x146: {  	v6 =	vld [tilespmem:s9+$0xFFFFFFC0];
	[tilespmem:s0+$0xFFFFFFD0] =	vst v3;
	s0 =	smov.u32 s9  }
0x147: {  	v1 =	vld.idx.msk [tilespmem:v4+s23+$0x0], $0xffff  }
0x148: {  	v9 =	vld [tilespmem:s9+$0xFFFFFFE0]  }
0x149: {  	v2 =	vld [tilespmem:s9+$0x20]  }
.Ltmp6:
0x14a: {  	v3 =	vld [tilespmem:s9+$0xFFFFFFD0];
	(pc) =	sbr.rel @p1 .LBB2_11-.Ltmp6, $3  }
0x14b: {  	v4 =	vld [tilespmem:s9+$0x0];
	_ =	sdelay $0x1  }
0x14c: {  	v6 =	vmul.f32 v6, v1;
	v8 =	vmul.f32 v5, v1  }
0x14d: {  	v7 =	vmul.f32 v7, v1;
	v5 =	vmul.f32 v9, v1  }
0x14e: {  	[tilespmem:s0+$0x30] =	vst v8  }
0x14f: {  	[tilespmem:s0+$0xFFFFFFC0] =	vst v6  }
0x150: {  	v0 =	vmul.f32 v0, v1;
	[tilespmem:s0+$0x10] =	vst v7  }
0x151: {  	v2 =	vmul.f32 v2, v1;
	[tilespmem:s0+$0xFFFFFFE0] =	vst v5  }
0x152: {  	v63 =	vmul.f32 v3, v1;
	[tilespmem:s0+$0xFFFFFFF0] =	vst v0  }
0x153: {  	v4 =	vmul.f32 v4, v1;
	[tilespmem:s0+$0x20] =	vst v2  }
0x154: {  	[tilespmem:s0+$0xFFFFFFD0] =	vst v63  }
.Ltmp7:
0x155: {  	[tilespmem:s0+$0x0] =	vst v4;
	(pc) =	sbr.rel @p0 .LBB2_14-.Ltmp7, $4  }
0x156: {  	[spmem:s2] =	stream.indirect.scatter.add.f32 [tilespmem:s15], [sflag:$0xB], $0x80, s14, s28, $0xb8;
	[tilespmem:$0x1C520] =	vst v63  }
0x157: {  	_ =	swait.ge [sflag:s24], $0x1400  }
0x158: {  	[sflag:s24] =	ssyncset.done $0x0  }
0x159: {  	[sflag:s24] =	ssyncadd.s32 $0xFFFFEC00  }
0x15a: {  	s0 =	sadd.s32 $0x28, s30  }
0x15b: {  	s1 =	sadd.s32 s6, s0  }
0x15c: {  	[tilespmem:s12], [sflag:$0x5] =	stream.linear.gather [hbm4b:s1+s4], $0x28, $0x38;
	[tilespmem:$0x1C520] =	vst v63  }
.Ltmp8:
0x15d: {  	_ = 	snop;
	(pc) =	sbr.rel .LBB2_2-.Ltmp8, $4  }
0x15e: {  	s0 =	sadd.s32 s7, s0  }
0x15f: {  	[tilespmem:s11], [sflag:$0x5] =	stream.linear.gather [hbm4b:s0+s4], $0x28, $0x38;
	[tilespmem:$0x1C520] =	vst v63  }
0x160: {  	s29 =	sadd.s32 $0x139C0, s29;
	s30 =	simm.s32 $0x19B90;
	s25 =	sadd.s32 $0x1, s25  }
0x161: {  	[tilespmem:s30], [sflag:$0x5] =	stream.indirect.gather [hbm4b:s5+s28], $0x80, s29, s28, $0xb8;
	[tilespmem:$0x1C520] =	vst v63  }
.LBB2_15:
0x162: {  	_ =	sfence.sel $0x180000  }
0x163: {  	[bflag:$0x0] =	sbarrier.arrive $0xFFFF  }
0x164: {  	_ =	strace $0x9000004D  }
0x165: {  	s0 =	stileid.u32;
	[bflag:$0x2] =	sbarrier.arrive $0xFFFF  }
0x166: {  	p0 =	sne.s32 s0, $0x0;
	s0 =	rddreg [dreg:$0x3]  }
0x167: {  	s0 =	sadd.s32 @!p0 $0x100000, s0  }
0x168: {  	[sflag:s0] =	ssyncadd.tile.s32 @!p0 $0x1;
	_ =	shalt  }
.Lfunc_end2:
_tile_overlayer_lowered:
.L_overlay_start_2:
0x169: {  	(tag) =	ssettag $0x2  }
0x16a: {  	s0 =	rddreg [dreg:$0x0];
	s2 =	stileid.u32  }
0x16b: {  	s1 =	rddreg [dreg:$0x1];
	p0 =	sne.s32 s2, $0x0  }
0x16c: {  	s3 =	rddreg [dreg:$0x2];
	[bflag:$0x3] =	sbarrier.arrive $0xFFFF;
	s2 =	simm.s32 @!p0 $0x1C0C  }
0x16d: {  	[timem:s3], [sflag:s2] =	dma.local @!p0 [hbm:s0], s1  }
0x16e: {  	s0 =	simm.s32 @!p0 $0xC  }
0x16f: {  	_ =	swait.ge @!p0 [sflag:s0], s1  }
0x170: {  	s1 =	ssub.s32 @!p0 $0x0, s1;
	[sflag:s0] =	ssyncset.done @!p0 $0x0  }
0x171: {  	[sflag:s0] =	ssyncadd.s32 @!p0 s1  }
0x172: {  	[bflag:$0x3] =	sbarrier.arrive $0xFFFF  }
0x173: {  	_ =	shalt  }

// kernel: kernel.19.cloned.1.call-start
scs
__scs_entry_jumppad:
0x0: {  	(pc) =	sbr.rel $0x88, $3  }
0x1: {  	(tag) =	ssettag $0x0;
	lr =	simm.s32 $0x1  }
0x2: {  	[smem:$0x3F98] =	sst lr;
	_ =	strace $0xD0000000  }
0x3: {  	_ = 	snop  }
0x4: {  	_ = 	snop  }
0x5: {  	_ = 	snop  }
0x6: {  	_ = 	snop  }
0x7: {  	_ = 	snop  }
__scs_overlays_trampoline_lowered:
0x8: {  	[smem:$0x3FA7] =	sst s0  }
0x9: {  	[smem:$0x3FA8] =	sst s1  }
0xa: {  	[smem:$0x3FA9] =	sst s2  }
0xb: {  	[smem:$0x3FAA] =	sst s3  }
0xc: {  	[smem:$0x3FAB] =	sst s4  }
0xd: {  	[smem:$0x3FAC] =	sst s5  }
0xe: {  	[smem:$0x3FAD] =	sst s6  }
0xf: {  	[smem:$0x3FAE] =	sst s7  }
0x10: {  	[smem:$0x3FAF] =	sst s8  }
0x11: {  	[smem:$0x3FB0] =	sst s9;
	s0 =	simm.s32 @!p0 $0x0  }
0x12: {  	s1 =	sld [smem:$0x3F96];
	s0 =	simm.s32 @p0 $0x1  }
0x13: {  	[smem:$0x3FB1] =	sst s0;
	s0 =	simm.s32 @!p1 $0x0  }
0x14: {  	s2 =	sld [smem:$0x3F95];
	s0 =	simm.s32 @p1 $0x1  }
0x15: {  	[smem:$0x3FB2] =	sst s0;
	s0 =	simm.s32 @!p2 $0x0  }
0x16: {  	s3 =	sld [smem:$0x3FDB];
	s0 =	simm.s32 @p2 $0x1  }
0x17: {  	s4 =	simm.s32 $0x1BF5;
	[smem:$0x3FB4] =	sst s0  }
0x18: {  	s0 =	sld [smem:$0x3F97];
	_ =	swait.ge [sflag:s4], $0x0  }
0x19: {  	s7 =	sld [smem:$0x3F98]  }
0x1a: {  	s8 =	sadd.s32 $0xFFFFE003, lr  }
0x1b: {  	s9 =	sadd.s32 $0xFFFFFEF7, lr;
	s5 =	simm.s32 $0xFFFFFFFF;
	p2 =	slt.u32 s8, $0xFFFFF086  }
0x1c: {  	p1 =	slt.u32 s9, $0xF7A;
	s5 =	simm.s32 @!p2 $0x0  }
0x1d: {  	s5 =	simm.s32 @p1 $0x1;
	p0 =	seq.s32 s7, s2  }
0x1e: {  	s7 =	smul.u32 @!p0 $0xF7A, s2;
	p2 =	seq.s32 @!p0 s5, $0x0  }
0x1f: {  	s9 =	smul.u32 $0xF7A, s1;
	s8 =	simm.s32 @!p0 $0x1BF5;
	p2 =	por !p2, p0  }
0x20: {  	[sflag:s8] =	ssyncset.s32 @!p0 $0xFFFFF086;
	s6 =	sadd.s32 @!p0 s3, s7;
	s7 =	simm.s32 @!p0 $0x108  }
0x21: {  	s3 =	sadd.s32 s3, s9;
	s6 =	sadd.s32 @!p0 $0x88, s6;
	s7 =	simm.s32 @p2 $0x1082  }
0x22: {  	[simem:s7], [sflag:s8] =	dma.local @!p0 [hbm:s6], $0xF7A  }
0x23: {  	s9 =	sor.u32 $0xD0000000, s2;
	s6 =	simm.s32 $0x108;
	_ =	swait.ge @!p0 [sflag:s8], $0x0  }
0x24: {  	s3 =	sadd.s32 $0x88, s3;
	s6 =	simm.s32 @!p1 $0x1082;
	[sflag:s4] =	ssyncset.s32 $0xFFFFF086  }
0x25: {  	[simem:s6], [sflag:s4] =	dma.local [hbm:s3], $0xF7A  }
0x26: {  	[smem:$0x3F98] =	sst s1;
	(tag) =	ssettag s2;
	_ =	strace s9  }
0x27: {  	s1 =	sld [smem:$0x3FA8]  }
0x28: {  	s2 =	sld [smem:$0x3FA9]  }
0x29: {  	s4 =	sld [smem:$0x3FAB]  }
0x2a: {  	p0 =	seq.s32 s5, $0x0;
	s5 =	sld [smem:$0x3FAC]  }
0x2b: {  	s6 =	sld [smem:$0x3FAD]  }
0x2c: {  	s7 =	sld [smem:$0x3FAE]  }
0x2d: {  	s3 =	simm.s32 $0x108;
	s8 =	sld [smem:$0x3FAF]  }
0x2e: {  	s3 =	simm.s32 @!p0 $0x1082;
	s9 =	sld [smem:$0x3FB0]  }
0x2f: {  	lr =	sadd.s32 s0, s3;
	s0 =	sld [smem:$0x3FA7]  }
0x30: {  	s3 =	sld [smem:$0x3FAA]  }
0x31: {  	[smem:$0x3FB3] =	sst s10  }
0x32: {  	s10 =	sld [smem:$0x3FB1];
	_ =	sdelay $0x3  }
0x33: {  	p0 =	seq.s32 s10, $0x1;
	s10 =	sld [smem:$0x3FB3];
	_ =	sdelay $0x3  }
0x34: {  	[smem:$0x3FB3] =	sst s10  }
0x35: {  	s10 =	sld [smem:$0x3FB2];
	_ =	sdelay $0x3  }
0x36: {  	p1 =	seq.s32 s10, $0x1;
	s10 =	sld [smem:$0x3FB3];
	_ =	sdelay $0x3  }
0x37: {  	[smem:$0x3FB3] =	sst s10  }
0x38: {  	s10 =	sld [smem:$0x3FB4]  }
0x39: {  	_ = 	snop;
	(pc) =	sbr.ind lr, $3  }
0x3a: {  	_ = 	snop  }
0x3b: {  	_ = 	snop  }
0x3c: {  	p2 =	seq.s32 s10, $0x1;
	s10 =	sld [smem:$0x3FB3]  }
0x3d: {  	_ =	shalt  }
0x3e: {  	_ =	shalt  }
0x3f: {  	_ =	shalt  }
0x40: {  	_ =	shalt  }
0x41: {  	_ =	shalt  }
0x42: {  	_ =	shalt  }
0x43: {  	_ =	shalt  }
0x44: {  	_ =	shalt  }
0x45: {  	_ =	shalt  }
0x46: {  	_ =	shalt  }
0x47: {  	_ =	shalt  }
0x48: {  	_ =	shalt  }
0x49: {  	_ =	shalt  }
0x4a: {  	_ =	shalt  }
0x4b: {  	_ =	shalt  }
0x4c: {  	_ =	shalt  }
0x4d: {  	_ =	shalt  }
0x4e: {  	_ =	shalt  }
0x4f: {  	_ =	shalt  }
0x50: {  	_ =	shalt  }
0x51: {  	_ =	shalt  }
0x52: {  	_ =	shalt  }
0x53: {  	_ =	shalt  }
0x54: {  	_ =	shalt  }
0x55: {  	_ =	shalt  }
0x56: {  	_ =	shalt  }
0x57: {  	_ =	shalt  }
0x58: {  	_ =	shalt  }
0x59: {  	_ =	shalt  }
0x5a: {  	_ =	shalt  }
0x5b: {  	_ =	shalt  }
0x5c: {  	_ =	shalt  }
0x5d: {  	_ =	shalt  }
0x5e: {  	_ =	shalt  }
0x5f: {  	_ =	shalt  }
0x60: {  	_ =	shalt  }
0x61: {  	_ =	shalt  }
0x62: {  	_ =	shalt  }
0x63: {  	_ =	shalt  }
0x64: {  	_ =	shalt  }
0x65: {  	_ =	shalt  }
0x66: {  	_ =	shalt  }
0x67: {  	_ =	shalt  }
0x68: {  	_ =	shalt  }
0x69: {  	_ =	shalt  }
0x6a: {  	_ =	shalt  }
0x6b: {  	_ =	shalt  }
0x6c: {  	_ =	shalt  }
0x6d: {  	_ =	shalt  }
0x6e: {  	_ =	shalt  }
0x6f: {  	_ =	shalt  }
0x70: {  	_ =	shalt  }
0x71: {  	_ =	shalt  }
0x72: {  	_ =	shalt  }
0x73: {  	_ =	shalt  }
0x74: {  	_ =	shalt  }
0x75: {  	_ =	shalt  }
0x76: {  	_ =	shalt  }
0x77: {  	_ =	shalt  }
0x78: {  	_ =	shalt  }
0x79: {  	_ =	shalt  }
0x7a: {  	_ =	shalt  }
0x7b: {  	_ =	shalt  }
0x7c: {  	_ =	shalt  }
0x7d: {  	_ =	shalt  }
0x7e: {  	_ =	shalt  }
0x7f: {  	_ =	shalt  }
0x80: {  	_ =	shalt  }
0x81: {  	_ =	shalt  }
0x82: {  	_ =	shalt  }
0x83: {  	_ =	shalt  }
0x84: {  	_ =	shalt  }
0x85: {  	_ =	shalt  }
0x86: {  	_ =	shalt  }
0x87: {  	_ =	shalt  }
.Lfunc_end0:
.L_simem_size_0:
called_computation.3_lowered:
.L_overlay_start_0:
0x88: {  	s2 =	sld [smem:$0x3FD9]  }
0x89: {  	s3 =	sld [smem:$0x3FFE];
	_ =	sdelay $0x1  }
0x8a: {  	s1 =	srdreg.scid  }
0x8b: {  	s0 =	sand.u32 $0x1, s1  }
0x8c: {  	s17 =	sshll.u32 s0, $0xA;
	s2 =	sadd.s32 s3, s2  }
0x8d: {  	s2 =	sadd.s32 s2, s17  }
0x8e: {  	[smem:$0x3FBF] =	sst s2  }
0x8f: {  	_ = 	snop  }
0x90: {  	s2 =	sld [smem:$0x3FD0];
	(tm) =	ssettm $0x1  }
0x91: {  	s18 =	sld [smem:$0x3FFB];
	_ =	sdelay $0x3  }
0x92: {  	_ =	strace s18  }
0x93: {  	s3 =	sld [smem:$0x3FFC];
	_ =	sdelay $0x3  }
0x94: {  	_ =	strace s3  }
0x95: {  	s3 =	sld [smem:$0x3FFD];
	_ =	sdelay $0x3  }
0x96: {  	_ =	strace s3  }
0x97: {  	_ =	strace $0x8FFFFFFF  }
0x98: {  	s19 =	sld [smem:$0x3FDB];
	_ =	sdelay $0x1  }
0x99: {  	s4 =	simm.s32 $_scs_section_size  }
0x9a: {  	s5 =	simm.s32 $_size__tile_overlayer_lowered;
	s6 =	simm.s32 $_tile_overlayer_lowered  }
0x9b: {  	s22 =	simm.s32 $0x1BFF;
	s21 =	sshll.u32 s6, $0x1;
	s3 =	sadd.s32 s4, s19  }
0x9c: {  	s7 =	simm.s32 $0x0;
	s20 =	sshll.u32 s5, $0x1;
	s5 =	sadd.s32 s21, s3  }
0x9d: {  	[timem:s7], [sflag:s22] =	dma.local [hbm:s5], s20  }
0x9e: {  	_ =	swait.ge [sflag:s22], s20  }
0x9f: {  	s4 =	ssub.s32 $0x0, s20;
	[sflag:s22] =	ssyncset.done $0x0  }
0xa0: {  	[sflag:s22] =	ssyncadd.s32 s4;
	_ =	sdelay $0x1  }
0xa1: {  	s23 =	simm.s32 $0x1B8B  }
0xa2: {  	_ =	swait.ge [sflag:s23], $0x1  }
0xa3: {  	[sflag:s23] =	ssyncset.done $0x0  }
0xa4: {  	s25 =	simm.s32 $0x1B8E;
	s24 =	sld [smem:$0x3FFE];
	[sflag:s23] =	ssyncadd.s32 $0xFFFFFFFF  }
0xa5: {  	s26 =	simm.s32 $execute0_lowered;
	[smem:$0x3FD2] =	sst s25  }
0xa6: {  	s5 =	sshll.u32 s26, $0x1;
	_ =	strace $0x8000004F;
	[dreg:$0x1] =	wrdreg $0xFFFFFFFF  }
0xa7: {  	s28 =	simm.s32 $_size_execute0_lowered;
	s3 =	sadd.s32 s3, s5;
	[dreg:$0x0] =	wrdreg $0x0  }
0xa8: {  	s5 =	sshll.u32 s28, $0x1;
	[dreg:$0x2] =	wrdreg s3  }
0xa9: {  	[dreg:$0x3] =	wrdreg s5  }
0xaa: {  	[dreg:$0x4] =	wrdreg $0xC0  }
0xab: {  	_ =	task [dreg:s7], $0x5FFFF  }
0xac: {  	[dreg:$0x1] =	wrdreg $0xFFFFFFFF  }
0xad: {  	[dreg:$0x0] =	wrdreg $0x60  }
0xae: {  	[dreg:$0x2] =	wrdreg s24  }
0xaf: {  	[dreg:$0x3] =	wrdreg s2  }
0xb0: {  	[dreg:$0x4] =	wrdreg $0x0  }
0xb1: {  	[dreg:$0x5] =	wrdreg $0x9  }
0xb2: {  	_ =	task.clear_ibuf [dreg:s7], $0x6FFFF;
	_ =	strace $0x9000004F  }
0xb3: {  	s29 =	simm.s32 $0x9;
	_ =	strace $0x80000051  }
0xb4: {  	_ =	swait.ge [sflag:s29], $0x1  }
0xb5: {  	[sflag:s29] =	ssyncadd.s32 $0xFFFFFFFF  }
0xb6: {  	_ =	strace $0x90000051  }
0xb7: {  	_ =	sfence  }
0xb8: {  	s30 =	sld [smem:$0x0];
	_ =	sdelay $0x2  }
0xb9: {  	s31 =	sshll.u32 s1, $0xD;
	s1 =	sshrl.u32 s1, $0x2  }
0xba: {  	s3 =	sand.u32 $0x4000, s31;
	s1 =	sadd.s32 s1, s30  }
0xbb: {  	s0 =	sor.u32 s3, s0;
	s1 =	sshll.u32 s1, $0x11  }
0xbc: {  	s0 =	sor.u32 s1, s0  }
0xbd: {  	s0 =	sadd.s32 $0x8F2B, s0  }
0xbe: {  	[sflag:s0] =	ssyncadd.remote.s32 $0x1  }
0xbf: {  	_ =	sfence.sel $0xFFFF  }
0xc0: {  	[dreg:$0x0] =	wrdreg $0xFFFFFFFF;
	(pc) =	sbr.abs _section_cstart, $3  }
0xc1: {  	[dreg:$0x1] =	wrdreg $0xFFFFFFFF  }
0xc2: {  	_ =	task.clear_ibuf [dreg:s7], $0x2FFFF;
	_ =	strace $0x9FFFFFFF  }
0xc3: {  	(tm) =	ssettm $0x7FFFFFFF  }
tec
execute0_lowered:
.L_overlay_start_1:
0x0: {  	(tag) =	ssettag $0x1  }
0x1: {  	s0 =	srdreg.scid  }
0x2: {  	s15 =	stileid.u32;
	s1 =	rddreg [dreg:$0x0]  }
0x3: {  	s8 =	rddreg [dreg:$0x1];
	s4 =	simm.s32 $0x0;
	s28 =	simm.s32 $0x28  }
0x4: {  	s31 =	simm.s32 $0x1C480;
	s0 =	sand.u32 $0x1, s0;
	s2 =	sshll.u32 s15, $0x1  }
0x5: {  	s9 =	smul.u32 $0x13880, s15;
	[smem:$0x7FF] =	sst s4;
	s5 =	sadd.s32 $0x1B6800, s1  }
0x6: {  	s11 =	sadd.s32 $0x2FC00, s1;
	s26 =	sshll.u32 s15, $0x6;
	s15 =	simm.s32 $0x1AF90  }
0x7: {  	s3 =	sor.u32 s0, s2;
	s2 =	rddreg [dreg:$0x2];
	s6 =	smul.u32 $0x138800, s0  }
0x8: {  	_ =	strace $0x80000050;
	s14 =	ssub.s32 $0x2, s0;
	p0 =	seq.s32 s0, $0x1  }
0x9: {  	[dreg:$0xf] =	wrdreg s26;
	s3 =	smul.u32 $0x2710, s3;
	s30 =	sshrl.u32 s14, $0x1  }
0xa: {  	s16 =	sadd.s32 s9, s2;
	s17 =	sshrl.u32 s9, $0x3;
	s8 =	smov.u32 @p0 s11  }
0xb: {  	s11 =	simm.s32 $0x1C4D0;
	s7 =	sadd.s32 s9, s6;
	s6 =	sadd.s32 $0x3400, s1  }
0xc: {  	[dreg:$0x5] =	wrdreg s16;
	s0 =	sadd.s32 s8, s17;
	s8 =	simm.s32 $0x1C4A8  }
0xd: {  	s16 =	simm.s32 $0x3;
	s17 =	simm.s32 $0x7;
	s10 =	sshrl.u32 s3, $0x3  }
0xe: {  	s13 =	sshrl.u32 s7, $0x3;
	s7 =	sadd.s32 $0x25E00, s1;
	s18 =	sadd.s32 $0x28, s3  }
0xf: {  	s22 =	sadd.s32 $0x78, s3;
	[dreg:$0x11] =	wrdreg s0;
	s12 =	sadd.s32 s10, s1  }
0x10: {  	s1 =	sadd.s32 s13, s1;
	s13 =	ssub.s32 s14, s30;
	s19 =	sadd.s32 s6, s10  }
0x11: {  	s20 =	sadd.s32 s7, s10;
	s9 =	sshrl.u32 s18, $0x3;
	[dreg:$0x6] =	wrdreg s19  }
0x12: {  	s10 =	sadd.s32 $0xA, s10;
	s30 =	sor.u32 $0x1C01, s26;
	[dreg:$0x7] =	wrdreg s20  }
0x13: {  	s24 =	sshrl.u32 s22, $0x3;
	s12 =	sadd.s32 $0x17000, s12;
	[dreg:$0x12] =	wrdreg s30  }
0x14: {  	s26 =	simm.s32 $0x1C458;
	s21 =	sadd.s32 s6, s9;
	[dreg:$0x4] =	wrdreg s12  }
0x15: {  	s14 =	simm.s32 $0x1C430;
	s9 =	sadd.s32 s7, s9;
	[dreg:$0x8] =	wrdreg s21  }
0x16: {  	s18 =	simm.s32 $0x4;
	s23 =	sadd.s32 s6, s10;
	[dreg:$0x9] =	wrdreg s9  }
0x17: {  	s22 =	simm.s32 $0x9;
	s10 =	sadd.s32 s7, s10;
	[dreg:$0xa] =	wrdreg s23  }
0x18: {  	s25 =	sadd.s32 s6, s24;
	s1 =	sadd.s32 $0x56E00, s1;
	[dreg:$0xb] =	wrdreg s10  }
.Ltmp0:
0x19: {  	s29 =	smax.u32 s13, $0x1;
	[dreg:$0xc] =	wrdreg s25;
	(pc) =	sbr.rel .LBB2_1-.Ltmp0, $4  }
0x1a: {  	s13 =	simm.s32 $0x2;
	s20 =	simm.s32 $0x8;
	[dreg:$0xe] =	wrdreg s1  }
0x1b: {  	s19 =	simm.s32 $0x6;
	s9 =	sadd.s32 s7, s24;
	[dreg:$0x10] =	wrdreg s29  }
0x1c: {  	s12 =	simm.s32 $0x1C408;
	s23 =	simm.s32 $0x1C4F8;
	s21 =	simm.s32 $0x5  }
0x1d: {  	s24 =	simm.s32 $0xA;
	[dreg:$0xd] =	wrdreg s9;
	s9 =	simm.s32 $0x0  }
.LBB2_14:
0x1e: {  	s0 =	simm.s32 $0xB  }
0x1f: {  	_ =	swait.ge [sflag:s0], $0x1400  }
0x20: {  	[sflag:s0] =	ssyncset.done $0x0  }
0x21: {  	[sflag:s0] =	ssyncadd.s32 $0xFFFFEC00  }
0x22: {  	[bflag:$0x0] =	sbarrier.arrive $0xFFFF  }
0x23: {  	s10 =	rddreg [dreg:$0xf]  }
0x24: {  	s1 =	rddreg [dreg:$0xe]  }
0x25: {  	s25 =	simm.s32 $0xC;
	s9 =	rddreg [dreg:$0x14];
	s0 =	sor.u32 $0x1C0C, s10  }
0x26: {  	[hbm:s1], [sflag:s0] =	dma.local [spmem:s9], $0x2710  }
0x27: {  	_ =	swait.ge [sflag:s25], $0x2710  }
0x28: {  	s29 =	rddreg [dreg:$0x13]  }
0x29: {  	s30 =	rddreg [dreg:$0x10];
	s9 =	sadd.s32 $0x1, s29  }
0x2a: {  	p0 =	sne.s32 s9, s30  }
.Ltmp1:
0x2b: {  	_ = 	snop;
	(pc) =	sbr.rel @!p0 .LBB2_15-.Ltmp1, $3  }
0x2c: {  	_ =	sdelay $0x1  }
0x2d: {  	[sflag:s25] =	ssyncset.done $0x0  }
0x2e: {  	[sflag:s25] =	ssyncadd.s32 $0xFFFFD8F0  }
.LBB2_1:
0x2f: {  	[dreg:$0x13] =	wrdreg s9  }
0x30: {  	s0 =	rddreg [dreg:$0x4]  }
0x31: {  	s29 =	rddreg [dreg:$0x5]  }
0x32: {  	s9 =	simm.s32 $0x13880;
	s30 =	rddreg [dreg:$0x11]  }
0x33: {  	[tilespmem:s9], [sflag:$0x1] =	stream.linear.gather [hbm4b:s0+s4], $0x2710, $0x38;
	[tilespmem:$0x1C520] =	vst v63  }
0x34: {  	s1 =	rddreg [dreg:$0x12];
	s10 =	sshrl.u32 s29, $0x3  }
0x35: {  	s25 =	simm.s32 $0x1;
	[dreg:$0x14] =	wrdreg s10  }
0x36: {  	[spmem:s10], [sflag:s1] =	dma.local [hbm:s30], $0x2710  }
0x37: {  	_ =	swait.ge [sflag:s25], $0x2710  }
0x38: {  	[sflag:s25] =	ssyncset.done $0x0  }
0x39: {  	[sflag:s25] =	ssyncadd.s32 $0xFFFFD8F0  }
0x3a: {  	_ =	swait.ge [sflag:s25], $0x2710  }
0x3b: {  	[sflag:s25] =	ssyncset.done $0x0  }
0x3c: {  	[sflag:s25] =	ssyncadd.s32 $0xFFFFD8F0  }
0x3d: {  	[bflag:$0x0] =	sbarrier.arrive $0xFFFF  }
0x3e: {  	s30 =	simm.s32 $0x1C390;
	s29 =	rddreg [dreg:$0x6]  }
0x3f: {  	[tilespmem:s30], [sflag:$0x2] =	stream.linear.gather [hbm4b:s29+s4], $0x28, $0x38;
	[tilespmem:$0x1C520] =	vst v63  }
0x40: {  	s10 =	rddreg [dreg:$0x7]  }
0x41: {  	[tilespmem:s26], [sflag:$0x2] =	stream.linear.gather [hbm4b:s10+s4], $0x28, $0x38;
	[tilespmem:$0x1C520] =	vst v63  }
0x42: {  	s25 =	simm.s32 $0x15F90  }
0x43: {  	[tilespmem:s25], [sflag:$0x2] =	stream.indirect.gather [hbm4b:s5+s28], $0x80, s9, s28, $0xb8;
	[tilespmem:$0x1C520] =	vst v63  }
0x44: {  	s29 =	rddreg [dreg:$0x8];
	s30 =	simm.s32 $0x1C3B8  }
0x45: {  	[tilespmem:s30], [sflag:$0x3] =	stream.linear.gather [hbm4b:s29+s4], $0x28, $0x38;
	[tilespmem:$0x1C520] =	vst v63  }
0x46: {  	s1 =	rddreg [dreg:$0x9]  }
0x47: {  	[tilespmem:s31], [sflag:$0x3] =	stream.linear.gather [hbm4b:s1+s4], $0x28, $0x38;
	[tilespmem:$0x1C520] =	vst v63  }
0x48: {  	s10 =	simm.s32 $0x17390;
	s9 =	simm.s32 $0x138A8  }
0x49: {  	[tilespmem:s10], [sflag:$0x3] =	stream.indirect.gather [hbm4b:s5+s28], $0x80, s9, s28, $0xb8;
	[tilespmem:$0x1C520] =	vst v63  }
0x4a: {  	s25 =	rddreg [dreg:$0xa];
	s29 =	simm.s32 $0x1C3E0  }
0x4b: {  	[tilespmem:s29], [sflag:$0x4] =	stream.linear.gather [hbm4b:s25+s4], $0x28, $0x38;
	[tilespmem:$0x1C520] =	vst v63  }
0x4c: {  	s30 =	rddreg [dreg:$0xb]  }
0x4d: {  	[tilespmem:s8], [sflag:$0x4] =	stream.linear.gather [hbm4b:s30+s4], $0x28, $0x38;
	[tilespmem:$0x1C520] =	vst v63  }
0x4e: {  	s1 =	simm.s32 $0x138D0;
	s9 =	simm.s32 $0x18790  }
0x4f: {  	[tilespmem:s9], [sflag:$0x4] =	stream.indirect.gather [hbm4b:s5+s28], $0x80, s1, s28, $0xb8;
	[tilespmem:$0x1C520] =	vst v63  }
0x50: {  	s10 =	rddreg [dreg:$0xc]  }
0x51: {  	[tilespmem:s12], [sflag:$0x5] =	stream.linear.gather [hbm4b:s10+s4], $0x28, $0x38;
	[tilespmem:$0x1C520] =	vst v63  }
0x52: {  	s25 =	rddreg [dreg:$0xd]  }
0x53: {  	[tilespmem:s11], [sflag:$0x5] =	stream.linear.gather [hbm4b:s25+s4], $0x28, $0x38;
	[tilespmem:$0x1C520] =	vst v63  }
0x54: {  	s29 =	simm.s32 $0x138F8;
	s30 =	simm.s32 $0x19B90;
	s25 =	simm.s32 $0x0  }
0x55: {  	[tilespmem:s30], [sflag:$0x5] =	stream.indirect.gather [hbm4b:s5+s28], $0x80, s29, s28, $0xb8;
	[tilespmem:$0x1C520] =	vst v63  }
.LBB2_2:
0x56: {  	_ =	swait.ge [sflag:s13], $0x28  }
0x57: {  	[sflag:s13] =	ssyncset.done $0x0  }
0x58: {  	[sflag:s13] =	ssyncadd.s32 $0xFFFFFFD8  }
0x59: {  	_ =	swait.ge [sflag:s13], $0x28  }
0x5a: {  	[sflag:s13] =	ssyncset.done $0x0  }
0x5b: {  	[sflag:s13] =	ssyncadd.s32 $0xFFFFFFD8  }
0x5c: {  	s0 =	simm.s32 $0x0;
	_ =	swait.ge [sflag:s13], $0x1400  }
0x5d: {  	v0 =	vmov s0;
	[sflag:s13] =	ssyncset.done $0x0  }
0x5e: {  	s0 =	simm.s32 $0x15FD0;
	[sflag:s13] =	ssyncadd.s32 $0xFFFFEC00  }
0x5f: {  	v4 =	vld [tilespmem:s0+$0x30]  }
0x60: {  	v7 =	vld [tilespmem:s0+$0x10]  }
0x61: {  	v5 =	vld [tilespmem:s0+$0xFFFFFFC0]  }
0x62: {  	v1 =	vld.idx.msk [tilespmem:v0+s26+$0x0], $0xffff  }
0x63: {  	v9 =	vld [tilespmem:s0+$0xFFFFFFE0]  }
0x64: {  	v0 =	vld [tilespmem:s0+$0xFFFFFFF0]  }
0x65: {  	v2 =	vld [tilespmem:s0+$0x20]  }
0x66: {  	v3 =	vld [tilespmem:s0+$0xFFFFFFD0]  }
0x67: {  	v8 =	vmul.f32 v4, v1;
	v4 =	vld [tilespmem:s0+$0x0]  }
0x68: {  	v6 =	vmul.f32 v5, v1  }
0x69: {  	s1 =	simm.s32 $0x1;
	s9 =	simm.s32 $0x15FD0;
	v5 =	vmul.f32 v9, v1;
	v7 =	vmul.f32 v7, v1  }
.LBB2_3:
0x6a: {  	p0 =	sne.s32 s1, $0x27  }
0x6b: {  	v3 =	vmul.f32 v3, v1;
	v2 =	vmul.f32 v2, v1;
	[tilespmem:s0+$0x30] =	vst v8;
	s9 =	sadd.s32 $0x80, s9;
	s10 =	smov.u32 s1;
	s1 =	sadd.s32 $0x1, s1  }
0x6c: {  	[tilespmem:s0+$0xFFFFFFC0] =	vst v6;
	v6 =	vmul.f32 v0, v1;
	v1 =	vmul.f32 v4, v1  }
0x6d: {  	[tilespmem:s0+$0x10] =	vst v7  }
0x6e: {  	v4 =	vmov s10;
	[tilespmem:s0+$0xFFFFFFE0] =	vst v5  }
0x6f: {  	v0 =	vld [tilespmem:s9+$0xFFFFFFF0];
	[tilespmem:s0+$0xFFFFFFF0] =	vst v6  }
0x70: {  	v5 =	vld [tilespmem:s9+$0x30];
	[tilespmem:s0+$0x0] =	vst v1  }
0x71: {  	v7 =	vld [tilespmem:s9+$0x10];
	[tilespmem:s0+$0x20] =	vst v2  }
0x72: {  	v6 =	vld [tilespmem:s9+$0xFFFFFFC0];
	[tilespmem:s0+$0xFFFFFFD0] =	vst v3;
	s0 =	smov.u32 s9  }
0x73: {  	v1 =	vld.idx.msk [tilespmem:v4+s26+$0x0], $0xffff  }
0x74: {  	v9 =	vld [tilespmem:s9+$0xFFFFFFE0]  }
0x75: {  	v2 =	vld [tilespmem:s9+$0x20]  }
.Ltmp2:
0x76: {  	v3 =	vld [tilespmem:s9+$0xFFFFFFD0];
	(pc) =	sbr.rel @p0 .LBB2_3-.Ltmp2, $3  }
0x77: {  	v4 =	vld [tilespmem:s9+$0x0];
	_ =	sdelay $0x1  }
0x78: {  	v6 =	vmul.f32 v6, v1;
	v8 =	vmul.f32 v5, v1  }
0x79: {  	v7 =	vmul.f32 v7, v1;
	v5 =	vmul.f32 v9, v1  }
0x7a: {  	[tilespmem:s0+$0x30] =	vst v8  }
0x7b: {  	[tilespmem:s0+$0xFFFFFFC0] =	vst v6  }
0x7c: {  	v0 =	vmul.f32 v0, v1;
	[tilespmem:s0+$0x10] =	vst v7  }
0x7d: {  	v2 =	vmul.f32 v2, v1;
	[tilespmem:s0+$0xFFFFFFE0] =	vst v5  }
0x7e: {  	v4 =	vmul.f32 v4, v1;
	[tilespmem:s0+$0xFFFFFFF0] =	vst v0  }
0x7f: {  	s29 =	smul.u32 $0xC8, s25;
	v0 =	vmul.f32 v3, v1;
	[tilespmem:s0+$0x20] =	vst v2  }
0x80: {  	s9 =	simm.s32 $0x1C390;
	p0 =	seq.s32 s25, $0x0;
	[tilespmem:s0+$0x0] =	vst v4  }
0x81: {  	s1 =	simm.s32 $0x15F90;
	s10 =	sadd.s32 s3, s29;
	[tilespmem:s0+$0xFFFFFFD0] =	vst v0;
	s0 =	simm.s32 @!p0 $0xB  }
0x82: {  	[spmem:s2] =	stream.indirect.scatter.add.f32 [tilespmem:s1], [sflag:$0x7], $0x80, s9, s28, $0xb8;
	[tilespmem:$0x1C520] =	vst v63  }
0x83: {  	s30 =	sshrl.u32 s10, $0x3;
	_ =	swait.ge @!p0 [sflag:s0], $0x1400  }
0x84: {  	s1 =	sadd.s32 $0x14, s30;
	[sflag:s0] =	ssyncset.done @!p0 $0x0  }
0x85: {  	s9 =	simm.s32 $0x0;
	s12 =	sadd.s32 s6, s1;
	[sflag:s0] =	ssyncadd.s32 @!p0 $0xFFFFEC00  }
0x86: {  	[tilespmem:s14], [sflag:$0x6] =	stream.linear.gather [hbm4b:s12+s9], $0x28, $0x38;
	[tilespmem:$0x1C520] =	vst v63  }
0x87: {  	s10 =	sadd.s32 s7, s1  }
0x88: {  	[tilespmem:s23], [sflag:$0x6] =	stream.linear.gather [hbm4b:s10+s9], $0x28, $0x38;
	[tilespmem:$0x1C520] =	vst v63  }
0x89: {  	s12 =	sadd.s32 $0x13920, s29  }
0x8a: {  	[tilespmem:s15], [sflag:$0x6] =	stream.indirect.gather [hbm4b:s5+s28], $0x80, s12, s28, $0xb8;
	[tilespmem:$0x1C520] =	vst v63  }
0x8b: {  	_ =	swait.ge [sflag:s16], $0x28  }
0x8c: {  	[sflag:s16] =	ssyncset.done $0x0  }
0x8d: {  	[sflag:s16] =	ssyncadd.s32 $0xFFFFFFD8  }
0x8e: {  	_ =	swait.ge [sflag:s16], $0x28  }
0x8f: {  	[sflag:s16] =	ssyncset.done $0x0  }
0x90: {  	[sflag:s16] =	ssyncadd.s32 $0xFFFFFFD8  }
0x91: {  	_ =	swait.ge [sflag:s16], $0x1400  }
0x92: {  	v0 =	vmov s9;
	[sflag:s16] =	ssyncset.done $0x0  }
0x93: {  	s0 =	simm.s32 $0x173D0;
	[sflag:s16] =	ssyncadd.s32 $0xFFFFEC00  }
0x94: {  	v4 =	vld [tilespmem:s0+$0x30]  }
0x95: {  	v7 =	vld [tilespmem:s0+$0x10]  }
0x96: {  	v5 =	vld [tilespmem:s0+$0xFFFFFFC0]  }
0x97: {  	v1 =	vld.idx.msk [tilespmem:v0+s31+$0x0], $0xffff  }
0x98: {  	v9 =	vld [tilespmem:s0+$0xFFFFFFE0]  }
0x99: {  	v0 =	vld [tilespmem:s0+$0xFFFFFFF0]  }
0x9a: {  	v2 =	vld [tilespmem:s0+$0x20]  }
0x9b: {  	v3 =	vld [tilespmem:s0+$0xFFFFFFD0]  }
0x9c: {  	v8 =	vmul.f32 v4, v1;
	v4 =	vld [tilespmem:s0+$0x0]  }
0x9d: {  	v6 =	vmul.f32 v5, v1  }
0x9e: {  	s1 =	simm.s32 $0x1;
	s9 =	simm.s32 $0x173D0;
	v5 =	vmul.f32 v9, v1;
	v7 =	vmul.f32 v7, v1  }
.LBB2_5:
0x9f: {  	p0 =	sne.s32 s1, $0x27  }
0xa0: {  	v3 =	vmul.f32 v3, v1;
	v2 =	vmul.f32 v2, v1;
	[tilespmem:s0+$0x30] =	vst v8;
	s9 =	sadd.s32 $0x80, s9;
	s10 =	smov.u32 s1;
	s1 =	sadd.s32 $0x1, s1  }
0xa1: {  	[tilespmem:s0+$0xFFFFFFC0] =	vst v6;
	v6 =	vmul.f32 v0, v1;
	v1 =	vmul.f32 v4, v1  }
0xa2: {  	[tilespmem:s0+$0x10] =	vst v7  }
0xa3: {  	v4 =	vmov s10;
	[tilespmem:s0+$0xFFFFFFE0] =	vst v5  }
0xa4: {  	v0 =	vld [tilespmem:s9+$0xFFFFFFF0];
	[tilespmem:s0+$0xFFFFFFF0] =	vst v6  }
0xa5: {  	v5 =	vld [tilespmem:s9+$0x30];
	[tilespmem:s0+$0x0] =	vst v1  }
0xa6: {  	v7 =	vld [tilespmem:s9+$0x10];
	[tilespmem:s0+$0x20] =	vst v2  }
0xa7: {  	v6 =	vld [tilespmem:s9+$0xFFFFFFC0];
	[tilespmem:s0+$0xFFFFFFD0] =	vst v3;
	s0 =	smov.u32 s9  }
0xa8: {  	v1 =	vld.idx.msk [tilespmem:v4+s31+$0x0], $0xffff  }
0xa9: {  	v9 =	vld [tilespmem:s9+$0xFFFFFFE0]  }
0xaa: {  	v2 =	vld [tilespmem:s9+$0x20]  }
.Ltmp3:
0xab: {  	v3 =	vld [tilespmem:s9+$0xFFFFFFD0];
	(pc) =	sbr.rel @p0 .LBB2_5-.Ltmp3, $3  }
0xac: {  	v4 =	vld [tilespmem:s9+$0x0];
	_ =	sdelay $0x1  }
0xad: {  	v6 =	vmul.f32 v6, v1;
	v8 =	vmul.f32 v5, v1  }
0xae: {  	v7 =	vmul.f32 v7, v1;
	v5 =	vmul.f32 v9, v1  }
0xaf: {  	[tilespmem:s0+$0x30] =	vst v8  }
0xb0: {  	[tilespmem:s0+$0xFFFFFFC0] =	vst v6  }
0xb1: {  	v0 =	vmul.f32 v0, v1;
	[tilespmem:s0+$0x10] =	vst v7  }
0xb2: {  	v2 =	vmul.f32 v2, v1;
	[tilespmem:s0+$0xFFFFFFE0] =	vst v5  }
0xb3: {  	v4 =	vmul.f32 v4, v1;
	[tilespmem:s0+$0xFFFFFFF0] =	vst v0  }
0xb4: {  	v0 =	vmul.f32 v3, v1;
	[tilespmem:s0+$0x20] =	vst v2  }
0xb5: {  	p0 =	seq.s32 s25, $0x31;
	[tilespmem:s0+$0x0] =	vst v4  }
0xb6: {  	s10 =	simm.s32 $0x1C3B8;
	s1 =	simm.s32 $0x17390;
	[tilespmem:s0+$0xFFFFFFD0] =	vst v0;
	s0 =	sadd.s32 @!p0 s3, s29  }
0xb7: {  	[spmem:s2] =	stream.indirect.scatter.add.f32 [tilespmem:s1], [sflag:$0x8], $0x80, s10, s28, $0xb8;
	[tilespmem:$0x1C520] =	vst v63  }
0xb8: {  	s1 =	sadd.s32 @!p0 $0xC8, s0;
	_ =	swait.ge [sflag:s17], $0x1400  }
0xb9: {  	s12 =	simm.s32 @!p0 $0x1C390;
	s1 =	sshrl.u32 @!p0 s1, $0x3;
	[sflag:s17] =	ssyncset.done $0x0  }
0xba: {  	s10 =	simm.s32 @!p0 $0x0;
	s9 =	sadd.s32 @!p0 s6, s1;
	[sflag:s17] =	ssyncadd.s32 $0xFFFFEC00  }
0xbb: {  	[tilespmem:s12], [sflag:$0x2] =	stream.linear.gather @!p0 [hbm4b:s9+s10], $0x28, $0x38;
	[tilespmem:$0x1C520] =	vst v63  }
0xbc: {  	s1 =	sadd.s32 @!p0 s7, s1;
	s9 =	simm.s32 @!p0 $0x1C458  }
0xbd: {  	[tilespmem:s9], [sflag:$0x2] =	stream.linear.gather @!p0 [hbm4b:s1+s10], $0x28, $0x38;
	[tilespmem:$0x1C520] =	vst v63  }
0xbe: {  	s1 =	sadd.s32 @!p0 $0x13948, s29;
	s9 =	simm.s32 @!p0 $0x28;
	s10 =	simm.s32 @!p0 $0x15F90  }
0xbf: {  	[tilespmem:s10], [sflag:$0x2] =	stream.indirect.gather @!p0 [hbm4b:s5+s9], $0x80, s1, s9, $0xb8;
	[tilespmem:$0x1C520] =	vst v63  }
0xc0: {  	_ =	swait.ge [sflag:s18], $0x28  }
0xc1: {  	[sflag:s18] =	ssyncset.done $0x0  }
0xc2: {  	[sflag:s18] =	ssyncadd.s32 $0xFFFFFFD8  }
0xc3: {  	_ =	swait.ge [sflag:s18], $0x28  }
0xc4: {  	[sflag:s18] =	ssyncset.done $0x0  }
0xc5: {  	[sflag:s18] =	ssyncadd.s32 $0xFFFFFFD8  }
0xc6: {  	s12 =	simm.s32 $0x0;
	_ =	swait.ge [sflag:s18], $0x1400  }
0xc7: {  	v0 =	vmov s12;
	[sflag:s18] =	ssyncset.done $0x0  }
0xc8: {  	s1 =	simm.s32 $0x187D0;
	[sflag:s18] =	ssyncadd.s32 $0xFFFFEC00  }
0xc9: {  	v4 =	vld [tilespmem:s1+$0x30]  }
0xca: {  	v7 =	vld [tilespmem:s1+$0x10]  }
0xcb: {  	v5 =	vld [tilespmem:s1+$0xFFFFFFC0]  }
0xcc: {  	v1 =	vld.idx.msk [tilespmem:v0+s8+$0x0], $0xffff  }
0xcd: {  	v9 =	vld [tilespmem:s1+$0xFFFFFFE0]  }
0xce: {  	v0 =	vld [tilespmem:s1+$0xFFFFFFF0]  }
0xcf: {  	v2 =	vld [tilespmem:s1+$0x20]  }
0xd0: {  	v3 =	vld [tilespmem:s1+$0xFFFFFFD0]  }
0xd1: {  	v8 =	vmul.f32 v4, v1;
	v4 =	vld [tilespmem:s1+$0x0]  }
0xd2: {  	v6 =	vmul.f32 v5, v1  }
0xd3: {  	s9 =	simm.s32 $0x1;
	s10 =	simm.s32 $0x187D0;
	v5 =	vmul.f32 v9, v1;
	v7 =	vmul.f32 v7, v1  }
.LBB2_7:
0xd4: {  	p1 =	sne.s32 s9, $0x27  }
0xd5: {  	v3 =	vmul.f32 v3, v1;
	v2 =	vmul.f32 v2, v1;
	[tilespmem:s1+$0x30] =	vst v8;
	s10 =	sadd.s32 $0x80, s10;
	s12 =	smov.u32 s9;
	s9 =	sadd.s32 $0x1, s9  }
0xd6: {  	[tilespmem:s1+$0xFFFFFFC0] =	vst v6;
	v6 =	vmul.f32 v0, v1;
	v1 =	vmul.f32 v4, v1  }
0xd7: {  	[tilespmem:s1+$0x10] =	vst v7  }
0xd8: {  	v4 =	vmov s12;
	[tilespmem:s1+$0xFFFFFFE0] =	vst v5  }
0xd9: {  	v0 =	vld [tilespmem:s10+$0xFFFFFFF0];
	[tilespmem:s1+$0xFFFFFFF0] =	vst v6  }
0xda: {  	v5 =	vld [tilespmem:s10+$0x30];
	[tilespmem:s1+$0x0] =	vst v1  }
0xdb: {  	v7 =	vld [tilespmem:s10+$0x10];
	[tilespmem:s1+$0x20] =	vst v2  }
0xdc: {  	v6 =	vld [tilespmem:s10+$0xFFFFFFC0];
	[tilespmem:s1+$0xFFFFFFD0] =	vst v3;
	s1 =	smov.u32 s10  }
0xdd: {  	v1 =	vld.idx.msk [tilespmem:v4+s8+$0x0], $0xffff  }
0xde: {  	v9 =	vld [tilespmem:s10+$0xFFFFFFE0]  }
0xdf: {  	v2 =	vld [tilespmem:s10+$0x20]  }
.Ltmp4:
0xe0: {  	v3 =	vld [tilespmem:s10+$0xFFFFFFD0];
	(pc) =	sbr.rel @p1 .LBB2_7-.Ltmp4, $3  }
0xe1: {  	v4 =	vld [tilespmem:s10+$0x0];
	_ =	sdelay $0x1  }
0xe2: {  	v6 =	vmul.f32 v6, v1;
	v8 =	vmul.f32 v5, v1  }
0xe3: {  	v7 =	vmul.f32 v7, v1;
	v5 =	vmul.f32 v9, v1  }
0xe4: {  	[tilespmem:s1+$0x30] =	vst v8  }
0xe5: {  	[tilespmem:s1+$0xFFFFFFC0] =	vst v6  }
0xe6: {  	v0 =	vmul.f32 v0, v1;
	[tilespmem:s1+$0x10] =	vst v7  }
0xe7: {  	v2 =	vmul.f32 v2, v1;
	[tilespmem:s1+$0xFFFFFFE0] =	vst v5  }
0xe8: {  	v4 =	vmul.f32 v4, v1;
	[tilespmem:s1+$0xFFFFFFF0] =	vst v0  }
0xe9: {  	v0 =	vmul.f32 v3, v1;
	[tilespmem:s1+$0x20] =	vst v2  }
0xea: {  	[tilespmem:s1+$0x0] =	vst v4  }
0xeb: {  	s10 =	simm.s32 $0x1C3E0;
	s9 =	simm.s32 $0x18790;
	[tilespmem:s1+$0xFFFFFFD0] =	vst v0  }
0xec: {  	[spmem:s2] =	stream.indirect.scatter.add.f32 [tilespmem:s9], [sflag:$0x9], $0x80, s10, s28, $0xb8;
	[tilespmem:$0x1C520] =	vst v63  }
0xed: {  	s1 =	sshrl.u32 @!p0 s0, $0x3;
	_ =	swait.ge [sflag:s20], $0x1400  }
0xee: {  	s12 =	simm.s32 @!p0 $0x1C3B8;
	s1 =	sadd.s32 @!p0 $0x1E, s1;
	[sflag:s20] =	ssyncset.done $0x0  }
0xef: {  	s10 =	simm.s32 @!p0 $0x0;
	s9 =	sadd.s32 @!p0 s6, s1;
	[sflag:s20] =	ssyncadd.s32 $0xFFFFEC00  }
0xf0: {  	[tilespmem:s12], [sflag:$0x3] =	stream.linear.gather @!p0 [hbm4b:s9+s10], $0x28, $0x38;
	[tilespmem:$0x1C520] =	vst v63  }
0xf1: {  	s1 =	sadd.s32 @!p0 s7, s1;
	s9 =	simm.s32 @!p0 $0x1C480  }
0xf2: {  	[tilespmem:s9], [sflag:$0x3] =	stream.linear.gather @!p0 [hbm4b:s1+s10], $0x28, $0x38;
	[tilespmem:$0x1C520] =	vst v63  }
0xf3: {  	s1 =	sadd.s32 @!p0 $0x13970, s29;
	s9 =	simm.s32 @!p0 $0x28;
	s10 =	simm.s32 @!p0 $0x17390  }
0xf4: {  	[tilespmem:s10], [sflag:$0x3] =	stream.indirect.gather @!p0 [hbm4b:s5+s9], $0x80, s1, s9, $0xb8;
	[tilespmem:$0x1C520] =	vst v63  }
0xf5: {  	_ =	swait.ge [sflag:s21], $0x28  }
0xf6: {  	[sflag:s21] =	ssyncset.done $0x0  }
0xf7: {  	[sflag:s21] =	ssyncadd.s32 $0xFFFFFFD8  }
0xf8: {  	_ =	swait.ge [sflag:s21], $0x28  }
0xf9: {  	[sflag:s21] =	ssyncset.done $0x0  }
0xfa: {  	[sflag:s21] =	ssyncadd.s32 $0xFFFFFFD8  }
0xfb: {  	s12 =	simm.s32 $0x0;
	_ =	swait.ge [sflag:s21], $0x1400  }
0xfc: {  	v0 =	vmov s12;
	[sflag:s21] =	ssyncset.done $0x0  }
0xfd: {  	s1 =	simm.s32 $0x19BD0;
	[sflag:s21] =	ssyncadd.s32 $0xFFFFEC00  }
0xfe: {  	v4 =	vld [tilespmem:s1+$0x30]  }
0xff: {  	v7 =	vld [tilespmem:s1+$0x10]  }
0x100: {  	v5 =	vld [tilespmem:s1+$0xFFFFFFC0]  }
0x101: {  	v1 =	vld.idx.msk [tilespmem:v0+s11+$0x0], $0xffff  }
0x102: {  	v9 =	vld [tilespmem:s1+$0xFFFFFFE0]  }
0x103: {  	v0 =	vld [tilespmem:s1+$0xFFFFFFF0]  }
0x104: {  	v2 =	vld [tilespmem:s1+$0x20]  }
0x105: {  	v3 =	vld [tilespmem:s1+$0xFFFFFFD0]  }
0x106: {  	v8 =	vmul.f32 v4, v1;
	v4 =	vld [tilespmem:s1+$0x0]  }
0x107: {  	v6 =	vmul.f32 v5, v1  }
0x108: {  	s9 =	simm.s32 $0x1;
	s10 =	simm.s32 $0x19BD0;
	v5 =	vmul.f32 v9, v1;
	v7 =	vmul.f32 v7, v1  }
.LBB2_9:
0x109: {  	p1 =	sne.s32 s9, $0x27  }
0x10a: {  	v3 =	vmul.f32 v3, v1;
	v2 =	vmul.f32 v2, v1;
	[tilespmem:s1+$0x30] =	vst v8;
	s10 =	sadd.s32 $0x80, s10;
	s12 =	smov.u32 s9;
	s9 =	sadd.s32 $0x1, s9  }
0x10b: {  	[tilespmem:s1+$0xFFFFFFC0] =	vst v6;
	v6 =	vmul.f32 v0, v1;
	v1 =	vmul.f32 v4, v1  }
0x10c: {  	[tilespmem:s1+$0x10] =	vst v7  }
0x10d: {  	v4 =	vmov s12;
	[tilespmem:s1+$0xFFFFFFE0] =	vst v5  }
0x10e: {  	v0 =	vld [tilespmem:s10+$0xFFFFFFF0];
	[tilespmem:s1+$0xFFFFFFF0] =	vst v6  }
0x10f: {  	v5 =	vld [tilespmem:s10+$0x30];
	[tilespmem:s1+$0x0] =	vst v1  }
0x110: {  	v7 =	vld [tilespmem:s10+$0x10];
	[tilespmem:s1+$0x20] =	vst v2  }
0x111: {  	v6 =	vld [tilespmem:s10+$0xFFFFFFC0];
	[tilespmem:s1+$0xFFFFFFD0] =	vst v3;
	s1 =	smov.u32 s10  }
0x112: {  	v1 =	vld.idx.msk [tilespmem:v4+s11+$0x0], $0xffff  }
0x113: {  	v9 =	vld [tilespmem:s10+$0xFFFFFFE0]  }
0x114: {  	v2 =	vld [tilespmem:s10+$0x20]  }
.Ltmp5:
0x115: {  	v3 =	vld [tilespmem:s10+$0xFFFFFFD0];
	(pc) =	sbr.rel @p1 .LBB2_9-.Ltmp5, $3  }
0x116: {  	v4 =	vld [tilespmem:s10+$0x0];
	_ =	sdelay $0x1  }
0x117: {  	v6 =	vmul.f32 v6, v1;
	v8 =	vmul.f32 v5, v1  }
0x118: {  	v7 =	vmul.f32 v7, v1;
	v5 =	vmul.f32 v9, v1  }
0x119: {  	[tilespmem:s1+$0x30] =	vst v8  }
0x11a: {  	[tilespmem:s1+$0xFFFFFFC0] =	vst v6  }
0x11b: {  	v0 =	vmul.f32 v0, v1;
	[tilespmem:s1+$0x10] =	vst v7  }
0x11c: {  	v2 =	vmul.f32 v2, v1;
	[tilespmem:s1+$0xFFFFFFE0] =	vst v5  }
0x11d: {  	v4 =	vmul.f32 v4, v1;
	[tilespmem:s1+$0xFFFFFFF0] =	vst v0  }
0x11e: {  	v0 =	vmul.f32 v3, v1;
	[tilespmem:s1+$0x20] =	vst v2  }
0x11f: {  	[tilespmem:s1+$0x0] =	vst v4  }
0x120: {  	s12 =	simm.s32 $0x1C408;
	s9 =	simm.s32 $0x19B90;
	[tilespmem:s1+$0xFFFFFFD0] =	vst v0  }
0x121: {  	[spmem:s2] =	stream.indirect.scatter.add.f32 [tilespmem:s9], [sflag:$0xA], $0x80, s12, s28, $0xb8;
	[tilespmem:$0x1C520] =	vst v63  }
0x122: {  	s0 =	sadd.s32 @!p0 $0x118, s0;
	_ =	swait.ge [sflag:s22], $0x1400  }
0x123: {  	s10 =	simm.s32 @!p0 $0x1C3E0;
	s0 =	sshrl.u32 @!p0 s0, $0x3;
	[sflag:s22] =	ssyncset.done $0x0  }
0x124: {  	s1 =	sadd.s32 @!p0 s6, s0;
	s9 =	simm.s32 @!p0 $0x0;
	[sflag:s22] =	ssyncadd.s32 $0xFFFFEC00  }
0x125: {  	[tilespmem:s10], [sflag:$0x4] =	stream.linear.gather @!p0 [hbm4b:s1+s9], $0x28, $0x38;
	[tilespmem:$0x1C520] =	vst v63  }
0x126: {  	s0 =	sadd.s32 @!p0 s7, s0;
	s1 =	simm.s32 @!p0 $0x1C4A8  }
0x127: {  	[tilespmem:s1], [sflag:$0x4] =	stream.linear.gather @!p0 [hbm4b:s0+s9], $0x28, $0x38;
	[tilespmem:$0x1C520] =	vst v63  }
0x128: {  	s0 =	sadd.s32 @!p0 $0x13998, s29;
	s1 =	simm.s32 @!p0 $0x28;
	s9 =	simm.s32 @!p0 $0x18790  }
0x129: {  	[tilespmem:s9], [sflag:$0x4] =	stream.indirect.gather @!p0 [hbm4b:s5+s1], $0x80, s0, s1, $0xb8;
	[tilespmem:$0x1C520] =	vst v63  }
0x12a: {  	_ =	swait.ge [sflag:s19], $0x28  }
0x12b: {  	[sflag:s19] =	ssyncset.done $0x0  }
0x12c: {  	[sflag:s19] =	ssyncadd.s32 $0xFFFFFFD8  }
0x12d: {  	_ =	swait.ge [sflag:s19], $0x28  }
0x12e: {  	[sflag:s19] =	ssyncset.done $0x0  }
0x12f: {  	[sflag:s19] =	ssyncadd.s32 $0xFFFFFFD8  }
0x130: {  	s10 =	simm.s32 $0x0;
	_ =	swait.ge [sflag:s19], $0x1400  }
0x131: {  	v0 =	vmov s10;
	[sflag:s19] =	ssyncset.done $0x0  }
0x132: {  	s0 =	simm.s32 $0x1AFD0;
	[sflag:s19] =	ssyncadd.s32 $0xFFFFEC00  }
0x133: {  	v4 =	vld [tilespmem:s0+$0x30]  }
0x134: {  	v7 =	vld [tilespmem:s0+$0x10]  }
0x135: {  	v5 =	vld [tilespmem:s0+$0xFFFFFFC0]  }
0x136: {  	v1 =	vld.idx.msk [tilespmem:v0+s23+$0x0], $0xffff  }
0x137: {  	v9 =	vld [tilespmem:s0+$0xFFFFFFE0]  }
0x138: {  	v0 =	vld [tilespmem:s0+$0xFFFFFFF0]  }
0x139: {  	v2 =	vld [tilespmem:s0+$0x20]  }
0x13a: {  	v3 =	vld [tilespmem:s0+$0xFFFFFFD0]  }
0x13b: {  	v8 =	vmul.f32 v4, v1;
	v4 =	vld [tilespmem:s0+$0x0]  }
0x13c: {  	v6 =	vmul.f32 v5, v1  }
0x13d: {  	s1 =	simm.s32 $0x1;
	s9 =	simm.s32 $0x1AFD0;
	v5 =	vmul.f32 v9, v1;
	v7 =	vmul.f32 v7, v1  }
.LBB2_11:
0x13e: {  	p1 =	sne.s32 s1, $0x27  }
0x13f: {  	v3 =	vmul.f32 v3, v1;
	v2 =	vmul.f32 v2, v1;
	[tilespmem:s0+$0x30] =	vst v8;
	s9 =	sadd.s32 $0x80, s9;
	s10 =	smov.u32 s1;
	s1 =	sadd.s32 $0x1, s1  }
0x140: {  	[tilespmem:s0+$0xFFFFFFC0] =	vst v6;
	v6 =	vmul.f32 v0, v1;
	v1 =	vmul.f32 v4, v1  }
0x141: {  	[tilespmem:s0+$0x10] =	vst v7  }
0x142: {  	v4 =	vmov s10;
	[tilespmem:s0+$0xFFFFFFE0] =	vst v5  }
0x143: {  	v0 =	vld [tilespmem:s9+$0xFFFFFFF0];
	[tilespmem:s0+$0xFFFFFFF0] =	vst v6  }
0x144: {  	v5 =	vld [tilespmem:s9+$0x30];
	[tilespmem:s0+$0x0] =	vst v1  }
0x145: {  	v7 =	vld [tilespmem:s9+$0x10];
	[tilespmem:s0+$0x20] =	vst v2  }
0x146: {  	v6 =	vld [tilespmem:s9+$0xFFFFFFC0];
	[tilespmem:s0+$0xFFFFFFD0] =	vst v3;
	s0 =	smov.u32 s9  }
0x147: {  	v1 =	vld.idx.msk [tilespmem:v4+s23+$0x0], $0xffff  }
0x148: {  	v9 =	vld [tilespmem:s9+$0xFFFFFFE0]  }
0x149: {  	v2 =	vld [tilespmem:s9+$0x20]  }
.Ltmp6:
0x14a: {  	v3 =	vld [tilespmem:s9+$0xFFFFFFD0];
	(pc) =	sbr.rel @p1 .LBB2_11-.Ltmp6, $3  }
0x14b: {  	v4 =	vld [tilespmem:s9+$0x0];
	_ =	sdelay $0x1  }
0x14c: {  	v6 =	vmul.f32 v6, v1;
	v8 =	vmul.f32 v5, v1  }
0x14d: {  	v7 =	vmul.f32 v7, v1;
	v5 =	vmul.f32 v9, v1  }
0x14e: {  	[tilespmem:s0+$0x30] =	vst v8  }
0x14f: {  	[tilespmem:s0+$0xFFFFFFC0] =	vst v6  }
0x150: {  	v0 =	vmul.f32 v0, v1;
	[tilespmem:s0+$0x10] =	vst v7  }
0x151: {  	v2 =	vmul.f32 v2, v1;
	[tilespmem:s0+$0xFFFFFFE0] =	vst v5  }
0x152: {  	v63 =	vmul.f32 v3, v1;
	[tilespmem:s0+$0xFFFFFFF0] =	vst v0  }
0x153: {  	v4 =	vmul.f32 v4, v1;
	[tilespmem:s0+$0x20] =	vst v2  }
0x154: {  	[tilespmem:s0+$0xFFFFFFD0] =	vst v63  }
.Ltmp7:
0x155: {  	[tilespmem:s0+$0x0] =	vst v4;
	(pc) =	sbr.rel @p0 .LBB2_14-.Ltmp7, $4  }
0x156: {  	[spmem:s2] =	stream.indirect.scatter.add.f32 [tilespmem:s15], [sflag:$0xB], $0x80, s14, s28, $0xb8;
	[tilespmem:$0x1C520] =	vst v63  }
0x157: {  	_ =	swait.ge [sflag:s24], $0x1400  }
0x158: {  	[sflag:s24] =	ssyncset.done $0x0  }
0x159: {  	[sflag:s24] =	ssyncadd.s32 $0xFFFFEC00  }
0x15a: {  	s0 =	sadd.s32 $0x28, s30  }
0x15b: {  	s1 =	sadd.s32 s6, s0  }
0x15c: {  	[tilespmem:s12], [sflag:$0x5] =	stream.linear.gather [hbm4b:s1+s4], $0x28, $0x38;
	[tilespmem:$0x1C520] =	vst v63  }
.Ltmp8:
0x15d: {  	_ = 	snop;
	(pc) =	sbr.rel .LBB2_2-.Ltmp8, $4  }
0x15e: {  	s0 =	sadd.s32 s7, s0  }
0x15f: {  	[tilespmem:s11], [sflag:$0x5] =	stream.linear.gather [hbm4b:s0+s4], $0x28, $0x38;
	[tilespmem:$0x1C520] =	vst v63  }
0x160: {  	s29 =	sadd.s32 $0x139C0, s29;
	s30 =	simm.s32 $0x19B90;
	s25 =	sadd.s32 $0x1, s25  }
0x161: {  	[tilespmem:s30], [sflag:$0x5] =	stream.indirect.gather [hbm4b:s5+s28], $0x80, s29, s28, $0xb8;
	[tilespmem:$0x1C520] =	vst v63  }
.LBB2_15:
0x162: {  	_ =	sfence.sel $0x180000  }
0x163: {  	[bflag:$0x0] =	sbarrier.arrive $0xFFFF  }
0x164: {  	_ =	strace $0x90000050  }
0x165: {  	s0 =	stileid.u32;
	[bflag:$0x2] =	sbarrier.arrive $0xFFFF  }
0x166: {  	p0 =	sne.s32 s0, $0x0;
	s0 =	rddreg [dreg:$0x3]  }
0x167: {  	s0 =	sadd.s32 @!p0 $0x100000, s0  }
0x168: {  	[sflag:s0] =	ssyncadd.tile.s32 @!p0 $0x1;
	_ =	shalt  }
.Lfunc_end2:
_tile_overlayer_lowered:
.L_overlay_start_2:
0x169: {  	(tag) =	ssettag $0x2  }
0x16a: {  	s0 =	rddreg [dreg:$0x0];
	s2 =	stileid.u32  }
0x16b: {  	s1 =	rddreg [dreg:$0x1];
	p0 =	sne.s32 s2, $0x0  }
0x16c: {  	s3 =	rddreg [dreg:$0x2];
	[bflag:$0x3] =	sbarrier.arrive $0xFFFF;
	s2 =	simm.s32 @!p0 $0x1C0C  }
0x16d: {  	[timem:s3], [sflag:s2] =	dma.local @!p0 [hbm:s0], s1  }
0x16e: {  	s0 =	simm.s32 @!p0 $0xC  }
0x16f: {  	_ =	swait.ge @!p0 [sflag:s0], s1  }
0x170: {  	s1 =	ssub.s32 @!p0 $0x0, s1;
	[sflag:s0] =	ssyncset.done @!p0 $0x0  }
0x171: {  	[sflag:s0] =	ssyncadd.s32 @!p0 s1  }
0x172: {  	[bflag:$0x3] =	sbarrier.arrive $0xFFFF  }
0x173: {  	_ =	shalt  }

</sc_bundles>
